<compile_context>
chip_gen: v7x
topology: tpu7x:2x2x1
jax: 0.10.2.dev20260603
libtpu: 0.0.44.dev20260713+nightly
codegen_flags: <defaults>
</compile_context>

<pallas_src>
import jax
import jax.numpy as jnp
from jax import lax
from jax.experimental import pallas as pl
from jax.experimental.pallas import tpu as pltpu
from jax.experimental.pallas import tpu_sc as plsc

N = 100000
D = 128
G = 256
EPS = 1e-8

NC = 2
NS = 16
NW = NC * NS
VPR = D // 16
NGRP = N // 16
GPW = 200
CHUNK_G = 10
CROWS = CHUNK_G * 16
GSEG_PAD = 264


def _extract(vec, i):
    return lax.squeeze(lax.slice_in_dim(vec, i, i + 1), (0,))


def _segsum_body(x1_hbm, b1_hbm, x2_hbm, b2_hbm, p_out,
                 xbuf, idbuf, acc, sem):
    wid = lax.axis_index("s") * NC + lax.axis_index("c")
    g0 = wid * GPW
    nchunk = jnp.minimum(GPW // CHUNK_G, (NGRP - g0) // CHUNK_G)
    last = g0 + GPW > NGRP
    zerov = jnp.zeros((16,), jnp.float32)

    def _start(a, c):
        row0 = (g0 + c * CHUNK_G) * 16
        dst = xbuf.at[pl.ds((c % 4) * CROWS, CROWS)]

        @pl.when(a == 0)
        def _():
            pltpu.async_copy(x1_hbm.at[pl.ds(row0, CROWS)], dst, sem)

        @pl.when(a == 1)
        def _():
            pltpu.async_copy(x2_hbm.at[pl.ds(row0, CROWS)], dst, sem)

    def _wait_one():
        pltpu.make_async_copy(
            x1_hbm.at[pl.ds(0, CROWS)], xbuf.at[pl.ds(0, CROWS)], sem
        ).wait()

    @pl.loop(0, 2)
    def _per_array(a):
        _start(a, 0)
        _start(a, 1)
        _start(a, 2)

        i0 = g0 * 16
        for aa, b_hbm in ((0, b1_hbm), (1, b2_hbm)):
            @pl.when((a == aa) & jnp.logical_not(last))
            def _():
                pltpu.sync_copy(b_hbm.at[pl.ds(i0, GPW * 16)], idbuf)

            @pl.when((a == aa) & last)
            def _():
                pltpu.sync_copy(b_hbm.at[pl.ds(i0, 800)],
                                idbuf.at[pl.ds(0, 800)])

        @pl.loop(0, GSEG_PAD)
        def _zero(r):
            for j in range(VPR):
                acc[r, pl.ds(j * 16, 16)] = zerov

        cur0 = _extract(idbuf[pl.ds(0, 16)], 0)
        carry0 = (cur0,) + (zerov,) * VPR

        def _chunk(c, carry):
            _wait_one()

            @pl.when(c + 3 < nchunk)
            def _():
                _start(a, c + 3)

            boff = (c % 4) * CROWS

            def _group(g, carry):
                idv = idbuf[pl.ds((c * CHUNK_G + g) * 16, 16)]
                base = boff + g * 16
                cur = carry[0]
                same = jnp.all(idv == cur)

                def _fast(cur, *regs):
                    new = []
                    for j in range(VPR):
                        s = regs[j]
                        for i in range(16):
                            s = s + xbuf[base + i, pl.ds(j * 16, 16)]
                        new.append(s)
                    return (cur, *new)

                def _slow(cur, *regs):
                    regs = list(regs)
                    for i in range(16):
                        b = _extract(idv, i)

                        def _flush(cur, *regs):
                            for j in range(VPR):
                                plsc.addupdate(
                                    acc.at[cur, pl.ds(j * 16, 16)], regs[j]
                                )
                            return (b,) + (zerov,) * VPR

                        def _keep(cur, *regs):
                            return (cur, *regs)

                        cur, *regs = lax.cond(b != cur, _flush, _keep,
                                              cur, *regs)
                        for j in range(VPR):
                            regs[j] = regs[j] + xbuf[base + i,
                                                     pl.ds(j * 16, 16)]
                    return (cur, *regs)

                return lax.cond(same, _fast, _slow, *carry)

            return lax.fori_loop(0, CHUNK_G, _group, carry)

        cur, *regs = lax.fori_loop(0, nchunk, _chunk, carry0)
        for j in range(VPR):
            plsc.addupdate(acc.at[cur, pl.ds(j * 16, 16)], regs[j])

        pltpu.sync_copy(acc, p_out.at[a, wid])


@jax.jit
def _segsum(x1, b1, x2, b2):
    mesh = plsc.VectorSubcoreMesh(
        core_axis_name="c", subcore_axis_name="s", num_cores=NC
    )
    return pl.kernel(
        _segsum_body,
        out_type=jax.ShapeDtypeStruct((2, NW, GSEG_PAD, D), jnp.float32),
        mesh=mesh,
        compiler_params=pltpu.CompilerParams(
            use_tc_tiling_on_sc=False, needs_layout_passes=False
        ),
        scratch_types=[
            pltpu.VMEM((4 * CROWS, D), jnp.float32),
            pltpu.VMEM((GPW * 16,), jnp.int32),
            pltpu.VMEM((GSEG_PAD, D), jnp.float32),
            pltpu.SemaphoreType.DMA,
        ],
    )(x1, b1, x2, b2)


def _finish_body(p_ref, w_ref, out_ref):
    w = w_ref[...]

    def embed(a):
        s = jnp.sum(p_ref[a], axis=0)[:G]
        return jnp.dot(s, w, preferred_element_type=jnp.float32)

    e1 = embed(0)
    e2 = embed(1)
    n1 = jnp.maximum(jnp.sqrt(jnp.sum(e1 * e1, axis=-1)), EPS)
    n2 = jnp.maximum(jnp.sqrt(jnp.sum(e2 * e2, axis=-1)), EPS)
    out_ref[...] = jnp.sum(e1 * e2, axis=-1) / (n1 * n2)


@jax.jit
def _finish(part, w):
    return pl.pallas_call(
        _finish_body,
        out_shape=jax.ShapeDtypeStruct((G,), jnp.float32),
    )(part, w)


def kernel(x1, batch1, x2, batch2, W):
    part = _segsum(x1, batch1.astype(jnp.int32), x2,
                   batch2.astype(jnp.int32))
    return _finish(part, W)

# --- scband reference (transcript-rebuilt; emitter-appended) ---
"""Pipeline reference for scband-matching-model-60043642798830 (READ-ONLY COPY).

The authoritative reference and input builder live on the scoring server;
editing this copy changes nothing except your own understanding.
"""

import jax, jax.numpy as jnp
import numpy as np

N = 100000
D = 128
EMB = 128
G = 256


def setup_inputs(seed: int = 0) -> dict:
    key = jax.random.key(seed)
    k1, k2, k3, k4, k5 = jax.random.split(key, 5)
    x1 = jax.random.normal(k1, (N, D), dtype=jnp.float32)
    x2 = jax.random.normal(k2, (N, D), dtype=jnp.float32)
    batch1 = jnp.sort(jax.random.randint(k3, (N,), 0, G, dtype=jnp.int32))
    batch2 = jnp.sort(jax.random.randint(k4, (N,), 0, G, dtype=jnp.int32))
    # GNN stand-in parameter: single linear projection (node-wise), shared between both graphs
    W = jax.random.normal(k5, (D, EMB), dtype=jnp.float32) * 0.05
    return {"x1": x1, "batch1": batch1, "x2": x2, "batch2": batch2, "W": W}


def _global_mean_pool(emb, batch, num_segments):
    seg_sum = jax.ops.segment_sum(emb, batch, num_segments=num_segments)
    counts = jax.ops.segment_sum(jnp.ones((emb.shape[0],), dtype=emb.dtype), batch, num_segments=num_segments)
    counts = jnp.maximum(counts, 1.0)
    return seg_sum / counts[:, None]


def reference(x1, batch1, x2, batch2, W):
    # gnn(data): node-wise embedding (linear GNN stand-in, shared weights)
    emb1 = x1 @ W
    emb2 = x2 @ W
    # global_mean_pool: segment mean over per-graph batch ids
    p1 = _global_mean_pool(emb1, batch1, G)
    p2 = _global_mean_pool(emb2, batch2, G)
    # torch.nn.functional.cosine_similarity semantics (eps=1e-8, per-norm clamp)
    eps = 1e-8
    n1 = jnp.maximum(jnp.linalg.norm(p1, axis=-1), eps)
    n2 = jnp.maximum(jnp.linalg.norm(p2, axis=-1), eps)
    sim = jnp.sum(p1 * p2, axis=-1) / (n1 * n2)
    return sim

if __name__ == "__main__":
    import jax
    _d = setup_inputs()
    print(jax.jit(kernel)(*tuple(_d.values())))

</pallas_src>

<mosaic_0001>
#map = affine_map<(d0, d1) -> (0, 0)>
#map1 = affine_map<(d0, d1) -> (0)>
#map2 = affine_map<(d0, d1) -> (0, 0, 0, 0)>
module attributes {stable_mosaic.version = 14 : i64} {
  func.func @_segsum_body(%arg0: i32, %arg1: i32, %arg2: memref<100000x128xf32, #tpu.memory_space<hbm>>, %arg3: memref<100000xi32, #tpu.memory_space<hbm>>, %arg4: memref<100000x128xf32, #tpu.memory_space<hbm>>, %arg5: memref<100000xi32, #tpu.memory_space<hbm>>, %arg6: memref<2x32x264x128xf32, #tpu.memory_space<hbm>>, %arg7: memref<640x128xf32, #tpu.memory_space<vmem>>, %arg8: memref<3200xi32, #tpu.memory_space<vmem>>, %arg9: memref<264x128xf32, #tpu.memory_space<vmem>>, %arg10: memref<!tpu.dma_semaphore, #tpu.memory_space<semaphore_mem>>) attributes {dimension_semantics = [#tpu.dimension_semantics<core_parallel>, #tpu.dimension_semantics<subcore_parallel>], iteration_bounds = array<i64: 2, 16>, scalar_prefetch = 0 : i64, scratch_operands = 4 : i64, tpu.core_type = #tpu.core_type<sc_vector_subcore>, window_params = [{transform_indices = #map}, {transform_indices = #map1}, {transform_indices = #map}, {transform_indices = #map1}, {transform_indices = #map2}]} {
    %mul3A = arith.constant 2 : i32
    %mul3A_0 = arith.muli %arg1, %mul3A : i32
    %add3A = arith.addi %mul3A_0, %arg0 : i32
    %mul3A_1 = arith.constant 200 : i32
    %mul3A_2 = arith.muli %add3A, %mul3A_1 : i32
    %sub3A = arith.constant 6250 : i32
    %sub3A_3 = arith.subi %sub3A, %mul3A_2 : i32
    %jit3A = arith.constant 10 : i32
    %div3A = arith.divsi %sub3A_3, %jit3A : i32
    %sign3A = arith.constant 0 : i32
    %sign3A_4 = arith.cmpi sgt, %sub3A_3, %sign3A : i32
    %sign3A_5 = arith.extui %sign3A_4 : i1 to i32
    %sign3A_6 = arith.constant 0 : i32
    %sign3A_7 = arith.cmpi slt, %sub3A_3, %sign3A_6 : i32
    %sign3A_8 = arith.extui %sign3A_7 : i1 to i32
    %sign3A_9 = arith.subi %sign3A_5, %sign3A_8 : i32
    %sign3A_10 = arith.constant 0 : i32
    %sign3A_11 = arith.cmpi sgt, %jit3A, %sign3A_10 : i32
    %sign3A_12 = arith.extui %sign3A_11 : i1 to i32
    %sign3A_13 = arith.constant 0 : i32
    %sign3A_14 = arith.cmpi slt, %jit3A, %sign3A_13 : i32
    %sign3A_15 = arith.extui %sign3A_14 : i1 to i32
    %sign3A_16 = arith.subi %sign3A_12, %sign3A_15 : i32
    %ne3A = arith.cmpi ne, %sign3A_9, %sign3A_16 : i32
    %rem3A = arith.remsi %sub3A_3, %jit3A : i32
    %ne3A_17 = arith.constant 0 : i32
    %ne3A_18 = arith.cmpi ne, %rem3A, %ne3A_17 : i32
    %and3A = arith.andi %ne3A, %ne3A_18 : i1
    %sub3A_19 = arith.constant 1 : i32
    %sub3A_20 = arith.subi %div3A, %sub3A_19 : i32
    %select_n3A = arith.select %and3A, %sub3A_20, %div3A : i32
    %min3A = arith.constant 20 : i32
    %min3A_21 = arith.minsi %min3A, %select_n3A : i32
    %add3A_22 = arith.constant 200 : i32
    %add3A_23 = arith.addi %mul3A_2, %add3A_22 : i32
    %gt3A = arith.constant 6250 : i32
    %gt3A_24 = arith.cmpi sgt, %add3A_23, %gt3A : i32
    %broadcast_in_dim3A = arith.constant 0.000000e+00 : f32
    %broadcast_in_dim3A_25 = vector.broadcast %broadcast_in_dim3A : f32 to vector<16xf32>
    %scan3A = arith.constant 0 : i32
    %scan3A_26 = arith.constant 2 : i32
    %scan3A_27 = arith.addi %scan3A, %scan3A_26 : i32
    %scan3A_28 = arith.constant 1 : i32
    scf.for %scan3A_30 = %scan3A to %scan3A_27 step %scan3A_28  : i32 {
      %mul3A_31 = arith.constant 1 : i32
      %mul3A_32 = arith.muli %scan3A_30, %mul3A_31 : i32
      %add3A_33 = arith.constant 0 : i32
      %add3A_34 = arith.addi %add3A_33, %mul3A_32 : i32
      %add3A_35 = arith.constant 0 : i32
      %add3A_36 = arith.addi %mul3A_2, %add3A_35 : i32
      %mul3A_37 = arith.constant 16 : i32
      %mul3A_38 = arith.muli %add3A_36, %mul3A_37 : i32
      %eq3A = arith.constant 0 : i32
      %eq3A_39 = arith.cmpi eq, %add3A_34, %eq3A : i32
      %convert_element_type3A = arith.extui %eq3A_39 : i1 to i32
      %cond3A = arith.constant 0 : i32
      %cond3A_40 = arith.cmpi ne, %convert_element_type3A, %cond3A : i32
      scf.if %cond3A_40 {
        %dma_start3A = arith.constant 0 : i32
        %dma_start3A_142 = arith.constant 0 : i32
        %dma_start3A_143 = tpu.memref_slice %arg7[%dma_start3A, %dma_start3A_142] : memref<640x128xf32, #tpu.memory_space<vmem>> -> memref<160x128xf32, #tpu.memory_space<vmem>>
        %dma_start3A_144 = arith.constant 0 : i32
        %dma_start3A_145 = tpu.memref_slice %arg2[%mul3A_38, %dma_start3A_144] : memref<100000x128xf32, #tpu.memory_space<hbm>> -> memref<160x128xf32, #tpu.memory_space<hbm>>
        %dma_start3A_146 = arith.constant 0 : i32
        %dma_start3A_147 = arith.constant 0 : i32
        %dma_start3A_148 = tpu.memref_slice %arg7[%dma_start3A_146, %dma_start3A_147] : memref<640x128xf32, #tpu.memory_space<vmem>> -> memref<160x128xf32, #tpu.memory_space<vmem>>
        %dma_start3A_149 = arith.constant 0 : i32
        %dma_start3A_150 = tpu.memref_slice %arg2[%mul3A_38, %dma_start3A_149] : memref<100000x128xf32, #tpu.memory_space<hbm>> -> memref<160x128xf32, #tpu.memory_space<hbm>>
        tpu.enqueue_dma source(%dma_start3A_150 : memref<160x128xf32, #tpu.memory_space<hbm>>) target(%dma_start3A_148 : memref<160x128xf32, #tpu.memory_space<vmem>>) target_semaphore(%arg10 : memref<!tpu.dma_semaphore, #tpu.memory_space<semaphore_mem>>)
      } else {
      }
      %eq3A_41 = arith.constant 1 : i32
      %eq3A_42 = arith.cmpi eq, %add3A_34, %eq3A_41 : i32
      %convert_element_type3A_43 = arith.extui %eq3A_42 : i1 to i32
      %cond3A_44 = arith.constant 0 : i32
      %cond3A_45 = arith.cmpi ne, %convert_element_type3A_43, %cond3A_44 : i32
      scf.if %cond3A_45 {
        %dma_start3A = arith.constant 0 : i32
        %dma_start3A_142 = arith.constant 0 : i32
        %dma_start3A_143 = tpu.memref_slice %arg7[%dma_start3A, %dma_start3A_142] : memref<640x128xf32, #tpu.memory_space<vmem>> -> memref<160x128xf32, #tpu.memory_space<vmem>>
        %dma_start3A_144 = arith.constant 0 : i32
        %dma_start3A_145 = tpu.memref_slice %arg4[%mul3A_38, %dma_start3A_144] : memref<100000x128xf32, #tpu.memory_space<hbm>> -> memref<160x128xf32, #tpu.memory_space<hbm>>
        %dma_start3A_146 = arith.constant 0 : i32
        %dma_start3A_147 = arith.constant 0 : i32
        %dma_start3A_148 = tpu.memref_slice %arg7[%dma_start3A_146, %dma_start3A_147] : memref<640x128xf32, #tpu.memory_space<vmem>> -> memref<160x128xf32, #tpu.memory_space<vmem>>
        %dma_start3A_149 = arith.constant 0 : i32
        %dma_start3A_150 = tpu.memref_slice %arg4[%mul3A_38, %dma_start3A_149] : memref<100000x128xf32, #tpu.memory_space<hbm>> -> memref<160x128xf32, #tpu.memory_space<hbm>>
        tpu.enqueue_dma source(%dma_start3A_150 : memref<160x128xf32, #tpu.memory_space<hbm>>) target(%dma_start3A_148 : memref<160x128xf32, #tpu.memory_space<vmem>>) target_semaphore(%arg10 : memref<!tpu.dma_semaphore, #tpu.memory_space<semaphore_mem>>)
      } else {
      }
      %add3A_46 = arith.constant 10 : i32
      %add3A_47 = arith.addi %mul3A_2, %add3A_46 : i32
      %mul3A_48 = arith.constant 16 : i32
      %mul3A_49 = arith.muli %add3A_47, %mul3A_48 : i32
      %eq3A_50 = arith.constant 0 : i32
      %eq3A_51 = arith.cmpi eq, %add3A_34, %eq3A_50 : i32
      %convert_element_type3A_52 = arith.extui %eq3A_51 : i1 to i32
      %cond3A_53 = arith.constant 0 : i32
      %cond3A_54 = arith.cmpi ne, %convert_element_type3A_52, %cond3A_53 : i32
      scf.if %cond3A_54 {
        %dma_start3A = arith.constant 160 : i32
        %dma_start3A_142 = arith.constant 0 : i32
        %dma_start3A_143 = tpu.memref_slice %arg7[%dma_start3A, %dma_start3A_142] : memref<640x128xf32, #tpu.memory_space<vmem>> -> memref<160x128xf32, #tpu.memory_space<vmem>>
        %dma_start3A_144 = arith.constant 0 : i32
        %dma_start3A_145 = tpu.memref_slice %arg2[%mul3A_49, %dma_start3A_144] : memref<100000x128xf32, #tpu.memory_space<hbm>> -> memref<160x128xf32, #tpu.memory_space<hbm>>
        %dma_start3A_146 = arith.constant 160 : i32
        %dma_start3A_147 = arith.constant 0 : i32
        %dma_start3A_148 = tpu.memref_slice %arg7[%dma_start3A_146, %dma_start3A_147] : memref<640x128xf32, #tpu.memory_space<vmem>> -> memref<160x128xf32, #tpu.memory_space<vmem>>
        %dma_start3A_149 = arith.constant 0 : i32
        %dma_start3A_150 = tpu.memref_slice %arg2[%mul3A_49, %dma_start3A_149] : memref<100000x128xf32, #tpu.memory_space<hbm>> -> memref<160x128xf32, #tpu.memory_space<hbm>>
        tpu.enqueue_dma source(%dma_start3A_150 : memref<160x128xf32, #tpu.memory_space<hbm>>) target(%dma_start3A_148 : memref<160x128xf32, #tpu.memory_space<vmem>>) target_semaphore(%arg10 : memref<!tpu.dma_semaphore, #tpu.memory_space<semaphore_mem>>)
      } else {
      }
      %eq3A_55 = arith.constant 1 : i32
      %eq3A_56 = arith.cmpi eq, %add3A_34, %eq3A_55 : i32
      %convert_element_type3A_57 = arith.extui %eq3A_56 : i1 to i32
      %cond3A_58 = arith.constant 0 : i32
      %cond3A_59 = arith.cmpi ne, %convert_element_type3A_57, %cond3A_58 : i32
      scf.if %cond3A_59 {
        %dma_start3A = arith.constant 160 : i32
        %dma_start3A_142 = arith.constant 0 : i32
        %dma_start3A_143 = tpu.memref_slice %arg7[%dma_start3A, %dma_start3A_142] : memref<640x128xf32, #tpu.memory_space<vmem>> -> memref<160x128xf32, #tpu.memory_space<vmem>>
        %dma_start3A_144 = arith.constant 0 : i32
        %dma_start3A_145 = tpu.memref_slice %arg4[%mul3A_49, %dma_start3A_144] : memref<100000x128xf32, #tpu.memory_space<hbm>> -> memref<160x128xf32, #tpu.memory_space<hbm>>
        %dma_start3A_146 = arith.constant 160 : i32
        %dma_start3A_147 = arith.constant 0 : i32
        %dma_start3A_148 = tpu.memref_slice %arg7[%dma_start3A_146, %dma_start3A_147] : memref<640x128xf32, #tpu.memory_space<vmem>> -> memref<160x128xf32, #tpu.memory_space<vmem>>
        %dma_start3A_149 = arith.constant 0 : i32
        %dma_start3A_150 = tpu.memref_slice %arg4[%mul3A_49, %dma_start3A_149] : memref<100000x128xf32, #tpu.memory_space<hbm>> -> memref<160x128xf32, #tpu.memory_space<hbm>>
        tpu.enqueue_dma source(%dma_start3A_150 : memref<160x128xf32, #tpu.memory_space<hbm>>) target(%dma_start3A_148 : memref<160x128xf32, #tpu.memory_space<vmem>>) target_semaphore(%arg10 : memref<!tpu.dma_semaphore, #tpu.memory_space<semaphore_mem>>)
      } else {
      }
      %add3A_60 = arith.constant 20 : i32
      %add3A_61 = arith.addi %mul3A_2, %add3A_60 : i32
      %mul3A_62 = arith.constant 16 : i32
      %mul3A_63 = arith.muli %add3A_61, %mul3A_62 : i32
      %eq3A_64 = arith.constant 0 : i32
      %eq3A_65 = arith.cmpi eq, %add3A_34, %eq3A_64 : i32
      %convert_element_type3A_66 = arith.extui %eq3A_65 : i1 to i32
      %cond3A_67 = arith.constant 0 : i32
      %cond3A_68 = arith.cmpi ne, %convert_element_type3A_66, %cond3A_67 : i32
      scf.if %cond3A_68 {
        %dma_start3A = arith.constant 320 : i32
        %dma_start3A_142 = arith.constant 0 : i32
        %dma_start3A_143 = tpu.memref_slice %arg7[%dma_start3A, %dma_start3A_142] : memref<640x128xf32, #tpu.memory_space<vmem>> -> memref<160x128xf32, #tpu.memory_space<vmem>>
        %dma_start3A_144 = arith.constant 0 : i32
        %dma_start3A_145 = tpu.memref_slice %arg2[%mul3A_63, %dma_start3A_144] : memref<100000x128xf32, #tpu.memory_space<hbm>> -> memref<160x128xf32, #tpu.memory_space<hbm>>
        %dma_start3A_146 = arith.constant 320 : i32
        %dma_start3A_147 = arith.constant 0 : i32
        %dma_start3A_148 = tpu.memref_slice %arg7[%dma_start3A_146, %dma_start3A_147] : memref<640x128xf32, #tpu.memory_space<vmem>> -> memref<160x128xf32, #tpu.memory_space<vmem>>
        %dma_start3A_149 = arith.constant 0 : i32
        %dma_start3A_150 = tpu.memref_slice %arg2[%mul3A_63, %dma_start3A_149] : memref<100000x128xf32, #tpu.memory_space<hbm>> -> memref<160x128xf32, #tpu.memory_space<hbm>>
        tpu.enqueue_dma source(%dma_start3A_150 : memref<160x128xf32, #tpu.memory_space<hbm>>) target(%dma_start3A_148 : memref<160x128xf32, #tpu.memory_space<vmem>>) target_semaphore(%arg10 : memref<!tpu.dma_semaphore, #tpu.memory_space<semaphore_mem>>)
      } else {
      }
      %eq3A_69 = arith.constant 1 : i32
      %eq3A_70 = arith.cmpi eq, %add3A_34, %eq3A_69 : i32
      %convert_element_type3A_71 = arith.extui %eq3A_70 : i1 to i32
      %cond3A_72 = arith.constant 0 : i32
      %cond3A_73 = arith.cmpi ne, %convert_element_type3A_71, %cond3A_72 : i32
      scf.if %cond3A_73 {
        %dma_start3A = arith.constant 320 : i32
        %dma_start3A_142 = arith.constant 0 : i32
        %dma_start3A_143 = tpu.memref_slice %arg7[%dma_start3A, %dma_start3A_142] : memref<640x128xf32, #tpu.memory_space<vmem>> -> memref<160x128xf32, #tpu.memory_space<vmem>>
        %dma_start3A_144 = arith.constant 0 : i32
        %dma_start3A_145 = tpu.memref_slice %arg4[%mul3A_63, %dma_start3A_144] : memref<100000x128xf32, #tpu.memory_space<hbm>> -> memref<160x128xf32, #tpu.memory_space<hbm>>
        %dma_start3A_146 = arith.constant 320 : i32
        %dma_start3A_147 = arith.constant 0 : i32
        %dma_start3A_148 = tpu.memref_slice %arg7[%dma_start3A_146, %dma_start3A_147] : memref<640x128xf32, #tpu.memory_space<vmem>> -> memref<160x128xf32, #tpu.memory_space<vmem>>
        %dma_start3A_149 = arith.constant 0 : i32
        %dma_start3A_150 = tpu.memref_slice %arg4[%mul3A_63, %dma_start3A_149] : memref<100000x128xf32, #tpu.memory_space<hbm>> -> memref<160x128xf32, #tpu.memory_space<hbm>>
        tpu.enqueue_dma source(%dma_start3A_150 : memref<160x128xf32, #tpu.memory_space<hbm>>) target(%dma_start3A_148 : memref<160x128xf32, #tpu.memory_space<vmem>>) target_semaphore(%arg10 : memref<!tpu.dma_semaphore, #tpu.memory_space<semaphore_mem>>)
      } else {
      }
      %mul3A_74 = arith.constant 16 : i32
      %mul3A_75 = arith.muli %mul3A_2, %mul3A_74 : i32
      %eq3A_76 = arith.constant 0 : i32
      %eq3A_77 = arith.cmpi eq, %add3A_34, %eq3A_76 : i32
      %not3A = arith.constant true
      %not3A_78 = arith.xori %gt3A_24, %not3A : i1
      %and3A_79 = arith.andi %eq3A_77, %not3A_78 : i1
      %convert_element_type3A_80 = arith.extui %and3A_79 : i1 to i32
      %cond3A_81 = arith.constant 0 : i32
      %cond3A_82 = arith.cmpi ne, %convert_element_type3A_80, %cond3A_81 : i32
      scf.if %cond3A_82 {
        "tpu.region"() ({
          %run_scoped3A = tpu.sem_alloc : memref<!tpu.dma_semaphore, #tpu.memory_space<semaphore_mem>>
          %dma_start3A = tpu.memref_slice %arg3[%mul3A_75] : memref<100000xi32, #tpu.memory_space<hbm>> -> memref<3200xi32, #tpu.memory_space<hbm>>
          %dma_start3A_142 = tpu.memref_slice %arg3[%mul3A_75] : memref<100000xi32, #tpu.memory_space<hbm>> -> memref<3200xi32, #tpu.memory_space<hbm>>
          tpu.enqueue_dma source(%dma_start3A_142 : memref<3200xi32, #tpu.memory_space<hbm>>) target(%arg8 : memref<3200xi32, #tpu.memory_space<vmem>>) target_semaphore(%run_scoped3A : memref<!tpu.dma_semaphore, #tpu.memory_space<semaphore_mem>>)
          %dma_wait3A = tpu.memref_slice %arg3[%mul3A_75] : memref<100000xi32, #tpu.memory_space<hbm>> -> memref<3200xi32, #tpu.memory_space<hbm>>
          %dma_wait3A_143 = tpu.memref_slice %arg3[%mul3A_75] : memref<100000xi32, #tpu.memory_space<hbm>> -> memref<3200xi32, #tpu.memory_space<hbm>>
          tpu.wait_dma2 semaphore(%run_scoped3A : memref<!tpu.dma_semaphore, #tpu.memory_space<semaphore_mem>>) src(%dma_wait3A_143 : memref<3200xi32, #tpu.memory_space<hbm>>) dst(%arg8 : memref<3200xi32, #tpu.memory_space<vmem>>)
          tpu.yield
        }) : () -> ()
      } else {
      }
      %eq3A_83 = arith.constant 0 : i32
      %eq3A_84 = arith.cmpi eq, %add3A_34, %eq3A_83 : i32
      %and3A_85 = arith.andi %eq3A_84, %gt3A_24 : i1
      %convert_element_type3A_86 = arith.extui %and3A_85 : i1 to i32
      %cond3A_87 = arith.constant 0 : i32
      %cond3A_88 = arith.cmpi ne, %convert_element_type3A_86, %cond3A_87 : i32
      scf.if %cond3A_88 {
        "tpu.region"() ({
          %run_scoped3A = tpu.sem_alloc : memref<!tpu.dma_semaphore, #tpu.memory_space<semaphore_mem>>
          %dma_start3A = arith.constant 0 : i32
          %dma_start3A_142 = tpu.memref_slice %arg8[%dma_start3A] : memref<3200xi32, #tpu.memory_space<vmem>> -> memref<800xi32, #tpu.memory_space<vmem>>
          %dma_start3A_143 = tpu.memref_slice %arg3[%mul3A_75] : memref<100000xi32, #tpu.memory_space<hbm>> -> memref<800xi32, #tpu.memory_space<hbm>>
          %dma_start3A_144 = arith.constant 0 : i32
          %dma_start3A_145 = tpu.memref_slice %arg8[%dma_start3A_144] : memref<3200xi32, #tpu.memory_space<vmem>> -> memref<800xi32, #tpu.memory_space<vmem>>
          %dma_start3A_146 = tpu.memref_slice %arg3[%mul3A_75] : memref<100000xi32, #tpu.memory_space<hbm>> -> memref<800xi32, #tpu.memory_space<hbm>>
          tpu.enqueue_dma source(%dma_start3A_146 : memref<800xi32, #tpu.memory_space<hbm>>) target(%dma_start3A_145 : memref<800xi32, #tpu.memory_space<vmem>>) target_semaphore(%run_scoped3A : memref<!tpu.dma_semaphore, #tpu.memory_space<semaphore_mem>>)
          %dma_wait3A = arith.constant 0 : i32
          %dma_wait3A_147 = tpu.memref_slice %arg8[%dma_wait3A] : memref<3200xi32, #tpu.memory_space<vmem>> -> memref<800xi32, #tpu.memory_space<vmem>>
          %dma_wait3A_148 = tpu.memref_slice %arg3[%mul3A_75] : memref<100000xi32, #tpu.memory_space<hbm>> -> memref<800xi32, #tpu.memory_space<hbm>>
          %dma_wait3A_149 = arith.constant 0 : i32
          %dma_wait3A_150 = tpu.memref_slice %arg8[%dma_wait3A_149] : memref<3200xi32, #tpu.memory_space<vmem>> -> memref<800xi32, #tpu.memory_space<vmem>>
          %dma_wait3A_151 = tpu.memref_slice %arg3[%mul3A_75] : memref<100000xi32, #tpu.memory_space<hbm>> -> memref<800xi32, #tpu.memory_space<hbm>>
          tpu.wait_dma2 semaphore(%run_scoped3A : memref<!tpu.dma_semaphore, #tpu.memory_space<semaphore_mem>>) src(%dma_wait3A_151 : memref<800xi32, #tpu.memory_space<hbm>>) dst(%dma_wait3A_150 : memref<800xi32, #tpu.memory_space<vmem>>)
          tpu.yield
        }) : () -> ()
      } else {
      }
      %eq3A_89 = arith.constant 1 : i32
      %eq3A_90 = arith.cmpi eq, %add3A_34, %eq3A_89 : i32
      %not3A_91 = arith.constant true
      %not3A_92 = arith.xori %gt3A_24, %not3A_91 : i1
      %and3A_93 = arith.andi %eq3A_90, %not3A_92 : i1
      %convert_element_type3A_94 = arith.extui %and3A_93 : i1 to i32
      %cond3A_95 = arith.constant 0 : i32
      %cond3A_96 = arith.cmpi ne, %convert_element_type3A_94, %cond3A_95 : i32
      scf.if %cond3A_96 {
        "tpu.region"() ({
          %run_scoped3A = tpu.sem_alloc : memref<!tpu.dma_semaphore, #tpu.memory_space<semaphore_mem>>
          %dma_start3A = tpu.memref_slice %arg5[%mul3A_75] : memref<100000xi32, #tpu.memory_space<hbm>> -> memref<3200xi32, #tpu.memory_space<hbm>>
          %dma_start3A_142 = tpu.memref_slice %arg5[%mul3A_75] : memref<100000xi32, #tpu.memory_space<hbm>> -> memref<3200xi32, #tpu.memory_space<hbm>>
          tpu.enqueue_dma source(%dma_start3A_142 : memref<3200xi32, #tpu.memory_space<hbm>>) target(%arg8 : memref<3200xi32, #tpu.memory_space<vmem>>) target_semaphore(%run_scoped3A : memref<!tpu.dma_semaphore, #tpu.memory_space<semaphore_mem>>)
          %dma_wait3A = tpu.memref_slice %arg5[%mul3A_75] : memref<100000xi32, #tpu.memory_space<hbm>> -> memref<3200xi32, #tpu.memory_space<hbm>>
          %dma_wait3A_143 = tpu.memref_slice %arg5[%mul3A_75] : memref<100000xi32, #tpu.memory_space<hbm>> -> memref<3200xi32, #tpu.memory_space<hbm>>
          tpu.wait_dma2 semaphore(%run_scoped3A : memref<!tpu.dma_semaphore, #tpu.memory_space<semaphore_mem>>) src(%dma_wait3A_143 : memref<3200xi32, #tpu.memory_space<hbm>>) dst(%arg8 : memref<3200xi32, #tpu.memory_space<vmem>>)
          tpu.yield
        }) : () -> ()
      } else {
      }
      %eq3A_97 = arith.constant 1 : i32
      %eq3A_98 = arith.cmpi eq, %add3A_34, %eq3A_97 : i32
      %and3A_99 = arith.andi %eq3A_98, %gt3A_24 : i1
      %convert_element_type3A_100 = arith.extui %and3A_99 : i1 to i32
      %cond3A_101 = arith.constant 0 : i32
      %cond3A_102 = arith.cmpi ne, %convert_element_type3A_100, %cond3A_101 : i32
      scf.if %cond3A_102 {
        "tpu.region"() ({
          %run_scoped3A = tpu.sem_alloc : memref<!tpu.dma_semaphore, #tpu.memory_space<semaphore_mem>>
          %dma_start3A = arith.constant 0 : i32
          %dma_start3A_142 = tpu.memref_slice %arg8[%dma_start3A] : memref<3200xi32, #tpu.memory_space<vmem>> -> memref<800xi32, #tpu.memory_space<vmem>>
          %dma_start3A_143 = tpu.memref_slice %arg5[%mul3A_75] : memref<100000xi32, #tpu.memory_space<hbm>> -> memref<800xi32, #tpu.memory_space<hbm>>
          %dma_start3A_144 = arith.constant 0 : i32
          %dma_start3A_145 = tpu.memref_slice %arg8[%dma_start3A_144] : memref<3200xi32, #tpu.memory_space<vmem>> -> memref<800xi32, #tpu.memory_space<vmem>>
          %dma_start3A_146 = tpu.memref_slice %arg5[%mul3A_75] : memref<100000xi32, #tpu.memory_space<hbm>> -> memref<800xi32, #tpu.memory_space<hbm>>
          tpu.enqueue_dma source(%dma_start3A_146 : memref<800xi32, #tpu.memory_space<hbm>>) target(%dma_start3A_145 : memref<800xi32, #tpu.memory_space<vmem>>) target_semaphore(%run_scoped3A : memref<!tpu.dma_semaphore, #tpu.memory_space<semaphore_mem>>)
          %dma_wait3A = arith.constant 0 : i32
          %dma_wait3A_147 = tpu.memref_slice %arg8[%dma_wait3A] : memref<3200xi32, #tpu.memory_space<vmem>> -> memref<800xi32, #tpu.memory_space<vmem>>
          %dma_wait3A_148 = tpu.memref_slice %arg5[%mul3A_75] : memref<100000xi32, #tpu.memory_space<hbm>> -> memref<800xi32, #tpu.memory_space<hbm>>
          %dma_wait3A_149 = arith.constant 0 : i32
          %dma_wait3A_150 = tpu.memref_slice %arg8[%dma_wait3A_149] : memref<3200xi32, #tpu.memory_space<vmem>> -> memref<800xi32, #tpu.memory_space<vmem>>
          %dma_wait3A_151 = tpu.memref_slice %arg5[%mul3A_75] : memref<100000xi32, #tpu.memory_space<hbm>> -> memref<800xi32, #tpu.memory_space<hbm>>
          tpu.wait_dma2 semaphore(%run_scoped3A : memref<!tpu.dma_semaphore, #tpu.memory_space<semaphore_mem>>) src(%dma_wait3A_151 : memref<800xi32, #tpu.memory_space<hbm>>) dst(%dma_wait3A_150 : memref<800xi32, #tpu.memory_space<vmem>>)
          tpu.yield
        }) : () -> ()
      } else {
      }
      %scan3A_103 = arith.constant 0 : i32
      %scan3A_104 = arith.constant 264 : i32
      %scan3A_105 = arith.addi %scan3A_103, %scan3A_104 : i32
      %scan3A_106 = arith.constant 1 : i32
      scf.for %scan3A_142 = %scan3A_103 to %scan3A_105 step %scan3A_106  : i32 {
        %mul3A_143 = arith.constant 1 : i32
        %mul3A_144 = arith.muli %scan3A_142, %mul3A_143 : i32
        %add3A_145 = arith.constant 0 : i32
        %add3A_146 = arith.addi %add3A_145, %mul3A_144 : i32
        %swap3A_147 = arith.index_cast %add3A_146 : i32 to index
        %swap3A_148 = arith.constant 0 : index
        %swap3A_149 = tpu.vector_load %arg9[%swap3A_147, %swap3A_148] {strides = array<i32>} : memref<264x128xf32, #tpu.memory_space<vmem>>, vector<16xf32>,
        tpu.vector_store %arg9[%swap3A_147, %swap3A_148], %broadcast_in_dim3A_25 {strides = array<i32>} : memref<264x128xf32, #tpu.memory_space<vmem>>, vector<16xf32>,
        %swap3A_150 = arith.index_cast %add3A_146 : i32 to index
        %swap3A_151 = arith.constant 16 : index
        %swap3A_152 = tpu.vector_load %arg9[%swap3A_150, %swap3A_151] {strides = array<i32>} : memref<264x128xf32, #tpu.memory_space<vmem>>, vector<16xf32>,
        tpu.vector_store %arg9[%swap3A_150, %swap3A_151], %broadcast_in_dim3A_25 {strides = array<i32>} : memref<264x128xf32, #tpu.memory_space<vmem>>, vector<16xf32>,
        %swap3A_153 = arith.index_cast %add3A_146 : i32 to index
        %swap3A_154 = arith.constant 32 : index
        %swap3A_155 = tpu.vector_load %arg9[%swap3A_153, %swap3A_154] {strides = array<i32>} : memref<264x128xf32, #tpu.memory_space<vmem>>, vector<16xf32>,
        tpu.vector_store %arg9[%swap3A_153, %swap3A_154], %broadcast_in_dim3A_25 {strides = array<i32>} : memref<264x128xf32, #tpu.memory_space<vmem>>, vector<16xf32>,
        %swap3A_156 = arith.index_cast %add3A_146 : i32 to index
        %swap3A_157 = arith.constant 48 : index
        %swap3A_158 = tpu.vector_load %arg9[%swap3A_156, %swap3A_157] {strides = array<i32>} : memref<264x128xf32, #tpu.memory_space<vmem>>, vector<16xf32>,
        tpu.vector_store %arg9[%swap3A_156, %swap3A_157], %broadcast_in_dim3A_25 {strides = array<i32>} : memref<264x128xf32, #tpu.memory_space<vmem>>, vector<16xf32>,
        %swap3A_159 = arith.index_cast %add3A_146 : i32 to index
        %swap3A_160 = arith.constant 64 : index
        %swap3A_161 = tpu.vector_load %arg9[%swap3A_159, %swap3A_160] {strides = array<i32>} : memref<264x128xf32, #tpu.memory_space<vmem>>, vector<16xf32>,
        tpu.vector_store %arg9[%swap3A_159, %swap3A_160], %broadcast_in_dim3A_25 {strides = array<i32>} : memref<264x128xf32, #tpu.memory_space<vmem>>, vector<16xf32>,
        %swap3A_162 = arith.index_cast %add3A_146 : i32 to index
        %swap3A_163 = arith.constant 80 : index
        %swap3A_164 = tpu.vector_load %arg9[%swap3A_162, %swap3A_163] {strides = array<i32>} : memref<264x128xf32, #tpu.memory_space<vmem>>, vector<16xf32>,
        tpu.vector_store %arg9[%swap3A_162, %swap3A_163], %broadcast_in_dim3A_25 {strides = array<i32>} : memref<264x128xf32, #tpu.memory_space<vmem>>, vector<16xf32>,
        %swap3A_165 = arith.index_cast %add3A_146 : i32 to index
        %swap3A_166 = arith.constant 96 : index
        %swap3A_167 = tpu.vector_load %arg9[%swap3A_165, %swap3A_166] {strides = array<i32>} : memref<264x128xf32, #tpu.memory_space<vmem>>, vector<16xf32>,
        tpu.vector_store %arg9[%swap3A_165, %swap3A_166], %broadcast_in_dim3A_25 {strides = array<i32>} : memref<264x128xf32, #tpu.memory_space<vmem>>, vector<16xf32>,
        %swap3A_168 = arith.index_cast %add3A_146 : i32 to index
        %swap3A_169 = arith.constant 112 : index
        %swap3A_170 = tpu.vector_load %arg9[%swap3A_168, %swap3A_169] {strides = array<i32>} : memref<264x128xf32, #tpu.memory_space<vmem>>, vector<16xf32>,
        tpu.vector_store %arg9[%swap3A_168, %swap3A_169], %broadcast_in_dim3A_25 {strides = array<i32>} : memref<264x128xf32, #tpu.memory_space<vmem>>, vector<16xf32>,
      }
      %scan3A_107 = arith.constant 264 : i32
      %get3A = arith.constant 0 : index
      %get3A_108 = tpu.vector_load %arg8[%get3A] {strides = array<i32>} : memref<3200xi32, #tpu.memory_space<vmem>>, vector<16xi32>,
      %slice3A = vector.extract_strided_slice %get3A_108 {offsets = [0], sizes = [1], strides = [1]} : vector<16xi32> to vector<1xi32>
      %squeeze3A = vector.extract %slice3A[0] : i32 from vector<1xi32>
      %while3A = arith.constant 0 : i32
      %while3A_109 = arith.subi %min3A_21, %while3A : i32
      %while3A_110 = arith.addi %while3A, %while3A_109 : i32
      %while3A_111 = arith.constant 1 : i32
      %while3A_112 = arith.divsi %while3A_109, %while3A_111 : i32
      %while3A_113 = arith.muli %while3A_112, %while3A_111 : i32
      %while3A_114 = arith.addi %while3A, %while3A_113 : i32
      %while3A_115 = arith.constant 1 : i32
      %while3A_116:9 = scf.for %while3A_142 = %while3A to %while3A_114 step %while3A_115 iter_args(%while3A_143 = %squeeze3A, %while3A_144 = %broadcast_in_dim3A_25, %while3A_145 = %broadcast_in_dim3A_25, %while3A_146 = %broadcast_in_dim3A_25, %while3A_147 = %broadcast_in_dim3A_25, %while3A_148 = %broadcast_in_dim3A_25, %while3A_149 = %broadcast_in_dim3A_25, %while3A_150 = %broadcast_in_dim3A_25, %while3A_151 = %broadcast_in_dim3A_25) -> (i32, vector<16xf32>, vector<16xf32>, vector<16xf32>, vector<16xf32>, vector<16xf32>, vector<16xf32>, vector<16xf32>, vector<16xf32>)  : i32 {
        %dma_wait3A = arith.constant 0 : i32
        %dma_wait3A_152 = arith.constant 0 : i32
        %dma_wait3A_153 = tpu.memref_slice %arg7[%dma_wait3A, %dma_wait3A_152] : memref<640x128xf32, #tpu.memory_space<vmem>> -> memref<160x128xf32, #tpu.memory_space<vmem>>
        %dma_wait3A_154 = arith.constant 0 : i32
        %dma_wait3A_155 = arith.constant 0 : i32
        %dma_wait3A_156 = tpu.memref_slice %arg2[%dma_wait3A_154, %dma_wait3A_155] : memref<100000x128xf32, #tpu.memory_space<hbm>> -> memref<160x128xf32, #tpu.memory_space<hbm>>
        %dma_wait3A_157 = arith.constant 0 : i32
        %dma_wait3A_158 = arith.constant 0 : i32
        %dma_wait3A_159 = tpu.memref_slice %arg7[%dma_wait3A_157, %dma_wait3A_158] : memref<640x128xf32, #tpu.memory_space<vmem>> -> memref<160x128xf32, #tpu.memory_space<vmem>>
        %dma_wait3A_160 = arith.constant 0 : i32
        %dma_wait3A_161 = arith.constant 0 : i32
        %dma_wait3A_162 = tpu.memref_slice %arg2[%dma_wait3A_160, %dma_wait3A_161] : memref<100000x128xf32, #tpu.memory_space<hbm>> -> memref<160x128xf32, #tpu.memory_space<hbm>>
        tpu.wait_dma2 semaphore(%arg10 : memref<!tpu.dma_semaphore, #tpu.memory_space<semaphore_mem>>) src(%dma_wait3A_162 : memref<160x128xf32, #tpu.memory_space<hbm>>) dst(%dma_wait3A_159 : memref<160x128xf32, #tpu.memory_space<vmem>>)
        %add3A_163 = arith.constant 3 : i32
        %add3A_164 = arith.addi %while3A_142, %add3A_163 : i32
        %lt3A = arith.cmpi slt, %add3A_164, %min3A_21 : i32
        %convert_element_type3A_165 = arith.extui %lt3A : i1 to i32
        %cond3A_166 = arith.constant 0 : i32
        %cond3A_167 = arith.cmpi ne, %convert_element_type3A_165, %cond3A_166 : i32
        scf.if %cond3A_167 {
          %add3A_192 = arith.constant 3 : i32
          %add3A_193 = arith.addi %while3A_142, %add3A_192 : i32
          %mul3A_194 = arith.constant 10 : i32
          %mul3A_195 = arith.muli %add3A_193, %mul3A_194 : i32
          %add3A_196 = arith.addi %mul3A_2, %mul3A_195 : i32
          %mul3A_197 = arith.constant 16 : i32
          %mul3A_198 = arith.muli %add3A_196, %mul3A_197 : i32
          %jit3A_199 = arith.constant 4 : i32
          %eq3A_200 = arith.constant 0 : i32
          %eq3A_201 = arith.cmpi eq, %jit3A_199, %eq3A_200 : i32
          %jit3A_202 = arith.constant 1 : i32
          %select_n3A_203 = arith.select %eq3A_201, %jit3A_202, %jit3A_199 : i32
          %rem3A_204 = arith.remsi %add3A_193, %select_n3A_203 : i32
          %ne3A_205 = arith.constant 0 : i32
          %ne3A_206 = arith.cmpi ne, %rem3A_204, %ne3A_205 : i32
          %lt3A_207 = arith.constant 0 : i32
          %lt3A_208 = arith.cmpi slt, %rem3A_204, %lt3A_207 : i32
          %lt3A_209 = arith.constant 0 : i32
          %lt3A_210 = arith.cmpi slt, %select_n3A_203, %lt3A_209 : i32
          %ne3A_211 = arith.xori %lt3A_208, %lt3A_210 : i1
          %and3A_212 = arith.andi %ne3A_211, %ne3A_206 : i1
          %add3A_213 = arith.addi %rem3A_204, %select_n3A_203 : i32
          %select_n3A_214 = arith.select %and3A_212, %add3A_213, %rem3A_204 : i32
          %mul3A_215 = arith.constant 160 : i32
          %mul3A_216 = arith.muli %select_n3A_214, %mul3A_215 : i32
          %eq3A_217 = arith.constant 0 : i32
          %eq3A_218 = arith.cmpi eq, %add3A_34, %eq3A_217 : i32
          %convert_element_type3A_219 = arith.extui %eq3A_218 : i1 to i32
          %cond3A_220 = arith.constant 0 : i32
          %cond3A_221 = arith.cmpi ne, %convert_element_type3A_219, %cond3A_220 : i32
          scf.if %cond3A_221 {
            %dma_start3A = arith.constant 0 : i32
            %dma_start3A_227 = tpu.memref_slice %arg7[%mul3A_216, %dma_start3A] : memref<640x128xf32, #tpu.memory_space<vmem>> -> memref<160x128xf32, #tpu.memory_space<vmem>>
            %dma_start3A_228 = arith.constant 0 : i32
            %dma_start3A_229 = tpu.memref_slice %arg2[%mul3A_198, %dma_start3A_228] : memref<100000x128xf32, #tpu.memory_space<hbm>> -> memref<160x128xf32, #tpu.memory_space<hbm>>
            %dma_start3A_230 = arith.constant 0 : i32
            %dma_start3A_231 = tpu.memref_slice %arg7[%mul3A_216, %dma_start3A_230] : memref<640x128xf32, #tpu.memory_space<vmem>> -> memref<160x128xf32, #tpu.memory_space<vmem>>
            %dma_start3A_232 = arith.constant 0 : i32
            %dma_start3A_233 = tpu.memref_slice %arg2[%mul3A_198, %dma_start3A_232] : memref<100000x128xf32, #tpu.memory_space<hbm>> -> memref<160x128xf32, #tpu.memory_space<hbm>>
            tpu.enqueue_dma source(%dma_start3A_233 : memref<160x128xf32, #tpu.memory_space<hbm>>) target(%dma_start3A_231 : memref<160x128xf32, #tpu.memory_space<vmem>>) target_semaphore(%arg10 : memref<!tpu.dma_semaphore, #tpu.memory_space<semaphore_mem>>)
          } else {
          }
          %eq3A_222 = arith.constant 1 : i32
          %eq3A_223 = arith.cmpi eq, %add3A_34, %eq3A_222 : i32
          %convert_element_type3A_224 = arith.extui %eq3A_223 : i1 to i32
          %cond3A_225 = arith.constant 0 : i32
          %cond3A_226 = arith.cmpi ne, %convert_element_type3A_224, %cond3A_225 : i32
          scf.if %cond3A_226 {
            %dma_start3A = arith.constant 0 : i32
            %dma_start3A_227 = tpu.memref_slice %arg7[%mul3A_216, %dma_start3A] : memref<640x128xf32, #tpu.memory_space<vmem>> -> memref<160x128xf32, #tpu.memory_space<vmem>>
            %dma_start3A_228 = arith.constant 0 : i32
            %dma_start3A_229 = tpu.memref_slice %arg4[%mul3A_198, %dma_start3A_228] : memref<100000x128xf32, #tpu.memory_space<hbm>> -> memref<160x128xf32, #tpu.memory_space<hbm>>
            %dma_start3A_230 = arith.constant 0 : i32
            %dma_start3A_231 = tpu.memref_slice %arg7[%mul3A_216, %dma_start3A_230] : memref<640x128xf32, #tpu.memory_space<vmem>> -> memref<160x128xf32, #tpu.memory_space<vmem>>
            %dma_start3A_232 = arith.constant 0 : i32
            %dma_start3A_233 = tpu.memref_slice %arg4[%mul3A_198, %dma_start3A_232] : memref<100000x128xf32, #tpu.memory_space<hbm>> -> memref<160x128xf32, #tpu.memory_space<hbm>>
            tpu.enqueue_dma source(%dma_start3A_233 : memref<160x128xf32, #tpu.memory_space<hbm>>) target(%dma_start3A_231 : memref<160x128xf32, #tpu.memory_space<vmem>>) target_semaphore(%arg10 : memref<!tpu.dma_semaphore, #tpu.memory_space<semaphore_mem>>)
          } else {
          }
        } else {
        }
        %jit3A_168 = arith.constant 4 : i32
        %eq3A_169 = arith.constant 0 : i32
        %eq3A_170 = arith.cmpi eq, %jit3A_168, %eq3A_169 : i32
        %jit3A_171 = arith.constant 1 : i32
        %select_n3A_172 = arith.select %eq3A_170, %jit3A_171, %jit3A_168 : i32
        %rem3A_173 = arith.remsi %while3A_142, %select_n3A_172 : i32
        %ne3A_174 = arith.constant 0 : i32
        %ne3A_175 = arith.cmpi ne, %rem3A_173, %ne3A_174 : i32
        %lt3A_176 = arith.constant 0 : i32
        %lt3A_177 = arith.cmpi slt, %rem3A_173, %lt3A_176 : i32
        %lt3A_178 = arith.constant 0 : i32
        %lt3A_179 = arith.cmpi slt, %select_n3A_172, %lt3A_178 : i32
        %ne3A_180 = arith.xori %lt3A_177, %lt3A_179 : i1
        %and3A_181 = arith.andi %ne3A_180, %ne3A_175 : i1
        %add3A_182 = arith.addi %rem3A_173, %select_n3A_172 : i32
        %select_n3A_183 = arith.select %and3A_181, %add3A_182, %rem3A_173 : i32
        %mul3A_184 = arith.constant 160 : i32
        %mul3A_185 = arith.muli %select_n3A_183, %mul3A_184 : i32
        %scan3A_186 = arith.constant 0 : i32
        %scan3A_187 = arith.constant 10 : i32
        %scan3A_188 = arith.addi %scan3A_186, %scan3A_187 : i32
        %scan3A_189 = arith.constant 1 : i32
        %scan3A_190:9 = scf.for %scan3A_192 = %scan3A_186 to %scan3A_188 step %scan3A_189 iter_args(%scan3A_193 = %while3A_143, %scan3A_194 = %while3A_144, %scan3A_195 = %while3A_145, %scan3A_196 = %while3A_146, %scan3A_197 = %while3A_147, %scan3A_198 = %while3A_148, %scan3A_199 = %while3A_149, %scan3A_200 = %while3A_150, %scan3A_201 = %while3A_151) -> (i32, vector<16xf32>, vector<16xf32>, vector<16xf32>, vector<16xf32>, vector<16xf32>, vector<16xf32>, vector<16xf32>, vector<16xf32>)  : i32 {
          %mul3A_202 = arith.constant 10 : i32
          %mul3A_203 = arith.muli %while3A_142, %mul3A_202 : i32
          %add3A_204 = arith.addi %mul3A_203, %scan3A_192 : i32
          %mul3A_205 = arith.constant 16 : i32
          %mul3A_206 = arith.muli %add3A_204, %mul3A_205 : i32
          %get3A_207 = arith.index_cast %mul3A_206 : i32 to index
          %get3A_208 = tpu.vector_load %arg8[%get3A_207] {strides = array<i32>} : memref<3200xi32, #tpu.memory_space<vmem>>, vector<16xi32>,
          %mul3A_209 = arith.constant 16 : i32
          %mul3A_210 = arith.muli %scan3A_192, %mul3A_209 : i32
          %add3A_211 = arith.addi %mul3A_185, %mul3A_210 : i32
          %eq3A_212 = vector.broadcast %scan3A_193 : i32 to vector<16xi32>
          %eq3A_213 = arith.cmpi eq, %get3A_208, %eq3A_212 : vector<16xi32>
          %reduce_and3A = arith.constant 1.000000e+00 : f32
          %reduce_and3A_214 = arith.constant 0.000000e+00 : f32
          %reduce_and3A_215 = vector.broadcast %reduce_and3A : f32 to vector<16xf32>
          %reduce_and3A_216 = vector.broadcast %reduce_and3A_214 : f32 to vector<16xf32>
          %reduce_and3A_217 = arith.select %eq3A_213, %reduce_and3A_215, %reduce_and3A_216 : vector<16xi1>, vector<16xf32>
          %reduce_and3A_218 = arith.constant true
          %reduce_and3A_219 = vector.broadcast %reduce_and3A_218 : i1 to vector<16xi1>
          %reduce_and3A_220 = tpu.scan <min>, %reduce_and3A_217 masked %reduce_and3A_219 : vector<16xf32>, vector<16xi1> -> vector<16xf32>
          %reduce_and3A_221 = vector.extract %reduce_and3A_220[15] : f32 from vector<16xf32>
          %reduce_and3A_222 = arith.constant 0.000000e+00 : f32
          %reduce_and3A_223 = arith.cmpf ogt, %reduce_and3A_221, %reduce_and3A_222 : f32
          %convert_element_type3A_224 = arith.extui %reduce_and3A_223 : i1 to i32
          %cond3A_225 = arith.constant 0 : i32
          %cond3A_226 = arith.cmpi ne, %convert_element_type3A_224, %cond3A_225 : i32
          %cond3A_227:9 = scf.if %cond3A_226 -> (i32, vector<16xf32>, vector<16xf32>, vector<16xf32>, vector<16xf32>, vector<16xf32>, vector<16xf32>, vector<16xf32>, vector<16xf32>) {
            %add3A_228 = arith.constant 0 : i32
            %add3A_229 = arith.addi %add3A_211, %add3A_228 : i32
            %get3A_230 = arith.index_cast %add3A_229 : i32 to index
            %get3A_231 = arith.constant 0 : index
            %get3A_232 = tpu.vector_load %arg7[%get3A_230, %get3A_231] {strides = array<i32>} : memref<640x128xf32, #tpu.memory_space<vmem>>, vector<16xf32>,
            %add3A_233 = arith.addf %scan3A_194, %get3A_232 : vector<16xf32>
            %add3A_234 = arith.constant 1 : i32
            %add3A_235 = arith.addi %add3A_211, %add3A_234 : i32
            %get3A_236 = arith.index_cast %add3A_235 : i32 to index
            %get3A_237 = arith.constant 0 : index
            %get3A_238 = tpu.vector_load %arg7[%get3A_236, %get3A_237] {strides = array<i32>} : memref<640x128xf32, #tpu.memory_space<vmem>>, vector<16xf32>,
            %add3A_239 = arith.addf %add3A_233, %get3A_238 : vector<16xf32>
            %add3A_240 = arith.constant 2 : i32
            %add3A_241 = arith.addi %add3A_211, %add3A_240 : i32
            %get3A_242 = arith.index_cast %add3A_241 : i32 to index
            %get3A_243 = arith.constant 0 : index
            %get3A_244 = tpu.vector_load %arg7[%get3A_242, %get3A_243] {strides = array<i32>} : memref<640x128xf32, #tpu.memory_space<vmem>>, vector<16xf32>,
            %add3A_245 = arith.addf %add3A_239, %get3A_244 : vector<16xf32>
            %add3A_246 = arith.constant 3 : i32
            %add3A_247 = arith.addi %add3A_211, %add3A_246 : i32
            %get3A_248 = arith.index_cast %add3A_247 : i32 to index
            %get3A_249 = arith.constant 0 : index
            %get3A_250 = tpu.vector_load %arg7[%get3A_248, %get3A_249] {strides = array<i32>} : memref<640x128xf32, #tpu.memory_space<vmem>>, vector<16xf32>,
            %add3A_251 = arith.addf %add3A_245, %get3A_250 : vector<16xf32>
            %add3A_252 = arith.constant 4 : i32
            %add3A_253 = arith.addi %add3A_211, %add3A_252 : i32
            %get3A_254 = arith.index_cast %add3A_253 : i32 to index
            %get3A_255 = arith.constant 0 : index
            %get3A_256 = tpu.vector_load %arg7[%get3A_254, %get3A_255] {strides = array<i32>} : memref<640x128xf32, #tpu.memory_space<vmem>>, vector<16xf32>,
            %add3A_257 = arith.addf %add3A_251, %get3A_256 : vector<16xf32>
            %add3A_258 = arith.constant 5 : i32
            %add3A_259 = arith.addi %add3A_211, %add3A_258 : i32
            %get3A_260 = arith.index_cast %add3A_259 : i32 to index
            %get3A_261 = arith.constant 0 : index
            %get3A_262 = tpu.vector_load %arg7[%get3A_260, %get3A_261] {strides = array<i32>} : memref<640x128xf32, #tpu.memory_space<vmem>>, vector<16xf32>,
            %add3A_263 = arith.addf %add3A_257, %get3A_262 : vector<16xf32>
            %add3A_264 = arith.constant 6 : i32
            %add3A_265 = arith.addi %add3A_211, %add3A_264 : i32
            %get3A_266 = arith.index_cast %add3A_265 : i32 to index
            %get3A_267 = arith.constant 0 : index
            %get3A_268 = tpu.vector_load %arg7[%get3A_266, %get3A_267] {strides = array<i32>} : memref<640x128xf32, #tpu.memory_space<vmem>>, vector<16xf32>,
            %add3A_269 = arith.addf %add3A_263, %get3A_268 : vector<16xf32>
            %add3A_270 = arith.constant 7 : i32
            %add3A_271 = arith.addi %add3A_211, %add3A_270 : i32
            %get3A_272 = arith.index_cast %add3A_271 : i32 to index
            %get3A_273 = arith.constant 0 : index
            %get3A_274 = tpu.vector_load %arg7[%get3A_272, %get3A_273] {strides = array<i32>} : memref<640x128xf32, #tpu.memory_space<vmem>>, vector<16xf32>,
            %add3A_275 = arith.addf %add3A_269, %get3A_274 : vector<16xf32>
            %add3A_276 = arith.constant 8 : i32
            %add3A_277 = arith.addi %add3A_211, %add3A_276 : i32
            %get3A_278 = arith.index_cast %add3A_277 : i32 to index
            %get3A_279 = arith.constant 0 : index
            %get3A_280 = tpu.vector_load %arg7[%get3A_278, %get3A_279] {strides = array<i32>} : memref<640x128xf32, #tpu.memory_space<vmem>>, vector<16xf32>,
            %add3A_281 = arith.addf %add3A_275, %get3A_280 : vector<16xf32>
            %add3A_282 = arith.constant 9 : i32
            %add3A_283 = arith.addi %add3A_211, %add3A_282 : i32
            %get3A_284 = arith.index_cast %add3A_283 : i32 to index
            %get3A_285 = arith.constant 0 : index
            %get3A_286 = tpu.vector_load %arg7[%get3A_284, %get3A_285] {strides = array<i32>} : memref<640x128xf32, #tpu.memory_space<vmem>>, vector<16xf32>,
            %add3A_287 = arith.addf %add3A_281, %get3A_286 : vector<16xf32>
            %add3A_288 = arith.constant 10 : i32
            %add3A_289 = arith.addi %add3A_211, %add3A_288 : i32
            %get3A_290 = arith.index_cast %add3A_289 : i32 to index
            %get3A_291 = arith.constant 0 : index
            %get3A_292 = tpu.vector_load %arg7[%get3A_290, %get3A_291] {strides = array<i32>} : memref<640x128xf32, #tpu.memory_space<vmem>>, vector<16xf32>,
            %add3A_293 = arith.addf %add3A_287, %get3A_292 : vector<16xf32>
            %add3A_294 = arith.constant 11 : i32
            %add3A_295 = arith.addi %add3A_211, %add3A_294 : i32
            %get3A_296 = arith.index_cast %add3A_295 : i32 to index
            %get3A_297 = arith.constant 0 : index
            %get3A_298 = tpu.vector_load %arg7[%get3A_296, %get3A_297] {strides = array<i32>} : memref<640x128xf32, #tpu.memory_space<vmem>>, vector<16xf32>,
            %add3A_299 = arith.addf %add3A_293, %get3A_298 : vector<16xf32>
            %add3A_300 = arith.constant 12 : i32
            %add3A_301 = arith.addi %add3A_211, %add3A_300 : i32
            %get3A_302 = arith.index_cast %add3A_301 : i32 to index
            %get3A_303 = arith.constant 0 : index
            %get3A_304 = tpu.vector_load %arg7[%get3A_302, %get3A_303] {strides = array<i32>} : memref<640x128xf32, #tpu.memory_space<vmem>>, vector<16xf32>,
            %add3A_305 = arith.addf %add3A_299, %get3A_304 : vector<16xf32>
            %add3A_306 = arith.constant 13 : i32
            %add3A_307 = arith.addi %add3A_211, %add3A_306 : i32
            %get3A_308 = arith.index_cast %add3A_307 : i32 to index
            %get3A_309 = arith.constant 0 : index
            %get3A_310 = tpu.vector_load %arg7[%get3A_308, %get3A_309] {strides = array<i32>} : memref<640x128xf32, #tpu.memory_space<vmem>>, vector<16xf32>,
            %add3A_311 = arith.addf %add3A_305, %get3A_310 : vector<16xf32>
            %add3A_312 = arith.constant 14 : i32
            %add3A_313 = arith.addi %add3A_211, %add3A_312 : i32
            %get3A_314 = arith.index_cast %add3A_313 : i32 to index
            %get3A_315 = arith.constant 0 : index
            %get3A_316 = tpu.vector_load %arg7[%get3A_314, %get3A_315] {strides = array<i32>} : memref<640x128xf32, #tpu.memory_space<vmem>>, vector<16xf32>,
            %add3A_317 = arith.addf %add3A_311, %get3A_316 : vector<16xf32>
            %add3A_318 = arith.constant 15 : i32
            %add3A_319 = arith.addi %add3A_211, %add3A_318 : i32
            %get3A_320 = arith.index_cast %add3A_319 : i32 to index
            %get3A_321 = arith.constant 0 : index
            %get3A_322 = tpu.vector_load %arg7[%get3A_320, %get3A_321] {strides = array<i32>} : memref<640x128xf32, #tpu.memory_space<vmem>>, vector<16xf32>,
            %add3A_323 = arith.addf %add3A_317, %get3A_322 : vector<16xf32>
            %add3A_324 = arith.constant 0 : i32
            %add3A_325 = arith.addi %add3A_211, %add3A_324 : i32
            %get3A_326 = arith.index_cast %add3A_325 : i32 to index
            %get3A_327 = arith.constant 16 : index
            %get3A_328 = tpu.vector_load %arg7[%get3A_326, %get3A_327] {strides = array<i32>} : memref<640x128xf32, #tpu.memory_space<vmem>>, vector<16xf32>,
            %add3A_329 = arith.addf %scan3A_195, %get3A_328 : vector<16xf32>
            %add3A_330 = arith.constant 1 : i32
            %add3A_331 = arith.addi %add3A_211, %add3A_330 : i32
            %get3A_332 = arith.index_cast %add3A_331 : i32 to index
            %get3A_333 = arith.constant 16 : index
            %get3A_334 = tpu.vector_load %arg7[%get3A_332, %get3A_333] {strides = array<i32>} : memref<640x128xf32, #tpu.memory_space<vmem>>, vector<16xf32>,
            %add3A_335 = arith.addf %add3A_329, %get3A_334 : vector<16xf32>
            %add3A_336 = arith.constant 2 : i32
            %add3A_337 = arith.addi %add3A_211, %add3A_336 : i32
            %get3A_338 = arith.index_cast %add3A_337 : i32 to index
            %get3A_339 = arith.constant 16 : index
            %get3A_340 = tpu.vector_load %arg7[%get3A_338, %get3A_339] {strides = array<i32>} : memref<640x128xf32, #tpu.memory_space<vmem>>, vector<16xf32>,
            %add3A_341 = arith.addf %add3A_335, %get3A_340 : vector<16xf32>
            %add3A_342 = arith.constant 3 : i32
            %add3A_343 = arith.addi %add3A_211, %add3A_342 : i32
            %get3A_344 = arith.index_cast %add3A_343 : i32 to index
            %get3A_345 = arith.constant 16 : index
            %get3A_346 = tpu.vector_load %arg7[%get3A_344, %get3A_345] {strides = array<i32>} : memref<640x128xf32, #tpu.memory_space<vmem>>, vector<16xf32>,
            %add3A_347 = arith.addf %add3A_341, %get3A_346 : vector<16xf32>
            %add3A_348 = arith.constant 4 : i32
            %add3A_349 = arith.addi %add3A_211, %add3A_348 : i32
            %get3A_350 = arith.index_cast %add3A_349 : i32 to index
            %get3A_351 = arith.constant 16 : index
            %get3A_352 = tpu.vector_load %arg7[%get3A_350, %get3A_351] {strides = array<i32>} : memref<640x128xf32, #tpu.memory_space<vmem>>, vector<16xf32>,
            %add3A_353 = arith.addf %add3A_347, %get3A_352 : vector<16xf32>
            %add3A_354 = arith.constant 5 : i32
            %add3A_355 = arith.addi %add3A_211, %add3A_354 : i32
            %get3A_356 = arith.index_cast %add3A_355 : i32 to index
            %get3A_357 = arith.constant 16 : index
            %get3A_358 = tpu.vector_load %arg7[%get3A_356, %get3A_357] {strides = array<i32>} : memref<640x128xf32, #tpu.memory_space<vmem>>, vector<16xf32>,
            %add3A_359 = arith.addf %add3A_353, %get3A_358 : vector<16xf32>
            %add3A_360 = arith.constant 6 : i32
            %add3A_361 = arith.addi %add3A_211, %add3A_360 : i32
            %get3A_362 = arith.index_cast %add3A_361 : i32 to index
            %get3A_363 = arith.constant 16 : index
            %get3A_364 = tpu.vector_load %arg7[%get3A_362, %get3A_363] {strides = array<i32>} : memref<640x128xf32, #tpu.memory_space<vmem>>, vector<16xf32>,
            %add3A_365 = arith.addf %add3A_359, %get3A_364 : vector<16xf32>
            %add3A_366 = arith.constant 7 : i32
            %add3A_367 = arith.addi %add3A_211, %add3A_366 : i32
            %get3A_368 = arith.index_cast %add3A_367 : i32 to index
            %get3A_369 = arith.constant 16 : index
            %get3A_370 = tpu.vector_load %arg7[%get3A_368, %get3A_369] {strides = array<i32>} : memref<640x128xf32, #tpu.memory_space<vmem>>, vector<16xf32>,
            %add3A_371 = arith.addf %add3A_365, %get3A_370 : vector<16xf32>
            %add3A_372 = arith.constant 8 : i32
            %add3A_373 = arith.addi %add3A_211, %add3A_372 : i32
            %get3A_374 = arith.index_cast %add3A_373 : i32 to index
            %get3A_375 = arith.constant 16 : index
            %get3A_376 = tpu.vector_load %arg7[%get3A_374, %get3A_375] {strides = array<i32>} : memref<640x128xf32, #tpu.memory_space<vmem>>, vector<16xf32>,
            %add3A_377 = arith.addf %add3A_371, %get3A_376 : vector<16xf32>
            %add3A_378 = arith.constant 9 : i32
            %add3A_379 = arith.addi %add3A_211, %add3A_378 : i32
            %get3A_380 = arith.index_cast %add3A_379 : i32 to index
            %get3A_381 = arith.constant 16 : index
            %get3A_382 = tpu.vector_load %arg7[%get3A_380, %get3A_381] {strides = array<i32>} : memref<640x128xf32, #tpu.memory_space<vmem>>, vector<16xf32>,
            %add3A_383 = arith.addf %add3A_377, %get3A_382 : vector<16xf32>
            %add3A_384 = arith.constant 10 : i32
            %add3A_385 = arith.addi %add3A_211, %add3A_384 : i32
            %get3A_386 = arith.index_cast %add3A_385 : i32 to index
            %get3A_387 = arith.constant 16 : index
            %get3A_388 = tpu.vector_load %arg7[%get3A_386, %get3A_387] {strides = array<i32>} : memref<640x128xf32, #tpu.memory_space<vmem>>, vector<16xf32>,
            %add3A_389 = arith.addf %add3A_383, %get3A_388 : vector<16xf32>
            %add3A_390 = arith.constant 11 : i32
            %add3A_391 = arith.addi %add3A_211, %add3A_390 : i32
            %get3A_392 = arith.index_cast %add3A_391 : i32 to index
            %get3A_393 = arith.constant 16 : index
            %get3A_394 = tpu.vector_load %arg7[%get3A_392, %get3A_393] {strides = array<i32>} : memref<640x128xf32, #tpu.memory_space<vmem>>, vector<16xf32>,
            %add3A_395 = arith.addf %add3A_389, %get3A_394 : vector<16xf32>
            %add3A_396 = arith.constant 12 : i32
            %add3A_397 = arith.addi %add3A_211, %add3A_396 : i32
            %get3A_398 = arith.index_cast %add3A_397 : i32 to index
            %get3A_399 = arith.constant 16 : index
            %get3A_400 = tpu.vector_load %arg7[%get3A_398, %get3A_399] {strides = array<i32>} : memref<640x128xf32, #tpu.memory_space<vmem>>, vector<16xf32>,
            %add3A_401 = arith.addf %add3A_395, %get3A_400 : vector<16xf32>
            %add3A_402 = arith.constant 13 : i32
            %add3A_403 = arith.addi %add3A_211, %add3A_402 : i32
            %get3A_404 = arith.index_cast %add3A_403 : i32 to index
            %get3A_405 = arith.constant 16 : index
            %get3A_406 = tpu.vector_load %arg7[%get3A_404, %get3A_405] {strides = array<i32>} : memref<640x128xf32, #tpu.memory_space<vmem>>, vector<16xf32>,
            %add3A_407 = arith.addf %add3A_401, %get3A_406 : vector<16xf32>
            %add3A_408 = arith.constant 14 : i32
            %add3A_409 = arith.addi %add3A_211, %add3A_408 : i32
            %get3A_410 = arith.index_cast %add3A_409 : i32 to index
            %get3A_411 = arith.constant 16 : index
            %get3A_412 = tpu.vector_load %arg7[%get3A_410, %get3A_411] {strides = array<i32>} : memref<640x128xf32, #tpu.memory_space<vmem>>, vector<16xf32>,
            %add3A_413 = arith.addf %add3A_407, %get3A_412 : vector<16xf32>
            %add3A_414 = arith.constant 15 : i32
            %add3A_415 = arith.addi %add3A_211, %add3A_414 : i32
            %get3A_416 = arith.index_cast %add3A_415 : i32 to index
            %get3A_417 = arith.constant 16 : index
            %get3A_418 = tpu.vector_load %arg7[%get3A_416, %get3A_417] {strides = array<i32>} : memref<640x128xf32, #tpu.memory_space<vmem>>, vector<16xf32>,
            %add3A_419 = arith.addf %add3A_413, %get3A_418 : vector<16xf32>
            %add3A_420 = arith.constant 0 : i32
            %add3A_421 = arith.addi %add3A_211, %add3A_420 : i32
            %get3A_422 = arith.index_cast %add3A_421 : i32 to index
            %get3A_423 = arith.constant 32 : index
            %get3A_424 = tpu.vector_load %arg7[%get3A_422, %get3A_423] {strides = array<i32>} : memref<640x128xf32, #tpu.memory_space<vmem>>, vector<16xf32>,
            %add3A_425 = arith.addf %scan3A_196, %get3A_424 : vector<16xf32>
            %add3A_426 = arith.constant 1 : i32
            %add3A_427 = arith.addi %add3A_211, %add3A_426 : i32
            %get3A_428 = arith.index_cast %add3A_427 : i32 to index
            %get3A_429 = arith.constant 32 : index
            %get3A_430 = tpu.vector_load %arg7[%get3A_428, %get3A_429] {strides = array<i32>} : memref<640x128xf32, #tpu.memory_space<vmem>>, vector<16xf32>,
            %add3A_431 = arith.addf %add3A_425, %get3A_430 : vector<16xf32>
            %add3A_432 = arith.constant 2 : i32
            %add3A_433 = arith.addi %add3A_211, %add3A_432 : i32
            %get3A_434 = arith.index_cast %add3A_433 : i32 to index
            %get3A_435 = arith.constant 32 : index
            %get3A_436 = tpu.vector_load %arg7[%get3A_434, %get3A_435] {strides = array<i32>} : memref<640x128xf32, #tpu.memory_space<vmem>>, vector<16xf32>,
            %add3A_437 = arith.addf %add3A_431, %get3A_436 : vector<16xf32>
            %add3A_438 = arith.constant 3 : i32
            %add3A_439 = arith.addi %add3A_211, %add3A_438 : i32
            %get3A_440 = arith.index_cast %add3A_439 : i32 to index
            %get3A_441 = arith.constant 32 : index
            %get3A_442 = tpu.vector_load %arg7[%get3A_440, %get3A_441] {strides = array<i32>} : memref<640x128xf32, #tpu.memory_space<vmem>>, vector<16xf32>,
            %add3A_443 = arith.addf %add3A_437, %get3A_442 : vector<16xf32>
            %add3A_444 = arith.constant 4 : i32
            %add3A_445 = arith.addi %add3A_211, %add3A_444 : i32
            %get3A_446 = arith.index_cast %add3A_445 : i32 to index
            %get3A_447 = arith.constant 32 : index
            %get3A_448 = tpu.vector_load %arg7[%get3A_446, %get3A_447] {strides = array<i32>} : memref<640x128xf32, #tpu.memory_space<vmem>>, vector<16xf32>,
            %add3A_449 = arith.addf %add3A_443, %get3A_448 : vector<16xf32>
            %add3A_450 = arith.constant 5 : i32
            %add3A_451 = arith.addi %add3A_211, %add3A_450 : i32
            %get3A_452 = arith.index_cast %add3A_451 : i32 to index
            %get3A_453 = arith.constant 32 : index
            %get3A_454 = tpu.vector_load %arg7[%get3A_452, %get3A_453] {strides = array<i32>} : memref<640x128xf32, #tpu.memory_space<vmem>>, vector<16xf32>,
            %add3A_455 = arith.addf %add3A_449, %get3A_454 : vector<16xf32>
            %add3A_456 = arith.constant 6 : i32
            %add3A_457 = arith.addi %add3A_211, %add3A_456 : i32
            %get3A_458 = arith.index_cast %add3A_457 : i32 to index
            %get3A_459 = arith.constant 32 : index
            %get3A_460 = tpu.vector_load %arg7[%get3A_458, %get3A_459] {strides = array<i32>} : memref<640x128xf32, #tpu.memory_space<vmem>>, vector<16xf32>,
            %add3A_461 = arith.addf %add3A_455, %get3A_460 : vector<16xf32>
            %add3A_462 = arith.constant 7 : i32
            %add3A_463 = arith.addi %add3A_211, %add3A_462 : i32
            %get3A_464 = arith.index_cast %add3A_463 : i32 to index
            %get3A_465 = arith.constant 32 : index
            %get3A_466 = tpu.vector_load %arg7[%get3A_464, %get3A_465] {strides = array<i32>} : memref<640x128xf32, #tpu.memory_space<vmem>>, vector<16xf32>,
            %add3A_467 = arith.addf %add3A_461, %get3A_466 : vector<16xf32>
            %add3A_468 = arith.constant 8 : i32
            %add3A_469 = arith.addi %add3A_211, %add3A_468 : i32
            %get3A_470 = arith.index_cast %add3A_469 : i32 to index
            %get3A_471 = arith.constant 32 : index
            %get3A_472 = tpu.vector_load %arg7[%get3A_470, %get3A_471] {strides = array<i32>} : memref<640x128xf32, #tpu.memory_space<vmem>>, vector<16xf32>,
            %add3A_473 = arith.addf %add3A_467, %get3A_472 : vector<16xf32>
            %add3A_474 = arith.constant 9 : i32
            %add3A_475 = arith.addi %add3A_211, %add3A_474 : i32
            %get3A_476 = arith.index_cast %add3A_475 : i32 to index
            %get3A_477 = arith.constant 32 : index
            %get3A_478 = tpu.vector_load %arg7[%get3A_476, %get3A_477] {strides = array<i32>} : memref<640x128xf32, #tpu.memory_space<vmem>>, vector<16xf32>,
            %add3A_479 = arith.addf %add3A_473, %get3A_478 : vector<16xf32>
            %add3A_480 = arith.constant 10 : i32
            %add3A_481 = arith.addi %add3A_211, %add3A_480 : i32
            %get3A_482 = arith.index_cast %add3A_481 : i32 to index
            %get3A_483 = arith.constant 32 : index
            %get3A_484 = tpu.vector_load %arg7[%get3A_482, %get3A_483] {strides = array<i32>} : memref<640x128xf32, #tpu.memory_space<vmem>>, vector<16xf32>,
            %add3A_485 = arith.addf %add3A_479, %get3A_484 : vector<16xf32>
            %add3A_486 = arith.constant 11 : i32
            %add3A_487 = arith.addi %add3A_211, %add3A_486 : i32
            %get3A_488 = arith.index_cast %add3A_487 : i32 to index
            %get3A_489 = arith.constant 32 : index
            %get3A_490 = tpu.vector_load %arg7[%get3A_488, %get3A_489] {strides = array<i32>} : memref<640x128xf32, #tpu.memory_space<vmem>>, vector<16xf32>,
            %add3A_491 = arith.addf %add3A_485, %get3A_490 : vector<16xf32>
            %add3A_492 = arith.constant 12 : i32
            %add3A_493 = arith.addi %add3A_211, %add3A_492 : i32
            %get3A_494 = arith.index_cast %add3A_493 : i32 to index
            %get3A_495 = arith.constant 32 : index
            %get3A_496 = tpu.vector_load %arg7[%get3A_494, %get3A_495] {strides = array<i32>} : memref<640x128xf32, #tpu.memory_space<vmem>>, vector<16xf32>,
            %add3A_497 = arith.addf %add3A_491, %get3A_496 : vector<16xf32>
            %add3A_498 = arith.constant 13 : i32
            %add3A_499 = arith.addi %add3A_211, %add3A_498 : i32
            %get3A_500 = arith.index_cast %add3A_499 : i32 to index
            %get3A_501 = arith.constant 32 : index
            %get3A_502 = tpu.vector_load %arg7[%get3A_500, %get3A_501] {strides = array<i32>} : memref<640x128xf32, #tpu.memory_space<vmem>>, vector<16xf32>,
            %add3A_503 = arith.addf %add3A_497, %get3A_502 : vector<16xf32>
            %add3A_504 = arith.constant 14 : i32
            %add3A_505 = arith.addi %add3A_211, %add3A_504 : i32
            %get3A_506 = arith.index_cast %add3A_505 : i32 to index
            %get3A_507 = arith.constant 32 : index
            %get3A_508 = tpu.vector_load %arg7[%get3A_506, %get3A_507] {strides = array<i32>} : memref<640x128xf32, #tpu.memory_space<vmem>>, vector<16xf32>,
            %add3A_509 = arith.addf %add3A_503, %get3A_508 : vector<16xf32>
            %add3A_510 = arith.constant 15 : i32
            %add3A_511 = arith.addi %add3A_211, %add3A_510 : i32
            %get3A_512 = arith.index_cast %add3A_511 : i32 to index
            %get3A_513 = arith.constant 32 : index
            %get3A_514 = tpu.vector_load %arg7[%get3A_512, %get3A_513] {strides = array<i32>} : memref<640x128xf32, #tpu.memory_space<vmem>>, vector<16xf32>,
            %add3A_515 = arith.addf %add3A_509, %get3A_514 : vector<16xf32>
            %add3A_516 = arith.constant 0 : i32
            %add3A_517 = arith.addi %add3A_211, %add3A_516 : i32
            %get3A_518 = arith.index_cast %add3A_517 : i32 to index
            %get3A_519 = arith.constant 48 : index
            %get3A_520 = tpu.vector_load %arg7[%get3A_518, %get3A_519] {strides = array<i32>} : memref<640x128xf32, #tpu.memory_space<vmem>>, vector<16xf32>,
            %add3A_521 = arith.addf %scan3A_197, %get3A_520 : vector<16xf32>
            %add3A_522 = arith.constant 1 : i32
            %add3A_523 = arith.addi %add3A_211, %add3A_522 : i32
            %get3A_524 = arith.index_cast %add3A_523 : i32 to index
            %get3A_525 = arith.constant 48 : index
            %get3A_526 = tpu.vector_load %arg7[%get3A_524, %get3A_525] {strides = array<i32>} : memref<640x128xf32, #tpu.memory_space<vmem>>, vector<16xf32>,
            %add3A_527 = arith.addf %add3A_521, %get3A_526 : vector<16xf32>
            %add3A_528 = arith.constant 2 : i32
            %add3A_529 = arith.addi %add3A_211, %add3A_528 : i32
            %get3A_530 = arith.index_cast %add3A_529 : i32 to index
            %get3A_531 = arith.constant 48 : index
            %get3A_532 = tpu.vector_load %arg7[%get3A_530, %get3A_531] {strides = array<i32>} : memref<640x128xf32, #tpu.memory_space<vmem>>, vector<16xf32>,
            %add3A_533 = arith.addf %add3A_527, %get3A_532 : vector<16xf32>
            %add3A_534 = arith.constant 3 : i32
            %add3A_535 = arith.addi %add3A_211, %add3A_534 : i32
            %get3A_536 = arith.index_cast %add3A_535 : i32 to index
            %get3A_537 = arith.constant 48 : index
            %get3A_538 = tpu.vector_load %arg7[%get3A_536, %get3A_537] {strides = array<i32>} : memref<640x128xf32, #tpu.memory_space<vmem>>, vector<16xf32>,
            %add3A_539 = arith.addf %add3A_533, %get3A_538 : vector<16xf32>
            %add3A_540 = arith.constant 4 : i32
            %add3A_541 = arith.addi %add3A_211, %add3A_540 : i32
            %get3A_542 = arith.index_cast %add3A_541 : i32 to index
            %get3A_543 = arith.constant 48 : index
            %get3A_544 = tpu.vector_load %arg7[%get3A_542, %get3A_543] {strides = array<i32>} : memref<640x128xf32, #tpu.memory_space<vmem>>, vector<16xf32>,
            %add3A_545 = arith.addf %add3A_539, %get3A_544 : vector<16xf32>
            %add3A_546 = arith.constant 5 : i32
            %add3A_547 = arith.addi %add3A_211, %add3A_546 : i32
            %get3A_548 = arith.index_cast %add3A_547 : i32 to index
            %get3A_549 = arith.constant 48 : index
            %get3A_550 = tpu.vector_load %arg7[%get3A_548, %get3A_549] {strides = array<i32>} : memref<640x128xf32, #tpu.memory_space<vmem>>, vector<16xf32>,
            %add3A_551 = arith.addf %add3A_545, %get3A_550 : vector<16xf32>
            %add3A_552 = arith.constant 6 : i32
            %add3A_553 = arith.addi %add3A_211, %add3A_552 : i32
            %get3A_554 = arith.index_cast %add3A_553 : i32 to index
            %get3A_555 = arith.constant 48 : index
            %get3A_556 = tpu.vector_load %arg7[%get3A_554, %get3A_555] {strides = array<i32>} : memref<640x128xf32, #tpu.memory_space<vmem>>, vector<16xf32>,
            %add3A_557 = arith.addf %add3A_551, %get3A_556 : vector<16xf32>
            %add3A_558 = arith.constant 7 : i32
            %add3A_559 = arith.addi %add3A_211, %add3A_558 : i32
            %get3A_560 = arith.index_cast %add3A_559 : i32 to index
            %get3A_561 = arith.constant 48 : index
            %get3A_562 = tpu.vector_load %arg7[%get3A_560, %get3A_561] {strides = array<i32>} : memref<640x128xf32, #tpu.memory_space<vmem>>, vector<16xf32>,
            %add3A_563 = arith.addf %add3A_557, %get3A_562 : vector<16xf32>
            %add3A_564 = arith.constant 8 : i32
            %add3A_565 = arith.addi %add3A_211, %add3A_564 : i32
            %get3A_566 = arith.index_cast %add3A_565 : i32 to index
            %get3A_567 = arith.constant 48 : index
            %get3A_568 = tpu.vector_load %arg7[%get3A_566, %get3A_567] {strides = array<i32>} : memref<640x128xf32, #tpu.memory_space<vmem>>, vector<16xf32>,
            %add3A_569 = arith.addf %add3A_563, %get3A_568 : vector<16xf32>
            %add3A_570 = arith.constant 9 : i32
            %add3A_571 = arith.addi %add3A_211, %add3A_570 : i32
            %get3A_572 = arith.index_cast %add3A_571 : i32 to index
            %get3A_573 = arith.constant 48 : index
            %get3A_574 = tpu.vector_load %arg7[%get3A_572, %get3A_573] {strides = array<i32>} : memref<640x128xf32, #tpu.memory_space<vmem>>, vector<16xf32>,
            %add3A_575 = arith.addf %add3A_569, %get3A_574 : vector<16xf32>
            %add3A_576 = arith.constant 10 : i32
            %add3A_577 = arith.addi %add3A_211, %add3A_576 : i32
            %get3A_578 = arith.index_cast %add3A_577 : i32 to index
            %get3A_579 = arith.constant 48 : index
            %get3A_580 = tpu.vector_load %arg7[%get3A_578, %get3A_579] {strides = array<i32>} : memref<640x128xf32, #tpu.memory_space<vmem>>, vector<16xf32>,
            %add3A_581 = arith.addf %add3A_575, %get3A_580 : vector<16xf32>
            %add3A_582 = arith.constant 11 : i32
            %add3A_583 = arith.addi %add3A_211, %add3A_582 : i32
            %get3A_584 = arith.index_cast %add3A_583 : i32 to index
            %get3A_585 = arith.constant 48 : index
            %get3A_586 = tpu.vector_load %arg7[%get3A_584, %get3A_585] {strides = array<i32>} : memref<640x128xf32, #tpu.memory_space<vmem>>, vector<16xf32>,
            %add3A_587 = arith.addf %add3A_581, %get3A_586 : vector<16xf32>
            %add3A_588 = arith.constant 12 : i32
            %add3A_589 = arith.addi %add3A_211, %add3A_588 : i32
            %get3A_590 = arith.index_cast %add3A_589 : i32 to index
            %get3A_591 = arith.constant 48 : index
            %get3A_592 = tpu.vector_load %arg7[%get3A_590, %get3A_591] {strides = array<i32>} : memref<640x128xf32, #tpu.memory_space<vmem>>, vector<16xf32>,
            %add3A_593 = arith.addf %add3A_587, %get3A_592 : vector<16xf32>
            %add3A_594 = arith.constant 13 : i32
            %add3A_595 = arith.addi %add3A_211, %add3A_594 : i32
            %get3A_596 = arith.index_cast %add3A_595 : i32 to index
            %get3A_597 = arith.constant 48 : index
            %get3A_598 = tpu.vector_load %arg7[%get3A_596, %get3A_597] {strides = array<i32>} : memref<640x128xf32, #tpu.memory_space<vmem>>, vector<16xf32>,
            %add3A_599 = arith.addf %add3A_593, %get3A_598 : vector<16xf32>
            %add3A_600 = arith.constant 14 : i32
            %add3A_601 = arith.addi %add3A_211, %add3A_600 : i32
            %get3A_602 = arith.index_cast %add3A_601 : i32 to index
            %get3A_603 = arith.constant 48 : index
            %get3A_604 = tpu.vector_load %arg7[%get3A_602, %get3A_603] {strides = array<i32>} : memref<640x128xf32, #tpu.memory_space<vmem>>, vector<16xf32>,
            %add3A_605 = arith.addf %add3A_599, %get3A_604 : vector<16xf32>
            %add3A_606 = arith.constant 15 : i32
            %add3A_607 = arith.addi %add3A_211, %add3A_606 : i32
            %get3A_608 = arith.index_cast %add3A_607 : i32 to index
            %get3A_609 = arith.constant 48 : index
            %get3A_610 = tpu.vector_load %arg7[%get3A_608, %get3A_609] {strides = array<i32>} : memref<640x128xf32, #tpu.memory_space<vmem>>, vector<16xf32>,
            %add3A_611 = arith.addf %add3A_605, %get3A_610 : vector<16xf32>
            %add3A_612 = arith.constant 0 : i32
            %add3A_613 = arith.addi %add3A_211, %add3A_612 : i32
            %get3A_614 = arith.index_cast %add3A_613 : i32 to index
            %get3A_615 = arith.constant 64 : index
            %get3A_616 = tpu.vector_load %arg7[%get3A_614, %get3A_615] {strides = array<i32>} : memref<640x128xf32, #tpu.memory_space<vmem>>, vector<16xf32>,
            %add3A_617 = arith.addf %scan3A_198, %get3A_616 : vector<16xf32>
            %add3A_618 = arith.constant 1 : i32
            %add3A_619 = arith.addi %add3A_211, %add3A_618 : i32
            %get3A_620 = arith.index_cast %add3A_619 : i32 to index
            %get3A_621 = arith.constant 64 : index
            %get3A_622 = tpu.vector_load %arg7[%get3A_620, %get3A_621] {strides = array<i32>} : memref<640x128xf32, #tpu.memory_space<vmem>>, vector<16xf32>,
            %add3A_623 = arith.addf %add3A_617, %get3A_622 : vector<16xf32>
            %add3A_624 = arith.constant 2 : i32
            %add3A_625 = arith.addi %add3A_211, %add3A_624 : i32
            %get3A_626 = arith.index_cast %add3A_625 : i32 to index
            %get3A_627 = arith.constant 64 : index
            %get3A_628 = tpu.vector_load %arg7[%get3A_626, %get3A_627] {strides = array<i32>} : memref<640x128xf32, #tpu.memory_space<vmem>>, vector<16xf32>,
            %add3A_629 = arith.addf %add3A_623, %get3A_628 : vector<16xf32>
            %add3A_630 = arith.constant 3 : i32
            %add3A_631 = arith.addi %add3A_211, %add3A_630 : i32
            %get3A_632 = arith.index_cast %add3A_631 : i32 to index
            %get3A_633 = arith.constant 64 : index
            %get3A_634 = tpu.vector_load %arg7[%get3A_632, %get3A_633] {strides = array<i32>} : memref<640x128xf32, #tpu.memory_space<vmem>>, vector<16xf32>,
            %add3A_635 = arith.addf %add3A_629, %get3A_634 : vector<16xf32>
            %add3A_636 = arith.constant 4 : i32
            %add3A_637 = arith.addi %add3A_211, %add3A_636 : i32
            %get3A_638 = arith.index_cast %add3A_637 : i32 to index
            %get3A_639 = arith.constant 64 : index
            %get3A_640 = tpu.vector_load %arg7[%get3A_638, %get3A_639] {strides = array<i32>} : memref<640x128xf32, #tpu.memory_space<vmem>>, vector<16xf32>,
            %add3A_641 = arith.addf %add3A_635, %get3A_640 : vector<16xf32>
            %add3A_642 = arith.constant 5 : i32
            %add3A_643 = arith.addi %add3A_211, %add3A_642 : i32
            %get3A_644 = arith.index_cast %add3A_643 : i32 to index
            %get3A_645 = arith.constant 64 : index
            %get3A_646 = tpu.vector_load %arg7[%get3A_644, %get3A_645] {strides = array<i32>} : memref<640x128xf32, #tpu.memory_space<vmem>>, vector<16xf32>,
            %add3A_647 = arith.addf %add3A_641, %get3A_646 : vector<16xf32>
            %add3A_648 = arith.constant 6 : i32
            %add3A_649 = arith.addi %add3A_211, %add3A_648 : i32
            %get3A_650 = arith.index_cast %add3A_649 : i32 to index
            %get3A_651 = arith.constant 64 : index
            %get3A_652 = tpu.vector_load %arg7[%get3A_650, %get3A_651] {strides = array<i32>} : memref<640x128xf32, #tpu.memory_space<vmem>>, vector<16xf32>,
            %add3A_653 = arith.addf %add3A_647, %get3A_652 : vector<16xf32>
            %add3A_654 = arith.constant 7 : i32
            %add3A_655 = arith.addi %add3A_211, %add3A_654 : i32
            %get3A_656 = arith.index_cast %add3A_655 : i32 to index
            %get3A_657 = arith.constant 64 : index
            %get3A_658 = tpu.vector_load %arg7[%get3A_656, %get3A_657] {strides = array<i32>} : memref<640x128xf32, #tpu.memory_space<vmem>>, vector<16xf32>,
            %add3A_659 = arith.addf %add3A_653, %get3A_658 : vector<16xf32>
            %add3A_660 = arith.constant 8 : i32
            %add3A_661 = arith.addi %add3A_211, %add3A_660 : i32
            %get3A_662 = arith.index_cast %add3A_661 : i32 to index
            %get3A_663 = arith.constant 64 : index
            %get3A_664 = tpu.vector_load %arg7[%get3A_662, %get3A_663] {strides = array<i32>} : memref<640x128xf32, #tpu.memory_space<vmem>>, vector<16xf32>,
            %add3A_665 = arith.addf %add3A_659, %get3A_664 : vector<16xf32>
            %add3A_666 = arith.constant 9 : i32
            %add3A_667 = arith.addi %add3A_211, %add3A_666 : i32
            %get3A_668 = arith.index_cast %add3A_667 : i32 to index
            %get3A_669 = arith.constant 64 : index
            %get3A_670 = tpu.vector_load %arg7[%get3A_668, %get3A_669] {strides = array<i32>} : memref<640x128xf32, #tpu.memory_space<vmem>>, vector<16xf32>,
            %add3A_671 = arith.addf %add3A_665, %get3A_670 : vector<16xf32>
            %add3A_672 = arith.constant 10 : i32
            %add3A_673 = arith.addi %add3A_211, %add3A_672 : i32
            %get3A_674 = arith.index_cast %add3A_673 : i32 to index
            %get3A_675 = arith.constant 64 : index
            %get3A_676 = tpu.vector_load %arg7[%get3A_674, %get3A_675] {strides = array<i32>} : memref<640x128xf32, #tpu.memory_space<vmem>>, vector<16xf32>,
            %add3A_677 = arith.addf %add3A_671, %get3A_676 : vector<16xf32>
            %add3A_678 = arith.constant 11 : i32
            %add3A_679 = arith.addi %add3A_211, %add3A_678 : i32
            %get3A_680 = arith.index_cast %add3A_679 : i32 to index
            %get3A_681 = arith.constant 64 : index
            %get3A_682 = tpu.vector_load %arg7[%get3A_680, %get3A_681] {strides = array<i32>} : memref<640x128xf32, #tpu.memory_space<vmem>>, vector<16xf32>,
            %add3A_683 = arith.addf %add3A_677, %get3A_682 : vector<16xf32>
            %add3A_684 = arith.constant 12 : i32
            %add3A_685 = arith.addi %add3A_211, %add3A_684 : i32
            %get3A_686 = arith.index_cast %add3A_685 : i32 to index
            %get3A_687 = arith.constant 64 : index
            %get3A_688 = tpu.vector_load %arg7[%get3A_686, %get3A_687] {strides = array<i32>} : memref<640x128xf32, #tpu.memory_space<vmem>>, vector<16xf32>,
            %add3A_689 = arith.addf %add3A_683, %get3A_688 : vector<16xf32>
            %add3A_690 = arith.constant 13 : i32
            %add3A_691 = arith.addi %add3A_211, %add3A_690 : i32
            %get3A_692 = arith.index_cast %add3A_691 : i32 to index
            %get3A_693 = arith.constant 64 : index
            %get3A_694 = tpu.vector_load %arg7[%get3A_692, %get3A_693] {strides = array<i32>} : memref<640x128xf32, #tpu.memory_space<vmem>>, vector<16xf32>,
            %add3A_695 = arith.addf %add3A_689, %get3A_694 : vector<16xf32>
            %add3A_696 = arith.constant 14 : i32
            %add3A_697 = arith.addi %add3A_211, %add3A_696 : i32
            %get3A_698 = arith.index_cast %add3A_697 : i32 to index
            %get3A_699 = arith.constant 64 : index
            %get3A_700 = tpu.vector_load %arg7[%get3A_698, %get3A_699] {strides = array<i32>} : memref<640x128xf32, #tpu.memory_space<vmem>>, vector<16xf32>,
            %add3A_701 = arith.addf %add3A_695, %get3A_700 : vector<16xf32>
            %add3A_702 = arith.constant 15 : i32
            %add3A_703 = arith.addi %add3A_211, %add3A_702 : i32
            %get3A_704 = arith.index_cast %add3A_703 : i32 to index
            %get3A_705 = arith.constant 64 : index
            %get3A_706 = tpu.vector_load %arg7[%get3A_704, %get3A_705] {strides = array<i32>} : memref<640x128xf32, #tpu.memory_space<vmem>>, vector<16xf32>,
            %add3A_707 = arith.addf %add3A_701, %get3A_706 : vector<16xf32>
            %add3A_708 = arith.constant 0 : i32
            %add3A_709 = arith.addi %add3A_211, %add3A_708 : i32
            %get3A_710 = arith.index_cast %add3A_709 : i32 to index
            %get3A_711 = arith.constant 80 : index
            %get3A_712 = tpu.vector_load %arg7[%get3A_710, %get3A_711] {strides = array<i32>} : memref<640x128xf32, #tpu.memory_space<vmem>>, vector<16xf32>,
            %add3A_713 = arith.addf %scan3A_199, %get3A_712 : vector<16xf32>
            %add3A_714 = arith.constant 1 : i32
            %add3A_715 = arith.addi %add3A_211, %add3A_714 : i32
            %get3A_716 = arith.index_cast %add3A_715 : i32 to index
            %get3A_717 = arith.constant 80 : index
            %get3A_718 = tpu.vector_load %arg7[%get3A_716, %get3A_717] {strides = array<i32>} : memref<640x128xf32, #tpu.memory_space<vmem>>, vector<16xf32>,
            %add3A_719 = arith.addf %add3A_713, %get3A_718 : vector<16xf32>
            %add3A_720 = arith.constant 2 : i32
            %add3A_721 = arith.addi %add3A_211, %add3A_720 : i32
            %get3A_722 = arith.index_cast %add3A_721 : i32 to index
            %get3A_723 = arith.constant 80 : index
            %get3A_724 = tpu.vector_load %arg7[%get3A_722, %get3A_723] {strides = array<i32>} : memref<640x128xf32, #tpu.memory_space<vmem>>, vector<16xf32>,
            %add3A_725 = arith.addf %add3A_719, %get3A_724 : vector<16xf32>
            %add3A_726 = arith.constant 3 : i32
            %add3A_727 = arith.addi %add3A_211, %add3A_726 : i32
            %get3A_728 = arith.index_cast %add3A_727 : i32 to index
            %get3A_729 = arith.constant 80 : index
            %get3A_730 = tpu.vector_load %arg7[%get3A_728, %get3A_729] {strides = array<i32>} : memref<640x128xf32, #tpu.memory_space<vmem>>, vector<16xf32>,
            %add3A_731 = arith.addf %add3A_725, %get3A_730 : vector<16xf32>
            %add3A_732 = arith.constant 4 : i32
            %add3A_733 = arith.addi %add3A_211, %add3A_732 : i32
            %get3A_734 = arith.index_cast %add3A_733 : i32 to index
            %get3A_735 = arith.constant 80 : index
            %get3A_736 = tpu.vector_load %arg7[%get3A_734, %get3A_735] {strides = array<i32>} : memref<640x128xf32, #tpu.memory_space<vmem>>, vector<16xf32>,
            %add3A_737 = arith.addf %add3A_731, %get3A_736 : vector<16xf32>
            %add3A_738 = arith.constant 5 : i32
            %add3A_739 = arith.addi %add3A_211, %add3A_738 : i32
            %get3A_740 = arith.index_cast %add3A_739 : i32 to index
            %get3A_741 = arith.constant 80 : index
            %get3A_742 = tpu.vector_load %arg7[%get3A_740, %get3A_741] {strides = array<i32>} : memref<640x128xf32, #tpu.memory_space<vmem>>, vector<16xf32>,
            %add3A_743 = arith.addf %add3A_737, %get3A_742 : vector<16xf32>
            %add3A_744 = arith.constant 6 : i32
            %add3A_745 = arith.addi %add3A_211, %add3A_744 : i32
            %get3A_746 = arith.index_cast %add3A_745 : i32 to index
            %get3A_747 = arith.constant 80 : index
            %get3A_748 = tpu.vector_load %arg7[%get3A_746, %get3A_747] {strides = array<i32>} : memref<640x128xf32, #tpu.memory_space<vmem>>, vector<16xf32>,
            %add3A_749 = arith.addf %add3A_743, %get3A_748 : vector<16xf32>
            %add3A_750 = arith.constant 7 : i32
            %add3A_751 = arith.addi %add3A_211, %add3A_750 : i32
            %get3A_752 = arith.index_cast %add3A_751 : i32 to index
            %get3A_753 = arith.constant 80 : index
            %get3A_754 = tpu.vector_load %arg7[%get3A_752, %get3A_753] {strides = array<i32>} : memref<640x128xf32, #tpu.memory_space<vmem>>, vector<16xf32>,
            %add3A_755 = arith.addf %add3A_749, %get3A_754 : vector<16xf32>
            %add3A_756 = arith.constant 8 : i32
            %add3A_757 = arith.addi %add3A_211, %add3A_756 : i32
            %get3A_758 = arith.index_cast %add3A_757 : i32 to index
            %get3A_759 = arith.constant 80 : index
            %get3A_760 = tpu.vector_load %arg7[%get3A_758, %get3A_759] {strides = array<i32>} : memref<640x128xf32, #tpu.memory_space<vmem>>, vector<16xf32>,
            %add3A_761 = arith.addf %add3A_755, %get3A_760 : vector<16xf32>
            %add3A_762 = arith.constant 9 : i32
            %add3A_763 = arith.addi %add3A_211, %add3A_762 : i32
            %get3A_764 = arith.index_cast %add3A_763 : i32 to index
            %get3A_765 = arith.constant 80 : index
            %get3A_766 = tpu.vector_load %arg7[%get3A_764, %get3A_765] {strides = array<i32>} : memref<640x128xf32, #tpu.memory_space<vmem>>, vector<16xf32>,
            %add3A_767 = arith.addf %add3A_761, %get3A_766 : vector<16xf32>
            %add3A_768 = arith.constant 10 : i32
            %add3A_769 = arith.addi %add3A_211, %add3A_768 : i32
            %get3A_770 = arith.index_cast %add3A_769 : i32 to index
            %get3A_771 = arith.constant 80 : index
            %get3A_772 = tpu.vector_load %arg7[%get3A_770, %get3A_771] {strides = array<i32>} : memref<640x128xf32, #tpu.memory_space<vmem>>, vector<16xf32>,
            %add3A_773 = arith.addf %add3A_767, %get3A_772 : vector<16xf32>
            %add3A_774 = arith.constant 11 : i32
            %add3A_775 = arith.addi %add3A_211, %add3A_774 : i32
            %get3A_776 = arith.index_cast %add3A_775 : i32 to index
            %get3A_777 = arith.constant 80 : index
            %get3A_778 = tpu.vector_load %arg7[%get3A_776, %get3A_777] {strides = array<i32>} : memref<640x128xf32, #tpu.memory_space<vmem>>, vector<16xf32>,
            %add3A_779 = arith.addf %add3A_773, %get3A_778 : vector<16xf32>
            %add3A_780 = arith.constant 12 : i32
            %add3A_781 = arith.addi %add3A_211, %add3A_780 : i32
            %get3A_782 = arith.index_cast %add3A_781 : i32 to index
            %get3A_783 = arith.constant 80 : index
            %get3A_784 = tpu.vector_load %arg7[%get3A_782, %get3A_783] {strides = array<i32>} : memref<640x128xf32, #tpu.memory_space<vmem>>, vector<16xf32>,
            %add3A_785 = arith.addf %add3A_779, %get3A_784 : vector<16xf32>
            %add3A_786 = arith.constant 13 : i32
            %add3A_787 = arith.addi %add3A_211, %add3A_786 : i32
            %get3A_788 = arith.index_cast %add3A_787 : i32 to index
            %get3A_789 = arith.constant 80 : index
            %get3A_790 = tpu.vector_load %arg7[%get3A_788, %get3A_789] {strides = array<i32>} : memref<640x128xf32, #tpu.memory_space<vmem>>, vector<16xf32>,
            %add3A_791 = arith.addf %add3A_785, %get3A_790 : vector<16xf32>
            %add3A_792 = arith.constant 14 : i32
            %add3A_793 = arith.addi %add3A_211, %add3A_792 : i32
            %get3A_794 = arith.index_cast %add3A_793 : i32 to index
            %get3A_795 = arith.constant 80 : index
            %get3A_796 = tpu.vector_load %arg7[%get3A_794, %get3A_795] {strides = array<i32>} : memref<640x128xf32, #tpu.memory_space<vmem>>, vector<16xf32>,
            %add3A_797 = arith.addf %add3A_791, %get3A_796 : vector<16xf32>
            %add3A_798 = arith.constant 15 : i32
            %add3A_799 = arith.addi %add3A_211, %add3A_798 : i32
            %get3A_800 = arith.index_cast %add3A_799 : i32 to index
            %get3A_801 = arith.constant 80 : index
            %get3A_802 = tpu.vector_load %arg7[%get3A_800, %get3A_801] {strides = array<i32>} : memref<640x128xf32, #tpu.memory_space<vmem>>, vector<16xf32>,
            %add3A_803 = arith.addf %add3A_797, %get3A_802 : vector<16xf32>
            %add3A_804 = arith.constant 0 : i32
            %add3A_805 = arith.addi %add3A_211, %add3A_804 : i32
            %get3A_806 = arith.index_cast %add3A_805 : i32 to index
            %get3A_807 = arith.constant 96 : index
            %get3A_808 = tpu.vector_load %arg7[%get3A_806, %get3A_807] {strides = array<i32>} : memref<640x128xf32, #tpu.memory_space<vmem>>, vector<16xf32>,
            %add3A_809 = arith.addf %scan3A_200, %get3A_808 : vector<16xf32>
            %add3A_810 = arith.constant 1 : i32
            %add3A_811 = arith.addi %add3A_211, %add3A_810 : i32
            %get3A_812 = arith.index_cast %add3A_811 : i32 to index
            %get3A_813 = arith.constant 96 : index
            %get3A_814 = tpu.vector_load %arg7[%get3A_812, %get3A_813] {strides = array<i32>} : memref<640x128xf32, #tpu.memory_space<vmem>>, vector<16xf32>,
            %add3A_815 = arith.addf %add3A_809, %get3A_814 : vector<16xf32>
            %add3A_816 = arith.constant 2 : i32
            %add3A_817 = arith.addi %add3A_211, %add3A_816 : i32
            %get3A_818 = arith.index_cast %add3A_817 : i32 to index
            %get3A_819 = arith.constant 96 : index
            %get3A_820 = tpu.vector_load %arg7[%get3A_818, %get3A_819] {strides = array<i32>} : memref<640x128xf32, #tpu.memory_space<vmem>>, vector<16xf32>,
            %add3A_821 = arith.addf %add3A_815, %get3A_820 : vector<16xf32>
            %add3A_822 = arith.constant 3 : i32
            %add3A_823 = arith.addi %add3A_211, %add3A_822 : i32
            %get3A_824 = arith.index_cast %add3A_823 : i32 to index
            %get3A_825 = arith.constant 96 : index
            %get3A_826 = tpu.vector_load %arg7[%get3A_824, %get3A_825] {strides = array<i32>} : memref<640x128xf32, #tpu.memory_space<vmem>>, vector<16xf32>,
            %add3A_827 = arith.addf %add3A_821, %get3A_826 : vector<16xf32>
            %add3A_828 = arith.constant 4 : i32
            %add3A_829 = arith.addi %add3A_211, %add3A_828 : i32
            %get3A_830 = arith.index_cast %add3A_829 : i32 to index
            %get3A_831 = arith.constant 96 : index
            %get3A_832 = tpu.vector_load %arg7[%get3A_830, %get3A_831] {strides = array<i32>} : memref<640x128xf32, #tpu.memory_space<vmem>>, vector<16xf32>,
            %add3A_833 = arith.addf %add3A_827, %get3A_832 : vector<16xf32>
            %add3A_834 = arith.constant 5 : i32
            %add3A_835 = arith.addi %add3A_211, %add3A_834 : i32
            %get3A_836 = arith.index_cast %add3A_835 : i32 to index
            %get3A_837 = arith.constant 96 : index
            %get3A_838 = tpu.vector_load %arg7[%get3A_836, %get3A_837] {strides = array<i32>} : memref<640x128xf32, #tpu.memory_space<vmem>>, vector<16xf32>,
            %add3A_839 = arith.addf %add3A_833, %get3A_838 : vector<16xf32>
            %add3A_840 = arith.constant 6 : i32
            %add3A_841 = arith.addi %add3A_211, %add3A_840 : i32
            %get3A_842 = arith.index_cast %add3A_841 : i32 to index
            %get3A_843 = arith.constant 96 : index
            %get3A_844 = tpu.vector_load %arg7[%get3A_842, %get3A_843] {strides = array<i32>} : memref<640x128xf32, #tpu.memory_space<vmem>>, vector<16xf32>,
            %add3A_845 = arith.addf %add3A_839, %get3A_844 : vector<16xf32>
            %add3A_846 = arith.constant 7 : i32
            %add3A_847 = arith.addi %add3A_211, %add3A_846 : i32
            %get3A_848 = arith.index_cast %add3A_847 : i32 to index
            %get3A_849 = arith.constant 96 : index
            %get3A_850 = tpu.vector_load %arg7[%get3A_848, %get3A_849] {strides = array<i32>} : memref<640x128xf32, #tpu.memory_space<vmem>>, vector<16xf32>,
            %add3A_851 = arith.addf %add3A_845, %get3A_850 : vector<16xf32>
            %add3A_852 = arith.constant 8 : i32
            %add3A_853 = arith.addi %add3A_211, %add3A_852 : i32
            %get3A_854 = arith.index_cast %add3A_853 : i32 to index
            %get3A_855 = arith.constant 96 : index
            %get3A_856 = tpu.vector_load %arg7[%get3A_854, %get3A_855] {strides = array<i32>} : memref<640x128xf32, #tpu.memory_space<vmem>>, vector<16xf32>,
            %add3A_857 = arith.addf %add3A_851, %get3A_856 : vector<16xf32>
            %add3A_858 = arith.constant 9 : i32
            %add3A_859 = arith.addi %add3A_211, %add3A_858 : i32
            %get3A_860 = arith.index_cast %add3A_859 : i32 to index
            %get3A_861 = arith.constant 96 : index
            %get3A_862 = tpu.vector_load %arg7[%get3A_860, %get3A_861] {strides = array<i32>} : memref<640x128xf32, #tpu.memory_space<vmem>>, vector<16xf32>,
            %add3A_863 = arith.addf %add3A_857, %get3A_862 : vector<16xf32>
            %add3A_864 = arith.constant 10 : i32
            %add3A_865 = arith.addi %add3A_211, %add3A_864 : i32
            %get3A_866 = arith.index_cast %add3A_865 : i32 to index
            %get3A_867 = arith.constant 96 : index
            %get3A_868 = tpu.vector_load %arg7[%get3A_866, %get3A_867] {strides = array<i32>} : memref<640x128xf32, #tpu.memory_space<vmem>>, vector<16xf32>,
            %add3A_869 = arith.addf %add3A_863, %get3A_868 : vector<16xf32>
            %add3A_870 = arith.constant 11 : i32
            %add3A_871 = arith.addi %add3A_211, %add3A_870 : i32
            %get3A_872 = arith.index_cast %add3A_871 : i32 to index
            %get3A_873 = arith.constant 96 : index
            %get3A_874 = tpu.vector_load %arg7[%get3A_872, %get3A_873] {strides = array<i32>} : memref<640x128xf32, #tpu.memory_space<vmem>>, vector<16xf32>,
            %add3A_875 = arith.addf %add3A_869, %get3A_874 : vector<16xf32>
            %add3A_876 = arith.constant 12 : i32
            %add3A_877 = arith.addi %add3A_211, %add3A_876 : i32
            %get3A_878 = arith.index_cast %add3A_877 : i32 to index
            %get3A_879 = arith.constant 96 : index
            %get3A_880 = tpu.vector_load %arg7[%get3A_878, %get3A_879] {strides = array<i32>} : memref<640x128xf32, #tpu.memory_space<vmem>>, vector<16xf32>,
            %add3A_881 = arith.addf %add3A_875, %get3A_880 : vector<16xf32>
            %add3A_882 = arith.constant 13 : i32
            %add3A_883 = arith.addi %add3A_211, %add3A_882 : i32
            %get3A_884 = arith.index_cast %add3A_883 : i32 to index
            %get3A_885 = arith.constant 96 : index
            %get3A_886 = tpu.vector_load %arg7[%get3A_884, %get3A_885] {strides = array<i32>} : memref<640x128xf32, #tpu.memory_space<vmem>>, vector<16xf32>,
            %add3A_887 = arith.addf %add3A_881, %get3A_886 : vector<16xf32>
            %add3A_888 = arith.constant 14 : i32
            %add3A_889 = arith.addi %add3A_211, %add3A_888 : i32
            %get3A_890 = arith.index_cast %add3A_889 : i32 to index
            %get3A_891 = arith.constant 96 : index
            %get3A_892 = tpu.vector_load %arg7[%get3A_890, %get3A_891] {strides = array<i32>} : memref<640x128xf32, #tpu.memory_space<vmem>>, vector<16xf32>,
            %add3A_893 = arith.addf %add3A_887, %get3A_892 : vector<16xf32>
            %add3A_894 = arith.constant 15 : i32
            %add3A_895 = arith.addi %add3A_211, %add3A_894 : i32
            %get3A_896 = arith.index_cast %add3A_895 : i32 to index
            %get3A_897 = arith.constant 96 : index
            %get3A_898 = tpu.vector_load %arg7[%get3A_896, %get3A_897] {strides = array<i32>} : memref<640x128xf32, #tpu.memory_space<vmem>>, vector<16xf32>,
            %add3A_899 = arith.addf %add3A_893, %get3A_898 : vector<16xf32>
            %add3A_900 = arith.constant 0 : i32
            %add3A_901 = arith.addi %add3A_211, %add3A_900 : i32
            %get3A_902 = arith.index_cast %add3A_901 : i32 to index
            %get3A_903 = arith.constant 112 : index
            %get3A_904 = tpu.vector_load %arg7[%get3A_902, %get3A_903] {strides = array<i32>} : memref<640x128xf32, #tpu.memory_space<vmem>>, vector<16xf32>,
            %add3A_905 = arith.addf %scan3A_201, %get3A_904 : vector<16xf32>
            %add3A_906 = arith.constant 1 : i32
            %add3A_907 = arith.addi %add3A_211, %add3A_906 : i32
            %get3A_908 = arith.index_cast %add3A_907 : i32 to index
            %get3A_909 = arith.constant 112 : index
            %get3A_910 = tpu.vector_load %arg7[%get3A_908, %get3A_909] {strides = array<i32>} : memref<640x128xf32, #tpu.memory_space<vmem>>, vector<16xf32>,
            %add3A_911 = arith.addf %add3A_905, %get3A_910 : vector<16xf32>
            %add3A_912 = arith.constant 2 : i32
            %add3A_913 = arith.addi %add3A_211, %add3A_912 : i32
            %get3A_914 = arith.index_cast %add3A_913 : i32 to index
            %get3A_915 = arith.constant 112 : index
            %get3A_916 = tpu.vector_load %arg7[%get3A_914, %get3A_915] {strides = array<i32>} : memref<640x128xf32, #tpu.memory_space<vmem>>, vector<16xf32>,
            %add3A_917 = arith.addf %add3A_911, %get3A_916 : vector<16xf32>
            %add3A_918 = arith.constant 3 : i32
            %add3A_919 = arith.addi %add3A_211, %add3A_918 : i32
            %get3A_920 = arith.index_cast %add3A_919 : i32 to index
            %get3A_921 = arith.constant 112 : index
            %get3A_922 = tpu.vector_load %arg7[%get3A_920, %get3A_921] {strides = array<i32>} : memref<640x128xf32, #tpu.memory_space<vmem>>, vector<16xf32>,
            %add3A_923 = arith.addf %add3A_917, %get3A_922 : vector<16xf32>
            %add3A_924 = arith.constant 4 : i32
            %add3A_925 = arith.addi %add3A_211, %add3A_924 : i32
            %get3A_926 = arith.index_cast %add3A_925 : i32 to index
            %get3A_927 = arith.constant 112 : index
            %get3A_928 = tpu.vector_load %arg7[%get3A_926, %get3A_927] {strides = array<i32>} : memref<640x128xf32, #tpu.memory_space<vmem>>, vector<16xf32>,
            %add3A_929 = arith.addf %add3A_923, %get3A_928 : vector<16xf32>
            %add3A_930 = arith.constant 5 : i32
            %add3A_931 = arith.addi %add3A_211, %add3A_930 : i32
            %get3A_932 = arith.index_cast %add3A_931 : i32 to index
            %get3A_933 = arith.constant 112 : index
            %get3A_934 = tpu.vector_load %arg7[%get3A_932, %get3A_933] {strides = array<i32>} : memref<640x128xf32, #tpu.memory_space<vmem>>, vector<16xf32>,
            %add3A_935 = arith.addf %add3A_929, %get3A_934 : vector<16xf32>
            %add3A_936 = arith.constant 6 : i32
            %add3A_937 = arith.addi %add3A_211, %add3A_936 : i32
            %get3A_938 = arith.index_cast %add3A_937 : i32 to index
            %get3A_939 = arith.constant 112 : index
            %get3A_940 = tpu.vector_load %arg7[%get3A_938, %get3A_939] {strides = array<i32>} : memref<640x128xf32, #tpu.memory_space<vmem>>, vector<16xf32>,
            %add3A_941 = arith.addf %add3A_935, %get3A_940 : vector<16xf32>
            %add3A_942 = arith.constant 7 : i32
            %add3A_943 = arith.addi %add3A_211, %add3A_942 : i32
            %get3A_944 = arith.index_cast %add3A_943 : i32 to index
            %get3A_945 = arith.constant 112 : index
            %get3A_946 = tpu.vector_load %arg7[%get3A_944, %get3A_945] {strides = array<i32>} : memref<640x128xf32, #tpu.memory_space<vmem>>, vector<16xf32>,
            %add3A_947 = arith.addf %add3A_941, %get3A_946 : vector<16xf32>
            %add3A_948 = arith.constant 8 : i32
            %add3A_949 = arith.addi %add3A_211, %add3A_948 : i32
            %get3A_950 = arith.index_cast %add3A_949 : i32 to index
            %get3A_951 = arith.constant 112 : index
            %get3A_952 = tpu.vector_load %arg7[%get3A_950, %get3A_951] {strides = array<i32>} : memref<640x128xf32, #tpu.memory_space<vmem>>, vector<16xf32>,
            %add3A_953 = arith.addf %add3A_947, %get3A_952 : vector<16xf32>
            %add3A_954 = arith.constant 9 : i32
            %add3A_955 = arith.addi %add3A_211, %add3A_954 : i32
            %get3A_956 = arith.index_cast %add3A_955 : i32 to index
            %get3A_957 = arith.constant 112 : index
            %get3A_958 = tpu.vector_load %arg7[%get3A_956, %get3A_957] {strides = array<i32>} : memref<640x128xf32, #tpu.memory_space<vmem>>, vector<16xf32>,
            %add3A_959 = arith.addf %add3A_953, %get3A_958 : vector<16xf32>
            %add3A_960 = arith.constant 10 : i32
            %add3A_961 = arith.addi %add3A_211, %add3A_960 : i32
            %get3A_962 = arith.index_cast %add3A_961 : i32 to index
            %get3A_963 = arith.constant 112 : index
            %get3A_964 = tpu.vector_load %arg7[%get3A_962, %get3A_963] {strides = array<i32>} : memref<640x128xf32, #tpu.memory_space<vmem>>, vector<16xf32>,
            %add3A_965 = arith.addf %add3A_959, %get3A_964 : vector<16xf32>
            %add3A_966 = arith.constant 11 : i32
            %add3A_967 = arith.addi %add3A_211, %add3A_966 : i32
            %get3A_968 = arith.index_cast %add3A_967 : i32 to index
            %get3A_969 = arith.constant 112 : index
            %get3A_970 = tpu.vector_load %arg7[%get3A_968, %get3A_969] {strides = array<i32>} : memref<640x128xf32, #tpu.memory_space<vmem>>, vector<16xf32>,
            %add3A_971 = arith.addf %add3A_965, %get3A_970 : vector<16xf32>
            %add3A_972 = arith.constant 12 : i32
            %add3A_973 = arith.addi %add3A_211, %add3A_972 : i32
            %get3A_974 = arith.index_cast %add3A_973 : i32 to index
            %get3A_975 = arith.constant 112 : index
            %get3A_976 = tpu.vector_load %arg7[%get3A_974, %get3A_975] {strides = array<i32>} : memref<640x128xf32, #tpu.memory_space<vmem>>, vector<16xf32>,
            %add3A_977 = arith.addf %add3A_971, %get3A_976 : vector<16xf32>
            %add3A_978 = arith.constant 13 : i32
            %add3A_979 = arith.addi %add3A_211, %add3A_978 : i32
            %get3A_980 = arith.index_cast %add3A_979 : i32 to index
            %get3A_981 = arith.constant 112 : index
            %get3A_982 = tpu.vector_load %arg7[%get3A_980, %get3A_981] {strides = array<i32>} : memref<640x128xf32, #tpu.memory_space<vmem>>, vector<16xf32>,
            %add3A_983 = arith.addf %add3A_977, %get3A_982 : vector<16xf32>
            %add3A_984 = arith.constant 14 : i32
            %add3A_985 = arith.addi %add3A_211, %add3A_984 : i32
            %get3A_986 = arith.index_cast %add3A_985 : i32 to index
            %get3A_987 = arith.constant 112 : index
            %get3A_988 = tpu.vector_load %arg7[%get3A_986, %get3A_987] {strides = array<i32>} : memref<640x128xf32, #tpu.memory_space<vmem>>, vector<16xf32>,
            %add3A_989 = arith.addf %add3A_983, %get3A_988 : vector<16xf32>
            %add3A_990 = arith.constant 15 : i32
            %add3A_991 = arith.addi %add3A_211, %add3A_990 : i32
            %get3A_992 = arith.index_cast %add3A_991 : i32 to index
            %get3A_993 = arith.constant 112 : index
            %get3A_994 = tpu.vector_load %arg7[%get3A_992, %get3A_993] {strides = array<i32>} : memref<640x128xf32, #tpu.memory_space<vmem>>, vector<16xf32>,
            %add3A_995 = arith.addf %add3A_989, %get3A_994 : vector<16xf32>
            scf.yield %scan3A_193, %add3A_323, %add3A_419, %add3A_515, %add3A_611, %add3A_707, %add3A_803, %add3A_899, %add3A_995 : i32, vector<16xf32>, vector<16xf32>, vector<16xf32>, vector<16xf32>, vector<16xf32>, vector<16xf32>, vector<16xf32>, vector<16xf32>
          } else {
            %slice3A_228 = vector.extract_strided_slice %get3A_208 {offsets = [0], sizes = [1], strides = [1]} : vector<16xi32> to vector<1xi32>
            %squeeze3A_229 = vector.extract %slice3A_228[0] : i32 from vector<1xi32>
            %ne3A_230 = arith.cmpi ne, %squeeze3A_229, %scan3A_193 : i32
            %convert_element_type3A_231 = arith.extui %ne3A_230 : i1 to i32
            %cond3A_232 = arith.constant 0 : i32
            %cond3A_233 = arith.cmpi ne, %convert_element_type3A_231, %cond3A_232 : i32
            %cond3A_234:9 = scf.if %cond3A_233 -> (i32, vector<16xf32>, vector<16xf32>, vector<16xf32>, vector<16xf32>, vector<16xf32>, vector<16xf32>, vector<16xf32>, vector<16xf32>) {
              %swap3A_1108 = arith.index_cast %scan3A_193 : i32 to index
              %swap3A_1109 = arith.constant 0 : index
              %swap3A_1110 = tpu.vector_load %arg9[%swap3A_1108, %swap3A_1109] {strides = array<i32>} : memref<264x128xf32, #tpu.memory_space<vmem>>, vector<16xf32>,
              tpu.vector_store %arg9[%swap3A_1108, %swap3A_1109], %scan3A_194 {add = true, strides = array<i32>} : memref<264x128xf32, #tpu.memory_space<vmem>>, vector<16xf32>,
              %swap3A_1111 = arith.index_cast %scan3A_193 : i32 to index
              %swap3A_1112 = arith.constant 16 : index
              %swap3A_1113 = tpu.vector_load %arg9[%swap3A_1111, %swap3A_1112] {strides = array<i32>} : memref<264x128xf32, #tpu.memory_space<vmem>>, vector<16xf32>,
              tpu.vector_store %arg9[%swap3A_1111, %swap3A_1112], %scan3A_195 {add = true, strides = array<i32>} : memref<264x128xf32, #tpu.memory_space<vmem>>, vector<16xf32>,
              %swap3A_1114 = arith.index_cast %scan3A_193 : i32 to index
              %swap3A_1115 = arith.constant 32 : index
              %swap3A_1116 = tpu.vector_load %arg9[%swap3A_1114, %swap3A_1115] {strides = array<i32>} : memref<264x128xf32, #tpu.memory_space<vmem>>, vector<16xf32>,
              tpu.vector_store %arg9[%swap3A_1114, %swap3A_1115], %scan3A_196 {add = true, strides = array<i32>} : memref<264x128xf32, #tpu.memory_space<vmem>>, vector<16xf32>,
              %swap3A_1117 = arith.index_cast %scan3A_193 : i32 to index
              %swap3A_1118 = arith.constant 48 : index
              %swap3A_1119 = tpu.vector_load %arg9[%swap3A_1117, %swap3A_1118] {strides = array<i32>} : memref<264x128xf32, #tpu.memory_space<vmem>>, vector<16xf32>,
              tpu.vector_store %arg9[%swap3A_1117, %swap3A_1118], %scan3A_197 {add = true, strides = array<i32>} : memref<264x128xf32, #tpu.memory_space<vmem>>, vector<16xf32>,
              %swap3A_1120 = arith.index_cast %scan3A_193 : i32 to index
              %swap3A_1121 = arith.constant 64 : index
              %swap3A_1122 = tpu.vector_load %arg9[%swap3A_1120, %swap3A_1121] {strides = array<i32>} : memref<264x128xf32, #tpu.memory_space<vmem>>, vector<16xf32>,
              tpu.vector_store %arg9[%swap3A_1120, %swap3A_1121], %scan3A_198 {add = true, strides = array<i32>} : memref<264x128xf32, #tpu.memory_space<vmem>>, vector<16xf32>,
              %swap3A_1123 = arith.index_cast %scan3A_193 : i32 to index
              %swap3A_1124 = arith.constant 80 : index
              %swap3A_1125 = tpu.vector_load %arg9[%swap3A_1123, %swap3A_1124] {strides = array<i32>} : memref<264x128xf32, #tpu.memory_space<vmem>>, vector<16xf32>,
              tpu.vector_store %arg9[%swap3A_1123, %swap3A_1124], %scan3A_199 {add = true, strides = array<i32>} : memref<264x128xf32, #tpu.memory_space<vmem>>, vector<16xf32>,
              %swap3A_1126 = arith.index_cast %scan3A_193 : i32 to index
              %swap3A_1127 = arith.constant 96 : index
              %swap3A_1128 = tpu.vector_load %arg9[%swap3A_1126, %swap3A_1127] {strides = array<i32>} : memref<264x128xf32, #tpu.memory_space<vmem>>, vector<16xf32>,
              tpu.vector_store %arg9[%swap3A_1126, %swap3A_1127], %scan3A_200 {add = true, strides = array<i32>} : memref<264x128xf32, #tpu.memory_space<vmem>>, vector<16xf32>,
              %swap3A_1129 = arith.index_cast %scan3A_193 : i32 to index
              %swap3A_1130 = arith.constant 112 : index
              %swap3A_1131 = tpu.vector_load %arg9[%swap3A_1129, %swap3A_1130] {strides = array<i32>} : memref<264x128xf32, #tpu.memory_space<vmem>>, vector<16xf32>,
              tpu.vector_store %arg9[%swap3A_1129, %swap3A_1130], %scan3A_201 {add = true, strides = array<i32>} : memref<264x128xf32, #tpu.memory_space<vmem>>, vector<16xf32>,
              scf.yield %squeeze3A_229, %broadcast_in_dim3A_25, %broadcast_in_dim3A_25, %broadcast_in_dim3A_25, %broadcast_in_dim3A_25, %broadcast_in_dim3A_25, %broadcast_in_dim3A_25, %broadcast_in_dim3A_25, %broadcast_in_dim3A_25 : i32, vector<16xf32>, vector<16xf32>, vector<16xf32>, vector<16xf32>, vector<16xf32>, vector<16xf32>, vector<16xf32>, vector<16xf32>
            } else {
              scf.yield %scan3A_193, %scan3A_194, %scan3A_195, %scan3A_196, %scan3A_197, %scan3A_198, %scan3A_199, %scan3A_200, %scan3A_201 : i32, vector<16xf32>, vector<16xf32>, vector<16xf32>, vector<16xf32>, vector<16xf32>, vector<16xf32>, vector<16xf32>, vector<16xf32>
            }
            %add3A_235 = arith.constant 0 : i32
            %add3A_236 = arith.addi %add3A_211, %add3A_235 : i32
            %get3A_237 = arith.index_cast %add3A_236 : i32 to index
            %get3A_238 = arith.constant 0 : index
            %get3A_239 = tpu.vector_load %arg7[%get3A_237, %get3A_238] {strides = array<i32>} : memref<640x128xf32, #tpu.memory_space<vmem>>, vector<16xf32>,
            %add3A_240 = arith.addf %cond3A_234#1, %get3A_239 : vector<16xf32>
            %add3A_241 = arith.constant 0 : i32
            %add3A_242 = arith.addi %add3A_211, %add3A_241 : i32
            %get3A_243 = arith.index_cast %add3A_242 : i32 to index
            %get3A_244 = arith.constant 16 : index
            %get3A_245 = tpu.vector_load %arg7[%get3A_243, %get3A_244] {strides = array<i32>} : memref<640x128xf32, #tpu.memory_space<vmem>>, vector<16xf32>,
            %add3A_246 = arith.addf %cond3A_234#2, %get3A_245 : vector<16xf32>
            %add3A_247 = arith.constant 0 : i32
            %add3A_248 = arith.addi %add3A_211, %add3A_247 : i32
            %get3A_249 = arith.index_cast %add3A_248 : i32 to index
            %get3A_250 = arith.constant 32 : index
            %get3A_251 = tpu.vector_load %arg7[%get3A_249, %get3A_250] {strides = array<i32>} : memref<640x128xf32, #tpu.memory_space<vmem>>, vector<16xf32>,
            %add3A_252 = arith.addf %cond3A_234#3, %get3A_251 : vector<16xf32>
            %add3A_253 = arith.constant 0 : i32
            %add3A_254 = arith.addi %add3A_211, %add3A_253 : i32
            %get3A_255 = arith.index_cast %add3A_254 : i32 to index
            %get3A_256 = arith.constant 48 : index
            %get3A_257 = tpu.vector_load %arg7[%get3A_255, %get3A_256] {strides = array<i32>} : memref<640x128xf32, #tpu.memory_space<vmem>>, vector<16xf32>,
            %add3A_258 = arith.addf %cond3A_234#4, %get3A_257 : vector<16xf32>
            %add3A_259 = arith.constant 0 : i32
            %add3A_260 = arith.addi %add3A_211, %add3A_259 : i32
            %get3A_261 = arith.index_cast %add3A_260 : i32 to index
            %get3A_262 = arith.constant 64 : index
            %get3A_263 = tpu.vector_load %arg7[%get3A_261, %get3A_262] {strides = array<i32>} : memref<640x128xf32, #tpu.memory_space<vmem>>, vector<16xf32>,
            %add3A_264 = arith.addf %cond3A_234#5, %get3A_263 : vector<16xf32>
            %add3A_265 = arith.constant 0 : i32
            %add3A_266 = arith.addi %add3A_211, %add3A_265 : i32
            %get3A_267 = arith.index_cast %add3A_266 : i32 to index
            %get3A_268 = arith.constant 80 : index
            %get3A_269 = tpu.vector_load %arg7[%get3A_267, %get3A_268] {strides = array<i32>} : memref<640x128xf32, #tpu.memory_space<vmem>>, vector<16xf32>,
            %add3A_270 = arith.addf %cond3A_234#6, %get3A_269 : vector<16xf32>
            %add3A_271 = arith.constant 0 : i32
            %add3A_272 = arith.addi %add3A_211, %add3A_271 : i32
            %get3A_273 = arith.index_cast %add3A_272 : i32 to index
            %get3A_274 = arith.constant 96 : index
            %get3A_275 = tpu.vector_load %arg7[%get3A_273, %get3A_274] {strides = array<i32>} : memref<640x128xf32, #tpu.memory_space<vmem>>, vector<16xf32>,
            %add3A_276 = arith.addf %cond3A_234#7, %get3A_275 : vector<16xf32>
            %add3A_277 = arith.constant 0 : i32
            %add3A_278 = arith.addi %add3A_211, %add3A_277 : i32
            %get3A_279 = arith.index_cast %add3A_278 : i32 to index
            %get3A_280 = arith.constant 112 : index
            %get3A_281 = tpu.vector_load %arg7[%get3A_279, %get3A_280] {strides = array<i32>} : memref<640x128xf32, #tpu.memory_space<vmem>>, vector<16xf32>,
            %add3A_282 = arith.addf %cond3A_234#8, %get3A_281 : vector<16xf32>
            %slice3A_283 = vector.extract_strided_slice %get3A_208 {offsets = [1], sizes = [1], strides = [1]} : vector<16xi32> to vector<1xi32>
            %squeeze3A_284 = vector.extract %slice3A_283[0] : i32 from vector<1xi32>
            %ne3A_285 = arith.cmpi ne, %squeeze3A_284, %cond3A_234#0 : i32
            %convert_element_type3A_286 = arith.extui %ne3A_285 : i1 to i32
            %cond3A_287 = arith.constant 0 : i32
            %cond3A_288 = arith.cmpi ne, %convert_element_type3A_286, %cond3A_287 : i32
            %cond3A_289:9 = scf.if %cond3A_288 -> (i32, vector<16xf32>, vector<16xf32>, vector<16xf32>, vector<16xf32>, vector<16xf32>, vector<16xf32>, vector<16xf32>, vector<16xf32>) {
              %swap3A_1108 = arith.index_cast %cond3A_234#0 : i32 to index
              %swap3A_1109 = arith.constant 0 : index
              %swap3A_1110 = tpu.vector_load %arg9[%swap3A_1108, %swap3A_1109] {strides = array<i32>} : memref<264x128xf32, #tpu.memory_space<vmem>>, vector<16xf32>,
              tpu.vector_store %arg9[%swap3A_1108, %swap3A_1109], %add3A_240 {add = true, strides = array<i32>} : memref<264x128xf32, #tpu.memory_space<vmem>>, vector<16xf32>,
              %swap3A_1111 = arith.index_cast %cond3A_234#0 : i32 to index
              %swap3A_1112 = arith.constant 16 : index
              %swap3A_1113 = tpu.vector_load %arg9[%swap3A_1111, %swap3A_1112] {strides = array<i32>} : memref<264x128xf32, #tpu.memory_space<vmem>>, vector<16xf32>,
              tpu.vector_store %arg9[%swap3A_1111, %swap3A_1112], %add3A_246 {add = true, strides = array<i32>} : memref<264x128xf32, #tpu.memory_space<vmem>>, vector<16xf32>,
              %swap3A_1114 = arith.index_cast %cond3A_234#0 : i32 to index
              %swap3A_1115 = arith.constant 32 : index
              %swap3A_1116 = tpu.vector_load %arg9[%swap3A_1114, %swap3A_1115] {strides = array<i32>} : memref<264x128xf32, #tpu.memory_space<vmem>>, vector<16xf32>,
              tpu.vector_store %arg9[%swap3A_1114, %swap3A_1115], %add3A_252 {add = true, strides = array<i32>} : memref<264x128xf32, #tpu.memory_space<vmem>>, vector<16xf32>,
              %swap3A_1117 = arith.index_cast %cond3A_234#0 : i32 to index
              %swap3A_1118 = arith.constant 48 : index
              %swap3A_1119 = tpu.vector_load %arg9[%swap3A_1117, %swap3A_1118] {strides = array<i32>} : memref<264x128xf32, #tpu.memory_space<vmem>>, vector<16xf32>,
              tpu.vector_store %arg9[%swap3A_1117, %swap3A_1118], %add3A_258 {add = true, strides = array<i32>} : memref<264x128xf32, #tpu.memory_space<vmem>>, vector<16xf32>,
              %swap3A_1120 = arith.index_cast %cond3A_234#0 : i32 to index
              %swap3A_1121 = arith.constant 64 : index
              %swap3A_1122 = tpu.vector_load %arg9[%swap3A_1120, %swap3A_1121] {strides = array<i32>} : memref<264x128xf32, #tpu.memory_space<vmem>>, vector<16xf32>,
              tpu.vector_store %arg9[%swap3A_1120, %swap3A_1121], %add3A_264 {add = true, strides = array<i32>} : memref<264x128xf32, #tpu.memory_space<vmem>>, vector<16xf32>,
              %swap3A_1123 = arith.index_cast %cond3A_234#0 : i32 to index
              %swap3A_1124 = arith.constant 80 : index
              %swap3A_1125 = tpu.vector_load %arg9[%swap3A_1123, %swap3A_1124] {strides = array<i32>} : memref<264x128xf32, #tpu.memory_space<vmem>>, vector<16xf32>,
              tpu.vector_store %arg9[%swap3A_1123, %swap3A_1124], %add3A_270 {add = true, strides = array<i32>} : memref<264x128xf32, #tpu.memory_space<vmem>>, vector<16xf32>,
              %swap3A_1126 = arith.index_cast %cond3A_234#0 : i32 to index
              %swap3A_1127 = arith.constant 96 : index
              %swap3A_1128 = tpu.vector_load %arg9[%swap3A_1126, %swap3A_1127] {strides = array<i32>} : memref<264x128xf32, #tpu.memory_space<vmem>>, vector<16xf32>,
              tpu.vector_store %arg9[%swap3A_1126, %swap3A_1127], %add3A_276 {add = true, strides = array<i32>} : memref<264x128xf32, #tpu.memory_space<vmem>>, vector<16xf32>,
              %swap3A_1129 = arith.index_cast %cond3A_234#0 : i32 to index
              %swap3A_1130 = arith.constant 112 : index
              %swap3A_1131 = tpu.vector_load %arg9[%swap3A_1129, %swap3A_1130] {strides = array<i32>} : memref<264x128xf32, #tpu.memory_space<vmem>>, vector<16xf32>,
              tpu.vector_store %arg9[%swap3A_1129, %swap3A_1130], %add3A_282 {add = true, strides = array<i32>} : memref<264x128xf32, #tpu.memory_space<vmem>>, vector<16xf32>,
              scf.yield %squeeze3A_284, %broadcast_in_dim3A_25, %broadcast_in_dim3A_25, %broadcast_in_dim3A_25, %broadcast_in_dim3A_25, %broadcast_in_dim3A_25, %broadcast_in_dim3A_25, %broadcast_in_dim3A_25, %broadcast_in_dim3A_25 : i32, vector<16xf32>, vector<16xf32>, vector<16xf32>, vector<16xf32>, vector<16xf32>, vector<16xf32>, vector<16xf32>, vector<16xf32>
            } else {
              scf.yield %cond3A_234#0, %add3A_240, %add3A_246, %add3A_252, %add3A_258, %add3A_264, %add3A_270, %add3A_276, %add3A_282 : i32, vector<16xf32>, vector<16xf32>, vector<16xf32>, vector<16xf32>, vector<16xf32>, vector<16xf32>, vector<16xf32>, vector<16xf32>
            }
            %add3A_290 = arith.constant 1 : i32
            %add3A_291 = arith.addi %add3A_211, %add3A_290 : i32
            %get3A_292 = arith.index_cast %add3A_291 : i32 to index
            %get3A_293 = arith.constant 0 : index
            %get3A_294 = tpu.vector_load %arg7[%get3A_292, %get3A_293] {strides = array<i32>} : memref<640x128xf32, #tpu.memory_space<vmem>>, vector<16xf32>,
            %add3A_295 = arith.addf %cond3A_289#1, %get3A_294 : vector<16xf32>
            %add3A_296 = arith.constant 1 : i32
            %add3A_297 = arith.addi %add3A_211, %add3A_296 : i32
            %get3A_298 = arith.index_cast %add3A_297 : i32 to index
            %get3A_299 = arith.constant 16 : index
            %get3A_300 = tpu.vector_load %arg7[%get3A_298, %get3A_299] {strides = array<i32>} : memref<640x128xf32, #tpu.memory_space<vmem>>, vector<16xf32>,
            %add3A_301 = arith.addf %cond3A_289#2, %get3A_300 : vector<16xf32>
            %add3A_302 = arith.constant 1 : i32
            %add3A_303 = arith.addi %add3A_211, %add3A_302 : i32
            %get3A_304 = arith.index_cast %add3A_303 : i32 to index
            %get3A_305 = arith.constant 32 : index
            %get3A_306 = tpu.vector_load %arg7[%get3A_304, %get3A_305] {strides = array<i32>} : memref<640x128xf32, #tpu.memory_space<vmem>>, vector<16xf32>,
            %add3A_307 = arith.addf %cond3A_289#3, %get3A_306 : vector<16xf32>
            %add3A_308 = arith.constant 1 : i32
            %add3A_309 = arith.addi %add3A_211, %add3A_308 : i32
            %get3A_310 = arith.index_cast %add3A_309 : i32 to index
            %get3A_311 = arith.constant 48 : index
            %get3A_312 = tpu.vector_load %arg7[%get3A_310, %get3A_311] {strides = array<i32>} : memref<640x128xf32, #tpu.memory_space<vmem>>, vector<16xf32>,
            %add3A_313 = arith.addf %cond3A_289#4, %get3A_312 : vector<16xf32>
            %add3A_314 = arith.constant 1 : i32
            %add3A_315 = arith.addi %add3A_211, %add3A_314 : i32
            %get3A_316 = arith.index_cast %add3A_315 : i32 to index
            %get3A_317 = arith.constant 64 : index
            %get3A_318 = tpu.vector_load %arg7[%get3A_316, %get3A_317] {strides = array<i32>} : memref<640x128xf32, #tpu.memory_space<vmem>>, vector<16xf32>,
            %add3A_319 = arith.addf %cond3A_289#5, %get3A_318 : vector<16xf32>
            %add3A_320 = arith.constant 1 : i32
            %add3A_321 = arith.addi %add3A_211, %add3A_320 : i32
            %get3A_322 = arith.index_cast %add3A_321 : i32 to index
            %get3A_323 = arith.constant 80 : index
            %get3A_324 = tpu.vector_load %arg7[%get3A_322, %get3A_323] {strides = array<i32>} : memref<640x128xf32, #tpu.memory_space<vmem>>, vector<16xf32>,
            %add3A_325 = arith.addf %cond3A_289#6, %get3A_324 : vector<16xf32>
            %add3A_326 = arith.constant 1 : i32
            %add3A_327 = arith.addi %add3A_211, %add3A_326 : i32
            %get3A_328 = arith.index_cast %add3A_327 : i32 to index
            %get3A_329 = arith.constant 96 : index
            %get3A_330 = tpu.vector_load %arg7[%get3A_328, %get3A_329] {strides = array<i32>} : memref<640x128xf32, #tpu.memory_space<vmem>>, vector<16xf32>,
            %add3A_331 = arith.addf %cond3A_289#7, %get3A_330 : vector<16xf32>
            %add3A_332 = arith.constant 1 : i32
            %add3A_333 = arith.addi %add3A_211, %add3A_332 : i32
            %get3A_334 = arith.index_cast %add3A_333 : i32 to index
            %get3A_335 = arith.constant 112 : index
            %get3A_336 = tpu.vector_load %arg7[%get3A_334, %get3A_335] {strides = array<i32>} : memref<640x128xf32, #tpu.memory_space<vmem>>, vector<16xf32>,
            %add3A_337 = arith.addf %cond3A_289#8, %get3A_336 : vector<16xf32>
            %slice3A_338 = vector.extract_strided_slice %get3A_208 {offsets = [2], sizes = [1], strides = [1]} : vector<16xi32> to vector<1xi32>
            %squeeze3A_339 = vector.extract %slice3A_338[0] : i32 from vector<1xi32>
            %ne3A_340 = arith.cmpi ne, %squeeze3A_339, %cond3A_289#0 : i32
            %convert_element_type3A_341 = arith.extui %ne3A_340 : i1 to i32
            %cond3A_342 = arith.constant 0 : i32
            %cond3A_343 = arith.cmpi ne, %convert_element_type3A_341, %cond3A_342 : i32
            %cond3A_344:9 = scf.if %cond3A_343 -> (i32, vector<16xf32>, vector<16xf32>, vector<16xf32>, vector<16xf32>, vector<16xf32>, vector<16xf32>, vector<16xf32>, vector<16xf32>) {
              %swap3A_1108 = arith.index_cast %cond3A_289#0 : i32 to index
              %swap3A_1109 = arith.constant 0 : index
              %swap3A_1110 = tpu.vector_load %arg9[%swap3A_1108, %swap3A_1109] {strides = array<i32>} : memref<264x128xf32, #tpu.memory_space<vmem>>, vector<16xf32>,
              tpu.vector_store %arg9[%swap3A_1108, %swap3A_1109], %add3A_295 {add = true, strides = array<i32>} : memref<264x128xf32, #tpu.memory_space<vmem>>, vector<16xf32>,
              %swap3A_1111 = arith.index_cast %cond3A_289#0 : i32 to index
              %swap3A_1112 = arith.constant 16 : index
              %swap3A_1113 = tpu.vector_load %arg9[%swap3A_1111, %swap3A_1112] {strides = array<i32>} : memref<264x128xf32, #tpu.memory_space<vmem>>, vector<16xf32>,
              tpu.vector_store %arg9[%swap3A_1111, %swap3A_1112], %add3A_301 {add = true, strides = array<i32>} : memref<264x128xf32, #tpu.memory_space<vmem>>, vector<16xf32>,
              %swap3A_1114 = arith.index_cast %cond3A_289#0 : i32 to index
              %swap3A_1115 = arith.constant 32 : index
              %swap3A_1116 = tpu.vector_load %arg9[%swap3A_1114, %swap3A_1115] {strides = array<i32>} : memref<264x128xf32, #tpu.memory_space<vmem>>, vector<16xf32>,
              tpu.vector_store %arg9[%swap3A_1114, %swap3A_1115], %add3A_307 {add = true, strides = array<i32>} : memref<264x128xf32, #tpu.memory_space<vmem>>, vector<16xf32>,
              %swap3A_1117 = arith.index_cast %cond3A_289#0 : i32 to index
              %swap3A_1118 = arith.constant 48 : index
              %swap3A_1119 = tpu.vector_load %arg9[%swap3A_1117, %swap3A_1118] {strides = array<i32>} : memref<264x128xf32, #tpu.memory_space<vmem>>, vector<16xf32>,
              tpu.vector_store %arg9[%swap3A_1117, %swap3A_1118], %add3A_313 {add = true, strides = array<i32>} : memref<264x128xf32, #tpu.memory_space<vmem>>, vector<16xf32>,
              %swap3A_1120 = arith.index_cast %cond3A_289#0 : i32 to index
              %swap3A_1121 = arith.constant 64 : index
              %swap3A_1122 = tpu.vector_load %arg9[%swap3A_1120, %swap3A_1121] {strides = array<i32>} : memref<264x128xf32, #tpu.memory_space<vmem>>, vector<16xf32>,
              tpu.vector_store %arg9[%swap3A_1120, %swap3A_1121], %add3A_319 {add = true, strides = array<i32>} : memref<264x128xf32, #tpu.memory_space<vmem>>, vector<16xf32>,
              %swap3A_1123 = arith.index_cast %cond3A_289#0 : i32 to index
              %swap3A_1124 = arith.constant 80 : index
              %swap3A_1125 = tpu.vector_load %arg9[%swap3A_1123, %swap3A_1124] {strides = array<i32>} : memref<264x128xf32, #tpu.memory_space<vmem>>, vector<16xf32>,
              tpu.vector_store %arg9[%swap3A_1123, %swap3A_1124], %add3A_325 {add = true, strides = array<i32>} : memref<264x128xf32, #tpu.memory_space<vmem>>, vector<16xf32>,
              %swap3A_1126 = arith.index_cast %cond3A_289#0 : i32 to index
              %swap3A_1127 = arith.constant 96 : index
              %swap3A_1128 = tpu.vector_load %arg9[%swap3A_1126, %swap3A_1127] {strides = array<i32>} : memref<264x128xf32, #tpu.memory_space<vmem>>, vector<16xf32>,
              tpu.vector_store %arg9[%swap3A_1126, %swap3A_1127], %add3A_331 {add = true, strides = array<i32>} : memref<264x128xf32, #tpu.memory_space<vmem>>, vector<16xf32>,
              %swap3A_1129 = arith.index_cast %cond3A_289#0 : i32 to index
              %swap3A_1130 = arith.constant 112 : index
              %swap3A_1131 = tpu.vector_load %arg9[%swap3A_1129, %swap3A_1130] {strides = array<i32>} : memref<264x128xf32, #tpu.memory_space<vmem>>, vector<16xf32>,
              tpu.vector_store %arg9[%swap3A_1129, %swap3A_1130], %add3A_337 {add = true, strides = array<i32>} : memref<264x128xf32, #tpu.memory_space<vmem>>, vector<16xf32>,
              scf.yield %squeeze3A_339, %broadcast_in_dim3A_25, %broadcast_in_dim3A_25, %broadcast_in_dim3A_25, %broadcast_in_dim3A_25, %broadcast_in_dim3A_25, %broadcast_in_dim3A_25, %broadcast_in_dim3A_25, %broadcast_in_dim3A_25 : i32, vector<16xf32>, vector<16xf32>, vector<16xf32>, vector<16xf32>, vector<16xf32>, vector<16xf32>, vector<16xf32>, vector<16xf32>
            } else {
              scf.yield %cond3A_289#0, %add3A_295, %add3A_301, %add3A_307, %add3A_313, %add3A_319, %add3A_325, %add3A_331, %add3A_337 : i32, vector<16xf32>, vector<16xf32>, vector<16xf32>, vector<16xf32>, vector<16xf32>, vector<16xf32>, vector<16xf32>, vector<16xf32>
            }
            %add3A_345 = arith.constant 2 : i32
            %add3A_346 = arith.addi %add3A_211, %add3A_345 : i32
            %get3A_347 = arith.index_cast %add3A_346 : i32 to index
            %get3A_348 = arith.constant 0 : index
            %get3A_349 = tpu.vector_load %arg7[%get3A_347, %get3A_348] {strides = array<i32>} : memref<640x128xf32, #tpu.memory_space<vmem>>, vector<16xf32>,
            %add3A_350 = arith.addf %cond3A_344#1, %get3A_349 : vector<16xf32>
            %add3A_351 = arith.constant 2 : i32
            %add3A_352 = arith.addi %add3A_211, %add3A_351 : i32
            %get3A_353 = arith.index_cast %add3A_352 : i32 to index
            %get3A_354 = arith.constant 16 : index
            %get3A_355 = tpu.vector_load %arg7[%get3A_353, %get3A_354] {strides = array<i32>} : memref<640x128xf32, #tpu.memory_space<vmem>>, vector<16xf32>,
            %add3A_356 = arith.addf %cond3A_344#2, %get3A_355 : vector<16xf32>
            %add3A_357 = arith.constant 2 : i32
            %add3A_358 = arith.addi %add3A_211, %add3A_357 : i32
            %get3A_359 = arith.index_cast %add3A_358 : i32 to index
            %get3A_360 = arith.constant 32 : index
            %get3A_361 = tpu.vector_load %arg7[%get3A_359, %get3A_360] {strides = array<i32>} : memref<640x128xf32, #tpu.memory_space<vmem>>, vector<16xf32>,
            %add3A_362 = arith.addf %cond3A_344#3, %get3A_361 : vector<16xf32>
            %add3A_363 = arith.constant 2 : i32
            %add3A_364 = arith.addi %add3A_211, %add3A_363 : i32
            %get3A_365 = arith.index_cast %add3A_364 : i32 to index
            %get3A_366 = arith.constant 48 : index
            %get3A_367 = tpu.vector_load %arg7[%get3A_365, %get3A_366] {strides = array<i32>} : memref<640x128xf32, #tpu.memory_space<vmem>>, vector<16xf32>,
            %add3A_368 = arith.addf %cond3A_344#4, %get3A_367 : vector<16xf32>
            %add3A_369 = arith.constant 2 : i32
            %add3A_370 = arith.addi %add3A_211, %add3A_369 : i32
            %get3A_371 = arith.index_cast %add3A_370 : i32 to index
            %get3A_372 = arith.constant 64 : index
            %get3A_373 = tpu.vector_load %arg7[%get3A_371, %get3A_372] {strides = array<i32>} : memref<640x128xf32, #tpu.memory_space<vmem>>, vector<16xf32>,
            %add3A_374 = arith.addf %cond3A_344#5, %get3A_373 : vector<16xf32>
            %add3A_375 = arith.constant 2 : i32
            %add3A_376 = arith.addi %add3A_211, %add3A_375 : i32
            %get3A_377 = arith.index_cast %add3A_376 : i32 to index
            %get3A_378 = arith.constant 80 : index
            %get3A_379 = tpu.vector_load %arg7[%get3A_377, %get3A_378] {strides = array<i32>} : memref<640x128xf32, #tpu.memory_space<vmem>>, vector<16xf32>,
            %add3A_380 = arith.addf %cond3A_344#6, %get3A_379 : vector<16xf32>
            %add3A_381 = arith.constant 2 : i32
            %add3A_382 = arith.addi %add3A_211, %add3A_381 : i32
            %get3A_383 = arith.index_cast %add3A_382 : i32 to index
            %get3A_384 = arith.constant 96 : index
            %get3A_385 = tpu.vector_load %arg7[%get3A_383, %get3A_384] {strides = array<i32>} : memref<640x128xf32, #tpu.memory_space<vmem>>, vector<16xf32>,
            %add3A_386 = arith.addf %cond3A_344#7, %get3A_385 : vector<16xf32>
            %add3A_387 = arith.constant 2 : i32
            %add3A_388 = arith.addi %add3A_211, %add3A_387 : i32
            %get3A_389 = arith.index_cast %add3A_388 : i32 to index
            %get3A_390 = arith.constant 112 : index
            %get3A_391 = tpu.vector_load %arg7[%get3A_389, %get3A_390] {strides = array<i32>} : memref<640x128xf32, #tpu.memory_space<vmem>>, vector<16xf32>,
            %add3A_392 = arith.addf %cond3A_344#8, %get3A_391 : vector<16xf32>
            %slice3A_393 = vector.extract_strided_slice %get3A_208 {offsets = [3], sizes = [1], strides = [1]} : vector<16xi32> to vector<1xi32>
            %squeeze3A_394 = vector.extract %slice3A_393[0] : i32 from vector<1xi32>
            %ne3A_395 = arith.cmpi ne, %squeeze3A_394, %cond3A_344#0 : i32
            %convert_element_type3A_396 = arith.extui %ne3A_395 : i1 to i32
            %cond3A_397 = arith.constant 0 : i32
            %cond3A_398 = arith.cmpi ne, %convert_element_type3A_396, %cond3A_397 : i32
            %cond3A_399:9 = scf.if %cond3A_398 -> (i32, vector<16xf32>, vector<16xf32>, vector<16xf32>, vector<16xf32>, vector<16xf32>, vector<16xf32>, vector<16xf32>, vector<16xf32>) {
              %swap3A_1108 = arith.index_cast %cond3A_344#0 : i32 to index
              %swap3A_1109 = arith.constant 0 : index
              %swap3A_1110 = tpu.vector_load %arg9[%swap3A_1108, %swap3A_1109] {strides = array<i32>} : memref<264x128xf32, #tpu.memory_space<vmem>>, vector<16xf32>,
              tpu.vector_store %arg9[%swap3A_1108, %swap3A_1109], %add3A_350 {add = true, strides = array<i32>} : memref<264x128xf32, #tpu.memory_space<vmem>>, vector<16xf32>,
              %swap3A_1111 = arith.index_cast %cond3A_344#0 : i32 to index
              %swap3A_1112 = arith.constant 16 : index
              %swap3A_1113 = tpu.vector_load %arg9[%swap3A_1111, %swap3A_1112] {strides = array<i32>} : memref<264x128xf32, #tpu.memory_space<vmem>>, vector<16xf32>,
              tpu.vector_store %arg9[%swap3A_1111, %swap3A_1112], %add3A_356 {add = true, strides = array<i32>} : memref<264x128xf32, #tpu.memory_space<vmem>>, vector<16xf32>,
              %swap3A_1114 = arith.index_cast %cond3A_344#0 : i32 to index
              %swap3A_1115 = arith.constant 32 : index
              %swap3A_1116 = tpu.vector_load %arg9[%swap3A_1114, %swap3A_1115] {strides = array<i32>} : memref<264x128xf32, #tpu.memory_space<vmem>>, vector<16xf32>,
              tpu.vector_store %arg9[%swap3A_1114, %swap3A_1115], %add3A_362 {add = true, strides = array<i32>} : memref<264x128xf32, #tpu.memory_space<vmem>>, vector<16xf32>,
              %swap3A_1117 = arith.index_cast %cond3A_344#0 : i32 to index
              %swap3A_1118 = arith.constant 48 : index
              %swap3A_1119 = tpu.vector_load %arg9[%swap3A_1117, %swap3A_1118] {strides = array<i32>} : memref<264x128xf32, #tpu.memory_space<vmem>>, vector<16xf32>,
              tpu.vector_store %arg9[%swap3A_1117, %swap3A_1118], %add3A_368 {add = true, strides = array<i32>} : memref<264x128xf32, #tpu.memory_space<vmem>>, vector<16xf32>,
              %swap3A_1120 = arith.index_cast %cond3A_344#0 : i32 to index
              %swap3A_1121 = arith.constant 64 : index
              %swap3A_1122 = tpu.vector_load %arg9[%swap3A_1120, %swap3A_1121] {strides = array<i32>} : memref<264x128xf32, #tpu.memory_space<vmem>>, vector<16xf32>,
              tpu.vector_store %arg9[%swap3A_1120, %swap3A_1121], %add3A_374 {add = true, strides = array<i32>} : memref<264x128xf32, #tpu.memory_space<vmem>>, vector<16xf32>,
              %swap3A_1123 = arith.index_cast %cond3A_344#0 : i32 to index
              %swap3A_1124 = arith.constant 80 : index
              %swap3A_1125 = tpu.vector_load %arg9[%swap3A_1123, %swap3A_1124] {strides = array<i32>} : memref<264x128xf32, #tpu.memory_space<vmem>>, vector<16xf32>,
              tpu.vector_store %arg9[%swap3A_1123, %swap3A_1124], %add3A_380 {add = true, strides = array<i32>} : memref<264x128xf32, #tpu.memory_space<vmem>>, vector<16xf32>,
              %swap3A_1126 = arith.index_cast %cond3A_344#0 : i32 to index
              %swap3A_1127 = arith.constant 96 : index
              %swap3A_1128 = tpu.vector_load %arg9[%swap3A_1126, %swap3A_1127] {strides = array<i32>} : memref<264x128xf32, #tpu.memory_space<vmem>>, vector<16xf32>,
              tpu.vector_store %arg9[%swap3A_1126, %swap3A_1127], %add3A_386 {add = true, strides = array<i32>} : memref<264x128xf32, #tpu.memory_space<vmem>>, vector<16xf32>,
              %swap3A_1129 = arith.index_cast %cond3A_344#0 : i32 to index
              %swap3A_1130 = arith.constant 112 : index
              %swap3A_1131 = tpu.vector_load %arg9[%swap3A_1129, %swap3A_1130] {strides = array<i32>} : memref<264x128xf32, #tpu.memory_space<vmem>>, vector<16xf32>,
              tpu.vector_store %arg9[%swap3A_1129, %swap3A_1130], %add3A_392 {add = true, strides = array<i32>} : memref<264x128xf32, #tpu.memory_space<vmem>>, vector<16xf32>,
              scf.yield %squeeze3A_394, %broadcast_in_dim3A_25, %broadcast_in_dim3A_25, %broadcast_in_dim3A_25, %broadcast_in_dim3A_25, %broadcast_in_dim3A_25, %broadcast_in_dim3A_25, %broadcast_in_dim3A_25, %broadcast_in_dim3A_25 : i32, vector<16xf32>, vector<16xf32>, vector<16xf32>, vector<16xf32>, vector<16xf32>, vector<16xf32>, vector<16xf32>, vector<16xf32>
            } else {
              scf.yield %cond3A_344#0, %add3A_350, %add3A_356, %add3A_362, %add3A_368, %add3A_374, %add3A_380, %add3A_386, %add3A_392 : i32, vector<16xf32>, vector<16xf32>, vector<16xf32>, vector<16xf32>, vector<16xf32>, vector<16xf32>, vector<16xf32>, vector<16xf32>
            }
            %add3A_400 = arith.constant 3 : i32
            %add3A_401 = arith.addi %add3A_211, %add3A_400 : i32
            %get3A_402 = arith.index_cast %add3A_401 : i32 to index
            %get3A_403 = arith.constant 0 : index
            %get3A_404 = tpu.vector_load %arg7[%get3A_402, %get3A_403] {strides = array<i32>} : memref<640x128xf32, #tpu.memory_space<vmem>>, vector<16xf32>,
            %add3A_405 = arith.addf %cond3A_399#1, %get3A_404 : vector<16xf32>
            %add3A_406 = arith.constant 3 : i32
            %add3A_407 = arith.addi %add3A_211, %add3A_406 : i32
            %get3A_408 = arith.index_cast %add3A_407 : i32 to index
            %get3A_409 = arith.constant 16 : index
            %get3A_410 = tpu.vector_load %arg7[%get3A_408, %get3A_409] {strides = array<i32>} : memref<640x128xf32, #tpu.memory_space<vmem>>, vector<16xf32>,
            %add3A_411 = arith.addf %cond3A_399#2, %get3A_410 : vector<16xf32>
            %add3A_412 = arith.constant 3 : i32
            %add3A_413 = arith.addi %add3A_211, %add3A_412 : i32
            %get3A_414 = arith.index_cast %add3A_413 : i32 to index
            %get3A_415 = arith.constant 32 : index
            %get3A_416 = tpu.vector_load %arg7[%get3A_414, %get3A_415] {strides = array<i32>} : memref<640x128xf32, #tpu.memory_space<vmem>>, vector<16xf32>,
            %add3A_417 = arith.addf %cond3A_399#3, %get3A_416 : vector<16xf32>
            %add3A_418 = arith.constant 3 : i32
            %add3A_419 = arith.addi %add3A_211, %add3A_418 : i32
            %get3A_420 = arith.index_cast %add3A_419 : i32 to index
            %get3A_421 = arith.constant 48 : index
            %get3A_422 = tpu.vector_load %arg7[%get3A_420, %get3A_421] {strides = array<i32>} : memref<640x128xf32, #tpu.memory_space<vmem>>, vector<16xf32>,
            %add3A_423 = arith.addf %cond3A_399#4, %get3A_422 : vector<16xf32>
            %add3A_424 = arith.constant 3 : i32
            %add3A_425 = arith.addi %add3A_211, %add3A_424 : i32
            %get3A_426 = arith.index_cast %add3A_425 : i32 to index
            %get3A_427 = arith.constant 64 : index
            %get3A_428 = tpu.vector_load %arg7[%get3A_426, %get3A_427] {strides = array<i32>} : memref<640x128xf32, #tpu.memory_space<vmem>>, vector<16xf32>,
            %add3A_429 = arith.addf %cond3A_399#5, %get3A_428 : vector<16xf32>
            %add3A_430 = arith.constant 3 : i32
            %add3A_431 = arith.addi %add3A_211, %add3A_430 : i32
            %get3A_432 = arith.index_cast %add3A_431 : i32 to index
            %get3A_433 = arith.constant 80 : index
            %get3A_434 = tpu.vector_load %arg7[%get3A_432, %get3A_433] {strides = array<i32>} : memref<640x128xf32, #tpu.memory_space<vmem>>, vector<16xf32>,
            %add3A_435 = arith.addf %cond3A_399#6, %get3A_434 : vector<16xf32>
            %add3A_436 = arith.constant 3 : i32
            %add3A_437 = arith.addi %add3A_211, %add3A_436 : i32
            %get3A_438 = arith.index_cast %add3A_437 : i32 to index
            %get3A_439 = arith.constant 96 : index
            %get3A_440 = tpu.vector_load %arg7[%get3A_438, %get3A_439] {strides = array<i32>} : memref<640x128xf32, #tpu.memory_space<vmem>>, vector<16xf32>,
            %add3A_441 = arith.addf %cond3A_399#7, %get3A_440 : vector<16xf32>
            %add3A_442 = arith.constant 3 : i32
            %add3A_443 = arith.addi %add3A_211, %add3A_442 : i32
            %get3A_444 = arith.index_cast %add3A_443 : i32 to index
            %get3A_445 = arith.constant 112 : index
            %get3A_446 = tpu.vector_load %arg7[%get3A_444, %get3A_445] {strides = array<i32>} : memref<640x128xf32, #tpu.memory_space<vmem>>, vector<16xf32>,
            %add3A_447 = arith.addf %cond3A_399#8, %get3A_446 : vector<16xf32>
            %slice3A_448 = vector.extract_strided_slice %get3A_208 {offsets = [4], sizes = [1], strides = [1]} : vector<16xi32> to vector<1xi32>
            %squeeze3A_449 = vector.extract %slice3A_448[0] : i32 from vector<1xi32>
            %ne3A_450 = arith.cmpi ne, %squeeze3A_449, %cond3A_399#0 : i32
            %convert_element_type3A_451 = arith.extui %ne3A_450 : i1 to i32
            %cond3A_452 = arith.constant 0 : i32
            %cond3A_453 = arith.cmpi ne, %convert_element_type3A_451, %cond3A_452 : i32
            %cond3A_454:9 = scf.if %cond3A_453 -> (i32, vector<16xf32>, vector<16xf32>, vector<16xf32>, vector<16xf32>, vector<16xf32>, vector<16xf32>, vector<16xf32>, vector<16xf32>) {
              %swap3A_1108 = arith.index_cast %cond3A_399#0 : i32 to index
              %swap3A_1109 = arith.constant 0 : index
              %swap3A_1110 = tpu.vector_load %arg9[%swap3A_1108, %swap3A_1109] {strides = array<i32>} : memref<264x128xf32, #tpu.memory_space<vmem>>, vector<16xf32>,
              tpu.vector_store %arg9[%swap3A_1108, %swap3A_1109], %add3A_405 {add = true, strides = array<i32>} : memref<264x128xf32, #tpu.memory_space<vmem>>, vector<16xf32>,
              %swap3A_1111 = arith.index_cast %cond3A_399#0 : i32 to index
              %swap3A_1112 = arith.constant 16 : index
              %swap3A_1113 = tpu.vector_load %arg9[%swap3A_1111, %swap3A_1112] {strides = array<i32>} : memref<264x128xf32, #tpu.memory_space<vmem>>, vector<16xf32>,
              tpu.vector_store %arg9[%swap3A_1111, %swap3A_1112], %add3A_411 {add = true, strides = array<i32>} : memref<264x128xf32, #tpu.memory_space<vmem>>, vector<16xf32>,
              %swap3A_1114 = arith.index_cast %cond3A_399#0 : i32 to index
              %swap3A_1115 = arith.constant 32 : index
              %swap3A_1116 = tpu.vector_load %arg9[%swap3A_1114, %swap3A_1115] {strides = array<i32>} : memref<264x128xf32, #tpu.memory_space<vmem>>, vector<16xf32>,
              tpu.vector_store %arg9[%swap3A_1114, %swap3A_1115], %add3A_417 {add = true, strides = array<i32>} : memref<264x128xf32, #tpu.memory_space<vmem>>, vector<16xf32>,
              %swap3A_1117 = arith.index_cast %cond3A_399#0 : i32 to index
              %swap3A_1118 = arith.constant 48 : index
              %swap3A_1119 = tpu.vector_load %arg9[%swap3A_1117, %swap3A_1118] {strides = array<i32>} : memref<264x128xf32, #tpu.memory_space<vmem>>, vector<16xf32>,
              tpu.vector_store %arg9[%swap3A_1117, %swap3A_1118], %add3A_423 {add = true, strides = array<i32>} : memref<264x128xf32, #tpu.memory_space<vmem>>, vector<16xf32>,
              %swap3A_1120 = arith.index_cast %cond3A_399#0 : i32 to index
              %swap3A_1121 = arith.constant 64 : index
              %swap3A_1122 = tpu.vector_load %arg9[%swap3A_1120, %swap3A_1121] {strides = array<i32>} : memref<264x128xf32, #tpu.memory_space<vmem>>, vector<16xf32>,
              tpu.vector_store %arg9[%swap3A_1120, %swap3A_1121], %add3A_429 {add = true, strides = array<i32>} : memref<264x128xf32, #tpu.memory_space<vmem>>, vector<16xf32>,
              %swap3A_1123 = arith.index_cast %cond3A_399#0 : i32 to index
              %swap3A_1124 = arith.constant 80 : index
              %swap3A_1125 = tpu.vector_load %arg9[%swap3A_1123, %swap3A_1124] {strides = array<i32>} : memref<264x128xf32, #tpu.memory_space<vmem>>, vector<16xf32>,
              tpu.vector_store %arg9[%swap3A_1123, %swap3A_1124], %add3A_435 {add = true, strides = array<i32>} : memref<264x128xf32, #tpu.memory_space<vmem>>, vector<16xf32>,
              %swap3A_1126 = arith.index_cast %cond3A_399#0 : i32 to index
              %swap3A_1127 = arith.constant 96 : index
              %swap3A_1128 = tpu.vector_load %arg9[%swap3A_1126, %swap3A_1127] {strides = array<i32>} : memref<264x128xf32, #tpu.memory_space<vmem>>, vector<16xf32>,
              tpu.vector_store %arg9[%swap3A_1126, %swap3A_1127], %add3A_441 {add = true, strides = array<i32>} : memref<264x128xf32, #tpu.memory_space<vmem>>, vector<16xf32>,
              %swap3A_1129 = arith.index_cast %cond3A_399#0 : i32 to index
              %swap3A_1130 = arith.constant 112 : index
              %swap3A_1131 = tpu.vector_load %arg9[%swap3A_1129, %swap3A_1130] {strides = array<i32>} : memref<264x128xf32, #tpu.memory_space<vmem>>, vector<16xf32>,
              tpu.vector_store %arg9[%swap3A_1129, %swap3A_1130], %add3A_447 {add = true, strides = array<i32>} : memref<264x128xf32, #tpu.memory_space<vmem>>, vector<16xf32>,
              scf.yield %squeeze3A_449, %broadcast_in_dim3A_25, %broadcast_in_dim3A_25, %broadcast_in_dim3A_25, %broadcast_in_dim3A_25, %broadcast_in_dim3A_25, %broadcast_in_dim3A_25, %broadcast_in_dim3A_25, %broadcast_in_dim3A_25 : i32, vector<16xf32>, vector<16xf32>, vector<16xf32>, vector<16xf32>, vector<16xf32>, vector<16xf32>, vector<16xf32>, vector<16xf32>
            } else {
              scf.yield %cond3A_399#0, %add3A_405, %add3A_411, %add3A_417, %add3A_423, %add3A_429, %add3A_435, %add3A_441, %add3A_447 : i32, vector<16xf32>, vector<16xf32>, vector<16xf32>, vector<16xf32>, vector<16xf32>, vector<16xf32>, vector<16xf32>, vector<16xf32>
            }
            %add3A_455 = arith.constant 4 : i32
            %add3A_456 = arith.addi %add3A_211, %add3A_455 : i32
            %get3A_457 = arith.index_cast %add3A_456 : i32 to index
            %get3A_458 = arith.constant 0 : index
            %get3A_459 = tpu.vector_load %arg7[%get3A_457, %get3A_458] {strides = array<i32>} : memref<640x128xf32, #tpu.memory_space<vmem>>, vector<16xf32>,
            %add3A_460 = arith.addf %cond3A_454#1, %get3A_459 : vector<16xf32>
            %add3A_461 = arith.constant 4 : i32
            %add3A_462 = arith.addi %add3A_211, %add3A_461 : i32
            %get3A_463 = arith.index_cast %add3A_462 : i32 to index
            %get3A_464 = arith.constant 16 : index
            %get3A_465 = tpu.vector_load %arg7[%get3A_463, %get3A_464] {strides = array<i32>} : memref<640x128xf32, #tpu.memory_space<vmem>>, vector<16xf32>,
            %add3A_466 = arith.addf %cond3A_454#2, %get3A_465 : vector<16xf32>
            %add3A_467 = arith.constant 4 : i32
            %add3A_468 = arith.addi %add3A_211, %add3A_467 : i32
            %get3A_469 = arith.index_cast %add3A_468 : i32 to index
            %get3A_470 = arith.constant 32 : index
            %get3A_471 = tpu.vector_load %arg7[%get3A_469, %get3A_470] {strides = array<i32>} : memref<640x128xf32, #tpu.memory_space<vmem>>, vector<16xf32>,
            %add3A_472 = arith.addf %cond3A_454#3, %get3A_471 : vector<16xf32>
            %add3A_473 = arith.constant 4 : i32
            %add3A_474 = arith.addi %add3A_211, %add3A_473 : i32
            %get3A_475 = arith.index_cast %add3A_474 : i32 to index
            %get3A_476 = arith.constant 48 : index
            %get3A_477 = tpu.vector_load %arg7[%get3A_475, %get3A_476] {strides = array<i32>} : memref<640x128xf32, #tpu.memory_space<vmem>>, vector<16xf32>,
            %add3A_478 = arith.addf %cond3A_454#4, %get3A_477 : vector<16xf32>
            %add3A_479 = arith.constant 4 : i32
            %add3A_480 = arith.addi %add3A_211, %add3A_479 : i32
            %get3A_481 = arith.index_cast %add3A_480 : i32 to index
            %get3A_482 = arith.constant 64 : index
            %get3A_483 = tpu.vector_load %arg7[%get3A_481, %get3A_482] {strides = array<i32>} : memref<640x128xf32, #tpu.memory_space<vmem>>, vector<16xf32>,
            %add3A_484 = arith.addf %cond3A_454#5, %get3A_483 : vector<16xf32>
            %add3A_485 = arith.constant 4 : i32
            %add3A_486 = arith.addi %add3A_211, %add3A_485 : i32
            %get3A_487 = arith.index_cast %add3A_486 : i32 to index
            %get3A_488 = arith.constant 80 : index
            %get3A_489 = tpu.vector_load %arg7[%get3A_487, %get3A_488] {strides = array<i32>} : memref<640x128xf32, #tpu.memory_space<vmem>>, vector<16xf32>,
            %add3A_490 = arith.addf %cond3A_454#6, %get3A_489 : vector<16xf32>
            %add3A_491 = arith.constant 4 : i32
            %add3A_492 = arith.addi %add3A_211, %add3A_491 : i32
            %get3A_493 = arith.index_cast %add3A_492 : i32 to index
            %get3A_494 = arith.constant 96 : index
            %get3A_495 = tpu.vector_load %arg7[%get3A_493, %get3A_494] {strides = array<i32>} : memref<640x128xf32, #tpu.memory_space<vmem>>, vector<16xf32>,
            %add3A_496 = arith.addf %cond3A_454#7, %get3A_495 : vector<16xf32>
            %add3A_497 = arith.constant 4 : i32
            %add3A_498 = arith.addi %add3A_211, %add3A_497 : i32
            %get3A_499 = arith.index_cast %add3A_498 : i32 to index
            %get3A_500 = arith.constant 112 : index
            %get3A_501 = tpu.vector_load %arg7[%get3A_499, %get3A_500] {strides = array<i32>} : memref<640x128xf32, #tpu.memory_space<vmem>>, vector<16xf32>,
            %add3A_502 = arith.addf %cond3A_454#8, %get3A_501 : vector<16xf32>
            %slice3A_503 = vector.extract_strided_slice %get3A_208 {offsets = [5], sizes = [1], strides = [1]} : vector<16xi32> to vector<1xi32>
            %squeeze3A_504 = vector.extract %slice3A_503[0] : i32 from vector<1xi32>
            %ne3A_505 = arith.cmpi ne, %squeeze3A_504, %cond3A_454#0 : i32
            %convert_element_type3A_506 = arith.extui %ne3A_505 : i1 to i32
            %cond3A_507 = arith.constant 0 : i32
            %cond3A_508 = arith.cmpi ne, %convert_element_type3A_506, %cond3A_507 : i32
            %cond3A_509:9 = scf.if %cond3A_508 -> (i32, vector<16xf32>, vector<16xf32>, vector<16xf32>, vector<16xf32>, vector<16xf32>, vector<16xf32>, vector<16xf32>, vector<16xf32>) {
              %swap3A_1108 = arith.index_cast %cond3A_454#0 : i32 to index
              %swap3A_1109 = arith.constant 0 : index
              %swap3A_1110 = tpu.vector_load %arg9[%swap3A_1108, %swap3A_1109] {strides = array<i32>} : memref<264x128xf32, #tpu.memory_space<vmem>>, vector<16xf32>,
              tpu.vector_store %arg9[%swap3A_1108, %swap3A_1109], %add3A_460 {add = true, strides = array<i32>} : memref<264x128xf32, #tpu.memory_space<vmem>>, vector<16xf32>,
              %swap3A_1111 = arith.index_cast %cond3A_454#0 : i32 to index
              %swap3A_1112 = arith.constant 16 : index
              %swap3A_1113 = tpu.vector_load %arg9[%swap3A_1111, %swap3A_1112] {strides = array<i32>} : memref<264x128xf32, #tpu.memory_space<vmem>>, vector<16xf32>,
              tpu.vector_store %arg9[%swap3A_1111, %swap3A_1112], %add3A_466 {add = true, strides = array<i32>} : memref<264x128xf32, #tpu.memory_space<vmem>>, vector<16xf32>,
              %swap3A_1114 = arith.index_cast %cond3A_454#0 : i32 to index
              %swap3A_1115 = arith.constant 32 : index
              %swap3A_1116 = tpu.vector_load %arg9[%swap3A_1114, %swap3A_1115] {strides = array<i32>} : memref<264x128xf32, #tpu.memory_space<vmem>>, vector<16xf32>,
              tpu.vector_store %arg9[%swap3A_1114, %swap3A_1115], %add3A_472 {add = true, strides = array<i32>} : memref<264x128xf32, #tpu.memory_space<vmem>>, vector<16xf32>,
              %swap3A_1117 = arith.index_cast %cond3A_454#0 : i32 to index
              %swap3A_1118 = arith.constant 48 : index
              %swap3A_1119 = tpu.vector_load %arg9[%swap3A_1117, %swap3A_1118] {strides = array<i32>} : memref<264x128xf32, #tpu.memory_space<vmem>>, vector<16xf32>,
              tpu.vector_store %arg9[%swap3A_1117, %swap3A_1118], %add3A_478 {add = true, strides = array<i32>} : memref<264x128xf32, #tpu.memory_space<vmem>>, vector<16xf32>,
              %swap3A_1120 = arith.index_cast %cond3A_454#0 : i32 to index
              %swap3A_1121 = arith.constant 64 : index
              %swap3A_1122 = tpu.vector_load %arg9[%swap3A_1120, %swap3A_1121] {strides = array<i32>} : memref<264x128xf32, #tpu.memory_space<vmem>>, vector<16xf32>,
              tpu.vector_store %arg9[%swap3A_1120, %swap3A_1121], %add3A_484 {add = true, strides = array<i32>} : memref<264x128xf32, #tpu.memory_space<vmem>>, vector<16xf32>,
              %swap3A_1123 = arith.index_cast %cond3A_454#0 : i32 to index
              %swap3A_1124 = arith.constant 80 : index
              %swap3A_1125 = tpu.vector_load %arg9[%swap3A_1123, %swap3A_1124] {strides = array<i32>} : memref<264x128xf32, #tpu.memory_space<vmem>>, vector<16xf32>,
              tpu.vector_store %arg9[%swap3A_1123, %swap3A_1124], %add3A_490 {add = true, strides = array<i32>} : memref<264x128xf32, #tpu.memory_space<vmem>>, vector<16xf32>,
              %swap3A_1126 = arith.index_cast %cond3A_454#0 : i32 to index
              %swap3A_1127 = arith.constant 96 : index
              %swap3A_1128 = tpu.vector_load %arg9[%swap3A_1126, %swap3A_1127] {strides = array<i32>} : memref<264x128xf32, #tpu.memory_space<vmem>>, vector<16xf32>,
              tpu.vector_store %arg9[%swap3A_1126, %swap3A_1127], %add3A_496 {add = true, strides = array<i32>} : memref<264x128xf32, #tpu.memory_space<vmem>>, vector<16xf32>,
              %swap3A_1129 = arith.index_cast %cond3A_454#0 : i32 to index
              %swap3A_1130 = arith.constant 112 : index
              %swap3A_1131 = tpu.vector_load %arg9[%swap3A_1129, %swap3A_1130] {strides = array<i32>} : memref<264x128xf32, #tpu.memory_space<vmem>>, vector<16xf32>,
              tpu.vector_store %arg9[%swap3A_1129, %swap3A_1130], %add3A_502 {add = true, strides = array<i32>} : memref<264x128xf32, #tpu.memory_space<vmem>>, vector<16xf32>,
              scf.yield %squeeze3A_504, %broadcast_in_dim3A_25, %broadcast_in_dim3A_25, %broadcast_in_dim3A_25, %broadcast_in_dim3A_25, %broadcast_in_dim3A_25, %broadcast_in_dim3A_25, %broadcast_in_dim3A_25, %broadcast_in_dim3A_25 : i32, vector<16xf32>, vector<16xf32>, vector<16xf32>, vector<16xf32>, vector<16xf32>, vector<16xf32>, vector<16xf32>, vector<16xf32>
            } else {
              scf.yield %cond3A_454#0, %add3A_460, %add3A_466, %add3A_472, %add3A_478, %add3A_484, %add3A_490, %add3A_496, %add3A_502 : i32, vector<16xf32>, vector<16xf32>, vector<16xf32>, vector<16xf32>, vector<16xf32>, vector<16xf32>, vector<16xf32>, vector<16xf32>
            }
            %add3A_510 = arith.constant 5 : i32
            %add3A_511 = arith.addi %add3A_211, %add3A_510 : i32
            %get3A_512 = arith.index_cast %add3A_511 : i32 to index
            %get3A_513 = arith.constant 0 : index
            %get3A_514 = tpu.vector_load %arg7[%get3A_512, %get3A_513] {strides = array<i32>} : memref<640x128xf32, #tpu.memory_space<vmem>>, vector<16xf32>,
            %add3A_515 = arith.addf %cond3A_509#1, %get3A_514 : vector<16xf32>
            %add3A_516 = arith.constant 5 : i32
            %add3A_517 = arith.addi %add3A_211, %add3A_516 : i32
            %get3A_518 = arith.index_cast %add3A_517 : i32 to index
            %get3A_519 = arith.constant 16 : index
            %get3A_520 = tpu.vector_load %arg7[%get3A_518, %get3A_519] {strides = array<i32>} : memref<640x128xf32, #tpu.memory_space<vmem>>, vector<16xf32>,
            %add3A_521 = arith.addf %cond3A_509#2, %get3A_520 : vector<16xf32>
            %add3A_522 = arith.constant 5 : i32
            %add3A_523 = arith.addi %add3A_211, %add3A_522 : i32
            %get3A_524 = arith.index_cast %add3A_523 : i32 to index
            %get3A_525 = arith.constant 32 : index
            %get3A_526 = tpu.vector_load %arg7[%get3A_524, %get3A_525] {strides = array<i32>} : memref<640x128xf32, #tpu.memory_space<vmem>>, vector<16xf32>,
            %add3A_527 = arith.addf %cond3A_509#3, %get3A_526 : vector<16xf32>
            %add3A_528 = arith.constant 5 : i32
            %add3A_529 = arith.addi %add3A_211, %add3A_528 : i32
            %get3A_530 = arith.index_cast %add3A_529 : i32 to index
            %get3A_531 = arith.constant 48 : index
            %get3A_532 = tpu.vector_load %arg7[%get3A_530, %get3A_531] {strides = array<i32>} : memref<640x128xf32, #tpu.memory_space<vmem>>, vector<16xf32>,
            %add3A_533 = arith.addf %cond3A_509#4, %get3A_532 : vector<16xf32>
            %add3A_534 = arith.constant 5 : i32
            %add3A_535 = arith.addi %add3A_211, %add3A_534 : i32
            %get3A_536 = arith.index_cast %add3A_535 : i32 to index
            %get3A_537 = arith.constant 64 : index
            %get3A_538 = tpu.vector_load %arg7[%get3A_536, %get3A_537] {strides = array<i32>} : memref<640x128xf32, #tpu.memory_space<vmem>>, vector<16xf32>,
            %add3A_539 = arith.addf %cond3A_509#5, %get3A_538 : vector<16xf32>
            %add3A_540 = arith.constant 5 : i32
            %add3A_541 = arith.addi %add3A_211, %add3A_540 : i32
            %get3A_542 = arith.index_cast %add3A_541 : i32 to index
            %get3A_543 = arith.constant 80 : index
            %get3A_544 = tpu.vector_load %arg7[%get3A_542, %get3A_543] {strides = array<i32>} : memref<640x128xf32, #tpu.memory_space<vmem>>, vector<16xf32>,
            %add3A_545 = arith.addf %cond3A_509#6, %get3A_544 : vector<16xf32>
            %add3A_546 = arith.constant 5 : i32
            %add3A_547 = arith.addi %add3A_211, %add3A_546 : i32
            %get3A_548 = arith.index_cast %add3A_547 : i32 to index
            %get3A_549 = arith.constant 96 : index
            %get3A_550 = tpu.vector_load %arg7[%get3A_548, %get3A_549] {strides = array<i32>} : memref<640x128xf32, #tpu.memory_space<vmem>>, vector<16xf32>,
            %add3A_551 = arith.addf %cond3A_509#7, %get3A_550 : vector<16xf32>
            %add3A_552 = arith.constant 5 : i32
            %add3A_553 = arith.addi %add3A_211, %add3A_552 : i32
            %get3A_554 = arith.index_cast %add3A_553 : i32 to index
            %get3A_555 = arith.constant 112 : index
            %get3A_556 = tpu.vector_load %arg7[%get3A_554, %get3A_555] {strides = array<i32>} : memref<640x128xf32, #tpu.memory_space<vmem>>, vector<16xf32>,
            %add3A_557 = arith.addf %cond3A_509#8, %get3A_556 : vector<16xf32>
            %slice3A_558 = vector.extract_strided_slice %get3A_208 {offsets = [6], sizes = [1], strides = [1]} : vector<16xi32> to vector<1xi32>
            %squeeze3A_559 = vector.extract %slice3A_558[0] : i32 from vector<1xi32>
            %ne3A_560 = arith.cmpi ne, %squeeze3A_559, %cond3A_509#0 : i32
            %convert_element_type3A_561 = arith.extui %ne3A_560 : i1 to i32
            %cond3A_562 = arith.constant 0 : i32
            %cond3A_563 = arith.cmpi ne, %convert_element_type3A_561, %cond3A_562 : i32
            %cond3A_564:9 = scf.if %cond3A_563 -> (i32, vector<16xf32>, vector<16xf32>, vector<16xf32>, vector<16xf32>, vector<16xf32>, vector<16xf32>, vector<16xf32>, vector<16xf32>) {
              %swap3A_1108 = arith.index_cast %cond3A_509#0 : i32 to index
              %swap3A_1109 = arith.constant 0 : index
              %swap3A_1110 = tpu.vector_load %arg9[%swap3A_1108, %swap3A_1109] {strides = array<i32>} : memref<264x128xf32, #tpu.memory_space<vmem>>, vector<16xf32>,
              tpu.vector_store %arg9[%swap3A_1108, %swap3A_1109], %add3A_515 {add = true, strides = array<i32>} : memref<264x128xf32, #tpu.memory_space<vmem>>, vector<16xf32>,
              %swap3A_1111 = arith.index_cast %cond3A_509#0 : i32 to index
              %swap3A_1112 = arith.constant 16 : index
              %swap3A_1113 = tpu.vector_load %arg9[%swap3A_1111, %swap3A_1112] {strides = array<i32>} : memref<264x128xf32, #tpu.memory_space<vmem>>, vector<16xf32>,
              tpu.vector_store %arg9[%swap3A_1111, %swap3A_1112], %add3A_521 {add = true, strides = array<i32>} : memref<264x128xf32, #tpu.memory_space<vmem>>, vector<16xf32>,
              %swap3A_1114 = arith.index_cast %cond3A_509#0 : i32 to index
              %swap3A_1115 = arith.constant 32 : index
              %swap3A_1116 = tpu.vector_load %arg9[%swap3A_1114, %swap3A_1115] {strides = array<i32>} : memref<264x128xf32, #tpu.memory_space<vmem>>, vector<16xf32>,
              tpu.vector_store %arg9[%swap3A_1114, %swap3A_1115], %add3A_527 {add = true, strides = array<i32>} : memref<264x128xf32, #tpu.memory_space<vmem>>, vector<16xf32>,
              %swap3A_1117 = arith.index_cast %cond3A_509#0 : i32 to index
              %swap3A_1118 = arith.constant 48 : index
              %swap3A_1119 = tpu.vector_load %arg9[%swap3A_1117, %swap3A_1118] {strides = array<i32>} : memref<264x128xf32, #tpu.memory_space<vmem>>, vector<16xf32>,
              tpu.vector_store %arg9[%swap3A_1117, %swap3A_1118], %add3A_533 {add = true, strides = array<i32>} : memref<264x128xf32, #tpu.memory_space<vmem>>, vector<16xf32>,
              %swap3A_1120 = arith.index_cast %cond3A_509#0 : i32 to index
              %swap3A_1121 = arith.constant 64 : index
              %swap3A_1122 = tpu.vector_load %arg9[%swap3A_1120, %swap3A_1121] {strides = array<i32>} : memref<264x128xf32, #tpu.memory_space<vmem>>, vector<16xf32>,
              tpu.vector_store %arg9[%swap3A_1120, %swap3A_1121], %add3A_539 {add = true, strides = array<i32>} : memref<264x128xf32, #tpu.memory_space<vmem>>, vector<16xf32>,
              %swap3A_1123 = arith.index_cast %cond3A_509#0 : i32 to index
              %swap3A_1124 = arith.constant 80 : index
              %swap3A_1125 = tpu.vector_load %arg9[%swap3A_1123, %swap3A_1124] {strides = array<i32>} : memref<264x128xf32, #tpu.memory_space<vmem>>, vector<16xf32>,
              tpu.vector_store %arg9[%swap3A_1123, %swap3A_1124], %add3A_545 {add = true, strides = array<i32>} : memref<264x128xf32, #tpu.memory_space<vmem>>, vector<16xf32>,
              %swap3A_1126 = arith.index_cast %cond3A_509#0 : i32 to index
              %swap3A_1127 = arith.constant 96 : index
              %swap3A_1128 = tpu.vector_load %arg9[%swap3A_1126, %swap3A_1127] {strides = array<i32>} : memref<264x128xf32, #tpu.memory_space<vmem>>, vector<16xf32>,
              tpu.vector_store %arg9[%swap3A_1126, %swap3A_1127], %add3A_551 {add = true, strides = array<i32>} : memref<264x128xf32, #tpu.memory_space<vmem>>, vector<16xf32>,
              %swap3A_1129 = arith.index_cast %cond3A_509#0 : i32 to index
              %swap3A_1130 = arith.constant 112 : index
              %swap3A_1131 = tpu.vector_load %arg9[%swap3A_1129, %swap3A_1130] {strides = array<i32>} : memref<264x128xf32, #tpu.memory_space<vmem>>, vector<16xf32>,
              tpu.vector_store %arg9[%swap3A_1129, %swap3A_1130], %add3A_557 {add = true, strides = array<i32>} : memref<264x128xf32, #tpu.memory_space<vmem>>, vector<16xf32>,
              scf.yield %squeeze3A_559, %broadcast_in_dim3A_25, %broadcast_in_dim3A_25, %broadcast_in_dim3A_25, %broadcast_in_dim3A_25, %broadcast_in_dim3A_25, %broadcast_in_dim3A_25, %broadcast_in_dim3A_25, %broadcast_in_dim3A_25 : i32, vector<16xf32>, vector<16xf32>, vector<16xf32>, vector<16xf32>, vector<16xf32>, vector<16xf32>, vector<16xf32>, vector<16xf32>
            } else {
              scf.yield %cond3A_509#0, %add3A_515, %add3A_521, %add3A_527, %add3A_533, %add3A_539, %add3A_545, %add3A_551, %add3A_557 : i32, vector<16xf32>, vector<16xf32>, vector<16xf32>, vector<16xf32>, vector<16xf32>, vector<16xf32>, vector<16xf32>, vector<16xf32>
            }
            %add3A_565 = arith.constant 6 : i32
            %add3A_566 = arith.addi %add3A_211, %add3A_565 : i32
            %get3A_567 = arith.index_cast %add3A_566 : i32 to index
            %get3A_568 = arith.constant 0 : index
            %get3A_569 = tpu.vector_load %arg7[%get3A_567, %get3A_568] {strides = array<i32>} : memref<640x128xf32, #tpu.memory_space<vmem>>, vector<16xf32>,
            %add3A_570 = arith.addf %cond3A_564#1, %get3A_569 : vector<16xf32>
            %add3A_571 = arith.constant 6 : i32
            %add3A_572 = arith.addi %add3A_211, %add3A_571 : i32
            %get3A_573 = arith.index_cast %add3A_572 : i32 to index
            %get3A_574 = arith.constant 16 : index
            %get3A_575 = tpu.vector_load %arg7[%get3A_573, %get3A_574] {strides = array<i32>} : memref<640x128xf32, #tpu.memory_space<vmem>>, vector<16xf32>,
            %add3A_576 = arith.addf %cond3A_564#2, %get3A_575 : vector<16xf32>
            %add3A_577 = arith.constant 6 : i32
            %add3A_578 = arith.addi %add3A_211, %add3A_577 : i32
            %get3A_579 = arith.index_cast %add3A_578 : i32 to index
            %get3A_580 = arith.constant 32 : index
            %get3A_581 = tpu.vector_load %arg7[%get3A_579, %get3A_580] {strides = array<i32>} : memref<640x128xf32, #tpu.memory_space<vmem>>, vector<16xf32>,
            %add3A_582 = arith.addf %cond3A_564#3, %get3A_581 : vector<16xf32>
            %add3A_583 = arith.constant 6 : i32
            %add3A_584 = arith.addi %add3A_211, %add3A_583 : i32
            %get3A_585 = arith.index_cast %add3A_584 : i32 to index
            %get3A_586 = arith.constant 48 : index
            %get3A_587 = tpu.vector_load %arg7[%get3A_585, %get3A_586] {strides = array<i32>} : memref<640x128xf32, #tpu.memory_space<vmem>>, vector<16xf32>,
            %add3A_588 = arith.addf %cond3A_564#4, %get3A_587 : vector<16xf32>
            %add3A_589 = arith.constant 6 : i32
            %add3A_590 = arith.addi %add3A_211, %add3A_589 : i32
            %get3A_591 = arith.index_cast %add3A_590 : i32 to index
            %get3A_592 = arith.constant 64 : index
            %get3A_593 = tpu.vector_load %arg7[%get3A_591, %get3A_592] {strides = array<i32>} : memref<640x128xf32, #tpu.memory_space<vmem>>, vector<16xf32>,
            %add3A_594 = arith.addf %cond3A_564#5, %get3A_593 : vector<16xf32>
            %add3A_595 = arith.constant 6 : i32
            %add3A_596 = arith.addi %add3A_211, %add3A_595 : i32
            %get3A_597 = arith.index_cast %add3A_596 : i32 to index
            %get3A_598 = arith.constant 80 : index
            %get3A_599 = tpu.vector_load %arg7[%get3A_597, %get3A_598] {strides = array<i32>} : memref<640x128xf32, #tpu.memory_space<vmem>>, vector<16xf32>,
            %add3A_600 = arith.addf %cond3A_564#6, %get3A_599 : vector<16xf32>
            %add3A_601 = arith.constant 6 : i32
            %add3A_602 = arith.addi %add3A_211, %add3A_601 : i32
            %get3A_603 = arith.index_cast %add3A_602 : i32 to index
            %get3A_604 = arith.constant 96 : index
            %get3A_605 = tpu.vector_load %arg7[%get3A_603, %get3A_604] {strides = array<i32>} : memref<640x128xf32, #tpu.memory_space<vmem>>, vector<16xf32>,
            %add3A_606 = arith.addf %cond3A_564#7, %get3A_605 : vector<16xf32>
            %add3A_607 = arith.constant 6 : i32
            %add3A_608 = arith.addi %add3A_211, %add3A_607 : i32
            %get3A_609 = arith.index_cast %add3A_608 : i32 to index
            %get3A_610 = arith.constant 112 : index
            %get3A_611 = tpu.vector_load %arg7[%get3A_609, %get3A_610] {strides = array<i32>} : memref<640x128xf32, #tpu.memory_space<vmem>>, vector<16xf32>,
            %add3A_612 = arith.addf %cond3A_564#8, %get3A_611 : vector<16xf32>
            %slice3A_613 = vector.extract_strided_slice %get3A_208 {offsets = [7], sizes = [1], strides = [1]} : vector<16xi32> to vector<1xi32>
            %squeeze3A_614 = vector.extract %slice3A_613[0] : i32 from vector<1xi32>
            %ne3A_615 = arith.cmpi ne, %squeeze3A_614, %cond3A_564#0 : i32
            %convert_element_type3A_616 = arith.extui %ne3A_615 : i1 to i32
            %cond3A_617 = arith.constant 0 : i32
            %cond3A_618 = arith.cmpi ne, %convert_element_type3A_616, %cond3A_617 : i32
            %cond3A_619:9 = scf.if %cond3A_618 -> (i32, vector<16xf32>, vector<16xf32>, vector<16xf32>, vector<16xf32>, vector<16xf32>, vector<16xf32>, vector<16xf32>, vector<16xf32>) {
              %swap3A_1108 = arith.index_cast %cond3A_564#0 : i32 to index
              %swap3A_1109 = arith.constant 0 : index
              %swap3A_1110 = tpu.vector_load %arg9[%swap3A_1108, %swap3A_1109] {strides = array<i32>} : memref<264x128xf32, #tpu.memory_space<vmem>>, vector<16xf32>,
              tpu.vector_store %arg9[%swap3A_1108, %swap3A_1109], %add3A_570 {add = true, strides = array<i32>} : memref<264x128xf32, #tpu.memory_space<vmem>>, vector<16xf32>,
              %swap3A_1111 = arith.index_cast %cond3A_564#0 : i32 to index
              %swap3A_1112 = arith.constant 16 : index
              %swap3A_1113 = tpu.vector_load %arg9[%swap3A_1111, %swap3A_1112] {strides = array<i32>} : memref<264x128xf32, #tpu.memory_space<vmem>>, vector<16xf32>,
              tpu.vector_store %arg9[%swap3A_1111, %swap3A_1112], %add3A_576 {add = true, strides = array<i32>} : memref<264x128xf32, #tpu.memory_space<vmem>>, vector<16xf32>,
              %swap3A_1114 = arith.index_cast %cond3A_564#0 : i32 to index
              %swap3A_1115 = arith.constant 32 : index
              %swap3A_1116 = tpu.vector_load %arg9[%swap3A_1114, %swap3A_1115] {strides = array<i32>} : memref<264x128xf32, #tpu.memory_space<vmem>>, vector<16xf32>,
              tpu.vector_store %arg9[%swap3A_1114, %swap3A_1115], %add3A_582 {add = true, strides = array<i32>} : memref<264x128xf32, #tpu.memory_space<vmem>>, vector<16xf32>,
              %swap3A_1117 = arith.index_cast %cond3A_564#0 : i32 to index
              %swap3A_1118 = arith.constant 48 : index
              %swap3A_1119 = tpu.vector_load %arg9[%swap3A_1117, %swap3A_1118] {strides = array<i32>} : memref<264x128xf32, #tpu.memory_space<vmem>>, vector<16xf32>,
              tpu.vector_store %arg9[%swap3A_1117, %swap3A_1118], %add3A_588 {add = true, strides = array<i32>} : memref<264x128xf32, #tpu.memory_space<vmem>>, vector<16xf32>,
              %swap3A_1120 = arith.index_cast %cond3A_564#0 : i32 to index
              %swap3A_1121 = arith.constant 64 : index
              %swap3A_1122 = tpu.vector_load %arg9[%swap3A_1120, %swap3A_1121] {strides = array<i32>} : memref<264x128xf32, #tpu.memory_space<vmem>>, vector<16xf32>,
              tpu.vector_store %arg9[%swap3A_1120, %swap3A_1121], %add3A_594 {add = true, strides = array<i32>} : memref<264x128xf32, #tpu.memory_space<vmem>>, vector<16xf32>,
              %swap3A_1123 = arith.index_cast %cond3A_564#0 : i32 to index
              %swap3A_1124 = arith.constant 80 : index
              %swap3A_1125 = tpu.vector_load %arg9[%swap3A_1123, %swap3A_1124] {strides = array<i32>} : memref<264x128xf32, #tpu.memory_space<vmem>>, vector<16xf32>,
              tpu.vector_store %arg9[%swap3A_1123, %swap3A_1124], %add3A_600 {add = true, strides = array<i32>} : memref<264x128xf32, #tpu.memory_space<vmem>>, vector<16xf32>,
              %swap3A_1126 = arith.index_cast %cond3A_564#0 : i32 to index
              %swap3A_1127 = arith.constant 96 : index
              %swap3A_1128 = tpu.vector_load %arg9[%swap3A_1126, %swap3A_1127] {strides = array<i32>} : memref<264x128xf32, #tpu.memory_space<vmem>>, vector<16xf32>,
              tpu.vector_store %arg9[%swap3A_1126, %swap3A_1127], %add3A_606 {add = true, strides = array<i32>} : memref<264x128xf32, #tpu.memory_space<vmem>>, vector<16xf32>,
              %swap3A_1129 = arith.index_cast %cond3A_564#0 : i32 to index
              %swap3A_1130 = arith.constant 112 : index
              %swap3A_1131 = tpu.vector_load %arg9[%swap3A_1129, %swap3A_1130] {strides = array<i32>} : memref<264x128xf32, #tpu.memory_space<vmem>>, vector<16xf32>,
              tpu.vector_store %arg9[%swap3A_1129, %swap3A_1130], %add3A_612 {add = true, strides = array<i32>} : memref<264x128xf32, #tpu.memory_space<vmem>>, vector<16xf32>,
              scf.yield %squeeze3A_614, %broadcast_in_dim3A_25, %broadcast_in_dim3A_25, %broadcast_in_dim3A_25, %broadcast_in_dim3A_25, %broadcast_in_dim3A_25, %broadcast_in_dim3A_25, %broadcast_in_dim3A_25, %broadcast_in_dim3A_25 : i32, vector<16xf32>, vector<16xf32>, vector<16xf32>, vector<16xf32>, vector<16xf32>, vector<16xf32>, vector<16xf32>, vector<16xf32>
            } else {
              scf.yield %cond3A_564#0, %add3A_570, %add3A_576, %add3A_582, %add3A_588, %add3A_594, %add3A_600, %add3A_606, %add3A_612 : i32, vector<16xf32>, vector<16xf32>, vector<16xf32>, vector<16xf32>, vector<16xf32>, vector<16xf32>, vector<16xf32>, vector<16xf32>
            }
            %add3A_620 = arith.constant 7 : i32
            %add3A_621 = arith.addi %add3A_211, %add3A_620 : i32
            %get3A_622 = arith.index_cast %add3A_621 : i32 to index
            %get3A_623 = arith.constant 0 : index
            %get3A_624 = tpu.vector_load %arg7[%get3A_622, %get3A_623] {strides = array<i32>} : memref<640x128xf32, #tpu.memory_space<vmem>>, vector<16xf32>,
            %add3A_625 = arith.addf %cond3A_619#1, %get3A_624 : vector<16xf32>
            %add3A_626 = arith.constant 7 : i32
            %add3A_627 = arith.addi %add3A_211, %add3A_626 : i32
            %get3A_628 = arith.index_cast %add3A_627 : i32 to index
            %get3A_629 = arith.constant 16 : index
            %get3A_630 = tpu.vector_load %arg7[%get3A_628, %get3A_629] {strides = array<i32>} : memref<640x128xf32, #tpu.memory_space<vmem>>, vector<16xf32>,
            %add3A_631 = arith.addf %cond3A_619#2, %get3A_630 : vector<16xf32>
            %add3A_632 = arith.constant 7 : i32
            %add3A_633 = arith.addi %add3A_211, %add3A_632 : i32
            %get3A_634 = arith.index_cast %add3A_633 : i32 to index
            %get3A_635 = arith.constant 32 : index
            %get3A_636 = tpu.vector_load %arg7[%get3A_634, %get3A_635] {strides = array<i32>} : memref<640x128xf32, #tpu.memory_space<vmem>>, vector<16xf32>,
            %add3A_637 = arith.addf %cond3A_619#3, %get3A_636 : vector<16xf32>
            %add3A_638 = arith.constant 7 : i32
            %add3A_639 = arith.addi %add3A_211, %add3A_638 : i32
            %get3A_640 = arith.index_cast %add3A_639 : i32 to index
            %get3A_641 = arith.constant 48 : index
            %get3A_642 = tpu.vector_load %arg7[%get3A_640, %get3A_641] {strides = array<i32>} : memref<640x128xf32, #tpu.memory_space<vmem>>, vector<16xf32>,
            %add3A_643 = arith.addf %cond3A_619#4, %get3A_642 : vector<16xf32>
            %add3A_644 = arith.constant 7 : i32
            %add3A_645 = arith.addi %add3A_211, %add3A_644 : i32
            %get3A_646 = arith.index_cast %add3A_645 : i32 to index
            %get3A_647 = arith.constant 64 : index
            %get3A_648 = tpu.vector_load %arg7[%get3A_646, %get3A_647] {strides = array<i32>} : memref<640x128xf32, #tpu.memory_space<vmem>>, vector<16xf32>,
            %add3A_649 = arith.addf %cond3A_619#5, %get3A_648 : vector<16xf32>
            %add3A_650 = arith.constant 7 : i32
            %add3A_651 = arith.addi %add3A_211, %add3A_650 : i32
            %get3A_652 = arith.index_cast %add3A_651 : i32 to index
            %get3A_653 = arith.constant 80 : index
            %get3A_654 = tpu.vector_load %arg7[%get3A_652, %get3A_653] {strides = array<i32>} : memref<640x128xf32, #tpu.memory_space<vmem>>, vector<16xf32>,
            %add3A_655 = arith.addf %cond3A_619#6, %get3A_654 : vector<16xf32>
            %add3A_656 = arith.constant 7 : i32
            %add3A_657 = arith.addi %add3A_211, %add3A_656 : i32
            %get3A_658 = arith.index_cast %add3A_657 : i32 to index
            %get3A_659 = arith.constant 96 : index
            %get3A_660 = tpu.vector_load %arg7[%get3A_658, %get3A_659] {strides = array<i32>} : memref<640x128xf32, #tpu.memory_space<vmem>>, vector<16xf32>,
            %add3A_661 = arith.addf %cond3A_619#7, %get3A_660 : vector<16xf32>
            %add3A_662 = arith.constant 7 : i32
            %add3A_663 = arith.addi %add3A_211, %add3A_662 : i32
            %get3A_664 = arith.index_cast %add3A_663 : i32 to index
            %get3A_665 = arith.constant 112 : index
            %get3A_666 = tpu.vector_load %arg7[%get3A_664, %get3A_665] {strides = array<i32>} : memref<640x128xf32, #tpu.memory_space<vmem>>, vector<16xf32>,
            %add3A_667 = arith.addf %cond3A_619#8, %get3A_666 : vector<16xf32>
            %slice3A_668 = vector.extract_strided_slice %get3A_208 {offsets = [8], sizes = [1], strides = [1]} : vector<16xi32> to vector<1xi32>
            %squeeze3A_669 = vector.extract %slice3A_668[0] : i32 from vector<1xi32>
            %ne3A_670 = arith.cmpi ne, %squeeze3A_669, %cond3A_619#0 : i32
            %convert_element_type3A_671 = arith.extui %ne3A_670 : i1 to i32
            %cond3A_672 = arith.constant 0 : i32
            %cond3A_673 = arith.cmpi ne, %convert_element_type3A_671, %cond3A_672 : i32
            %cond3A_674:9 = scf.if %cond3A_673 -> (i32, vector<16xf32>, vector<16xf32>, vector<16xf32>, vector<16xf32>, vector<16xf32>, vector<16xf32>, vector<16xf32>, vector<16xf32>) {
              %swap3A_1108 = arith.index_cast %cond3A_619#0 : i32 to index
              %swap3A_1109 = arith.constant 0 : index
              %swap3A_1110 = tpu.vector_load %arg9[%swap3A_1108, %swap3A_1109] {strides = array<i32>} : memref<264x128xf32, #tpu.memory_space<vmem>>, vector<16xf32>,
              tpu.vector_store %arg9[%swap3A_1108, %swap3A_1109], %add3A_625 {add = true, strides = array<i32>} : memref<264x128xf32, #tpu.memory_space<vmem>>, vector<16xf32>,
              %swap3A_1111 = arith.index_cast %cond3A_619#0 : i32 to index
              %swap3A_1112 = arith.constant 16 : index
              %swap3A_1113 = tpu.vector_load %arg9[%swap3A_1111, %swap3A_1112] {strides = array<i32>} : memref<264x128xf32, #tpu.memory_space<vmem>>, vector<16xf32>,
              tpu.vector_store %arg9[%swap3A_1111, %swap3A_1112], %add3A_631 {add = true, strides = array<i32>} : memref<264x128xf32, #tpu.memory_space<vmem>>, vector<16xf32>,
              %swap3A_1114 = arith.index_cast %cond3A_619#0 : i32 to index
              %swap3A_1115 = arith.constant 32 : index
              %swap3A_1116 = tpu.vector_load %arg9[%swap3A_1114, %swap3A_1115] {strides = array<i32>} : memref<264x128xf32, #tpu.memory_space<vmem>>, vector<16xf32>,
              tpu.vector_store %arg9[%swap3A_1114, %swap3A_1115], %add3A_637 {add = true, strides = array<i32>} : memref<264x128xf32, #tpu.memory_space<vmem>>, vector<16xf32>,
              %swap3A_1117 = arith.index_cast %cond3A_619#0 : i32 to index
              %swap3A_1118 = arith.constant 48 : index
              %swap3A_1119 = tpu.vector_load %arg9[%swap3A_1117, %swap3A_1118] {strides = array<i32>} : memref<264x128xf32, #tpu.memory_space<vmem>>, vector<16xf32>,
              tpu.vector_store %arg9[%swap3A_1117, %swap3A_1118], %add3A_643 {add = true, strides = array<i32>} : memref<264x128xf32, #tpu.memory_space<vmem>>, vector<16xf32>,
              %swap3A_1120 = arith.index_cast %cond3A_619#0 : i32 to index
              %swap3A_1121 = arith.constant 64 : index
              %swap3A_1122 = tpu.vector_load %arg9[%swap3A_1120, %swap3A_1121] {strides = array<i32>} : memref<264x128xf32, #tpu.memory_space<vmem>>, vector<16xf32>,
              tpu.vector_store %arg9[%swap3A_1120, %swap3A_1121], %add3A_649 {add = true, strides = array<i32>} : memref<264x128xf32, #tpu.memory_space<vmem>>, vector<16xf32>,
              %swap3A_1123 = arith.index_cast %cond3A_619#0 : i32 to index
              %swap3A_1124 = arith.constant 80 : index
              %swap3A_1125 = tpu.vector_load %arg9[%swap3A_1123, %swap3A_1124] {strides = array<i32>} : memref<264x128xf32, #tpu.memory_space<vmem>>, vector<16xf32>,
              tpu.vector_store %arg9[%swap3A_1123, %swap3A_1124], %add3A_655 {add = true, strides = array<i32>} : memref<264x128xf32, #tpu.memory_space<vmem>>, vector<16xf32>,
              %swap3A_1126 = arith.index_cast %cond3A_619#0 : i32 to index
              %swap3A_1127 = arith.constant 96 : index
              %swap3A_1128 = tpu.vector_load %arg9[%swap3A_1126, %swap3A_1127] {strides = array<i32>} : memref<264x128xf32, #tpu.memory_space<vmem>>, vector<16xf32>,
              tpu.vector_store %arg9[%swap3A_1126, %swap3A_1127], %add3A_661 {add = true, strides = array<i32>} : memref<264x128xf32, #tpu.memory_space<vmem>>, vector<16xf32>,
              %swap3A_1129 = arith.index_cast %cond3A_619#0 : i32 to index
              %swap3A_1130 = arith.constant 112 : index
              %swap3A_1131 = tpu.vector_load %arg9[%swap3A_1129, %swap3A_1130] {strides = array<i32>} : memref<264x128xf32, #tpu.memory_space<vmem>>, vector<16xf32>,
              tpu.vector_store %arg9[%swap3A_1129, %swap3A_1130], %add3A_667 {add = true, strides = array<i32>} : memref<264x128xf32, #tpu.memory_space<vmem>>, vector<16xf32>,
              scf.yield %squeeze3A_669, %broadcast_in_dim3A_25, %broadcast_in_dim3A_25, %broadcast_in_dim3A_25, %broadcast_in_dim3A_25, %broadcast_in_dim3A_25, %broadcast_in_dim3A_25, %broadcast_in_dim3A_25, %broadcast_in_dim3A_25 : i32, vector<16xf32>, vector<16xf32>, vector<16xf32>, vector<16xf32>, vector<16xf32>, vector<16xf32>, vector<16xf32>, vector<16xf32>
            } else {
              scf.yield %cond3A_619#0, %add3A_625, %add3A_631, %add3A_637, %add3A_643, %add3A_649, %add3A_655, %add3A_661, %add3A_667 : i32, vector<16xf32>, vector<16xf32>, vector<16xf32>, vector<16xf32>, vector<16xf32>, vector<16xf32>, vector<16xf32>, vector<16xf32>
            }
            %add3A_675 = arith.constant 8 : i32
            %add3A_676 = arith.addi %add3A_211, %add3A_675 : i32
            %get3A_677 = arith.index_cast %add3A_676 : i32 to index
            %get3A_678 = arith.constant 0 : index
            %get3A_679 = tpu.vector_load %arg7[%get3A_677, %get3A_678] {strides = array<i32>} : memref<640x128xf32, #tpu.memory_space<vmem>>, vector<16xf32>,
            %add3A_680 = arith.addf %cond3A_674#1, %get3A_679 : vector<16xf32>
            %add3A_681 = arith.constant 8 : i32
            %add3A_682 = arith.addi %add3A_211, %add3A_681 : i32
            %get3A_683 = arith.index_cast %add3A_682 : i32 to index
            %get3A_684 = arith.constant 16 : index
            %get3A_685 = tpu.vector_load %arg7[%get3A_683, %get3A_684] {strides = array<i32>} : memref<640x128xf32, #tpu.memory_space<vmem>>, vector<16xf32>,
            %add3A_686 = arith.addf %cond3A_674#2, %get3A_685 : vector<16xf32>
            %add3A_687 = arith.constant 8 : i32
            %add3A_688 = arith.addi %add3A_211, %add3A_687 : i32
            %get3A_689 = arith.index_cast %add3A_688 : i32 to index
            %get3A_690 = arith.constant 32 : index
            %get3A_691 = tpu.vector_load %arg7[%get3A_689, %get3A_690] {strides = array<i32>} : memref<640x128xf32, #tpu.memory_space<vmem>>, vector<16xf32>,
            %add3A_692 = arith.addf %cond3A_674#3, %get3A_691 : vector<16xf32>
            %add3A_693 = arith.constant 8 : i32
            %add3A_694 = arith.addi %add3A_211, %add3A_693 : i32
            %get3A_695 = arith.index_cast %add3A_694 : i32 to index
            %get3A_696 = arith.constant 48 : index
            %get3A_697 = tpu.vector_load %arg7[%get3A_695, %get3A_696] {strides = array<i32>} : memref<640x128xf32, #tpu.memory_space<vmem>>, vector<16xf32>,
            %add3A_698 = arith.addf %cond3A_674#4, %get3A_697 : vector<16xf32>
            %add3A_699 = arith.constant 8 : i32
            %add3A_700 = arith.addi %add3A_211, %add3A_699 : i32
            %get3A_701 = arith.index_cast %add3A_700 : i32 to index
            %get3A_702 = arith.constant 64 : index
            %get3A_703 = tpu.vector_load %arg7[%get3A_701, %get3A_702] {strides = array<i32>} : memref<640x128xf32, #tpu.memory_space<vmem>>, vector<16xf32>,
            %add3A_704 = arith.addf %cond3A_674#5, %get3A_703 : vector<16xf32>
            %add3A_705 = arith.constant 8 : i32
            %add3A_706 = arith.addi %add3A_211, %add3A_705 : i32
            %get3A_707 = arith.index_cast %add3A_706 : i32 to index
            %get3A_708 = arith.constant 80 : index
            %get3A_709 = tpu.vector_load %arg7[%get3A_707, %get3A_708] {strides = array<i32>} : memref<640x128xf32, #tpu.memory_space<vmem>>, vector<16xf32>,
            %add3A_710 = arith.addf %cond3A_674#6, %get3A_709 : vector<16xf32>
            %add3A_711 = arith.constant 8 : i32
            %add3A_712 = arith.addi %add3A_211, %add3A_711 : i32
            %get3A_713 = arith.index_cast %add3A_712 : i32 to index
            %get3A_714 = arith.constant 96 : index
            %get3A_715 = tpu.vector_load %arg7[%get3A_713, %get3A_714] {strides = array<i32>} : memref<640x128xf32, #tpu.memory_space<vmem>>, vector<16xf32>,
            %add3A_716 = arith.addf %cond3A_674#7, %get3A_715 : vector<16xf32>
            %add3A_717 = arith.constant 8 : i32
            %add3A_718 = arith.addi %add3A_211, %add3A_717 : i32
            %get3A_719 = arith.index_cast %add3A_718 : i32 to index
            %get3A_720 = arith.constant 112 : index
            %get3A_721 = tpu.vector_load %arg7[%get3A_719, %get3A_720] {strides = array<i32>} : memref<640x128xf32, #tpu.memory_space<vmem>>, vector<16xf32>,
            %add3A_722 = arith.addf %cond3A_674#8, %get3A_721 : vector<16xf32>
            %slice3A_723 = vector.extract_strided_slice %get3A_208 {offsets = [9], sizes = [1], strides = [1]} : vector<16xi32> to vector<1xi32>
            %squeeze3A_724 = vector.extract %slice3A_723[0] : i32 from vector<1xi32>
            %ne3A_725 = arith.cmpi ne, %squeeze3A_724, %cond3A_674#0 : i32
            %convert_element_type3A_726 = arith.extui %ne3A_725 : i1 to i32
            %cond3A_727 = arith.constant 0 : i32
            %cond3A_728 = arith.cmpi ne, %convert_element_type3A_726, %cond3A_727 : i32
            %cond3A_729:9 = scf.if %cond3A_728 -> (i32, vector<16xf32>, vector<16xf32>, vector<16xf32>, vector<16xf32>, vector<16xf32>, vector<16xf32>, vector<16xf32>, vector<16xf32>) {
              %swap3A_1108 = arith.index_cast %cond3A_674#0 : i32 to index
              %swap3A_1109 = arith.constant 0 : index
              %swap3A_1110 = tpu.vector_load %arg9[%swap3A_1108, %swap3A_1109] {strides = array<i32>} : memref<264x128xf32, #tpu.memory_space<vmem>>, vector<16xf32>,
              tpu.vector_store %arg9[%swap3A_1108, %swap3A_1109], %add3A_680 {add = true, strides = array<i32>} : memref<264x128xf32, #tpu.memory_space<vmem>>, vector<16xf32>,
              %swap3A_1111 = arith.index_cast %cond3A_674#0 : i32 to index
              %swap3A_1112 = arith.constant 16 : index
              %swap3A_1113 = tpu.vector_load %arg9[%swap3A_1111, %swap3A_1112] {strides = array<i32>} : memref<264x128xf32, #tpu.memory_space<vmem>>, vector<16xf32>,
              tpu.vector_store %arg9[%swap3A_1111, %swap3A_1112], %add3A_686 {add = true, strides = array<i32>} : memref<264x128xf32, #tpu.memory_space<vmem>>, vector<16xf32>,
              %swap3A_1114 = arith.index_cast %cond3A_674#0 : i32 to index
              %swap3A_1115 = arith.constant 32 : index
              %swap3A_1116 = tpu.vector_load %arg9[%swap3A_1114, %swap3A_1115] {strides = array<i32>} : memref<264x128xf32, #tpu.memory_space<vmem>>, vector<16xf32>,
              tpu.vector_store %arg9[%swap3A_1114, %swap3A_1115], %add3A_692 {add = true, strides = array<i32>} : memref<264x128xf32, #tpu.memory_space<vmem>>, vector<16xf32>,
              %swap3A_1117 = arith.index_cast %cond3A_674#0 : i32 to index
              %swap3A_1118 = arith.constant 48 : index
              %swap3A_1119 = tpu.vector_load %arg9[%swap3A_1117, %swap3A_1118] {strides = array<i32>} : memref<264x128xf32, #tpu.memory_space<vmem>>, vector<16xf32>,
              tpu.vector_store %arg9[%swap3A_1117, %swap3A_1118], %add3A_698 {add = true, strides = array<i32>} : memref<264x128xf32, #tpu.memory_space<vmem>>, vector<16xf32>,
              %swap3A_1120 = arith.index_cast %cond3A_674#0 : i32 to index
              %swap3A_1121 = arith.constant 64 : index
              %swap3A_1122 = tpu.vector_load %arg9[%swap3A_1120, %swap3A_1121] {strides = array<i32>} : memref<264x128xf32, #tpu.memory_space<vmem>>, vector<16xf32>,
              tpu.vector_store %arg9[%swap3A_1120, %swap3A_1121], %add3A_704 {add = true, strides = array<i32>} : memref<264x128xf32, #tpu.memory_space<vmem>>, vector<16xf32>,
              %swap3A_1123 = arith.index_cast %cond3A_674#0 : i32 to index
              %swap3A_1124 = arith.constant 80 : index
              %swap3A_1125 = tpu.vector_load %arg9[%swap3A_1123, %swap3A_1124] {strides = array<i32>} : memref<264x128xf32, #tpu.memory_space<vmem>>, vector<16xf32>,
              tpu.vector_store %arg9[%swap3A_1123, %swap3A_1124], %add3A_710 {add = true, strides = array<i32>} : memref<264x128xf32, #tpu.memory_space<vmem>>, vector<16xf32>,
              %swap3A_1126 = arith.index_cast %cond3A_674#0 : i32 to index
              %swap3A_1127 = arith.constant 96 : index
              %swap3A_1128 = tpu.vector_load %arg9[%swap3A_1126, %swap3A_1127] {strides = array<i32>} : memref<264x128xf32, #tpu.memory_space<vmem>>, vector<16xf32>,
              tpu.vector_store %arg9[%swap3A_1126, %swap3A_1127], %add3A_716 {add = true, strides = array<i32>} : memref<264x128xf32, #tpu.memory_space<vmem>>, vector<16xf32>,
              %swap3A_1129 = arith.index_cast %cond3A_674#0 : i32 to index
              %swap3A_1130 = arith.constant 112 : index
              %swap3A_1131 = tpu.vector_load %arg9[%swap3A_1129, %swap3A_1130] {strides = array<i32>} : memref<264x128xf32, #tpu.memory_space<vmem>>, vector<16xf32>,
              tpu.vector_store %arg9[%swap3A_1129, %swap3A_1130], %add3A_722 {add = true, strides = array<i32>} : memref<264x128xf32, #tpu.memory_space<vmem>>, vector<16xf32>,
              scf.yield %squeeze3A_724, %broadcast_in_dim3A_25, %broadcast_in_dim3A_25, %broadcast_in_dim3A_25, %broadcast_in_dim3A_25, %broadcast_in_dim3A_25, %broadcast_in_dim3A_25, %broadcast_in_dim3A_25, %broadcast_in_dim3A_25 : i32, vector<16xf32>, vector<16xf32>, vector<16xf32>, vector<16xf32>, vector<16xf32>, vector<16xf32>, vector<16xf32>, vector<16xf32>
            } else {
              scf.yield %cond3A_674#0, %add3A_680, %add3A_686, %add3A_692, %add3A_698, %add3A_704, %add3A_710, %add3A_716, %add3A_722 : i32, vector<16xf32>, vector<16xf32>, vector<16xf32>, vector<16xf32>, vector<16xf32>, vector<16xf32>, vector<16xf32>, vector<16xf32>
            }
            %add3A_730 = arith.constant 9 : i32
            %add3A_731 = arith.addi %add3A_211, %add3A_730 : i32
            %get3A_732 = arith.index_cast %add3A_731 : i32 to index
            %get3A_733 = arith.constant 0 : index
            %get3A_734 = tpu.vector_load %arg7[%get3A_732, %get3A_733] {strides = array<i32>} : memref<640x128xf32, #tpu.memory_space<vmem>>, vector<16xf32>,
            %add3A_735 = arith.addf %cond3A_729#1, %get3A_734 : vector<16xf32>
            %add3A_736 = arith.constant 9 : i32
            %add3A_737 = arith.addi %add3A_211, %add3A_736 : i32
            %get3A_738 = arith.index_cast %add3A_737 : i32 to index
            %get3A_739 = arith.constant 16 : index
            %get3A_740 = tpu.vector_load %arg7[%get3A_738, %get3A_739] {strides = array<i32>} : memref<640x128xf32, #tpu.memory_space<vmem>>, vector<16xf32>,
            %add3A_741 = arith.addf %cond3A_729#2, %get3A_740 : vector<16xf32>
            %add3A_742 = arith.constant 9 : i32
            %add3A_743 = arith.addi %add3A_211, %add3A_742 : i32
            %get3A_744 = arith.index_cast %add3A_743 : i32 to index
            %get3A_745 = arith.constant 32 : index
            %get3A_746 = tpu.vector_load %arg7[%get3A_744, %get3A_745] {strides = array<i32>} : memref<640x128xf32, #tpu.memory_space<vmem>>, vector<16xf32>,
            %add3A_747 = arith.addf %cond3A_729#3, %get3A_746 : vector<16xf32>
            %add3A_748 = arith.constant 9 : i32
            %add3A_749 = arith.addi %add3A_211, %add3A_748 : i32
            %get3A_750 = arith.index_cast %add3A_749 : i32 to index
            %get3A_751 = arith.constant 48 : index
            %get3A_752 = tpu.vector_load %arg7[%get3A_750, %get3A_751] {strides = array<i32>} : memref<640x128xf32, #tpu.memory_space<vmem>>, vector<16xf32>,
            %add3A_753 = arith.addf %cond3A_729#4, %get3A_752 : vector<16xf32>
            %add3A_754 = arith.constant 9 : i32
            %add3A_755 = arith.addi %add3A_211, %add3A_754 : i32
            %get3A_756 = arith.index_cast %add3A_755 : i32 to index
            %get3A_757 = arith.constant 64 : index
            %get3A_758 = tpu.vector_load %arg7[%get3A_756, %get3A_757] {strides = array<i32>} : memref<640x128xf32, #tpu.memory_space<vmem>>, vector<16xf32>,
            %add3A_759 = arith.addf %cond3A_729#5, %get3A_758 : vector<16xf32>
            %add3A_760 = arith.constant 9 : i32
            %add3A_761 = arith.addi %add3A_211, %add3A_760 : i32
            %get3A_762 = arith.index_cast %add3A_761 : i32 to index
            %get3A_763 = arith.constant 80 : index
            %get3A_764 = tpu.vector_load %arg7[%get3A_762, %get3A_763] {strides = array<i32>} : memref<640x128xf32, #tpu.memory_space<vmem>>, vector<16xf32>,
            %add3A_765 = arith.addf %cond3A_729#6, %get3A_764 : vector<16xf32>
            %add3A_766 = arith.constant 9 : i32
            %add3A_767 = arith.addi %add3A_211, %add3A_766 : i32
            %get3A_768 = arith.index_cast %add3A_767 : i32 to index
            %get3A_769 = arith.constant 96 : index
            %get3A_770 = tpu.vector_load %arg7[%get3A_768, %get3A_769] {strides = array<i32>} : memref<640x128xf32, #tpu.memory_space<vmem>>, vector<16xf32>,
            %add3A_771 = arith.addf %cond3A_729#7, %get3A_770 : vector<16xf32>
            %add3A_772 = arith.constant 9 : i32
            %add3A_773 = arith.addi %add3A_211, %add3A_772 : i32
            %get3A_774 = arith.index_cast %add3A_773 : i32 to index
            %get3A_775 = arith.constant 112 : index
            %get3A_776 = tpu.vector_load %arg7[%get3A_774, %get3A_775] {strides = array<i32>} : memref<640x128xf32, #tpu.memory_space<vmem>>, vector<16xf32>,
            %add3A_777 = arith.addf %cond3A_729#8, %get3A_776 : vector<16xf32>
            %slice3A_778 = vector.extract_strided_slice %get3A_208 {offsets = [10], sizes = [1], strides = [1]} : vector<16xi32> to vector<1xi32>
            %squeeze3A_779 = vector.extract %slice3A_778[0] : i32 from vector<1xi32>
            %ne3A_780 = arith.cmpi ne, %squeeze3A_779, %cond3A_729#0 : i32
            %convert_element_type3A_781 = arith.extui %ne3A_780 : i1 to i32
            %cond3A_782 = arith.constant 0 : i32
            %cond3A_783 = arith.cmpi ne, %convert_element_type3A_781, %cond3A_782 : i32
            %cond3A_784:9 = scf.if %cond3A_783 -> (i32, vector<16xf32>, vector<16xf32>, vector<16xf32>, vector<16xf32>, vector<16xf32>, vector<16xf32>, vector<16xf32>, vector<16xf32>) {
              %swap3A_1108 = arith.index_cast %cond3A_729#0 : i32 to index
              %swap3A_1109 = arith.constant 0 : index
              %swap3A_1110 = tpu.vector_load %arg9[%swap3A_1108, %swap3A_1109] {strides = array<i32>} : memref<264x128xf32, #tpu.memory_space<vmem>>, vector<16xf32>,
              tpu.vector_store %arg9[%swap3A_1108, %swap3A_1109], %add3A_735 {add = true, strides = array<i32>} : memref<264x128xf32, #tpu.memory_space<vmem>>, vector<16xf32>,
              %swap3A_1111 = arith.index_cast %cond3A_729#0 : i32 to index
              %swap3A_1112 = arith.constant 16 : index
              %swap3A_1113 = tpu.vector_load %arg9[%swap3A_1111, %swap3A_1112] {strides = array<i32>} : memref<264x128xf32, #tpu.memory_space<vmem>>, vector<16xf32>,
              tpu.vector_store %arg9[%swap3A_1111, %swap3A_1112], %add3A_741 {add = true, strides = array<i32>} : memref<264x128xf32, #tpu.memory_space<vmem>>, vector<16xf32>,
              %swap3A_1114 = arith.index_cast %cond3A_729#0 : i32 to index
              %swap3A_1115 = arith.constant 32 : index
              %swap3A_1116 = tpu.vector_load %arg9[%swap3A_1114, %swap3A_1115] {strides = array<i32>} : memref<264x128xf32, #tpu.memory_space<vmem>>, vector<16xf32>,
              tpu.vector_store %arg9[%swap3A_1114, %swap3A_1115], %add3A_747 {add = true, strides = array<i32>} : memref<264x128xf32, #tpu.memory_space<vmem>>, vector<16xf32>,
              %swap3A_1117 = arith.index_cast %cond3A_729#0 : i32 to index
              %swap3A_1118 = arith.constant 48 : index
              %swap3A_1119 = tpu.vector_load %arg9[%swap3A_1117, %swap3A_1118] {strides = array<i32>} : memref<264x128xf32, #tpu.memory_space<vmem>>, vector<16xf32>,
              tpu.vector_store %arg9[%swap3A_1117, %swap3A_1118], %add3A_753 {add = true, strides = array<i32>} : memref<264x128xf32, #tpu.memory_space<vmem>>, vector<16xf32>,
              %swap3A_1120 = arith.index_cast %cond3A_729#0 : i32 to index
              %swap3A_1121 = arith.constant 64 : index
              %swap3A_1122 = tpu.vector_load %arg9[%swap3A_1120, %swap3A_1121] {strides = array<i32>} : memref<264x128xf32, #tpu.memory_space<vmem>>, vector<16xf32>,
              tpu.vector_store %arg9[%swap3A_1120, %swap3A_1121], %add3A_759 {add = true, strides = array<i32>} : memref<264x128xf32, #tpu.memory_space<vmem>>, vector<16xf32>,
              %swap3A_1123 = arith.index_cast %cond3A_729#0 : i32 to index
              %swap3A_1124 = arith.constant 80 : index
              %swap3A_1125 = tpu.vector_load %arg9[%swap3A_1123, %swap3A_1124] {strides = array<i32>} : memref<264x128xf32, #tpu.memory_space<vmem>>, vector<16xf32>,
              tpu.vector_store %arg9[%swap3A_1123, %swap3A_1124], %add3A_765 {add = true, strides = array<i32>} : memref<264x128xf32, #tpu.memory_space<vmem>>, vector<16xf32>,
              %swap3A_1126 = arith.index_cast %cond3A_729#0 : i32 to index
              %swap3A_1127 = arith.constant 96 : index
              %swap3A_1128 = tpu.vector_load %arg9[%swap3A_1126, %swap3A_1127] {strides = array<i32>} : memref<264x128xf32, #tpu.memory_space<vmem>>, vector<16xf32>,
              tpu.vector_store %arg9[%swap3A_1126, %swap3A_1127], %add3A_771 {add = true, strides = array<i32>} : memref<264x128xf32, #tpu.memory_space<vmem>>, vector<16xf32>,
              %swap3A_1129 = arith.index_cast %cond3A_729#0 : i32 to index
              %swap3A_1130 = arith.constant 112 : index
              %swap3A_1131 = tpu.vector_load %arg9[%swap3A_1129, %swap3A_1130] {strides = array<i32>} : memref<264x128xf32, #tpu.memory_space<vmem>>, vector<16xf32>,
              tpu.vector_store %arg9[%swap3A_1129, %swap3A_1130], %add3A_777 {add = true, strides = array<i32>} : memref<264x128xf32, #tpu.memory_space<vmem>>, vector<16xf32>,
              scf.yield %squeeze3A_779, %broadcast_in_dim3A_25, %broadcast_in_dim3A_25, %broadcast_in_dim3A_25, %broadcast_in_dim3A_25, %broadcast_in_dim3A_25, %broadcast_in_dim3A_25, %broadcast_in_dim3A_25, %broadcast_in_dim3A_25 : i32, vector<16xf32>, vector<16xf32>, vector<16xf32>, vector<16xf32>, vector<16xf32>, vector<16xf32>, vector<16xf32>, vector<16xf32>
            } else {
              scf.yield %cond3A_729#0, %add3A_735, %add3A_741, %add3A_747, %add3A_753, %add3A_759, %add3A_765, %add3A_771, %add3A_777 : i32, vector<16xf32>, vector<16xf32>, vector<16xf32>, vector<16xf32>, vector<16xf32>, vector<16xf32>, vector<16xf32>, vector<16xf32>
            }
            %add3A_785 = arith.constant 10 : i32
            %add3A_786 = arith.addi %add3A_211, %add3A_785 : i32
            %get3A_787 = arith.index_cast %add3A_786 : i32 to index
            %get3A_788 = arith.constant 0 : index
            %get3A_789 = tpu.vector_load %arg7[%get3A_787, %get3A_788] {strides = array<i32>} : memref<640x128xf32, #tpu.memory_space<vmem>>, vector<16xf32>,
            %add3A_790 = arith.addf %cond3A_784#1, %get3A_789 : vector<16xf32>
            %add3A_791 = arith.constant 10 : i32
            %add3A_792 = arith.addi %add3A_211, %add3A_791 : i32
            %get3A_793 = arith.index_cast %add3A_792 : i32 to index
            %get3A_794 = arith.constant 16 : index
            %get3A_795 = tpu.vector_load %arg7[%get3A_793, %get3A_794] {strides = array<i32>} : memref<640x128xf32, #tpu.memory_space<vmem>>, vector<16xf32>,
            %add3A_796 = arith.addf %cond3A_784#2, %get3A_795 : vector<16xf32>
            %add3A_797 = arith.constant 10 : i32
            %add3A_798 = arith.addi %add3A_211, %add3A_797 : i32
            %get3A_799 = arith.index_cast %add3A_798 : i32 to index
            %get3A_800 = arith.constant 32 : index
            %get3A_801 = tpu.vector_load %arg7[%get3A_799, %get3A_800] {strides = array<i32>} : memref<640x128xf32, #tpu.memory_space<vmem>>, vector<16xf32>,
            %add3A_802 = arith.addf %cond3A_784#3, %get3A_801 : vector<16xf32>
            %add3A_803 = arith.constant 10 : i32
            %add3A_804 = arith.addi %add3A_211, %add3A_803 : i32
            %get3A_805 = arith.index_cast %add3A_804 : i32 to index
            %get3A_806 = arith.constant 48 : index
            %get3A_807 = tpu.vector_load %arg7[%get3A_805, %get3A_806] {strides = array<i32>} : memref<640x128xf32, #tpu.memory_space<vmem>>, vector<16xf32>,
            %add3A_808 = arith.addf %cond3A_784#4, %get3A_807 : vector<16xf32>
            %add3A_809 = arith.constant 10 : i32
            %add3A_810 = arith.addi %add3A_211, %add3A_809 : i32
            %get3A_811 = arith.index_cast %add3A_810 : i32 to index
            %get3A_812 = arith.constant 64 : index
            %get3A_813 = tpu.vector_load %arg7[%get3A_811, %get3A_812] {strides = array<i32>} : memref<640x128xf32, #tpu.memory_space<vmem>>, vector<16xf32>,
            %add3A_814 = arith.addf %cond3A_784#5, %get3A_813 : vector<16xf32>
            %add3A_815 = arith.constant 10 : i32
            %add3A_816 = arith.addi %add3A_211, %add3A_815 : i32
            %get3A_817 = arith.index_cast %add3A_816 : i32 to index
            %get3A_818 = arith.constant 80 : index
            %get3A_819 = tpu.vector_load %arg7[%get3A_817, %get3A_818] {strides = array<i32>} : memref<640x128xf32, #tpu.memory_space<vmem>>, vector<16xf32>,
            %add3A_820 = arith.addf %cond3A_784#6, %get3A_819 : vector<16xf32>
            %add3A_821 = arith.constant 10 : i32
            %add3A_822 = arith.addi %add3A_211, %add3A_821 : i32
            %get3A_823 = arith.index_cast %add3A_822 : i32 to index
            %get3A_824 = arith.constant 96 : index
            %get3A_825 = tpu.vector_load %arg7[%get3A_823, %get3A_824] {strides = array<i32>} : memref<640x128xf32, #tpu.memory_space<vmem>>, vector<16xf32>,
            %add3A_826 = arith.addf %cond3A_784#7, %get3A_825 : vector<16xf32>
            %add3A_827 = arith.constant 10 : i32
            %add3A_828 = arith.addi %add3A_211, %add3A_827 : i32
            %get3A_829 = arith.index_cast %add3A_828 : i32 to index
            %get3A_830 = arith.constant 112 : index
            %get3A_831 = tpu.vector_load %arg7[%get3A_829, %get3A_830] {strides = array<i32>} : memref<640x128xf32, #tpu.memory_space<vmem>>, vector<16xf32>,
            %add3A_832 = arith.addf %cond3A_784#8, %get3A_831 : vector<16xf32>
            %slice3A_833 = vector.extract_strided_slice %get3A_208 {offsets = [11], sizes = [1], strides = [1]} : vector<16xi32> to vector<1xi32>
            %squeeze3A_834 = vector.extract %slice3A_833[0] : i32 from vector<1xi32>
            %ne3A_835 = arith.cmpi ne, %squeeze3A_834, %cond3A_784#0 : i32
            %convert_element_type3A_836 = arith.extui %ne3A_835 : i1 to i32
            %cond3A_837 = arith.constant 0 : i32
            %cond3A_838 = arith.cmpi ne, %convert_element_type3A_836, %cond3A_837 : i32
            %cond3A_839:9 = scf.if %cond3A_838 -> (i32, vector<16xf32>, vector<16xf32>, vector<16xf32>, vector<16xf32>, vector<16xf32>, vector<16xf32>, vector<16xf32>, vector<16xf32>) {
              %swap3A_1108 = arith.index_cast %cond3A_784#0 : i32 to index
              %swap3A_1109 = arith.constant 0 : index
              %swap3A_1110 = tpu.vector_load %arg9[%swap3A_1108, %swap3A_1109] {strides = array<i32>} : memref<264x128xf32, #tpu.memory_space<vmem>>, vector<16xf32>,
              tpu.vector_store %arg9[%swap3A_1108, %swap3A_1109], %add3A_790 {add = true, strides = array<i32>} : memref<264x128xf32, #tpu.memory_space<vmem>>, vector<16xf32>,
              %swap3A_1111 = arith.index_cast %cond3A_784#0 : i32 to index
              %swap3A_1112 = arith.constant 16 : index
              %swap3A_1113 = tpu.vector_load %arg9[%swap3A_1111, %swap3A_1112] {strides = array<i32>} : memref<264x128xf32, #tpu.memory_space<vmem>>, vector<16xf32>,
              tpu.vector_store %arg9[%swap3A_1111, %swap3A_1112], %add3A_796 {add = true, strides = array<i32>} : memref<264x128xf32, #tpu.memory_space<vmem>>, vector<16xf32>,
              %swap3A_1114 = arith.index_cast %cond3A_784#0 : i32 to index
              %swap3A_1115 = arith.constant 32 : index
              %swap3A_1116 = tpu.vector_load %arg9[%swap3A_1114, %swap3A_1115] {strides = array<i32>} : memref<264x128xf32, #tpu.memory_space<vmem>>, vector<16xf32>,
              tpu.vector_store %arg9[%swap3A_1114, %swap3A_1115], %add3A_802 {add = true, strides = array<i32>} : memref<264x128xf32, #tpu.memory_space<vmem>>, vector<16xf32>,
              %swap3A_1117 = arith.index_cast %cond3A_784#0 : i32 to index
              %swap3A_1118 = arith.constant 48 : index
              %swap3A_1119 = tpu.vector_load %arg9[%swap3A_1117, %swap3A_1118] {strides = array<i32>} : memref<264x128xf32, #tpu.memory_space<vmem>>, vector<16xf32>,
              tpu.vector_store %arg9[%swap3A_1117, %swap3A_1118], %add3A_808 {add = true, strides = array<i32>} : memref<264x128xf32, #tpu.memory_space<vmem>>, vector<16xf32>,
              %swap3A_1120 = arith.index_cast %cond3A_784#0 : i32 to index
              %swap3A_1121 = arith.constant 64 : index
              %swap3A_1122 = tpu.vector_load %arg9[%swap3A_1120, %swap3A_1121] {strides = array<i32>} : memref<264x128xf32, #tpu.memory_space<vmem>>, vector<16xf32>,
              tpu.vector_store %arg9[%swap3A_1120, %swap3A_1121], %add3A_814 {add = true, strides = array<i32>} : memref<264x128xf32, #tpu.memory_space<vmem>>, vector<16xf32>,
              %swap3A_1123 = arith.index_cast %cond3A_784#0 : i32 to index
              %swap3A_1124 = arith.constant 80 : index
              %swap3A_1125 = tpu.vector_load %arg9[%swap3A_1123, %swap3A_1124] {strides = array<i32>} : memref<264x128xf32, #tpu.memory_space<vmem>>, vector<16xf32>,
              tpu.vector_store %arg9[%swap3A_1123, %swap3A_1124], %add3A_820 {add = true, strides = array<i32>} : memref<264x128xf32, #tpu.memory_space<vmem>>, vector<16xf32>,
              %swap3A_1126 = arith.index_cast %cond3A_784#0 : i32 to index
              %swap3A_1127 = arith.constant 96 : index
              %swap3A_1128 = tpu.vector_load %arg9[%swap3A_1126, %swap3A_1127] {strides = array<i32>} : memref<264x128xf32, #tpu.memory_space<vmem>>, vector<16xf32>,
              tpu.vector_store %arg9[%swap3A_1126, %swap3A_1127], %add3A_826 {add = true, strides = array<i32>} : memref<264x128xf32, #tpu.memory_space<vmem>>, vector<16xf32>,
              %swap3A_1129 = arith.index_cast %cond3A_784#0 : i32 to index
              %swap3A_1130 = arith.constant 112 : index
              %swap3A_1131 = tpu.vector_load %arg9[%swap3A_1129, %swap3A_1130] {strides = array<i32>} : memref<264x128xf32, #tpu.memory_space<vmem>>, vector<16xf32>,
              tpu.vector_store %arg9[%swap3A_1129, %swap3A_1130], %add3A_832 {add = true, strides = array<i32>} : memref<264x128xf32, #tpu.memory_space<vmem>>, vector<16xf32>,
              scf.yield %squeeze3A_834, %broadcast_in_dim3A_25, %broadcast_in_dim3A_25, %broadcast_in_dim3A_25, %broadcast_in_dim3A_25, %broadcast_in_dim3A_25, %broadcast_in_dim3A_25, %broadcast_in_dim3A_25, %broadcast_in_dim3A_25 : i32, vector<16xf32>, vector<16xf32>, vector<16xf32>, vector<16xf32>, vector<16xf32>, vector<16xf32>, vector<16xf32>, vector<16xf32>
            } else {
              scf.yield %cond3A_784#0, %add3A_790, %add3A_796, %add3A_802, %add3A_808, %add3A_814, %add3A_820, %add3A_826, %add3A_832 : i32, vector<16xf32>, vector<16xf32>, vector<16xf32>, vector<16xf32>, vector<16xf32>, vector<16xf32>, vector<16xf32>, vector<16xf32>
            }
            %add3A_840 = arith.constant 11 : i32
            %add3A_841 = arith.addi %add3A_211, %add3A_840 : i32
            %get3A_842 = arith.index_cast %add3A_841 : i32 to index
            %get3A_843 = arith.constant 0 : index
            %get3A_844 = tpu.vector_load %arg7[%get3A_842, %get3A_843] {strides = array<i32>} : memref<640x128xf32, #tpu.memory_space<vmem>>, vector<16xf32>,
            %add3A_845 = arith.addf %cond3A_839#1, %get3A_844 : vector<16xf32>
            %add3A_846 = arith.constant 11 : i32
            %add3A_847 = arith.addi %add3A_211, %add3A_846 : i32
            %get3A_848 = arith.index_cast %add3A_847 : i32 to index
            %get3A_849 = arith.constant 16 : index
            %get3A_850 = tpu.vector_load %arg7[%get3A_848, %get3A_849] {strides = array<i32>} : memref<640x128xf32, #tpu.memory_space<vmem>>, vector<16xf32>,
            %add3A_851 = arith.addf %cond3A_839#2, %get3A_850 : vector<16xf32>
            %add3A_852 = arith.constant 11 : i32
            %add3A_853 = arith.addi %add3A_211, %add3A_852 : i32
            %get3A_854 = arith.index_cast %add3A_853 : i32 to index
            %get3A_855 = arith.constant 32 : index
            %get3A_856 = tpu.vector_load %arg7[%get3A_854, %get3A_855] {strides = array<i32>} : memref<640x128xf32, #tpu.memory_space<vmem>>, vector<16xf32>,
            %add3A_857 = arith.addf %cond3A_839#3, %get3A_856 : vector<16xf32>
            %add3A_858 = arith.constant 11 : i32
            %add3A_859 = arith.addi %add3A_211, %add3A_858 : i32
            %get3A_860 = arith.index_cast %add3A_859 : i32 to index
            %get3A_861 = arith.constant 48 : index
            %get3A_862 = tpu.vector_load %arg7[%get3A_860, %get3A_861] {strides = array<i32>} : memref<640x128xf32, #tpu.memory_space<vmem>>, vector<16xf32>,
            %add3A_863 = arith.addf %cond3A_839#4, %get3A_862 : vector<16xf32>
            %add3A_864 = arith.constant 11 : i32
            %add3A_865 = arith.addi %add3A_211, %add3A_864 : i32
            %get3A_866 = arith.index_cast %add3A_865 : i32 to index
            %get3A_867 = arith.constant 64 : index
            %get3A_868 = tpu.vector_load %arg7[%get3A_866, %get3A_867] {strides = array<i32>} : memref<640x128xf32, #tpu.memory_space<vmem>>, vector<16xf32>,
            %add3A_869 = arith.addf %cond3A_839#5, %get3A_868 : vector<16xf32>
            %add3A_870 = arith.constant 11 : i32
            %add3A_871 = arith.addi %add3A_211, %add3A_870 : i32
            %get3A_872 = arith.index_cast %add3A_871 : i32 to index
            %get3A_873 = arith.constant 80 : index
            %get3A_874 = tpu.vector_load %arg7[%get3A_872, %get3A_873] {strides = array<i32>} : memref<640x128xf32, #tpu.memory_space<vmem>>, vector<16xf32>,
            %add3A_875 = arith.addf %cond3A_839#6, %get3A_874 : vector<16xf32>
            %add3A_876 = arith.constant 11 : i32
            %add3A_877 = arith.addi %add3A_211, %add3A_876 : i32
            %get3A_878 = arith.index_cast %add3A_877 : i32 to index
            %get3A_879 = arith.constant 96 : index
            %get3A_880 = tpu.vector_load %arg7[%get3A_878, %get3A_879] {strides = array<i32>} : memref<640x128xf32, #tpu.memory_space<vmem>>, vector<16xf32>,
            %add3A_881 = arith.addf %cond3A_839#7, %get3A_880 : vector<16xf32>
            %add3A_882 = arith.constant 11 : i32
            %add3A_883 = arith.addi %add3A_211, %add3A_882 : i32
            %get3A_884 = arith.index_cast %add3A_883 : i32 to index
            %get3A_885 = arith.constant 112 : index
            %get3A_886 = tpu.vector_load %arg7[%get3A_884, %get3A_885] {strides = array<i32>} : memref<640x128xf32, #tpu.memory_space<vmem>>, vector<16xf32>,
            %add3A_887 = arith.addf %cond3A_839#8, %get3A_886 : vector<16xf32>
            %slice3A_888 = vector.extract_strided_slice %get3A_208 {offsets = [12], sizes = [1], strides = [1]} : vector<16xi32> to vector<1xi32>
            %squeeze3A_889 = vector.extract %slice3A_888[0] : i32 from vector<1xi32>
            %ne3A_890 = arith.cmpi ne, %squeeze3A_889, %cond3A_839#0 : i32
            %convert_element_type3A_891 = arith.extui %ne3A_890 : i1 to i32
            %cond3A_892 = arith.constant 0 : i32
            %cond3A_893 = arith.cmpi ne, %convert_element_type3A_891, %cond3A_892 : i32
            %cond3A_894:9 = scf.if %cond3A_893 -> (i32, vector<16xf32>, vector<16xf32>, vector<16xf32>, vector<16xf32>, vector<16xf32>, vector<16xf32>, vector<16xf32>, vector<16xf32>) {
              %swap3A_1108 = arith.index_cast %cond3A_839#0 : i32 to index
              %swap3A_1109 = arith.constant 0 : index
              %swap3A_1110 = tpu.vector_load %arg9[%swap3A_1108, %swap3A_1109] {strides = array<i32>} : memref<264x128xf32, #tpu.memory_space<vmem>>, vector<16xf32>,
              tpu.vector_store %arg9[%swap3A_1108, %swap3A_1109], %add3A_845 {add = true, strides = array<i32>} : memref<264x128xf32, #tpu.memory_space<vmem>>, vector<16xf32>,
              %swap3A_1111 = arith.index_cast %cond3A_839#0 : i32 to index
              %swap3A_1112 = arith.constant 16 : index
              %swap3A_1113 = tpu.vector_load %arg9[%swap3A_1111, %swap3A_1112] {strides = array<i32>} : memref<264x128xf32, #tpu.memory_space<vmem>>, vector<16xf32>,
              tpu.vector_store %arg9[%swap3A_1111, %swap3A_1112], %add3A_851 {add = true, strides = array<i32>} : memref<264x128xf32, #tpu.memory_space<vmem>>, vector<16xf32>,
              %swap3A_1114 = arith.index_cast %cond3A_839#0 : i32 to index
              %swap3A_1115 = arith.constant 32 : index
              %swap3A_1116 = tpu.vector_load %arg9[%swap3A_1114, %swap3A_1115] {strides = array<i32>} : memref<264x128xf32, #tpu.memory_space<vmem>>, vector<16xf32>,
              tpu.vector_store %arg9[%swap3A_1114, %swap3A_1115], %add3A_857 {add = true, strides = array<i32>} : memref<264x128xf32, #tpu.memory_space<vmem>>, vector<16xf32>,
              %swap3A_1117 = arith.index_cast %cond3A_839#0 : i32 to index
              %swap3A_1118 = arith.constant 48 : index
              %swap3A_1119 = tpu.vector_load %arg9[%swap3A_1117, %swap3A_1118] {strides = array<i32>} : memref<264x128xf32, #tpu.memory_space<vmem>>, vector<16xf32>,
              tpu.vector_store %arg9[%swap3A_1117, %swap3A_1118], %add3A_863 {add = true, strides = array<i32>} : memref<264x128xf32, #tpu.memory_space<vmem>>, vector<16xf32>,
              %swap3A_1120 = arith.index_cast %cond3A_839#0 : i32 to index
              %swap3A_1121 = arith.constant 64 : index
              %swap3A_1122 = tpu.vector_load %arg9[%swap3A_1120, %swap3A_1121] {strides = array<i32>} : memref<264x128xf32, #tpu.memory_space<vmem>>, vector<16xf32>,
              tpu.vector_store %arg9[%swap3A_1120, %swap3A_1121], %add3A_869 {add = true, strides = array<i32>} : memref<264x128xf32, #tpu.memory_space<vmem>>, vector<16xf32>,
              %swap3A_1123 = arith.index_cast %cond3A_839#0 : i32 to index
              %swap3A_1124 = arith.constant 80 : index
              %swap3A_1125 = tpu.vector_load %arg9[%swap3A_1123, %swap3A_1124] {strides = array<i32>} : memref<264x128xf32, #tpu.memory_space<vmem>>, vector<16xf32>,
              tpu.vector_store %arg9[%swap3A_1123, %swap3A_1124], %add3A_875 {add = true, strides = array<i32>} : memref<264x128xf32, #tpu.memory_space<vmem>>, vector<16xf32>,
              %swap3A_1126 = arith.index_cast %cond3A_839#0 : i32 to index
              %swap3A_1127 = arith.constant 96 : index
              %swap3A_1128 = tpu.vector_load %arg9[%swap3A_1126, %swap3A_1127] {strides = array<i32>} : memref<264x128xf32, #tpu.memory_space<vmem>>, vector<16xf32>,
              tpu.vector_store %arg9[%swap3A_1126, %swap3A_1127], %add3A_881 {add = true, strides = array<i32>} : memref<264x128xf32, #tpu.memory_space<vmem>>, vector<16xf32>,
              %swap3A_1129 = arith.index_cast %cond3A_839#0 : i32 to index
              %swap3A_1130 = arith.constant 112 : index
              %swap3A_1131 = tpu.vector_load %arg9[%swap3A_1129, %swap3A_1130] {strides = array<i32>} : memref<264x128xf32, #tpu.memory_space<vmem>>, vector<16xf32>,
              tpu.vector_store %arg9[%swap3A_1129, %swap3A_1130], %add3A_887 {add = true, strides = array<i32>} : memref<264x128xf32, #tpu.memory_space<vmem>>, vector<16xf32>,
              scf.yield %squeeze3A_889, %broadcast_in_dim3A_25, %broadcast_in_dim3A_25, %broadcast_in_dim3A_25, %broadcast_in_dim3A_25, %broadcast_in_dim3A_25, %broadcast_in_dim3A_25, %broadcast_in_dim3A_25, %broadcast_in_dim3A_25 : i32, vector<16xf32>, vector<16xf32>, vector<16xf32>, vector<16xf32>, vector<16xf32>, vector<16xf32>, vector<16xf32>, vector<16xf32>
            } else {
              scf.yield %cond3A_839#0, %add3A_845, %add3A_851, %add3A_857, %add3A_863, %add3A_869, %add3A_875, %add3A_881, %add3A_887 : i32, vector<16xf32>, vector<16xf32>, vector<16xf32>, vector<16xf32>, vector<16xf32>, vector<16xf32>, vector<16xf32>, vector<16xf32>
            }
            %add3A_895 = arith.constant 12 : i32
            %add3A_896 = arith.addi %add3A_211, %add3A_895 : i32
            %get3A_897 = arith.index_cast %add3A_896 : i32 to index
            %get3A_898 = arith.constant 0 : index
            %get3A_899 = tpu.vector_load %arg7[%get3A_897, %get3A_898] {strides = array<i32>} : memref<640x128xf32, #tpu.memory_space<vmem>>, vector<16xf32>,
            %add3A_900 = arith.addf %cond3A_894#1, %get3A_899 : vector<16xf32>
            %add3A_901 = arith.constant 12 : i32
            %add3A_902 = arith.addi %add3A_211, %add3A_901 : i32
            %get3A_903 = arith.index_cast %add3A_902 : i32 to index
            %get3A_904 = arith.constant 16 : index
            %get3A_905 = tpu.vector_load %arg7[%get3A_903, %get3A_904] {strides = array<i32>} : memref<640x128xf32, #tpu.memory_space<vmem>>, vector<16xf32>,
            %add3A_906 = arith.addf %cond3A_894#2, %get3A_905 : vector<16xf32>
            %add3A_907 = arith.constant 12 : i32
            %add3A_908 = arith.addi %add3A_211, %add3A_907 : i32
            %get3A_909 = arith.index_cast %add3A_908 : i32 to index
            %get3A_910 = arith.constant 32 : index
            %get3A_911 = tpu.vector_load %arg7[%get3A_909, %get3A_910] {strides = array<i32>} : memref<640x128xf32, #tpu.memory_space<vmem>>, vector<16xf32>,
            %add3A_912 = arith.addf %cond3A_894#3, %get3A_911 : vector<16xf32>
            %add3A_913 = arith.constant 12 : i32
            %add3A_914 = arith.addi %add3A_211, %add3A_913 : i32
            %get3A_915 = arith.index_cast %add3A_914 : i32 to index
            %get3A_916 = arith.constant 48 : index
            %get3A_917 = tpu.vector_load %arg7[%get3A_915, %get3A_916] {strides = array<i32>} : memref<640x128xf32, #tpu.memory_space<vmem>>, vector<16xf32>,
            %add3A_918 = arith.addf %cond3A_894#4, %get3A_917 : vector<16xf32>
            %add3A_919 = arith.constant 12 : i32
            %add3A_920 = arith.addi %add3A_211, %add3A_919 : i32
            %get3A_921 = arith.index_cast %add3A_920 : i32 to index
            %get3A_922 = arith.constant 64 : index
            %get3A_923 = tpu.vector_load %arg7[%get3A_921, %get3A_922] {strides = array<i32>} : memref<640x128xf32, #tpu.memory_space<vmem>>, vector<16xf32>,
            %add3A_924 = arith.addf %cond3A_894#5, %get3A_923 : vector<16xf32>
            %add3A_925 = arith.constant 12 : i32
            %add3A_926 = arith.addi %add3A_211, %add3A_925 : i32
            %get3A_927 = arith.index_cast %add3A_926 : i32 to index
            %get3A_928 = arith.constant 80 : index
            %get3A_929 = tpu.vector_load %arg7[%get3A_927, %get3A_928] {strides = array<i32>} : memref<640x128xf32, #tpu.memory_space<vmem>>, vector<16xf32>,
            %add3A_930 = arith.addf %cond3A_894#6, %get3A_929 : vector<16xf32>
            %add3A_931 = arith.constant 12 : i32
            %add3A_932 = arith.addi %add3A_211, %add3A_931 : i32
            %get3A_933 = arith.index_cast %add3A_932 : i32 to index
            %get3A_934 = arith.constant 96 : index
            %get3A_935 = tpu.vector_load %arg7[%get3A_933, %get3A_934] {strides = array<i32>} : memref<640x128xf32, #tpu.memory_space<vmem>>, vector<16xf32>,
            %add3A_936 = arith.addf %cond3A_894#7, %get3A_935 : vector<16xf32>
            %add3A_937 = arith.constant 12 : i32
            %add3A_938 = arith.addi %add3A_211, %add3A_937 : i32
            %get3A_939 = arith.index_cast %add3A_938 : i32 to index
            %get3A_940 = arith.constant 112 : index
            %get3A_941 = tpu.vector_load %arg7[%get3A_939, %get3A_940] {strides = array<i32>} : memref<640x128xf32, #tpu.memory_space<vmem>>, vector<16xf32>,
            %add3A_942 = arith.addf %cond3A_894#8, %get3A_941 : vector<16xf32>
            %slice3A_943 = vector.extract_strided_slice %get3A_208 {offsets = [13], sizes = [1], strides = [1]} : vector<16xi32> to vector<1xi32>
            %squeeze3A_944 = vector.extract %slice3A_943[0] : i32 from vector<1xi32>
            %ne3A_945 = arith.cmpi ne, %squeeze3A_944, %cond3A_894#0 : i32
            %convert_element_type3A_946 = arith.extui %ne3A_945 : i1 to i32
            %cond3A_947 = arith.constant 0 : i32
            %cond3A_948 = arith.cmpi ne, %convert_element_type3A_946, %cond3A_947 : i32
            %cond3A_949:9 = scf.if %cond3A_948 -> (i32, vector<16xf32>, vector<16xf32>, vector<16xf32>, vector<16xf32>, vector<16xf32>, vector<16xf32>, vector<16xf32>, vector<16xf32>) {
              %swap3A_1108 = arith.index_cast %cond3A_894#0 : i32 to index
              %swap3A_1109 = arith.constant 0 : index
              %swap3A_1110 = tpu.vector_load %arg9[%swap3A_1108, %swap3A_1109] {strides = array<i32>} : memref<264x128xf32, #tpu.memory_space<vmem>>, vector<16xf32>,
              tpu.vector_store %arg9[%swap3A_1108, %swap3A_1109], %add3A_900 {add = true, strides = array<i32>} : memref<264x128xf32, #tpu.memory_space<vmem>>, vector<16xf32>,
              %swap3A_1111 = arith.index_cast %cond3A_894#0 : i32 to index
              %swap3A_1112 = arith.constant 16 : index
              %swap3A_1113 = tpu.vector_load %arg9[%swap3A_1111, %swap3A_1112] {strides = array<i32>} : memref<264x128xf32, #tpu.memory_space<vmem>>, vector<16xf32>,
              tpu.vector_store %arg9[%swap3A_1111, %swap3A_1112], %add3A_906 {add = true, strides = array<i32>} : memref<264x128xf32, #tpu.memory_space<vmem>>, vector<16xf32>,
              %swap3A_1114 = arith.index_cast %cond3A_894#0 : i32 to index
              %swap3A_1115 = arith.constant 32 : index
              %swap3A_1116 = tpu.vector_load %arg9[%swap3A_1114, %swap3A_1115] {strides = array<i32>} : memref<264x128xf32, #tpu.memory_space<vmem>>, vector<16xf32>,
              tpu.vector_store %arg9[%swap3A_1114, %swap3A_1115], %add3A_912 {add = true, strides = array<i32>} : memref<264x128xf32, #tpu.memory_space<vmem>>, vector<16xf32>,
              %swap3A_1117 = arith.index_cast %cond3A_894#0 : i32 to index
              %swap3A_1118 = arith.constant 48 : index
              %swap3A_1119 = tpu.vector_load %arg9[%swap3A_1117, %swap3A_1118] {strides = array<i32>} : memref<264x128xf32, #tpu.memory_space<vmem>>, vector<16xf32>,
              tpu.vector_store %arg9[%swap3A_1117, %swap3A_1118], %add3A_918 {add = true, strides = array<i32>} : memref<264x128xf32, #tpu.memory_space<vmem>>, vector<16xf32>,
              %swap3A_1120 = arith.index_cast %cond3A_894#0 : i32 to index
              %swap3A_1121 = arith.constant 64 : index
              %swap3A_1122 = tpu.vector_load %arg9[%swap3A_1120, %swap3A_1121] {strides = array<i32>} : memref<264x128xf32, #tpu.memory_space<vmem>>, vector<16xf32>,
              tpu.vector_store %arg9[%swap3A_1120, %swap3A_1121], %add3A_924 {add = true, strides = array<i32>} : memref<264x128xf32, #tpu.memory_space<vmem>>, vector<16xf32>,
              %swap3A_1123 = arith.index_cast %cond3A_894#0 : i32 to index
              %swap3A_1124 = arith.constant 80 : index
              %swap3A_1125 = tpu.vector_load %arg9[%swap3A_1123, %swap3A_1124] {strides = array<i32>} : memref<264x128xf32, #tpu.memory_space<vmem>>, vector<16xf32>,
              tpu.vector_store %arg9[%swap3A_1123, %swap3A_1124], %add3A_930 {add = true, strides = array<i32>} : memref<264x128xf32, #tpu.memory_space<vmem>>, vector<16xf32>,
              %swap3A_1126 = arith.index_cast %cond3A_894#0 : i32 to index
              %swap3A_1127 = arith.constant 96 : index
              %swap3A_1128 = tpu.vector_load %arg9[%swap3A_1126, %swap3A_1127] {strides = array<i32>} : memref<264x128xf32, #tpu.memory_space<vmem>>, vector<16xf32>,
              tpu.vector_store %arg9[%swap3A_1126, %swap3A_1127], %add3A_936 {add = true, strides = array<i32>} : memref<264x128xf32, #tpu.memory_space<vmem>>, vector<16xf32>,
              %swap3A_1129 = arith.index_cast %cond3A_894#0 : i32 to index
              %swap3A_1130 = arith.constant 112 : index
              %swap3A_1131 = tpu.vector_load %arg9[%swap3A_1129, %swap3A_1130] {strides = array<i32>} : memref<264x128xf32, #tpu.memory_space<vmem>>, vector<16xf32>,
              tpu.vector_store %arg9[%swap3A_1129, %swap3A_1130], %add3A_942 {add = true, strides = array<i32>} : memref<264x128xf32, #tpu.memory_space<vmem>>, vector<16xf32>,
              scf.yield %squeeze3A_944, %broadcast_in_dim3A_25, %broadcast_in_dim3A_25, %broadcast_in_dim3A_25, %broadcast_in_dim3A_25, %broadcast_in_dim3A_25, %broadcast_in_dim3A_25, %broadcast_in_dim3A_25, %broadcast_in_dim3A_25 : i32, vector<16xf32>, vector<16xf32>, vector<16xf32>, vector<16xf32>, vector<16xf32>, vector<16xf32>, vector<16xf32>, vector<16xf32>
            } else {
              scf.yield %cond3A_894#0, %add3A_900, %add3A_906, %add3A_912, %add3A_918, %add3A_924, %add3A_930, %add3A_936, %add3A_942 : i32, vector<16xf32>, vector<16xf32>, vector<16xf32>, vector<16xf32>, vector<16xf32>, vector<16xf32>, vector<16xf32>, vector<16xf32>
            }
            %add3A_950 = arith.constant 13 : i32
            %add3A_951 = arith.addi %add3A_211, %add3A_950 : i32
            %get3A_952 = arith.index_cast %add3A_951 : i32 to index
            %get3A_953 = arith.constant 0 : index
            %get3A_954 = tpu.vector_load %arg7[%get3A_952, %get3A_953] {strides = array<i32>} : memref<640x128xf32, #tpu.memory_space<vmem>>, vector<16xf32>,
            %add3A_955 = arith.addf %cond3A_949#1, %get3A_954 : vector<16xf32>
            %add3A_956 = arith.constant 13 : i32
            %add3A_957 = arith.addi %add3A_211, %add3A_956 : i32
            %get3A_958 = arith.index_cast %add3A_957 : i32 to index
            %get3A_959 = arith.constant 16 : index
            %get3A_960 = tpu.vector_load %arg7[%get3A_958, %get3A_959] {strides = array<i32>} : memref<640x128xf32, #tpu.memory_space<vmem>>, vector<16xf32>,
            %add3A_961 = arith.addf %cond3A_949#2, %get3A_960 : vector<16xf32>
            %add3A_962 = arith.constant 13 : i32
            %add3A_963 = arith.addi %add3A_211, %add3A_962 : i32
            %get3A_964 = arith.index_cast %add3A_963 : i32 to index
            %get3A_965 = arith.constant 32 : index
            %get3A_966 = tpu.vector_load %arg7[%get3A_964, %get3A_965] {strides = array<i32>} : memref<640x128xf32, #tpu.memory_space<vmem>>, vector<16xf32>,
            %add3A_967 = arith.addf %cond3A_949#3, %get3A_966 : vector<16xf32>
            %add3A_968 = arith.constant 13 : i32
            %add3A_969 = arith.addi %add3A_211, %add3A_968 : i32
            %get3A_970 = arith.index_cast %add3A_969 : i32 to index
            %get3A_971 = arith.constant 48 : index
            %get3A_972 = tpu.vector_load %arg7[%get3A_970, %get3A_971] {strides = array<i32>} : memref<640x128xf32, #tpu.memory_space<vmem>>, vector<16xf32>,
            %add3A_973 = arith.addf %cond3A_949#4, %get3A_972 : vector<16xf32>
            %add3A_974 = arith.constant 13 : i32
            %add3A_975 = arith.addi %add3A_211, %add3A_974 : i32
            %get3A_976 = arith.index_cast %add3A_975 : i32 to index
            %get3A_977 = arith.constant 64 : index
            %get3A_978 = tpu.vector_load %arg7[%get3A_976, %get3A_977] {strides = array<i32>} : memref<640x128xf32, #tpu.memory_space<vmem>>, vector<16xf32>,
            %add3A_979 = arith.addf %cond3A_949#5, %get3A_978 : vector<16xf32>
            %add3A_980 = arith.constant 13 : i32
            %add3A_981 = arith.addi %add3A_211, %add3A_980 : i32
            %get3A_982 = arith.index_cast %add3A_981 : i32 to index
            %get3A_983 = arith.constant 80 : index
            %get3A_984 = tpu.vector_load %arg7[%get3A_982, %get3A_983] {strides = array<i32>} : memref<640x128xf32, #tpu.memory_space<vmem>>, vector<16xf32>,
            %add3A_985 = arith.addf %cond3A_949#6, %get3A_984 : vector<16xf32>
            %add3A_986 = arith.constant 13 : i32
            %add3A_987 = arith.addi %add3A_211, %add3A_986 : i32
            %get3A_988 = arith.index_cast %add3A_987 : i32 to index
            %get3A_989 = arith.constant 96 : index
            %get3A_990 = tpu.vector_load %arg7[%get3A_988, %get3A_989] {strides = array<i32>} : memref<640x128xf32, #tpu.memory_space<vmem>>, vector<16xf32>,
            %add3A_991 = arith.addf %cond3A_949#7, %get3A_990 : vector<16xf32>
            %add3A_992 = arith.constant 13 : i32
            %add3A_993 = arith.addi %add3A_211, %add3A_992 : i32
            %get3A_994 = arith.index_cast %add3A_993 : i32 to index
            %get3A_995 = arith.constant 112 : index
            %get3A_996 = tpu.vector_load %arg7[%get3A_994, %get3A_995] {strides = array<i32>} : memref<640x128xf32, #tpu.memory_space<vmem>>, vector<16xf32>,
            %add3A_997 = arith.addf %cond3A_949#8, %get3A_996 : vector<16xf32>
            %slice3A_998 = vector.extract_strided_slice %get3A_208 {offsets = [14], sizes = [1], strides = [1]} : vector<16xi32> to vector<1xi32>
            %squeeze3A_999 = vector.extract %slice3A_998[0] : i32 from vector<1xi32>
            %ne3A_1000 = arith.cmpi ne, %squeeze3A_999, %cond3A_949#0 : i32
            %convert_element_type3A_1001 = arith.extui %ne3A_1000 : i1 to i32
            %cond3A_1002 = arith.constant 0 : i32
            %cond3A_1003 = arith.cmpi ne, %convert_element_type3A_1001, %cond3A_1002 : i32
            %cond3A_1004:9 = scf.if %cond3A_1003 -> (i32, vector<16xf32>, vector<16xf32>, vector<16xf32>, vector<16xf32>, vector<16xf32>, vector<16xf32>, vector<16xf32>, vector<16xf32>) {
              %swap3A_1108 = arith.index_cast %cond3A_949#0 : i32 to index
              %swap3A_1109 = arith.constant 0 : index
              %swap3A_1110 = tpu.vector_load %arg9[%swap3A_1108, %swap3A_1109] {strides = array<i32>} : memref<264x128xf32, #tpu.memory_space<vmem>>, vector<16xf32>,
              tpu.vector_store %arg9[%swap3A_1108, %swap3A_1109], %add3A_955 {add = true, strides = array<i32>} : memref<264x128xf32, #tpu.memory_space<vmem>>, vector<16xf32>,
              %swap3A_1111 = arith.index_cast %cond3A_949#0 : i32 to index
              %swap3A_1112 = arith.constant 16 : index
              %swap3A_1113 = tpu.vector_load %arg9[%swap3A_1111, %swap3A_1112] {strides = array<i32>} : memref<264x128xf32, #tpu.memory_space<vmem>>, vector<16xf32>,
              tpu.vector_store %arg9[%swap3A_1111, %swap3A_1112], %add3A_961 {add = true, strides = array<i32>} : memref<264x128xf32, #tpu.memory_space<vmem>>, vector<16xf32>,
              %swap3A_1114 = arith.index_cast %cond3A_949#0 : i32 to index
              %swap3A_1115 = arith.constant 32 : index
              %swap3A_1116 = tpu.vector_load %arg9[%swap3A_1114, %swap3A_1115] {strides = array<i32>} : memref<264x128xf32, #tpu.memory_space<vmem>>, vector<16xf32>,
              tpu.vector_store %arg9[%swap3A_1114, %swap3A_1115], %add3A_967 {add = true, strides = array<i32>} : memref<264x128xf32, #tpu.memory_space<vmem>>, vector<16xf32>,
              %swap3A_1117 = arith.index_cast %cond3A_949#0 : i32 to index
              %swap3A_1118 = arith.constant 48 : index
              %swap3A_1119 = tpu.vector_load %arg9[%swap3A_1117, %swap3A_1118] {strides = array<i32>} : memref<264x128xf32, #tpu.memory_space<vmem>>, vector<16xf32>,
              tpu.vector_store %arg9[%swap3A_1117, %swap3A_1118], %add3A_973 {add = true, strides = array<i32>} : memref<264x128xf32, #tpu.memory_space<vmem>>, vector<16xf32>,
              %swap3A_1120 = arith.index_cast %cond3A_949#0 : i32 to index
              %swap3A_1121 = arith.constant 64 : index
              %swap3A_1122 = tpu.vector_load %arg9[%swap3A_1120, %swap3A_1121] {strides = array<i32>} : memref<264x128xf32, #tpu.memory_space<vmem>>, vector<16xf32>,
              tpu.vector_store %arg9[%swap3A_1120, %swap3A_1121], %add3A_979 {add = true, strides = array<i32>} : memref<264x128xf32, #tpu.memory_space<vmem>>, vector<16xf32>,
              %swap3A_1123 = arith.index_cast %cond3A_949#0 : i32 to index
              %swap3A_1124 = arith.constant 80 : index
              %swap3A_1125 = tpu.vector_load %arg9[%swap3A_1123, %swap3A_1124] {strides = array<i32>} : memref<264x128xf32, #tpu.memory_space<vmem>>, vector<16xf32>,
              tpu.vector_store %arg9[%swap3A_1123, %swap3A_1124], %add3A_985 {add = true, strides = array<i32>} : memref<264x128xf32, #tpu.memory_space<vmem>>, vector<16xf32>,
              %swap3A_1126 = arith.index_cast %cond3A_949#0 : i32 to index
              %swap3A_1127 = arith.constant 96 : index
              %swap3A_1128 = tpu.vector_load %arg9[%swap3A_1126, %swap3A_1127] {strides = array<i32>} : memref<264x128xf32, #tpu.memory_space<vmem>>, vector<16xf32>,
              tpu.vector_store %arg9[%swap3A_1126, %swap3A_1127], %add3A_991 {add = true, strides = array<i32>} : memref<264x128xf32, #tpu.memory_space<vmem>>, vector<16xf32>,
              %swap3A_1129 = arith.index_cast %cond3A_949#0 : i32 to index
              %swap3A_1130 = arith.constant 112 : index
              %swap3A_1131 = tpu.vector_load %arg9[%swap3A_1129, %swap3A_1130] {strides = array<i32>} : memref<264x128xf32, #tpu.memory_space<vmem>>, vector<16xf32>,
              tpu.vector_store %arg9[%swap3A_1129, %swap3A_1130], %add3A_997 {add = true, strides = array<i32>} : memref<264x128xf32, #tpu.memory_space<vmem>>, vector<16xf32>,
              scf.yield %squeeze3A_999, %broadcast_in_dim3A_25, %broadcast_in_dim3A_25, %broadcast_in_dim3A_25, %broadcast_in_dim3A_25, %broadcast_in_dim3A_25, %broadcast_in_dim3A_25, %broadcast_in_dim3A_25, %broadcast_in_dim3A_25 : i32, vector<16xf32>, vector<16xf32>, vector<16xf32>, vector<16xf32>, vector<16xf32>, vector<16xf32>, vector<16xf32>, vector<16xf32>
            } else {
              scf.yield %cond3A_949#0, %add3A_955, %add3A_961, %add3A_967, %add3A_973, %add3A_979, %add3A_985, %add3A_991, %add3A_997 : i32, vector<16xf32>, vector<16xf32>, vector<16xf32>, vector<16xf32>, vector<16xf32>, vector<16xf32>, vector<16xf32>, vector<16xf32>
            }
            %add3A_1005 = arith.constant 14 : i32
            %add3A_1006 = arith.addi %add3A_211, %add3A_1005 : i32
            %get3A_1007 = arith.index_cast %add3A_1006 : i32 to index
            %get3A_1008 = arith.constant 0 : index
            %get3A_1009 = tpu.vector_load %arg7[%get3A_1007, %get3A_1008] {strides = array<i32>} : memref<640x128xf32, #tpu.memory_space<vmem>>, vector<16xf32>,
            %add3A_1010 = arith.addf %cond3A_1004#1, %get3A_1009 : vector<16xf32>
            %add3A_1011 = arith.constant 14 : i32
            %add3A_1012 = arith.addi %add3A_211, %add3A_1011 : i32
            %get3A_1013 = arith.index_cast %add3A_1012 : i32 to index
            %get3A_1014 = arith.constant 16 : index
            %get3A_1015 = tpu.vector_load %arg7[%get3A_1013, %get3A_1014] {strides = array<i32>} : memref<640x128xf32, #tpu.memory_space<vmem>>, vector<16xf32>,
            %add3A_1016 = arith.addf %cond3A_1004#2, %get3A_1015 : vector<16xf32>
            %add3A_1017 = arith.constant 14 : i32
            %add3A_1018 = arith.addi %add3A_211, %add3A_1017 : i32
            %get3A_1019 = arith.index_cast %add3A_1018 : i32 to index
            %get3A_1020 = arith.constant 32 : index
            %get3A_1021 = tpu.vector_load %arg7[%get3A_1019, %get3A_1020] {strides = array<i32>} : memref<640x128xf32, #tpu.memory_space<vmem>>, vector<16xf32>,
            %add3A_1022 = arith.addf %cond3A_1004#3, %get3A_1021 : vector<16xf32>
            %add3A_1023 = arith.constant 14 : i32
            %add3A_1024 = arith.addi %add3A_211, %add3A_1023 : i32
            %get3A_1025 = arith.index_cast %add3A_1024 : i32 to index
            %get3A_1026 = arith.constant 48 : index
            %get3A_1027 = tpu.vector_load %arg7[%get3A_1025, %get3A_1026] {strides = array<i32>} : memref<640x128xf32, #tpu.memory_space<vmem>>, vector<16xf32>,
            %add3A_1028 = arith.addf %cond3A_1004#4, %get3A_1027 : vector<16xf32>
            %add3A_1029 = arith.constant 14 : i32
            %add3A_1030 = arith.addi %add3A_211, %add3A_1029 : i32
            %get3A_1031 = arith.index_cast %add3A_1030 : i32 to index
            %get3A_1032 = arith.constant 64 : index
            %get3A_1033 = tpu.vector_load %arg7[%get3A_1031, %get3A_1032] {strides = array<i32>} : memref<640x128xf32, #tpu.memory_space<vmem>>, vector<16xf32>,
            %add3A_1034 = arith.addf %cond3A_1004#5, %get3A_1033 : vector<16xf32>
            %add3A_1035 = arith.constant 14 : i32
            %add3A_1036 = arith.addi %add3A_211, %add3A_1035 : i32
            %get3A_1037 = arith.index_cast %add3A_1036 : i32 to index
            %get3A_1038 = arith.constant 80 : index
            %get3A_1039 = tpu.vector_load %arg7[%get3A_1037, %get3A_1038] {strides = array<i32>} : memref<640x128xf32, #tpu.memory_space<vmem>>, vector<16xf32>,
            %add3A_1040 = arith.addf %cond3A_1004#6, %get3A_1039 : vector<16xf32>
            %add3A_1041 = arith.constant 14 : i32
            %add3A_1042 = arith.addi %add3A_211, %add3A_1041 : i32
            %get3A_1043 = arith.index_cast %add3A_1042 : i32 to index
            %get3A_1044 = arith.constant 96 : index
            %get3A_1045 = tpu.vector_load %arg7[%get3A_1043, %get3A_1044] {strides = array<i32>} : memref<640x128xf32, #tpu.memory_space<vmem>>, vector<16xf32>,
            %add3A_1046 = arith.addf %cond3A_1004#7, %get3A_1045 : vector<16xf32>
            %add3A_1047 = arith.constant 14 : i32
            %add3A_1048 = arith.addi %add3A_211, %add3A_1047 : i32
            %get3A_1049 = arith.index_cast %add3A_1048 : i32 to index
            %get3A_1050 = arith.constant 112 : index
            %get3A_1051 = tpu.vector_load %arg7[%get3A_1049, %get3A_1050] {strides = array<i32>} : memref<640x128xf32, #tpu.memory_space<vmem>>, vector<16xf32>,
            %add3A_1052 = arith.addf %cond3A_1004#8, %get3A_1051 : vector<16xf32>
            %slice3A_1053 = vector.extract_strided_slice %get3A_208 {offsets = [15], sizes = [1], strides = [1]} : vector<16xi32> to vector<1xi32>
            %squeeze3A_1054 = vector.extract %slice3A_1053[0] : i32 from vector<1xi32>
            %ne3A_1055 = arith.cmpi ne, %squeeze3A_1054, %cond3A_1004#0 : i32
            %convert_element_type3A_1056 = arith.extui %ne3A_1055 : i1 to i32
            %cond3A_1057 = arith.constant 0 : i32
            %cond3A_1058 = arith.cmpi ne, %convert_element_type3A_1056, %cond3A_1057 : i32
            %cond3A_1059:9 = scf.if %cond3A_1058 -> (i32, vector<16xf32>, vector<16xf32>, vector<16xf32>, vector<16xf32>, vector<16xf32>, vector<16xf32>, vector<16xf32>, vector<16xf32>) {
              %swap3A_1108 = arith.index_cast %cond3A_1004#0 : i32 to index
              %swap3A_1109 = arith.constant 0 : index
              %swap3A_1110 = tpu.vector_load %arg9[%swap3A_1108, %swap3A_1109] {strides = array<i32>} : memref<264x128xf32, #tpu.memory_space<vmem>>, vector<16xf32>,
              tpu.vector_store %arg9[%swap3A_1108, %swap3A_1109], %add3A_1010 {add = true, strides = array<i32>} : memref<264x128xf32, #tpu.memory_space<vmem>>, vector<16xf32>,
              %swap3A_1111 = arith.index_cast %cond3A_1004#0 : i32 to index
              %swap3A_1112 = arith.constant 16 : index
              %swap3A_1113 = tpu.vector_load %arg9[%swap3A_1111, %swap3A_1112] {strides = array<i32>} : memref<264x128xf32, #tpu.memory_space<vmem>>, vector<16xf32>,
              tpu.vector_store %arg9[%swap3A_1111, %swap3A_1112], %add3A_1016 {add = true, strides = array<i32>} : memref<264x128xf32, #tpu.memory_space<vmem>>, vector<16xf32>,
              %swap3A_1114 = arith.index_cast %cond3A_1004#0 : i32 to index
              %swap3A_1115 = arith.constant 32 : index
              %swap3A_1116 = tpu.vector_load %arg9[%swap3A_1114, %swap3A_1115] {strides = array<i32>} : memref<264x128xf32, #tpu.memory_space<vmem>>, vector<16xf32>,
              tpu.vector_store %arg9[%swap3A_1114, %swap3A_1115], %add3A_1022 {add = true, strides = array<i32>} : memref<264x128xf32, #tpu.memory_space<vmem>>, vector<16xf32>,
              %swap3A_1117 = arith.index_cast %cond3A_1004#0 : i32 to index
              %swap3A_1118 = arith.constant 48 : index
              %swap3A_1119 = tpu.vector_load %arg9[%swap3A_1117, %swap3A_1118] {strides = array<i32>} : memref<264x128xf32, #tpu.memory_space<vmem>>, vector<16xf32>,
              tpu.vector_store %arg9[%swap3A_1117, %swap3A_1118], %add3A_1028 {add = true, strides = array<i32>} : memref<264x128xf32, #tpu.memory_space<vmem>>, vector<16xf32>,
              %swap3A_1120 = arith.index_cast %cond3A_1004#0 : i32 to index
              %swap3A_1121 = arith.constant 64 : index
              %swap3A_1122 = tpu.vector_load %arg9[%swap3A_1120, %swap3A_1121] {strides = array<i32>} : memref<264x128xf32, #tpu.memory_space<vmem>>, vector<16xf32>,
              tpu.vector_store %arg9[%swap3A_1120, %swap3A_1121], %add3A_1034 {add = true, strides = array<i32>} : memref<264x128xf32, #tpu.memory_space<vmem>>, vector<16xf32>,
              %swap3A_1123 = arith.index_cast %cond3A_1004#0 : i32 to index
              %swap3A_1124 = arith.constant 80 : index
              %swap3A_1125 = tpu.vector_load %arg9[%swap3A_1123, %swap3A_1124] {strides = array<i32>} : memref<264x128xf32, #tpu.memory_space<vmem>>, vector<16xf32>,
              tpu.vector_store %arg9[%swap3A_1123, %swap3A_1124], %add3A_1040 {add = true, strides = array<i32>} : memref<264x128xf32, #tpu.memory_space<vmem>>, vector<16xf32>,
              %swap3A_1126 = arith.index_cast %cond3A_1004#0 : i32 to index
              %swap3A_1127 = arith.constant 96 : index
              %swap3A_1128 = tpu.vector_load %arg9[%swap3A_1126, %swap3A_1127] {strides = array<i32>} : memref<264x128xf32, #tpu.memory_space<vmem>>, vector<16xf32>,
              tpu.vector_store %arg9[%swap3A_1126, %swap3A_1127], %add3A_1046 {add = true, strides = array<i32>} : memref<264x128xf32, #tpu.memory_space<vmem>>, vector<16xf32>,
              %swap3A_1129 = arith.index_cast %cond3A_1004#0 : i32 to index
              %swap3A_1130 = arith.constant 112 : index
              %swap3A_1131 = tpu.vector_load %arg9[%swap3A_1129, %swap3A_1130] {strides = array<i32>} : memref<264x128xf32, #tpu.memory_space<vmem>>, vector<16xf32>,
              tpu.vector_store %arg9[%swap3A_1129, %swap3A_1130], %add3A_1052 {add = true, strides = array<i32>} : memref<264x128xf32, #tpu.memory_space<vmem>>, vector<16xf32>,
              scf.yield %squeeze3A_1054, %broadcast_in_dim3A_25, %broadcast_in_dim3A_25, %broadcast_in_dim3A_25, %broadcast_in_dim3A_25, %broadcast_in_dim3A_25, %broadcast_in_dim3A_25, %broadcast_in_dim3A_25, %broadcast_in_dim3A_25 : i32, vector<16xf32>, vector<16xf32>, vector<16xf32>, vector<16xf32>, vector<16xf32>, vector<16xf32>, vector<16xf32>, vector<16xf32>
            } else {
              scf.yield %cond3A_1004#0, %add3A_1010, %add3A_1016, %add3A_1022, %add3A_1028, %add3A_1034, %add3A_1040, %add3A_1046, %add3A_1052 : i32, vector<16xf32>, vector<16xf32>, vector<16xf32>, vector<16xf32>, vector<16xf32>, vector<16xf32>, vector<16xf32>, vector<16xf32>
            }
            %add3A_1060 = arith.constant 15 : i32
            %add3A_1061 = arith.addi %add3A_211, %add3A_1060 : i32
            %get3A_1062 = arith.index_cast %add3A_1061 : i32 to index
            %get3A_1063 = arith.constant 0 : index
            %get3A_1064 = tpu.vector_load %arg7[%get3A_1062, %get3A_1063] {strides = array<i32>} : memref<640x128xf32, #tpu.memory_space<vmem>>, vector<16xf32>,
            %add3A_1065 = arith.addf %cond3A_1059#1, %get3A_1064 : vector<16xf32>
            %add3A_1066 = arith.constant 15 : i32
            %add3A_1067 = arith.addi %add3A_211, %add3A_1066 : i32
            %get3A_1068 = arith.index_cast %add3A_1067 : i32 to index
            %get3A_1069 = arith.constant 16 : index
            %get3A_1070 = tpu.vector_load %arg7[%get3A_1068, %get3A_1069] {strides = array<i32>} : memref<640x128xf32, #tpu.memory_space<vmem>>, vector<16xf32>,
            %add3A_1071 = arith.addf %cond3A_1059#2, %get3A_1070 : vector<16xf32>
            %add3A_1072 = arith.constant 15 : i32
            %add3A_1073 = arith.addi %add3A_211, %add3A_1072 : i32
            %get3A_1074 = arith.index_cast %add3A_1073 : i32 to index
            %get3A_1075 = arith.constant 32 : index
            %get3A_1076 = tpu.vector_load %arg7[%get3A_1074, %get3A_1075] {strides = array<i32>} : memref<640x128xf32, #tpu.memory_space<vmem>>, vector<16xf32>,
            %add3A_1077 = arith.addf %cond3A_1059#3, %get3A_1076 : vector<16xf32>
            %add3A_1078 = arith.constant 15 : i32
            %add3A_1079 = arith.addi %add3A_211, %add3A_1078 : i32
            %get3A_1080 = arith.index_cast %add3A_1079 : i32 to index
            %get3A_1081 = arith.constant 48 : index
            %get3A_1082 = tpu.vector_load %arg7[%get3A_1080, %get3A_1081] {strides = array<i32>} : memref<640x128xf32, #tpu.memory_space<vmem>>, vector<16xf32>,
            %add3A_1083 = arith.addf %cond3A_1059#4, %get3A_1082 : vector<16xf32>
            %add3A_1084 = arith.constant 15 : i32
            %add3A_1085 = arith.addi %add3A_211, %add3A_1084 : i32
            %get3A_1086 = arith.index_cast %add3A_1085 : i32 to index
            %get3A_1087 = arith.constant 64 : index
            %get3A_1088 = tpu.vector_load %arg7[%get3A_1086, %get3A_1087] {strides = array<i32>} : memref<640x128xf32, #tpu.memory_space<vmem>>, vector<16xf32>,
            %add3A_1089 = arith.addf %cond3A_1059#5, %get3A_1088 : vector<16xf32>
            %add3A_1090 = arith.constant 15 : i32
            %add3A_1091 = arith.addi %add3A_211, %add3A_1090 : i32
            %get3A_1092 = arith.index_cast %add3A_1091 : i32 to index
            %get3A_1093 = arith.constant 80 : index
            %get3A_1094 = tpu.vector_load %arg7[%get3A_1092, %get3A_1093] {strides = array<i32>} : memref<640x128xf32, #tpu.memory_space<vmem>>, vector<16xf32>,
            %add3A_1095 = arith.addf %cond3A_1059#6, %get3A_1094 : vector<16xf32>
            %add3A_1096 = arith.constant 15 : i32
            %add3A_1097 = arith.addi %add3A_211, %add3A_1096 : i32
            %get3A_1098 = arith.index_cast %add3A_1097 : i32 to index
            %get3A_1099 = arith.constant 96 : index
            %get3A_1100 = tpu.vector_load %arg7[%get3A_1098, %get3A_1099] {strides = array<i32>} : memref<640x128xf32, #tpu.memory_space<vmem>>, vector<16xf32>,
            %add3A_1101 = arith.addf %cond3A_1059#7, %get3A_1100 : vector<16xf32>
            %add3A_1102 = arith.constant 15 : i32
            %add3A_1103 = arith.addi %add3A_211, %add3A_1102 : i32
            %get3A_1104 = arith.index_cast %add3A_1103 : i32 to index
            %get3A_1105 = arith.constant 112 : index
            %get3A_1106 = tpu.vector_load %arg7[%get3A_1104, %get3A_1105] {strides = array<i32>} : memref<640x128xf32, #tpu.memory_space<vmem>>, vector<16xf32>,
            %add3A_1107 = arith.addf %cond3A_1059#8, %get3A_1106 : vector<16xf32>
            scf.yield %cond3A_1059#0, %add3A_1065, %add3A_1071, %add3A_1077, %add3A_1083, %add3A_1089, %add3A_1095, %add3A_1101, %add3A_1107 : i32, vector<16xf32>, vector<16xf32>, vector<16xf32>, vector<16xf32>, vector<16xf32>, vector<16xf32>, vector<16xf32>, vector<16xf32>
          }
          scf.yield %cond3A_227#0, %cond3A_227#1, %cond3A_227#2, %cond3A_227#3, %cond3A_227#4, %cond3A_227#5, %cond3A_227#6, %cond3A_227#7, %cond3A_227#8 : i32, vector<16xf32>, vector<16xf32>, vector<16xf32>, vector<16xf32>, vector<16xf32>, vector<16xf32>, vector<16xf32>, vector<16xf32>
        }
        %scan3A_191 = arith.constant 10 : i32
        scf.yield %scan3A_190#0, %scan3A_190#1, %scan3A_190#2, %scan3A_190#3, %scan3A_190#4, %scan3A_190#5, %scan3A_190#6, %scan3A_190#7, %scan3A_190#8 : i32, vector<16xf32>, vector<16xf32>, vector<16xf32>, vector<16xf32>, vector<16xf32>, vector<16xf32>, vector<16xf32>, vector<16xf32>
      }
      %while3A_117 = arith.constant 1 : i32
      %while3A_118:9 = scf.for %while3A_142 = %while3A_114 to %while3A_110 step %while3A_117 iter_args(%while3A_143 = %while3A_116#0, %while3A_144 = %while3A_116#1, %while3A_145 = %while3A_116#2, %while3A_146 = %while3A_116#3, %while3A_147 = %while3A_116#4, %while3A_148 = %while3A_116#5, %while3A_149 = %while3A_116#6, %while3A_150 = %while3A_116#7, %while3A_151 = %while3A_116#8) -> (i32, vector<16xf32>, vector<16xf32>, vector<16xf32>, vector<16xf32>, vector<16xf32>, vector<16xf32>, vector<16xf32>, vector<16xf32>)  : i32 {
        %dma_wait3A = arith.constant 0 : i32
        %dma_wait3A_152 = arith.constant 0 : i32
        %dma_wait3A_153 = tpu.memref_slice %arg7[%dma_wait3A, %dma_wait3A_152] : memref<640x128xf32, #tpu.memory_space<vmem>> -> memref<160x128xf32, #tpu.memory_space<vmem>>
        %dma_wait3A_154 = arith.constant 0 : i32
        %dma_wait3A_155 = arith.constant 0 : i32
        %dma_wait3A_156 = tpu.memref_slice %arg2[%dma_wait3A_154, %dma_wait3A_155] : memref<100000x128xf32, #tpu.memory_space<hbm>> -> memref<160x128xf32, #tpu.memory_space<hbm>>
        %dma_wait3A_157 = arith.constant 0 : i32
        %dma_wait3A_158 = arith.constant 0 : i32
        %dma_wait3A_159 = tpu.memref_slice %arg7[%dma_wait3A_157, %dma_wait3A_158] : memref<640x128xf32, #tpu.memory_space<vmem>> -> memref<160x128xf32, #tpu.memory_space<vmem>>
        %dma_wait3A_160 = arith.constant 0 : i32
        %dma_wait3A_161 = arith.constant 0 : i32
        %dma_wait3A_162 = tpu.memref_slice %arg2[%dma_wait3A_160, %dma_wait3A_161] : memref<100000x128xf32, #tpu.memory_space<hbm>> -> memref<160x128xf32, #tpu.memory_space<hbm>>
        tpu.wait_dma2 semaphore(%arg10 : memref<!tpu.dma_semaphore, #tpu.memory_space<semaphore_mem>>) src(%dma_wait3A_162 : memref<160x128xf32, #tpu.memory_space<hbm>>) dst(%dma_wait3A_159 : memref<160x128xf32, #tpu.memory_space<vmem>>)
        %add3A_163 = arith.constant 3 : i32
        %add3A_164 = arith.addi %while3A_142, %add3A_163 : i32
        %lt3A = arith.cmpi slt, %add3A_164, %min3A_21 : i32
        %convert_element_type3A_165 = arith.extui %lt3A : i1 to i32
        %cond3A_166 = arith.constant 0 : i32
        %cond3A_167 = arith.cmpi ne, %convert_element_type3A_165, %cond3A_166 : i32
        scf.if %cond3A_167 {
          %add3A_192 = arith.constant 3 : i32
          %add3A_193 = arith.addi %while3A_142, %add3A_192 : i32
          %mul3A_194 = arith.constant 10 : i32
          %mul3A_195 = arith.muli %add3A_193, %mul3A_194 : i32
          %add3A_196 = arith.addi %mul3A_2, %mul3A_195 : i32
          %mul3A_197 = arith.constant 16 : i32
          %mul3A_198 = arith.muli %add3A_196, %mul3A_197 : i32
          %jit3A_199 = arith.constant 4 : i32
          %eq3A_200 = arith.constant 0 : i32
          %eq3A_201 = arith.cmpi eq, %jit3A_199, %eq3A_200 : i32
          %jit3A_202 = arith.constant 1 : i32
          %select_n3A_203 = arith.select %eq3A_201, %jit3A_202, %jit3A_199 : i32
          %rem3A_204 = arith.remsi %add3A_193, %select_n3A_203 : i32
          %ne3A_205 = arith.constant 0 : i32
          %ne3A_206 = arith.cmpi ne, %rem3A_204, %ne3A_205 : i32
          %lt3A_207 = arith.constant 0 : i32
          %lt3A_208 = arith.cmpi slt, %rem3A_204, %lt3A_207 : i32
          %lt3A_209 = arith.constant 0 : i32
          %lt3A_210 = arith.cmpi slt, %select_n3A_203, %lt3A_209 : i32
          %ne3A_211 = arith.xori %lt3A_208, %lt3A_210 : i1
          %and3A_212 = arith.andi %ne3A_211, %ne3A_206 : i1
          %add3A_213 = arith.addi %rem3A_204, %select_n3A_203 : i32
          %select_n3A_214 = arith.select %and3A_212, %add3A_213, %rem3A_204 : i32
          %mul3A_215 = arith.constant 160 : i32
          %mul3A_216 = arith.muli %select_n3A_214, %mul3A_215 : i32
          %eq3A_217 = arith.constant 0 : i32
          %eq3A_218 = arith.cmpi eq, %add3A_34, %eq3A_217 : i32
          %convert_element_type3A_219 = arith.extui %eq3A_218 : i1 to i32
          %cond3A_220 = arith.constant 0 : i32
          %cond3A_221 = arith.cmpi ne, %convert_element_type3A_219, %cond3A_220 : i32
          scf.if %cond3A_221 {
            %dma_start3A = arith.constant 0 : i32
            %dma_start3A_227 = tpu.memref_slice %arg7[%mul3A_216, %dma_start3A] : memref<640x128xf32, #tpu.memory_space<vmem>> -> memref<160x128xf32, #tpu.memory_space<vmem>>
            %dma_start3A_228 = arith.constant 0 : i32
            %dma_start3A_229 = tpu.memref_slice %arg2[%mul3A_198, %dma_start3A_228] : memref<100000x128xf32, #tpu.memory_space<hbm>> -> memref<160x128xf32, #tpu.memory_space<hbm>>
            %dma_start3A_230 = arith.constant 0 : i32
            %dma_start3A_231 = tpu.memref_slice %arg7[%mul3A_216, %dma_start3A_230] : memref<640x128xf32, #tpu.memory_space<vmem>> -> memref<160x128xf32, #tpu.memory_space<vmem>>
            %dma_start3A_232 = arith.constant 0 : i32
            %dma_start3A_233 = tpu.memref_slice %arg2[%mul3A_198, %dma_start3A_232] : memref<100000x128xf32, #tpu.memory_space<hbm>> -> memref<160x128xf32, #tpu.memory_space<hbm>>
            tpu.enqueue_dma source(%dma_start3A_233 : memref<160x128xf32, #tpu.memory_space<hbm>>) target(%dma_start3A_231 : memref<160x128xf32, #tpu.memory_space<vmem>>) target_semaphore(%arg10 : memref<!tpu.dma_semaphore, #tpu.memory_space<semaphore_mem>>)
          } else {
          }
          %eq3A_222 = arith.constant 1 : i32
          %eq3A_223 = arith.cmpi eq, %add3A_34, %eq3A_222 : i32
          %convert_element_type3A_224 = arith.extui %eq3A_223 : i1 to i32
          %cond3A_225 = arith.constant 0 : i32
          %cond3A_226 = arith.cmpi ne, %convert_element_type3A_224, %cond3A_225 : i32
          scf.if %cond3A_226 {
            %dma_start3A = arith.constant 0 : i32
            %dma_start3A_227 = tpu.memref_slice %arg7[%mul3A_216, %dma_start3A] : memref<640x128xf32, #tpu.memory_space<vmem>> -> memref<160x128xf32, #tpu.memory_space<vmem>>
            %dma_start3A_228 = arith.constant 0 : i32
            %dma_start3A_229 = tpu.memref_slice %arg4[%mul3A_198, %dma_start3A_228] : memref<100000x128xf32, #tpu.memory_space<hbm>> -> memref<160x128xf32, #tpu.memory_space<hbm>>
            %dma_start3A_230 = arith.constant 0 : i32
            %dma_start3A_231 = tpu.memref_slice %arg7[%mul3A_216, %dma_start3A_230] : memref<640x128xf32, #tpu.memory_space<vmem>> -> memref<160x128xf32, #tpu.memory_space<vmem>>
            %dma_start3A_232 = arith.constant 0 : i32
            %dma_start3A_233 = tpu.memref_slice %arg4[%mul3A_198, %dma_start3A_232] : memref<100000x128xf32, #tpu.memory_space<hbm>> -> memref<160x128xf32, #tpu.memory_space<hbm>>
            tpu.enqueue_dma source(%dma_start3A_233 : memref<160x128xf32, #tpu.memory_space<hbm>>) target(%dma_start3A_231 : memref<160x128xf32, #tpu.memory_space<vmem>>) target_semaphore(%arg10 : memref<!tpu.dma_semaphore, #tpu.memory_space<semaphore_mem>>)
          } else {
          }
        } else {
        }
        %jit3A_168 = arith.constant 4 : i32
        %eq3A_169 = arith.constant 0 : i32
        %eq3A_170 = arith.cmpi eq, %jit3A_168, %eq3A_169 : i32
        %jit3A_171 = arith.constant 1 : i32
        %select_n3A_172 = arith.select %eq3A_170, %jit3A_171, %jit3A_168 : i32
        %rem3A_173 = arith.remsi %while3A_142, %select_n3A_172 : i32
        %ne3A_174 = arith.constant 0 : i32
        %ne3A_175 = arith.cmpi ne, %rem3A_173, %ne3A_174 : i32
        %lt3A_176 = arith.constant 0 : i32
        %lt3A_177 = arith.cmpi slt, %rem3A_173, %lt3A_176 : i32
        %lt3A_178 = arith.constant 0 : i32
        %lt3A_179 = arith.cmpi slt, %select_n3A_172, %lt3A_178 : i32
        %ne3A_180 = arith.xori %lt3A_177, %lt3A_179 : i1
        %and3A_181 = arith.andi %ne3A_180, %ne3A_175 : i1
        %add3A_182 = arith.addi %rem3A_173, %select_n3A_172 : i32
        %select_n3A_183 = arith.select %and3A_181, %add3A_182, %rem3A_173 : i32
        %mul3A_184 = arith.constant 160 : i32
        %mul3A_185 = arith.muli %select_n3A_183, %mul3A_184 : i32
        %scan3A_186 = arith.constant 0 : i32
        %scan3A_187 = arith.constant 10 : i32
        %scan3A_188 = arith.addi %scan3A_186, %scan3A_187 : i32
        %scan3A_189 = arith.constant 1 : i32
        %scan3A_190:9 = scf.for %scan3A_192 = %scan3A_186 to %scan3A_188 step %scan3A_189 iter_args(%scan3A_193 = %while3A_143, %scan3A_194 = %while3A_144, %scan3A_195 = %while3A_145, %scan3A_196 = %while3A_146, %scan3A_197 = %while3A_147, %scan3A_198 = %while3A_148, %scan3A_199 = %while3A_149, %scan3A_200 = %while3A_150, %scan3A_201 = %while3A_151) -> (i32, vector<16xf32>, vector<16xf32>, vector<16xf32>, vector<16xf32>, vector<16xf32>, vector<16xf32>, vector<16xf32>, vector<16xf32>)  : i32 {
          %mul3A_202 = arith.constant 10 : i32
          %mul3A_203 = arith.muli %while3A_142, %mul3A_202 : i32
          %add3A_204 = arith.addi %mul3A_203, %scan3A_192 : i32
          %mul3A_205 = arith.constant 16 : i32
          %mul3A_206 = arith.muli %add3A_204, %mul3A_205 : i32
          %get3A_207 = arith.index_cast %mul3A_206 : i32 to index
          %get3A_208 = tpu.vector_load %arg8[%get3A_207] {strides = array<i32>} : memref<3200xi32, #tpu.memory_space<vmem>>, vector<16xi32>,
          %mul3A_209 = arith.constant 16 : i32
          %mul3A_210 = arith.muli %scan3A_192, %mul3A_209 : i32
          %add3A_211 = arith.addi %mul3A_185, %mul3A_210 : i32
          %eq3A_212 = vector.broadcast %scan3A_193 : i32 to vector<16xi32>
          %eq3A_213 = arith.cmpi eq, %get3A_208, %eq3A_212 : vector<16xi32>
          %reduce_and3A = arith.constant 1.000000e+00 : f32
          %reduce_and3A_214 = arith.constant 0.000000e+00 : f32
          %reduce_and3A_215 = vector.broadcast %reduce_and3A : f32 to vector<16xf32>
          %reduce_and3A_216 = vector.broadcast %reduce_and3A_214 : f32 to vector<16xf32>
          %reduce_and3A_217 = arith.select %eq3A_213, %reduce_and3A_215, %reduce_and3A_216 : vector<16xi1>, vector<16xf32>
          %reduce_and3A_218 = arith.constant true
          %reduce_and3A_219 = vector.broadcast %reduce_and3A_218 : i1 to vector<16xi1>
          %reduce_and3A_220 = tpu.scan <min>, %reduce_and3A_217 masked %reduce_and3A_219 : vector<16xf32>, vector<16xi1> -> vector<16xf32>
          %reduce_and3A_221 = vector.extract %reduce_and3A_220[15] : f32 from vector<16xf32>
          %reduce_and3A_222 = arith.constant 0.000000e+00 : f32
          %reduce_and3A_223 = arith.cmpf ogt, %reduce_and3A_221, %reduce_and3A_222 : f32
          %convert_element_type3A_224 = arith.extui %reduce_and3A_223 : i1 to i32
          %cond3A_225 = arith.constant 0 : i32
          %cond3A_226 = arith.cmpi ne, %convert_element_type3A_224, %cond3A_225 : i32
          %cond3A_227:9 = scf.if %cond3A_226 -> (i32, vector<16xf32>, vector<16xf32>, vector<16xf32>, vector<16xf32>, vector<16xf32>, vector<16xf32>, vector<16xf32>, vector<16xf32>) {
            %add3A_228 = arith.constant 0 : i32
            %add3A_229 = arith.addi %add3A_211, %add3A_228 : i32
            %get3A_230 = arith.index_cast %add3A_229 : i32 to index
            %get3A_231 = arith.constant 0 : index
            %get3A_232 = tpu.vector_load %arg7[%get3A_230, %get3A_231] {strides = array<i32>} : memref<640x128xf32, #tpu.memory_space<vmem>>, vector<16xf32>,
            %add3A_233 = arith.addf %scan3A_194, %get3A_232 : vector<16xf32>
            %add3A_234 = arith.constant 1 : i32
            %add3A_235 = arith.addi %add3A_211, %add3A_234 : i32
            %get3A_236 = arith.index_cast %add3A_235 : i32 to index
            %get3A_237 = arith.constant 0 : index
            %get3A_238 = tpu.vector_load %arg7[%get3A_236, %get3A_237] {strides = array<i32>} : memref<640x128xf32, #tpu.memory_space<vmem>>, vector<16xf32>,
            %add3A_239 = arith.addf %add3A_233, %get3A_238 : vector<16xf32>
            %add3A_240 = arith.constant 2 : i32
            %add3A_241 = arith.addi %add3A_211, %add3A_240 : i32
            %get3A_242 = arith.index_cast %add3A_241 : i32 to index
            %get3A_243 = arith.constant 0 : index
            %get3A_244 = tpu.vector_load %arg7[%get3A_242, %get3A_243] {strides = array<i32>} : memref<640x128xf32, #tpu.memory_space<vmem>>, vector<16xf32>,
            %add3A_245 = arith.addf %add3A_239, %get3A_244 : vector<16xf32>
            %add3A_246 = arith.constant 3 : i32
            %add3A_247 = arith.addi %add3A_211, %add3A_246 : i32
            %get3A_248 = arith.index_cast %add3A_247 : i32 to index
            %get3A_249 = arith.constant 0 : index
            %get3A_250 = tpu.vector_load %arg7[%get3A_248, %get3A_249] {strides = array<i32>} : memref<640x128xf32, #tpu.memory_space<vmem>>, vector<16xf32>,
            %add3A_251 = arith.addf %add3A_245, %get3A_250 : vector<16xf32>
            %add3A_252 = arith.constant 4 : i32
            %add3A_253 = arith.addi %add3A_211, %add3A_252 : i32
            %get3A_254 = arith.index_cast %add3A_253 : i32 to index
            %get3A_255 = arith.constant 0 : index
            %get3A_256 = tpu.vector_load %arg7[%get3A_254, %get3A_255] {strides = array<i32>} : memref<640x128xf32, #tpu.memory_space<vmem>>, vector<16xf32>,
            %add3A_257 = arith.addf %add3A_251, %get3A_256 : vector<16xf32>
            %add3A_258 = arith.constant 5 : i32
            %add3A_259 = arith.addi %add3A_211, %add3A_258 : i32
            %get3A_260 = arith.index_cast %add3A_259 : i32 to index
            %get3A_261 = arith.constant 0 : index
            %get3A_262 = tpu.vector_load %arg7[%get3A_260, %get3A_261] {strides = array<i32>} : memref<640x128xf32, #tpu.memory_space<vmem>>, vector<16xf32>,
            %add3A_263 = arith.addf %add3A_257, %get3A_262 : vector<16xf32>
            %add3A_264 = arith.constant 6 : i32
            %add3A_265 = arith.addi %add3A_211, %add3A_264 : i32
            %get3A_266 = arith.index_cast %add3A_265 : i32 to index
            %get3A_267 = arith.constant 0 : index
            %get3A_268 = tpu.vector_load %arg7[%get3A_266, %get3A_267] {strides = array<i32>} : memref<640x128xf32, #tpu.memory_space<vmem>>, vector<16xf32>,
            %add3A_269 = arith.addf %add3A_263, %get3A_268 : vector<16xf32>
            %add3A_270 = arith.constant 7 : i32
            %add3A_271 = arith.addi %add3A_211, %add3A_270 : i32
            %get3A_272 = arith.index_cast %add3A_271 : i32 to index
            %get3A_273 = arith.constant 0 : index
            %get3A_274 = tpu.vector_load %arg7[%get3A_272, %get3A_273] {strides = array<i32>} : memref<640x128xf32, #tpu.memory_space<vmem>>, vector<16xf32>,
            %add3A_275 = arith.addf %add3A_269, %get3A_274 : vector<16xf32>
            %add3A_276 = arith.constant 8 : i32
            %add3A_277 = arith.addi %add3A_211, %add3A_276 : i32
            %get3A_278 = arith.index_cast %add3A_277 : i32 to index
            %get3A_279 = arith.constant 0 : index
            %get3A_280 = tpu.vector_load %arg7[%get3A_278, %get3A_279] {strides = array<i32>} : memref<640x128xf32, #tpu.memory_space<vmem>>, vector<16xf32>,
            %add3A_281 = arith.addf %add3A_275, %get3A_280 : vector<16xf32>
            %add3A_282 = arith.constant 9 : i32
            %add3A_283 = arith.addi %add3A_211, %add3A_282 : i32
            %get3A_284 = arith.index_cast %add3A_283 : i32 to index
            %get3A_285 = arith.constant 0 : index
            %get3A_286 = tpu.vector_load %arg7[%get3A_284, %get3A_285] {strides = array<i32>} : memref<640x128xf32, #tpu.memory_space<vmem>>, vector<16xf32>,
            %add3A_287 = arith.addf %add3A_281, %get3A_286 : vector<16xf32>
            %add3A_288 = arith.constant 10 : i32
            %add3A_289 = arith.addi %add3A_211, %add3A_288 : i32
            %get3A_290 = arith.index_cast %add3A_289 : i32 to index
            %get3A_291 = arith.constant 0 : index
            %get3A_292 = tpu.vector_load %arg7[%get3A_290, %get3A_291] {strides = array<i32>} : memref<640x128xf32, #tpu.memory_space<vmem>>, vector<16xf32>,
            %add3A_293 = arith.addf %add3A_287, %get3A_292 : vector<16xf32>
            %add3A_294 = arith.constant 11 : i32
            %add3A_295 = arith.addi %add3A_211, %add3A_294 : i32
            %get3A_296 = arith.index_cast %add3A_295 : i32 to index
            %get3A_297 = arith.constant 0 : index
            %get3A_298 = tpu.vector_load %arg7[%get3A_296, %get3A_297] {strides = array<i32>} : memref<640x128xf32, #tpu.memory_space<vmem>>, vector<16xf32>,
            %add3A_299 = arith.addf %add3A_293, %get3A_298 : vector<16xf32>
            %add3A_300 = arith.constant 12 : i32
            %add3A_301 = arith.addi %add3A_211, %add3A_300 : i32
            %get3A_302 = arith.index_cast %add3A_301 : i32 to index
            %get3A_303 = arith.constant 0 : index
            %get3A_304 = tpu.vector_load %arg7[%get3A_302, %get3A_303] {strides = array<i32>} : memref<640x128xf32, #tpu.memory_space<vmem>>, vector<16xf32>,
            %add3A_305 = arith.addf %add3A_299, %get3A_304 : vector<16xf32>
            %add3A_306 = arith.constant 13 : i32
            %add3A_307 = arith.addi %add3A_211, %add3A_306 : i32
            %get3A_308 = arith.index_cast %add3A_307 : i32 to index
            %get3A_309 = arith.constant 0 : index
            %get3A_310 = tpu.vector_load %arg7[%get3A_308, %get3A_309] {strides = array<i32>} : memref<640x128xf32, #tpu.memory_space<vmem>>, vector<16xf32>,
            %add3A_311 = arith.addf %add3A_305, %get3A_310 : vector<16xf32>
            %add3A_312 = arith.constant 14 : i32
            %add3A_313 = arith.addi %add3A_211, %add3A_312 : i32
            %get3A_314 = arith.index_cast %add3A_313 : i32 to index
            %get3A_315 = arith.constant 0 : index
            %get3A_316 = tpu.vector_load %arg7[%get3A_314, %get3A_315] {strides = array<i32>} : memref<640x128xf32, #tpu.memory_space<vmem>>, vector<16xf32>,
            %add3A_317 = arith.addf %add3A_311, %get3A_316 : vector<16xf32>
            %add3A_318 = arith.constant 15 : i32
            %add3A_319 = arith.addi %add3A_211, %add3A_318 : i32
            %get3A_320 = arith.index_cast %add3A_319 : i32 to index
            %get3A_321 = arith.constant 0 : index
            %get3A_322 = tpu.vector_load %arg7[%get3A_320, %get3A_321] {strides = array<i32>} : memref<640x128xf32, #tpu.memory_space<vmem>>, vector<16xf32>,
            %add3A_323 = arith.addf %add3A_317, %get3A_322 : vector<16xf32>
            %add3A_324 = arith.constant 0 : i32
            %add3A_325 = arith.addi %add3A_211, %add3A_324 : i32
            %get3A_326 = arith.index_cast %add3A_325 : i32 to index
            %get3A_327 = arith.constant 16 : index
            %get3A_328 = tpu.vector_load %arg7[%get3A_326, %get3A_327] {strides = array<i32>} : memref<640x128xf32, #tpu.memory_space<vmem>>, vector<16xf32>,
            %add3A_329 = arith.addf %scan3A_195, %get3A_328 : vector<16xf32>
            %add3A_330 = arith.constant 1 : i32
            %add3A_331 = arith.addi %add3A_211, %add3A_330 : i32
            %get3A_332 = arith.index_cast %add3A_331 : i32 to index
            %get3A_333 = arith.constant 16 : index
            %get3A_334 = tpu.vector_load %arg7[%get3A_332, %get3A_333] {strides = array<i32>} : memref<640x128xf32, #tpu.memory_space<vmem>>, vector<16xf32>,
            %add3A_335 = arith.addf %add3A_329, %get3A_334 : vector<16xf32>
            %add3A_336 = arith.constant 2 : i32
            %add3A_337 = arith.addi %add3A_211, %add3A_336 : i32
            %get3A_338 = arith.index_cast %add3A_337 : i32 to index
            %get3A_339 = arith.constant 16 : index
            %get3A_340 = tpu.vector_load %arg7[%get3A_338, %get3A_339] {strides = array<i32>} : memref<640x128xf32, #tpu.memory_space<vmem>>, vector<16xf32>,
            %add3A_341 = arith.addf %add3A_335, %get3A_340 : vector<16xf32>
            %add3A_342 = arith.constant 3 : i32
            %add3A_343 = arith.addi %add3A_211, %add3A_342 : i32
            %get3A_344 = arith.index_cast %add3A_343 : i32 to index
            %get3A_345 = arith.constant 16 : index
            %get3A_346 = tpu.vector_load %arg7[%get3A_344, %get3A_345] {strides = array<i32>} : memref<640x128xf32, #tpu.memory_space<vmem>>, vector<16xf32>,
            %add3A_347 = arith.addf %add3A_341, %get3A_346 : vector<16xf32>
            %add3A_348 = arith.constant 4 : i32
            %add3A_349 = arith.addi %add3A_211, %add3A_348 : i32
            %get3A_350 = arith.index_cast %add3A_349 : i32 to index
            %get3A_351 = arith.constant 16 : index
            %get3A_352 = tpu.vector_load %arg7[%get3A_350, %get3A_351] {strides = array<i32>} : memref<640x128xf32, #tpu.memory_space<vmem>>, vector<16xf32>,
            %add3A_353 = arith.addf %add3A_347, %get3A_352 : vector<16xf32>
            %add3A_354 = arith.constant 5 : i32
            %add3A_355 = arith.addi %add3A_211, %add3A_354 : i32
            %get3A_356 = arith.index_cast %add3A_355 : i32 to index
            %get3A_357 = arith.constant 16 : index
            %get3A_358 = tpu.vector_load %arg7[%get3A_356, %get3A_357] {strides = array<i32>} : memref<640x128xf32, #tpu.memory_space<vmem>>, vector<16xf32>,
            %add3A_359 = arith.addf %add3A_353, %get3A_358 : vector<16xf32>
            %add3A_360 = arith.constant 6 : i32
            %add3A_361 = arith.addi %add3A_211, %add3A_360 : i32
            %get3A_362 = arith.index_cast %add3A_361 : i32 to index
            %get3A_363 = arith.constant 16 : index
            %get3A_364 = tpu.vector_load %arg7[%get3A_362, %get3A_363] {strides = array<i32>} : memref<640x128xf32, #tpu.memory_space<vmem>>, vector<16xf32>,
            %add3A_365 = arith.addf %add3A_359, %get3A_364 : vector<16xf32>
            %add3A_366 = arith.constant 7 : i32
            %add3A_367 = arith.addi %add3A_211, %add3A_366 : i32
            %get3A_368 = arith.index_cast %add3A_367 : i32 to index
            %get3A_369 = arith.constant 16 : index
            %get3A_370 = tpu.vector_load %arg7[%get3A_368, %get3A_369] {strides = array<i32>} : memref<640x128xf32, #tpu.memory_space<vmem>>, vector<16xf32>,
            %add3A_371 = arith.addf %add3A_365, %get3A_370 : vector<16xf32>
            %add3A_372 = arith.constant 8 : i32
            %add3A_373 = arith.addi %add3A_211, %add3A_372 : i32
            %get3A_374 = arith.index_cast %add3A_373 : i32 to index
            %get3A_375 = arith.constant 16 : index
            %get3A_376 = tpu.vector_load %arg7[%get3A_374, %get3A_375] {strides = array<i32>} : memref<640x128xf32, #tpu.memory_space<vmem>>, vector<16xf32>,
            %add3A_377 = arith.addf %add3A_371, %get3A_376 : vector<16xf32>
            %add3A_378 = arith.constant 9 : i32
            %add3A_379 = arith.addi %add3A_211, %add3A_378 : i32
            %get3A_380 = arith.index_cast %add3A_379 : i32 to index
            %get3A_381 = arith.constant 16 : index
            %get3A_382 = tpu.vector_load %arg7[%get3A_380, %get3A_381] {strides = array<i32>} : memref<640x128xf32, #tpu.memory_space<vmem>>, vector<16xf32>,
            %add3A_383 = arith.addf %add3A_377, %get3A_382 : vector<16xf32>
            %add3A_384 = arith.constant 10 : i32
            %add3A_385 = arith.addi %add3A_211, %add3A_384 : i32
            %get3A_386 = arith.index_cast %add3A_385 : i32 to index
            %get3A_387 = arith.constant 16 : index
            %get3A_388 = tpu.vector_load %arg7[%get3A_386, %get3A_387] {strides = array<i32>} : memref<640x128xf32, #tpu.memory_space<vmem>>, vector<16xf32>,
            %add3A_389 = arith.addf %add3A_383, %get3A_388 : vector<16xf32>
            %add3A_390 = arith.constant 11 : i32
            %add3A_391 = arith.addi %add3A_211, %add3A_390 : i32
            %get3A_392 = arith.index_cast %add3A_391 : i32 to index
            %get3A_393 = arith.constant 16 : index
            %get3A_394 = tpu.vector_load %arg7[%get3A_392, %get3A_393] {strides = array<i32>} : memref<640x128xf32, #tpu.memory_space<vmem>>, vector<16xf32>,
            %add3A_395 = arith.addf %add3A_389, %get3A_394 : vector<16xf32>
            %add3A_396 = arith.constant 12 : i32
            %add3A_397 = arith.addi %add3A_211, %add3A_396 : i32
            %get3A_398 = arith.index_cast %add3A_397 : i32 to index
            %get3A_399 = arith.constant 16 : index
            %get3A_400 = tpu.vector_load %arg7[%get3A_398, %get3A_399] {strides = array<i32>} : memref<640x128xf32, #tpu.memory_space<vmem>>, vector<16xf32>,
            %add3A_401 = arith.addf %add3A_395, %get3A_400 : vector<16xf32>
            %add3A_402 = arith.constant 13 : i32
            %add3A_403 = arith.addi %add3A_211, %add3A_402 : i32
            %get3A_404 = arith.index_cast %add3A_403 : i32 to index
            %get3A_405 = arith.constant 16 : index
            %get3A_406 = tpu.vector_load %arg7[%get3A_404, %get3A_405] {strides = array<i32>} : memref<640x128xf32, #tpu.memory_space<vmem>>, vector<16xf32>,
            %add3A_407 = arith.addf %add3A_401, %get3A_406 : vector<16xf32>
            %add3A_408 = arith.constant 14 : i32
            %add3A_409 = arith.addi %add3A_211, %add3A_408 : i32
            %get3A_410 = arith.index_cast %add3A_409 : i32 to index
            %get3A_411 = arith.constant 16 : index
            %get3A_412 = tpu.vector_load %arg7[%get3A_410, %get3A_411] {strides = array<i32>} : memref<640x128xf32, #tpu.memory_space<vmem>>, vector<16xf32>,
            %add3A_413 = arith.addf %add3A_407, %get3A_412 : vector<16xf32>
            %add3A_414 = arith.constant 15 : i32
            %add3A_415 = arith.addi %add3A_211, %add3A_414 : i32
            %get3A_416 = arith.index_cast %add3A_415 : i32 to index
            %get3A_417 = arith.constant 16 : index
            %get3A_418 = tpu.vector_load %arg7[%get3A_416, %get3A_417] {strides = array<i32>} : memref<640x128xf32, #tpu.memory_space<vmem>>, vector<16xf32>,
            %add3A_419 = arith.addf %add3A_413, %get3A_418 : vector<16xf32>
            %add3A_420 = arith.constant 0 : i32
            %add3A_421 = arith.addi %add3A_211, %add3A_420 : i32
            %get3A_422 = arith.index_cast %add3A_421 : i32 to index
            %get3A_423 = arith.constant 32 : index
            %get3A_424 = tpu.vector_load %arg7[%get3A_422, %get3A_423] {strides = array<i32>} : memref<640x128xf32, #tpu.memory_space<vmem>>, vector<16xf32>,
            %add3A_425 = arith.addf %scan3A_196, %get3A_424 : vector<16xf32>
            %add3A_426 = arith.constant 1 : i32
            %add3A_427 = arith.addi %add3A_211, %add3A_426 : i32
            %get3A_428 = arith.index_cast %add3A_427 : i32 to index
            %get3A_429 = arith.constant 32 : index
            %get3A_430 = tpu.vector_load %arg7[%get3A_428, %get3A_429] {strides = array<i32>} : memref<640x128xf32, #tpu.memory_space<vmem>>, vector<16xf32>,
            %add3A_431 = arith.addf %add3A_425, %get3A_430 : vector<16xf32>
            %add3A_432 = arith.constant 2 : i32
            %add3A_433 = arith.addi %add3A_211, %add3A_432 : i32
            %get3A_434 = arith.index_cast %add3A_433 : i32 to index
            %get3A_435 = arith.constant 32 : index
            %get3A_436 = tpu.vector_load %arg7[%get3A_434, %get3A_435] {strides = array<i32>} : memref<640x128xf32, #tpu.memory_space<vmem>>, vector<16xf32>,
            %add3A_437 = arith.addf %add3A_431, %get3A_436 : vector<16xf32>
            %add3A_438 = arith.constant 3 : i32
            %add3A_439 = arith.addi %add3A_211, %add3A_438 : i32
            %get3A_440 = arith.index_cast %add3A_439 : i32 to index
            %get3A_441 = arith.constant 32 : index
            %get3A_442 = tpu.vector_load %arg7[%get3A_440, %get3A_441] {strides = array<i32>} : memref<640x128xf32, #tpu.memory_space<vmem>>, vector<16xf32>,
            %add3A_443 = arith.addf %add3A_437, %get3A_442 : vector<16xf32>
            %add3A_444 = arith.constant 4 : i32
            %add3A_445 = arith.addi %add3A_211, %add3A_444 : i32
            %get3A_446 = arith.index_cast %add3A_445 : i32 to index
            %get3A_447 = arith.constant 32 : index
            %get3A_448 = tpu.vector_load %arg7[%get3A_446, %get3A_447] {strides = array<i32>} : memref<640x128xf32, #tpu.memory_space<vmem>>, vector<16xf32>,
            %add3A_449 = arith.addf %add3A_443, %get3A_448 : vector<16xf32>
            %add3A_450 = arith.constant 5 : i32
            %add3A_451 = arith.addi %add3A_211, %add3A_450 : i32
            %get3A_452 = arith.index_cast %add3A_451 : i32 to index
            %get3A_453 = arith.constant 32 : index
            %get3A_454 = tpu.vector_load %arg7[%get3A_452, %get3A_453] {strides = array<i32>} : memref<640x128xf32, #tpu.memory_space<vmem>>, vector<16xf32>,
            %add3A_455 = arith.addf %add3A_449, %get3A_454 : vector<16xf32>
            %add3A_456 = arith.constant 6 : i32
            %add3A_457 = arith.addi %add3A_211, %add3A_456 : i32
            %get3A_458 = arith.index_cast %add3A_457 : i32 to index
            %get3A_459 = arith.constant 32 : index
            %get3A_460 = tpu.vector_load %arg7[%get3A_458, %get3A_459] {strides = array<i32>} : memref<640x128xf32, #tpu.memory_space<vmem>>, vector<16xf32>,
            %add3A_461 = arith.addf %add3A_455, %get3A_460 : vector<16xf32>
            %add3A_462 = arith.constant 7 : i32
            %add3A_463 = arith.addi %add3A_211, %add3A_462 : i32
            %get3A_464 = arith.index_cast %add3A_463 : i32 to index
            %get3A_465 = arith.constant 32 : index
            %get3A_466 = tpu.vector_load %arg7[%get3A_464, %get3A_465] {strides = array<i32>} : memref<640x128xf32, #tpu.memory_space<vmem>>, vector<16xf32>,
            %add3A_467 = arith.addf %add3A_461, %get3A_466 : vector<16xf32>
            %add3A_468 = arith.constant 8 : i32
            %add3A_469 = arith.addi %add3A_211, %add3A_468 : i32
            %get3A_470 = arith.index_cast %add3A_469 : i32 to index
            %get3A_471 = arith.constant 32 : index
            %get3A_472 = tpu.vector_load %arg7[%get3A_470, %get3A_471] {strides = array<i32>} : memref<640x128xf32, #tpu.memory_space<vmem>>, vector<16xf32>,
            %add3A_473 = arith.addf %add3A_467, %get3A_472 : vector<16xf32>
            %add3A_474 = arith.constant 9 : i32
            %add3A_475 = arith.addi %add3A_211, %add3A_474 : i32
            %get3A_476 = arith.index_cast %add3A_475 : i32 to index
            %get3A_477 = arith.constant 32 : index
            %get3A_478 = tpu.vector_load %arg7[%get3A_476, %get3A_477] {strides = array<i32>} : memref<640x128xf32, #tpu.memory_space<vmem>>, vector<16xf32>,
            %add3A_479 = arith.addf %add3A_473, %get3A_478 : vector<16xf32>
            %add3A_480 = arith.constant 10 : i32
            %add3A_481 = arith.addi %add3A_211, %add3A_480 : i32
            %get3A_482 = arith.index_cast %add3A_481 : i32 to index
            %get3A_483 = arith.constant 32 : index
            %get3A_484 = tpu.vector_load %arg7[%get3A_482, %get3A_483] {strides = array<i32>} : memref<640x128xf32, #tpu.memory_space<vmem>>, vector<16xf32>,
            %add3A_485 = arith.addf %add3A_479, %get3A_484 : vector<16xf32>
            %add3A_486 = arith.constant 11 : i32
            %add3A_487 = arith.addi %add3A_211, %add3A_486 : i32
            %get3A_488 = arith.index_cast %add3A_487 : i32 to index
            %get3A_489 = arith.constant 32 : index
            %get3A_490 = tpu.vector_load %arg7[%get3A_488, %get3A_489] {strides = array<i32>} : memref<640x128xf32, #tpu.memory_space<vmem>>, vector<16xf32>,
            %add3A_491 = arith.addf %add3A_485, %get3A_490 : vector<16xf32>
            %add3A_492 = arith.constant 12 : i32
            %add3A_493 = arith.addi %add3A_211, %add3A_492 : i32
            %get3A_494 = arith.index_cast %add3A_493 : i32 to index
            %get3A_495 = arith.constant 32 : index
            %get3A_496 = tpu.vector_load %arg7[%get3A_494, %get3A_495] {strides = array<i32>} : memref<640x128xf32, #tpu.memory_space<vmem>>, vector<16xf32>,
            %add3A_497 = arith.addf %add3A_491, %get3A_496 : vector<16xf32>
            %add3A_498 = arith.constant 13 : i32
            %add3A_499 = arith.addi %add3A_211, %add3A_498 : i32
            %get3A_500 = arith.index_cast %add3A_499 : i32 to index
            %get3A_501 = arith.constant 32 : index
            %get3A_502 = tpu.vector_load %arg7[%get3A_500, %get3A_501] {strides = array<i32>} : memref<640x128xf32, #tpu.memory_space<vmem>>, vector<16xf32>,
            %add3A_503 = arith.addf %add3A_497, %get3A_502 : vector<16xf32>
            %add3A_504 = arith.constant 14 : i32
            %add3A_505 = arith.addi %add3A_211, %add3A_504 : i32
            %get3A_506 = arith.index_cast %add3A_505 : i32 to index
            %get3A_507 = arith.constant 32 : index
            %get3A_508 = tpu.vector_load %arg7[%get3A_506, %get3A_507] {strides = array<i32>} : memref<640x128xf32, #tpu.memory_space<vmem>>, vector<16xf32>,
            %add3A_509 = arith.addf %add3A_503, %get3A_508 : vector<16xf32>
            %add3A_510 = arith.constant 15 : i32
            %add3A_511 = arith.addi %add3A_211, %add3A_510 : i32
            %get3A_512 = arith.index_cast %add3A_511 : i32 to index
            %get3A_513 = arith.constant 32 : index
            %get3A_514 = tpu.vector_load %arg7[%get3A_512, %get3A_513] {strides = array<i32>} : memref<640x128xf32, #tpu.memory_space<vmem>>, vector<16xf32>,
            %add3A_515 = arith.addf %add3A_509, %get3A_514 : vector<16xf32>
            %add3A_516 = arith.constant 0 : i32
            %add3A_517 = arith.addi %add3A_211, %add3A_516 : i32
            %get3A_518 = arith.index_cast %add3A_517 : i32 to index
            %get3A_519 = arith.constant 48 : index
            %get3A_520 = tpu.vector_load %arg7[%get3A_518, %get3A_519] {strides = array<i32>} : memref<640x128xf32, #tpu.memory_space<vmem>>, vector<16xf32>,
            %add3A_521 = arith.addf %scan3A_197, %get3A_520 : vector<16xf32>
            %add3A_522 = arith.constant 1 : i32
            %add3A_523 = arith.addi %add3A_211, %add3A_522 : i32
            %get3A_524 = arith.index_cast %add3A_523 : i32 to index
            %get3A_525 = arith.constant 48 : index
            %get3A_526 = tpu.vector_load %arg7[%get3A_524, %get3A_525] {strides = array<i32>} : memref<640x128xf32, #tpu.memory_space<vmem>>, vector<16xf32>,
            %add3A_527 = arith.addf %add3A_521, %get3A_526 : vector<16xf32>
            %add3A_528 = arith.constant 2 : i32
            %add3A_529 = arith.addi %add3A_211, %add3A_528 : i32
            %get3A_530 = arith.index_cast %add3A_529 : i32 to index
            %get3A_531 = arith.constant 48 : index
            %get3A_532 = tpu.vector_load %arg7[%get3A_530, %get3A_531] {strides = array<i32>} : memref<640x128xf32, #tpu.memory_space<vmem>>, vector<16xf32>,
            %add3A_533 = arith.addf %add3A_527, %get3A_532 : vector<16xf32>
            %add3A_534 = arith.constant 3 : i32
            %add3A_535 = arith.addi %add3A_211, %add3A_534 : i32
            %get3A_536 = arith.index_cast %add3A_535 : i32 to index
            %get3A_537 = arith.constant 48 : index
            %get3A_538 = tpu.vector_load %arg7[%get3A_536, %get3A_537] {strides = array<i32>} : memref<640x128xf32, #tpu.memory_space<vmem>>, vector<16xf32>,
            %add3A_539 = arith.addf %add3A_533, %get3A_538 : vector<16xf32>
            %add3A_540 = arith.constant 4 : i32
            %add3A_541 = arith.addi %add3A_211, %add3A_540 : i32
            %get3A_542 = arith.index_cast %add3A_541 : i32 to index
            %get3A_543 = arith.constant 48 : index
            %get3A_544 = tpu.vector_load %arg7[%get3A_542, %get3A_543] {strides = array<i32>} : memref<640x128xf32, #tpu.memory_space<vmem>>, vector<16xf32>,
            %add3A_545 = arith.addf %add3A_539, %get3A_544 : vector<16xf32>
            %add3A_546 = arith.constant 5 : i32
            %add3A_547 = arith.addi %add3A_211, %add3A_546 : i32
            %get3A_548 = arith.index_cast %add3A_547 : i32 to index
            %get3A_549 = arith.constant 48 : index
            %get3A_550 = tpu.vector_load %arg7[%get3A_548, %get3A_549] {strides = array<i32>} : memref<640x128xf32, #tpu.memory_space<vmem>>, vector<16xf32>,
            %add3A_551 = arith.addf %add3A_545, %get3A_550 : vector<16xf32>
            %add3A_552 = arith.constant 6 : i32
            %add3A_553 = arith.addi %add3A_211, %add3A_552 : i32
            %get3A_554 = arith.index_cast %add3A_553 : i32 to index
            %get3A_555 = arith.constant 48 : index
            %get3A_556 = tpu.vector_load %arg7[%get3A_554, %get3A_555] {strides = array<i32>} : memref<640x128xf32, #tpu.memory_space<vmem>>, vector<16xf32>,
            %add3A_557 = arith.addf %add3A_551, %get3A_556 : vector<16xf32>
            %add3A_558 = arith.constant 7 : i32
            %add3A_559 = arith.addi %add3A_211, %add3A_558 : i32
            %get3A_560 = arith.index_cast %add3A_559 : i32 to index
            %get3A_561 = arith.constant 48 : index
            %get3A_562 = tpu.vector_load %arg7[%get3A_560, %get3A_561] {strides = array<i32>} : memref<640x128xf32, #tpu.memory_space<vmem>>, vector<16xf32>,
            %add3A_563 = arith.addf %add3A_557, %get3A_562 : vector<16xf32>
            %add3A_564 = arith.constant 8 : i32
            %add3A_565 = arith.addi %add3A_211, %add3A_564 : i32
            %get3A_566 = arith.index_cast %add3A_565 : i32 to index
            %get3A_567 = arith.constant 48 : index
            %get3A_568 = tpu.vector_load %arg7[%get3A_566, %get3A_567] {strides = array<i32>} : memref<640x128xf32, #tpu.memory_space<vmem>>, vector<16xf32>,
            %add3A_569 = arith.addf %add3A_563, %get3A_568 : vector<16xf32>
            %add3A_570 = arith.constant 9 : i32
            %add3A_571 = arith.addi %add3A_211, %add3A_570 : i32
            %get3A_572 = arith.index_cast %add3A_571 : i32 to index
            %get3A_573 = arith.constant 48 : index
            %get3A_574 = tpu.vector_load %arg7[%get3A_572, %get3A_573] {strides = array<i32>} : memref<640x128xf32, #tpu.memory_space<vmem>>, vector<16xf32>,
            %add3A_575 = arith.addf %add3A_569, %get3A_574 : vector<16xf32>
            %add3A_576 = arith.constant 10 : i32
            %add3A_577 = arith.addi %add3A_211, %add3A_576 : i32
            %get3A_578 = arith.index_cast %add3A_577 : i32 to index
            %get3A_579 = arith.constant 48 : index
            %get3A_580 = tpu.vector_load %arg7[%get3A_578, %get3A_579] {strides = array<i32>} : memref<640x128xf32, #tpu.memory_space<vmem>>, vector<16xf32>,
            %add3A_581 = arith.addf %add3A_575, %get3A_580 : vector<16xf32>
            %add3A_582 = arith.constant 11 : i32
            %add3A_583 = arith.addi %add3A_211, %add3A_582 : i32
            %get3A_584 = arith.index_cast %add3A_583 : i32 to index
            %get3A_585 = arith.constant 48 : index
            %get3A_586 = tpu.vector_load %arg7[%get3A_584, %get3A_585] {strides = array<i32>} : memref<640x128xf32, #tpu.memory_space<vmem>>, vector<16xf32>,
            %add3A_587 = arith.addf %add3A_581, %get3A_586 : vector<16xf32>
            %add3A_588 = arith.constant 12 : i32
            %add3A_589 = arith.addi %add3A_211, %add3A_588 : i32
            %get3A_590 = arith.index_cast %add3A_589 : i32 to index
            %get3A_591 = arith.constant 48 : index
            %get3A_592 = tpu.vector_load %arg7[%get3A_590, %get3A_591] {strides = array<i32>} : memref<640x128xf32, #tpu.memory_space<vmem>>, vector<16xf32>,
            %add3A_593 = arith.addf %add3A_587, %get3A_592 : vector<16xf32>
            %add3A_594 = arith.constant 13 : i32
            %add3A_595 = arith.addi %add3A_211, %add3A_594 : i32
            %get3A_596 = arith.index_cast %add3A_595 : i32 to index
            %get3A_597 = arith.constant 48 : index
            %get3A_598 = tpu.vector_load %arg7[%get3A_596, %get3A_597] {strides = array<i32>} : memref<640x128xf32, #tpu.memory_space<vmem>>, vector<16xf32>,
            %add3A_599 = arith.addf %add3A_593, %get3A_598 : vector<16xf32>
            %add3A_600 = arith.constant 14 : i32
            %add3A_601 = arith.addi %add3A_211, %add3A_600 : i32
            %get3A_602 = arith.index_cast %add3A_601 : i32 to index
            %get3A_603 = arith.constant 48 : index
            %get3A_604 = tpu.vector_load %arg7[%get3A_602, %get3A_603] {strides = array<i32>} : memref<640x128xf32, #tpu.memory_space<vmem>>, vector<16xf32>,
            %add3A_605 = arith.addf %add3A_599, %get3A_604 : vector<16xf32>
            %add3A_606 = arith.constant 15 : i32
            %add3A_607 = arith.addi %add3A_211, %add3A_606 : i32
            %get3A_608 = arith.index_cast %add3A_607 : i32 to index
            %get3A_609 = arith.constant 48 : index
            %get3A_610 = tpu.vector_load %arg7[%get3A_608, %get3A_609] {strides = array<i32>} : memref<640x128xf32, #tpu.memory_space<vmem>>, vector<16xf32>,
            %add3A_611 = arith.addf %add3A_605, %get3A_610 : vector<16xf32>
            %add3A_612 = arith.constant 0 : i32
            %add3A_613 = arith.addi %add3A_211, %add3A_612 : i32
            %get3A_614 = arith.index_cast %add3A_613 : i32 to index
            %get3A_615 = arith.constant 64 : index
            %get3A_616 = tpu.vector_load %arg7[%get3A_614, %get3A_615] {strides = array<i32>} : memref<640x128xf32, #tpu.memory_space<vmem>>, vector<16xf32>,
            %add3A_617 = arith.addf %scan3A_198, %get3A_616 : vector<16xf32>
            %add3A_618 = arith.constant 1 : i32
            %add3A_619 = arith.addi %add3A_211, %add3A_618 : i32
            %get3A_620 = arith.index_cast %add3A_619 : i32 to index
            %get3A_621 = arith.constant 64 : index
            %get3A_622 = tpu.vector_load %arg7[%get3A_620, %get3A_621] {strides = array<i32>} : memref<640x128xf32, #tpu.memory_space<vmem>>, vector<16xf32>,
            %add3A_623 = arith.addf %add3A_617, %get3A_622 : vector<16xf32>
            %add3A_624 = arith.constant 2 : i32
            %add3A_625 = arith.addi %add3A_211, %add3A_624 : i32
            %get3A_626 = arith.index_cast %add3A_625 : i32 to index
            %get3A_627 = arith.constant 64 : index
            %get3A_628 = tpu.vector_load %arg7[%get3A_626, %get3A_627] {strides = array<i32>} : memref<640x128xf32, #tpu.memory_space<vmem>>, vector<16xf32>,
            %add3A_629 = arith.addf %add3A_623, %get3A_628 : vector<16xf32>
            %add3A_630 = arith.constant 3 : i32
            %add3A_631 = arith.addi %add3A_211, %add3A_630 : i32
            %get3A_632 = arith.index_cast %add3A_631 : i32 to index
            %get3A_633 = arith.constant 64 : index
            %get3A_634 = tpu.vector_load %arg7[%get3A_632, %get3A_633] {strides = array<i32>} : memref<640x128xf32, #tpu.memory_space<vmem>>, vector<16xf32>,
            %add3A_635 = arith.addf %add3A_629, %get3A_634 : vector<16xf32>
            %add3A_636 = arith.constant 4 : i32
            %add3A_637 = arith.addi %add3A_211, %add3A_636 : i32
            %get3A_638 = arith.index_cast %add3A_637 : i32 to index
            %get3A_639 = arith.constant 64 : index
            %get3A_640 = tpu.vector_load %arg7[%get3A_638, %get3A_639] {strides = array<i32>} : memref<640x128xf32, #tpu.memory_space<vmem>>, vector<16xf32>,
            %add3A_641 = arith.addf %add3A_635, %get3A_640 : vector<16xf32>
            %add3A_642 = arith.constant 5 : i32
            %add3A_643 = arith.addi %add3A_211, %add3A_642 : i32
            %get3A_644 = arith.index_cast %add3A_643 : i32 to index
            %get3A_645 = arith.constant 64 : index
            %get3A_646 = tpu.vector_load %arg7[%get3A_644, %get3A_645] {strides = array<i32>} : memref<640x128xf32, #tpu.memory_space<vmem>>, vector<16xf32>,
            %add3A_647 = arith.addf %add3A_641, %get3A_646 : vector<16xf32>
            %add3A_648 = arith.constant 6 : i32
            %add3A_649 = arith.addi %add3A_211, %add3A_648 : i32
            %get3A_650 = arith.index_cast %add3A_649 : i32 to index
            %get3A_651 = arith.constant 64 : index
            %get3A_652 = tpu.vector_load %arg7[%get3A_650, %get3A_651] {strides = array<i32>} : memref<640x128xf32, #tpu.memory_space<vmem>>, vector<16xf32>,
            %add3A_653 = arith.addf %add3A_647, %get3A_652 : vector<16xf32>
            %add3A_654 = arith.constant 7 : i32
            %add3A_655 = arith.addi %add3A_211, %add3A_654 : i32
            %get3A_656 = arith.index_cast %add3A_655 : i32 to index
            %get3A_657 = arith.constant 64 : index
            %get3A_658 = tpu.vector_load %arg7[%get3A_656, %get3A_657] {strides = array<i32>} : memref<640x128xf32, #tpu.memory_space<vmem>>, vector<16xf32>,
            %add3A_659 = arith.addf %add3A_653, %get3A_658 : vector<16xf32>
            %add3A_660 = arith.constant 8 : i32
            %add3A_661 = arith.addi %add3A_211, %add3A_660 : i32
            %get3A_662 = arith.index_cast %add3A_661 : i32 to index
            %get3A_663 = arith.constant 64 : index
            %get3A_664 = tpu.vector_load %arg7[%get3A_662, %get3A_663] {strides = array<i32>} : memref<640x128xf32, #tpu.memory_space<vmem>>, vector<16xf32>,
            %add3A_665 = arith.addf %add3A_659, %get3A_664 : vector<16xf32>
            %add3A_666 = arith.constant 9 : i32
            %add3A_667 = arith.addi %add3A_211, %add3A_666 : i32
            %get3A_668 = arith.index_cast %add3A_667 : i32 to index
            %get3A_669 = arith.constant 64 : index
            %get3A_670 = tpu.vector_load %arg7[%get3A_668, %get3A_669] {strides = array<i32>} : memref<640x128xf32, #tpu.memory_space<vmem>>, vector<16xf32>,
            %add3A_671 = arith.addf %add3A_665, %get3A_670 : vector<16xf32>
            %add3A_672 = arith.constant 10 : i32
            %add3A_673 = arith.addi %add3A_211, %add3A_672 : i32
            %get3A_674 = arith.index_cast %add3A_673 : i32 to index
            %get3A_675 = arith.constant 64 : index
            %get3A_676 = tpu.vector_load %arg7[%get3A_674, %get3A_675] {strides = array<i32>} : memref<640x128xf32, #tpu.memory_space<vmem>>, vector<16xf32>,
            %add3A_677 = arith.addf %add3A_671, %get3A_676 : vector<16xf32>
            %add3A_678 = arith.constant 11 : i32
            %add3A_679 = arith.addi %add3A_211, %add3A_678 : i32
            %get3A_680 = arith.index_cast %add3A_679 : i32 to index
            %get3A_681 = arith.constant 64 : index
            %get3A_682 = tpu.vector_load %arg7[%get3A_680, %get3A_681] {strides = array<i32>} : memref<640x128xf32, #tpu.memory_space<vmem>>, vector<16xf32>,
            %add3A_683 = arith.addf %add3A_677, %get3A_682 : vector<16xf32>
            %add3A_684 = arith.constant 12 : i32
            %add3A_685 = arith.addi %add3A_211, %add3A_684 : i32
            %get3A_686 = arith.index_cast %add3A_685 : i32 to index
            %get3A_687 = arith.constant 64 : index
            %get3A_688 = tpu.vector_load %arg7[%get3A_686, %get3A_687] {strides = array<i32>} : memref<640x128xf32, #tpu.memory_space<vmem>>, vector<16xf32>,
            %add3A_689 = arith.addf %add3A_683, %get3A_688 : vector<16xf32>
            %add3A_690 = arith.constant 13 : i32
            %add3A_691 = arith.addi %add3A_211, %add3A_690 : i32
            %get3A_692 = arith.index_cast %add3A_691 : i32 to index
            %get3A_693 = arith.constant 64 : index
            %get3A_694 = tpu.vector_load %arg7[%get3A_692, %get3A_693] {strides = array<i32>} : memref<640x128xf32, #tpu.memory_space<vmem>>, vector<16xf32>,
            %add3A_695 = arith.addf %add3A_689, %get3A_694 : vector<16xf32>
            %add3A_696 = arith.constant 14 : i32
            %add3A_697 = arith.addi %add3A_211, %add3A_696 : i32
            %get3A_698 = arith.index_cast %add3A_697 : i32 to index
            %get3A_699 = arith.constant 64 : index
            %get3A_700 = tpu.vector_load %arg7[%get3A_698, %get3A_699] {strides = array<i32>} : memref<640x128xf32, #tpu.memory_space<vmem>>, vector<16xf32>,
            %add3A_701 = arith.addf %add3A_695, %get3A_700 : vector<16xf32>
            %add3A_702 = arith.constant 15 : i32
            %add3A_703 = arith.addi %add3A_211, %add3A_702 : i32
            %get3A_704 = arith.index_cast %add3A_703 : i32 to index
            %get3A_705 = arith.constant 64 : index
            %get3A_706 = tpu.vector_load %arg7[%get3A_704, %get3A_705] {strides = array<i32>} : memref<640x128xf32, #tpu.memory_space<vmem>>, vector<16xf32>,
            %add3A_707 = arith.addf %add3A_701, %get3A_706 : vector<16xf32>
            %add3A_708 = arith.constant 0 : i32
            %add3A_709 = arith.addi %add3A_211, %add3A_708 : i32
            %get3A_710 = arith.index_cast %add3A_709 : i32 to index
            %get3A_711 = arith.constant 80 : index
            %get3A_712 = tpu.vector_load %arg7[%get3A_710, %get3A_711] {strides = array<i32>} : memref<640x128xf32, #tpu.memory_space<vmem>>, vector<16xf32>,
            %add3A_713 = arith.addf %scan3A_199, %get3A_712 : vector<16xf32>
            %add3A_714 = arith.constant 1 : i32
            %add3A_715 = arith.addi %add3A_211, %add3A_714 : i32
            %get3A_716 = arith.index_cast %add3A_715 : i32 to index
            %get3A_717 = arith.constant 80 : index
            %get3A_718 = tpu.vector_load %arg7[%get3A_716, %get3A_717] {strides = array<i32>} : memref<640x128xf32, #tpu.memory_space<vmem>>, vector<16xf32>,
            %add3A_719 = arith.addf %add3A_713, %get3A_718 : vector<16xf32>
            %add3A_720 = arith.constant 2 : i32
            %add3A_721 = arith.addi %add3A_211, %add3A_720 : i32
            %get3A_722 = arith.index_cast %add3A_721 : i32 to index
            %get3A_723 = arith.constant 80 : index
            %get3A_724 = tpu.vector_load %arg7[%get3A_722, %get3A_723] {strides = array<i32>} : memref<640x128xf32, #tpu.memory_space<vmem>>, vector<16xf32>,
            %add3A_725 = arith.addf %add3A_719, %get3A_724 : vector<16xf32>
            %add3A_726 = arith.constant 3 : i32
            %add3A_727 = arith.addi %add3A_211, %add3A_726 : i32
            %get3A_728 = arith.index_cast %add3A_727 : i32 to index
            %get3A_729 = arith.constant 80 : index
            %get3A_730 = tpu.vector_load %arg7[%get3A_728, %get3A_729] {strides = array<i32>} : memref<640x128xf32, #tpu.memory_space<vmem>>, vector<16xf32>,
            %add3A_731 = arith.addf %add3A_725, %get3A_730 : vector<16xf32>
            %add3A_732 = arith.constant 4 : i32
            %add3A_733 = arith.addi %add3A_211, %add3A_732 : i32
            %get3A_734 = arith.index_cast %add3A_733 : i32 to index
            %get3A_735 = arith.constant 80 : index
            %get3A_736 = tpu.vector_load %arg7[%get3A_734, %get3A_735] {strides = array<i32>} : memref<640x128xf32, #tpu.memory_space<vmem>>, vector<16xf32>,
            %add3A_737 = arith.addf %add3A_731, %get3A_736 : vector<16xf32>
            %add3A_738 = arith.constant 5 : i32
            %add3A_739 = arith.addi %add3A_211, %add3A_738 : i32
            %get3A_740 = arith.index_cast %add3A_739 : i32 to index
            %get3A_741 = arith.constant 80 : index
            %get3A_742 = tpu.vector_load %arg7[%get3A_740, %get3A_741] {strides = array<i32>} : memref<640x128xf32, #tpu.memory_space<vmem>>, vector<16xf32>,
            %add3A_743 = arith.addf %add3A_737, %get3A_742 : vector<16xf32>
            %add3A_744 = arith.constant 6 : i32
            %add3A_745 = arith.addi %add3A_211, %add3A_744 : i32
            %get3A_746 = arith.index_cast %add3A_745 : i32 to index
            %get3A_747 = arith.constant 80 : index
            %get3A_748 = tpu.vector_load %arg7[%get3A_746, %get3A_747] {strides = array<i32>} : memref<640x128xf32, #tpu.memory_space<vmem>>, vector<16xf32>,
            %add3A_749 = arith.addf %add3A_743, %get3A_748 : vector<16xf32>
            %add3A_750 = arith.constant 7 : i32
            %add3A_751 = arith.addi %add3A_211, %add3A_750 : i32
            %get3A_752 = arith.index_cast %add3A_751 : i32 to index
            %get3A_753 = arith.constant 80 : index
            %get3A_754 = tpu.vector_load %arg7[%get3A_752, %get3A_753] {strides = array<i32>} : memref<640x128xf32, #tpu.memory_space<vmem>>, vector<16xf32>,
            %add3A_755 = arith.addf %add3A_749, %get3A_754 : vector<16xf32>
            %add3A_756 = arith.constant 8 : i32
            %add3A_757 = arith.addi %add3A_211, %add3A_756 : i32
            %get3A_758 = arith.index_cast %add3A_757 : i32 to index
            %get3A_759 = arith.constant 80 : index
            %get3A_760 = tpu.vector_load %arg7[%get3A_758, %get3A_759] {strides = array<i32>} : memref<640x128xf32, #tpu.memory_space<vmem>>, vector<16xf32>,
            %add3A_761 = arith.addf %add3A_755, %get3A_760 : vector<16xf32>
            %add3A_762 = arith.constant 9 : i32
            %add3A_763 = arith.addi %add3A_211, %add3A_762 : i32
            %get3A_764 = arith.index_cast %add3A_763 : i32 to index
            %get3A_765 = arith.constant 80 : index
            %get3A_766 = tpu.vector_load %arg7[%get3A_764, %get3A_765] {strides = array<i32>} : memref<640x128xf32, #tpu.memory_space<vmem>>, vector<16xf32>,
            %add3A_767 = arith.addf %add3A_761, %get3A_766 : vector<16xf32>
            %add3A_768 = arith.constant 10 : i32
            %add3A_769 = arith.addi %add3A_211, %add3A_768 : i32
            %get3A_770 = arith.index_cast %add3A_769 : i32 to index
            %get3A_771 = arith.constant 80 : index
            %get3A_772 = tpu.vector_load %arg7[%get3A_770, %get3A_771] {strides = array<i32>} : memref<640x128xf32, #tpu.memory_space<vmem>>, vector<16xf32>,
            %add3A_773 = arith.addf %add3A_767, %get3A_772 : vector<16xf32>
            %add3A_774 = arith.constant 11 : i32
            %add3A_775 = arith.addi %add3A_211, %add3A_774 : i32
            %get3A_776 = arith.index_cast %add3A_775 : i32 to index
            %get3A_777 = arith.constant 80 : index
            %get3A_778 = tpu.vector_load %arg7[%get3A_776, %get3A_777] {strides = array<i32>} : memref<640x128xf32, #tpu.memory_space<vmem>>, vector<16xf32>,
            %add3A_779 = arith.addf %add3A_773, %get3A_778 : vector<16xf32>
            %add3A_780 = arith.constant 12 : i32
            %add3A_781 = arith.addi %add3A_211, %add3A_780 : i32
            %get3A_782 = arith.index_cast %add3A_781 : i32 to index
            %get3A_783 = arith.constant 80 : index
            %get3A_784 = tpu.vector_load %arg7[%get3A_782, %get3A_783] {strides = array<i32>} : memref<640x128xf32, #tpu.memory_space<vmem>>, vector<16xf32>,
            %add3A_785 = arith.addf %add3A_779, %get3A_784 : vector<16xf32>
            %add3A_786 = arith.constant 13 : i32
            %add3A_787 = arith.addi %add3A_211, %add3A_786 : i32
            %get3A_788 = arith.index_cast %add3A_787 : i32 to index
            %get3A_789 = arith.constant 80 : index
            %get3A_790 = tpu.vector_load %arg7[%get3A_788, %get3A_789] {strides = array<i32>} : memref<640x128xf32, #tpu.memory_space<vmem>>, vector<16xf32>,
            %add3A_791 = arith.addf %add3A_785, %get3A_790 : vector<16xf32>
            %add3A_792 = arith.constant 14 : i32
            %add3A_793 = arith.addi %add3A_211, %add3A_792 : i32
            %get3A_794 = arith.index_cast %add3A_793 : i32 to index
            %get3A_795 = arith.constant 80 : index
            %get3A_796 = tpu.vector_load %arg7[%get3A_794, %get3A_795] {strides = array<i32>} : memref<640x128xf32, #tpu.memory_space<vmem>>, vector<16xf32>,
            %add3A_797 = arith.addf %add3A_791, %get3A_796 : vector<16xf32>
            %add3A_798 = arith.constant 15 : i32
            %add3A_799 = arith.addi %add3A_211, %add3A_798 : i32
            %get3A_800 = arith.index_cast %add3A_799 : i32 to index
            %get3A_801 = arith.constant 80 : index
            %get3A_802 = tpu.vector_load %arg7[%get3A_800, %get3A_801] {strides = array<i32>} : memref<640x128xf32, #tpu.memory_space<vmem>>, vector<16xf32>,
            %add3A_803 = arith.addf %add3A_797, %get3A_802 : vector<16xf32>
            %add3A_804 = arith.constant 0 : i32
            %add3A_805 = arith.addi %add3A_211, %add3A_804 : i32
            %get3A_806 = arith.index_cast %add3A_805 : i32 to index
            %get3A_807 = arith.constant 96 : index
            %get3A_808 = tpu.vector_load %arg7[%get3A_806, %get3A_807] {strides = array<i32>} : memref<640x128xf32, #tpu.memory_space<vmem>>, vector<16xf32>,
            %add3A_809 = arith.addf %scan3A_200, %get3A_808 : vector<16xf32>
            %add3A_810 = arith.constant 1 : i32
            %add3A_811 = arith.addi %add3A_211, %add3A_810 : i32
            %get3A_812 = arith.index_cast %add3A_811 : i32 to index
            %get3A_813 = arith.constant 96 : index
            %get3A_814 = tpu.vector_load %arg7[%get3A_812, %get3A_813] {strides = array<i32>} : memref<640x128xf32, #tpu.memory_space<vmem>>, vector<16xf32>,
            %add3A_815 = arith.addf %add3A_809, %get3A_814 : vector<16xf32>
            %add3A_816 = arith.constant 2 : i32
            %add3A_817 = arith.addi %add3A_211, %add3A_816 : i32
            %get3A_818 = arith.index_cast %add3A_817 : i32 to index
            %get3A_819 = arith.constant 96 : index
            %get3A_820 = tpu.vector_load %arg7[%get3A_818, %get3A_819] {strides = array<i32>} : memref<640x128xf32, #tpu.memory_space<vmem>>, vector<16xf32>,
            %add3A_821 = arith.addf %add3A_815, %get3A_820 : vector<16xf32>
            %add3A_822 = arith.constant 3 : i32
            %add3A_823 = arith.addi %add3A_211, %add3A_822 : i32
            %get3A_824 = arith.index_cast %add3A_823 : i32 to index
            %get3A_825 = arith.constant 96 : index
            %get3A_826 = tpu.vector_load %arg7[%get3A_824, %get3A_825] {strides = array<i32>} : memref<640x128xf32, #tpu.memory_space<vmem>>, vector<16xf32>,
            %add3A_827 = arith.addf %add3A_821, %get3A_826 : vector<16xf32>
            %add3A_828 = arith.constant 4 : i32
            %add3A_829 = arith.addi %add3A_211, %add3A_828 : i32
            %get3A_830 = arith.index_cast %add3A_829 : i32 to index
            %get3A_831 = arith.constant 96 : index
            %get3A_832 = tpu.vector_load %arg7[%get3A_830, %get3A_831] {strides = array<i32>} : memref<640x128xf32, #tpu.memory_space<vmem>>, vector<16xf32>,
            %add3A_833 = arith.addf %add3A_827, %get3A_832 : vector<16xf32>
            %add3A_834 = arith.constant 5 : i32
            %add3A_835 = arith.addi %add3A_211, %add3A_834 : i32
            %get3A_836 = arith.index_cast %add3A_835 : i32 to index
            %get3A_837 = arith.constant 96 : index
            %get3A_838 = tpu.vector_load %arg7[%get3A_836, %get3A_837] {strides = array<i32>} : memref<640x128xf32, #tpu.memory_space<vmem>>, vector<16xf32>,
            %add3A_839 = arith.addf %add3A_833, %get3A_838 : vector<16xf32>
            %add3A_840 = arith.constant 6 : i32
            %add3A_841 = arith.addi %add3A_211, %add3A_840 : i32
            %get3A_842 = arith.index_cast %add3A_841 : i32 to index
            %get3A_843 = arith.constant 96 : index
            %get3A_844 = tpu.vector_load %arg7[%get3A_842, %get3A_843] {strides = array<i32>} : memref<640x128xf32, #tpu.memory_space<vmem>>, vector<16xf32>,
            %add3A_845 = arith.addf %add3A_839, %get3A_844 : vector<16xf32>
            %add3A_846 = arith.constant 7 : i32
            %add3A_847 = arith.addi %add3A_211, %add3A_846 : i32
            %get3A_848 = arith.index_cast %add3A_847 : i32 to index
            %get3A_849 = arith.constant 96 : index
            %get3A_850 = tpu.vector_load %arg7[%get3A_848, %get3A_849] {strides = array<i32>} : memref<640x128xf32, #tpu.memory_space<vmem>>, vector<16xf32>,
            %add3A_851 = arith.addf %add3A_845, %get3A_850 : vector<16xf32>
            %add3A_852 = arith.constant 8 : i32
            %add3A_853 = arith.addi %add3A_211, %add3A_852 : i32
            %get3A_854 = arith.index_cast %add3A_853 : i32 to index
            %get3A_855 = arith.constant 96 : index
            %get3A_856 = tpu.vector_load %arg7[%get3A_854, %get3A_855] {strides = array<i32>} : memref<640x128xf32, #tpu.memory_space<vmem>>, vector<16xf32>,
            %add3A_857 = arith.addf %add3A_851, %get3A_856 : vector<16xf32>
            %add3A_858 = arith.constant 9 : i32
            %add3A_859 = arith.addi %add3A_211, %add3A_858 : i32
            %get3A_860 = arith.index_cast %add3A_859 : i32 to index
            %get3A_861 = arith.constant 96 : index
            %get3A_862 = tpu.vector_load %arg7[%get3A_860, %get3A_861] {strides = array<i32>} : memref<640x128xf32, #tpu.memory_space<vmem>>, vector<16xf32>,
            %add3A_863 = arith.addf %add3A_857, %get3A_862 : vector<16xf32>
            %add3A_864 = arith.constant 10 : i32
            %add3A_865 = arith.addi %add3A_211, %add3A_864 : i32
            %get3A_866 = arith.index_cast %add3A_865 : i32 to index
            %get3A_867 = arith.constant 96 : index
            %get3A_868 = tpu.vector_load %arg7[%get3A_866, %get3A_867] {strides = array<i32>} : memref<640x128xf32, #tpu.memory_space<vmem>>, vector<16xf32>,
            %add3A_869 = arith.addf %add3A_863, %get3A_868 : vector<16xf32>
            %add3A_870 = arith.constant 11 : i32
            %add3A_871 = arith.addi %add3A_211, %add3A_870 : i32
            %get3A_872 = arith.index_cast %add3A_871 : i32 to index
            %get3A_873 = arith.constant 96 : index
            %get3A_874 = tpu.vector_load %arg7[%get3A_872, %get3A_873] {strides = array<i32>} : memref<640x128xf32, #tpu.memory_space<vmem>>, vector<16xf32>,
            %add3A_875 = arith.addf %add3A_869, %get3A_874 : vector<16xf32>
            %add3A_876 = arith.constant 12 : i32
            %add3A_877 = arith.addi %add3A_211, %add3A_876 : i32
            %get3A_878 = arith.index_cast %add3A_877 : i32 to index
            %get3A_879 = arith.constant 96 : index
            %get3A_880 = tpu.vector_load %arg7[%get3A_878, %get3A_879] {strides = array<i32>} : memref<640x128xf32, #tpu.memory_space<vmem>>, vector<16xf32>,
            %add3A_881 = arith.addf %add3A_875, %get3A_880 : vector<16xf32>
            %add3A_882 = arith.constant 13 : i32
            %add3A_883 = arith.addi %add3A_211, %add3A_882 : i32
            %get3A_884 = arith.index_cast %add3A_883 : i32 to index
            %get3A_885 = arith.constant 96 : index
            %get3A_886 = tpu.vector_load %arg7[%get3A_884, %get3A_885] {strides = array<i32>} : memref<640x128xf32, #tpu.memory_space<vmem>>, vector<16xf32>,
            %add3A_887 = arith.addf %add3A_881, %get3A_886 : vector<16xf32>
            %add3A_888 = arith.constant 14 : i32
            %add3A_889 = arith.addi %add3A_211, %add3A_888 : i32
            %get3A_890 = arith.index_cast %add3A_889 : i32 to index
            %get3A_891 = arith.constant 96 : index
            %get3A_892 = tpu.vector_load %arg7[%get3A_890, %get3A_891] {strides = array<i32>} : memref<640x128xf32, #tpu.memory_space<vmem>>, vector<16xf32>,
            %add3A_893 = arith.addf %add3A_887, %get3A_892 : vector<16xf32>
            %add3A_894 = arith.constant 15 : i32
            %add3A_895 = arith.addi %add3A_211, %add3A_894 : i32
            %get3A_896 = arith.index_cast %add3A_895 : i32 to index
            %get3A_897 = arith.constant 96 : index
            %get3A_898 = tpu.vector_load %arg7[%get3A_896, %get3A_897] {strides = array<i32>} : memref<640x128xf32, #tpu.memory_space<vmem>>, vector<16xf32>,
            %add3A_899 = arith.addf %add3A_893, %get3A_898 : vector<16xf32>
            %add3A_900 = arith.constant 0 : i32
            %add3A_901 = arith.addi %add3A_211, %add3A_900 : i32
            %get3A_902 = arith.index_cast %add3A_901 : i32 to index
            %get3A_903 = arith.constant 112 : index
            %get3A_904 = tpu.vector_load %arg7[%get3A_902, %get3A_903] {strides = array<i32>} : memref<640x128xf32, #tpu.memory_space<vmem>>, vector<16xf32>,
            %add3A_905 = arith.addf %scan3A_201, %get3A_904 : vector<16xf32>
            %add3A_906 = arith.constant 1 : i32
            %add3A_907 = arith.addi %add3A_211, %add3A_906 : i32
            %get3A_908 = arith.index_cast %add3A_907 : i32 to index
            %get3A_909 = arith.constant 112 : index
            %get3A_910 = tpu.vector_load %arg7[%get3A_908, %get3A_909] {strides = array<i32>} : memref<640x128xf32, #tpu.memory_space<vmem>>, vector<16xf32>,
            %add3A_911 = arith.addf %add3A_905, %get3A_910 : vector<16xf32>
            %add3A_912 = arith.constant 2 : i32
            %add3A_913 = arith.addi %add3A_211, %add3A_912 : i32
            %get3A_914 = arith.index_cast %add3A_913 : i32 to index
            %get3A_915 = arith.constant 112 : index
            %get3A_916 = tpu.vector_load %arg7[%get3A_914, %get3A_915] {strides = array<i32>} : memref<640x128xf32, #tpu.memory_space<vmem>>, vector<16xf32>,
            %add3A_917 = arith.addf %add3A_911, %get3A_916 : vector<16xf32>
            %add3A_918 = arith.constant 3 : i32
            %add3A_919 = arith.addi %add3A_211, %add3A_918 : i32
            %get3A_920 = arith.index_cast %add3A_919 : i32 to index
            %get3A_921 = arith.constant 112 : index
            %get3A_922 = tpu.vector_load %arg7[%get3A_920, %get3A_921] {strides = array<i32>} : memref<640x128xf32, #tpu.memory_space<vmem>>, vector<16xf32>,
            %add3A_923 = arith.addf %add3A_917, %get3A_922 : vector<16xf32>
            %add3A_924 = arith.constant 4 : i32
            %add3A_925 = arith.addi %add3A_211, %add3A_924 : i32
            %get3A_926 = arith.index_cast %add3A_925 : i32 to index
            %get3A_927 = arith.constant 112 : index
            %get3A_928 = tpu.vector_load %arg7[%get3A_926, %get3A_927] {strides = array<i32>} : memref<640x128xf32, #tpu.memory_space<vmem>>, vector<16xf32>,
            %add3A_929 = arith.addf %add3A_923, %get3A_928 : vector<16xf32>
            %add3A_930 = arith.constant 5 : i32
            %add3A_931 = arith.addi %add3A_211, %add3A_930 : i32
            %get3A_932 = arith.index_cast %add3A_931 : i32 to index
            %get3A_933 = arith.constant 112 : index
            %get3A_934 = tpu.vector_load %arg7[%get3A_932, %get3A_933] {strides = array<i32>} : memref<640x128xf32, #tpu.memory_space<vmem>>, vector<16xf32>,
            %add3A_935 = arith.addf %add3A_929, %get3A_934 : vector<16xf32>
            %add3A_936 = arith.constant 6 : i32
            %add3A_937 = arith.addi %add3A_211, %add3A_936 : i32
            %get3A_938 = arith.index_cast %add3A_937 : i32 to index
            %get3A_939 = arith.constant 112 : index
            %get3A_940 = tpu.vector_load %arg7[%get3A_938, %get3A_939] {strides = array<i32>} : memref<640x128xf32, #tpu.memory_space<vmem>>, vector<16xf32>,
            %add3A_941 = arith.addf %add3A_935, %get3A_940 : vector<16xf32>
            %add3A_942 = arith.constant 7 : i32
            %add3A_943 = arith.addi %add3A_211, %add3A_942 : i32
            %get3A_944 = arith.index_cast %add3A_943 : i32 to index
            %get3A_945 = arith.constant 112 : index
            %get3A_946 = tpu.vector_load %arg7[%get3A_944, %get3A_945] {strides = array<i32>} : memref<640x128xf32, #tpu.memory_space<vmem>>, vector<16xf32>,
            %add3A_947 = arith.addf %add3A_941, %get3A_946 : vector<16xf32>
            %add3A_948 = arith.constant 8 : i32
            %add3A_949 = arith.addi %add3A_211, %add3A_948 : i32
            %get3A_950 = arith.index_cast %add3A_949 : i32 to index
            %get3A_951 = arith.constant 112 : index
            %get3A_952 = tpu.vector_load %arg7[%get3A_950, %get3A_951] {strides = array<i32>} : memref<640x128xf32, #tpu.memory_space<vmem>>, vector<16xf32>,
            %add3A_953 = arith.addf %add3A_947, %get3A_952 : vector<16xf32>
            %add3A_954 = arith.constant 9 : i32
            %add3A_955 = arith.addi %add3A_211, %add3A_954 : i32
            %get3A_956 = arith.index_cast %add3A_955 : i32 to index
            %get3A_957 = arith.constant 112 : index
            %get3A_958 = tpu.vector_load %arg7[%get3A_956, %get3A_957] {strides = array<i32>} : memref<640x128xf32, #tpu.memory_space<vmem>>, vector<16xf32>,
            %add3A_959 = arith.addf %add3A_953, %get3A_958 : vector<16xf32>
            %add3A_960 = arith.constant 10 : i32
            %add3A_961 = arith.addi %add3A_211, %add3A_960 : i32
            %get3A_962 = arith.index_cast %add3A_961 : i32 to index
            %get3A_963 = arith.constant 112 : index
            %get3A_964 = tpu.vector_load %arg7[%get3A_962, %get3A_963] {strides = array<i32>} : memref<640x128xf32, #tpu.memory_space<vmem>>, vector<16xf32>,
            %add3A_965 = arith.addf %add3A_959, %get3A_964 : vector<16xf32>
            %add3A_966 = arith.constant 11 : i32
            %add3A_967 = arith.addi %add3A_211, %add3A_966 : i32
            %get3A_968 = arith.index_cast %add3A_967 : i32 to index
            %get3A_969 = arith.constant 112 : index
            %get3A_970 = tpu.vector_load %arg7[%get3A_968, %get3A_969] {strides = array<i32>} : memref<640x128xf32, #tpu.memory_space<vmem>>, vector<16xf32>,
            %add3A_971 = arith.addf %add3A_965, %get3A_970 : vector<16xf32>
            %add3A_972 = arith.constant 12 : i32
            %add3A_973 = arith.addi %add3A_211, %add3A_972 : i32
            %get3A_974 = arith.index_cast %add3A_973 : i32 to index
            %get3A_975 = arith.constant 112 : index
            %get3A_976 = tpu.vector_load %arg7[%get3A_974, %get3A_975] {strides = array<i32>} : memref<640x128xf32, #tpu.memory_space<vmem>>, vector<16xf32>,
            %add3A_977 = arith.addf %add3A_971, %get3A_976 : vector<16xf32>
            %add3A_978 = arith.constant 13 : i32
            %add3A_979 = arith.addi %add3A_211, %add3A_978 : i32
            %get3A_980 = arith.index_cast %add3A_979 : i32 to index
            %get3A_981 = arith.constant 112 : index
            %get3A_982 = tpu.vector_load %arg7[%get3A_980, %get3A_981] {strides = array<i32>} : memref<640x128xf32, #tpu.memory_space<vmem>>, vector<16xf32>,
            %add3A_983 = arith.addf %add3A_977, %get3A_982 : vector<16xf32>
            %add3A_984 = arith.constant 14 : i32
            %add3A_985 = arith.addi %add3A_211, %add3A_984 : i32
            %get3A_986 = arith.index_cast %add3A_985 : i32 to index
            %get3A_987 = arith.constant 112 : index
            %get3A_988 = tpu.vector_load %arg7[%get3A_986, %get3A_987] {strides = array<i32>} : memref<640x128xf32, #tpu.memory_space<vmem>>, vector<16xf32>,
            %add3A_989 = arith.addf %add3A_983, %get3A_988 : vector<16xf32>
            %add3A_990 = arith.constant 15 : i32
            %add3A_991 = arith.addi %add3A_211, %add3A_990 : i32
            %get3A_992 = arith.index_cast %add3A_991 : i32 to index
            %get3A_993 = arith.constant 112 : index
            %get3A_994 = tpu.vector_load %arg7[%get3A_992, %get3A_993] {strides = array<i32>} : memref<640x128xf32, #tpu.memory_space<vmem>>, vector<16xf32>,
            %add3A_995 = arith.addf %add3A_989, %get3A_994 : vector<16xf32>
            scf.yield %scan3A_193, %add3A_323, %add3A_419, %add3A_515, %add3A_611, %add3A_707, %add3A_803, %add3A_899, %add3A_995 : i32, vector<16xf32>, vector<16xf32>, vector<16xf32>, vector<16xf32>, vector<16xf32>, vector<16xf32>, vector<16xf32>, vector<16xf32>
          } else {
            %slice3A_228 = vector.extract_strided_slice %get3A_208 {offsets = [0], sizes = [1], strides = [1]} : vector<16xi32> to vector<1xi32>
            %squeeze3A_229 = vector.extract %slice3A_228[0] : i32 from vector<1xi32>
            %ne3A_230 = arith.cmpi ne, %squeeze3A_229, %scan3A_193 : i32
            %convert_element_type3A_231 = arith.extui %ne3A_230 : i1 to i32
            %cond3A_232 = arith.constant 0 : i32
            %cond3A_233 = arith.cmpi ne, %convert_element_type3A_231, %cond3A_232 : i32
            %cond3A_234:9 = scf.if %cond3A_233 -> (i32, vector<16xf32>, vector<16xf32>, vector<16xf32>, vector<16xf32>, vector<16xf32>, vector<16xf32>, vector<16xf32>, vector<16xf32>) {
              %swap3A_1108 = arith.index_cast %scan3A_193 : i32 to index
              %swap3A_1109 = arith.constant 0 : index
              %swap3A_1110 = tpu.vector_load %arg9[%swap3A_1108, %swap3A_1109] {strides = array<i32>} : memref<264x128xf32, #tpu.memory_space<vmem>>, vector<16xf32>,
              tpu.vector_store %arg9[%swap3A_1108, %swap3A_1109], %scan3A_194 {add = true, strides = array<i32>} : memref<264x128xf32, #tpu.memory_space<vmem>>, vector<16xf32>,
              %swap3A_1111 = arith.index_cast %scan3A_193 : i32 to index
              %swap3A_1112 = arith.constant 16 : index
              %swap3A_1113 = tpu.vector_load %arg9[%swap3A_1111, %swap3A_1112] {strides = array<i32>} : memref<264x128xf32, #tpu.memory_space<vmem>>, vector<16xf32>,
              tpu.vector_store %arg9[%swap3A_1111, %swap3A_1112], %scan3A_195 {add = true, strides = array<i32>} : memref<264x128xf32, #tpu.memory_space<vmem>>, vector<16xf32>,
              %swap3A_1114 = arith.index_cast %scan3A_193 : i32 to index
              %swap3A_1115 = arith.constant 32 : index
              %swap3A_1116 = tpu.vector_load %arg9[%swap3A_1114, %swap3A_1115] {strides = array<i32>} : memref<264x128xf32, #tpu.memory_space<vmem>>, vector<16xf32>,
              tpu.vector_store %arg9[%swap3A_1114, %swap3A_1115], %scan3A_196 {add = true, strides = array<i32>} : memref<264x128xf32, #tpu.memory_space<vmem>>, vector<16xf32>,
              %swap3A_1117 = arith.index_cast %scan3A_193 : i32 to index
              %swap3A_1118 = arith.constant 48 : index
              %swap3A_1119 = tpu.vector_load %arg9[%swap3A_1117, %swap3A_1118] {strides = array<i32>} : memref<264x128xf32, #tpu.memory_space<vmem>>, vector<16xf32>,
              tpu.vector_store %arg9[%swap3A_1117, %swap3A_1118], %scan3A_197 {add = true, strides = array<i32>} : memref<264x128xf32, #tpu.memory_space<vmem>>, vector<16xf32>,
              %swap3A_1120 = arith.index_cast %scan3A_193 : i32 to index
              %swap3A_1121 = arith.constant 64 : index
              %swap3A_1122 = tpu.vector_load %arg9[%swap3A_1120, %swap3A_1121] {strides = array<i32>} : memref<264x128xf32, #tpu.memory_space<vmem>>, vector<16xf32>,
              tpu.vector_store %arg9[%swap3A_1120, %swap3A_1121], %scan3A_198 {add = true, strides = array<i32>} : memref<264x128xf32, #tpu.memory_space<vmem>>, vector<16xf32>,
              %swap3A_1123 = arith.index_cast %scan3A_193 : i32 to index
              %swap3A_1124 = arith.constant 80 : index
              %swap3A_1125 = tpu.vector_load %arg9[%swap3A_1123, %swap3A_1124] {strides = array<i32>} : memref<264x128xf32, #tpu.memory_space<vmem>>, vector<16xf32>,
              tpu.vector_store %arg9[%swap3A_1123, %swap3A_1124], %scan3A_199 {add = true, strides = array<i32>} : memref<264x128xf32, #tpu.memory_space<vmem>>, vector<16xf32>,
              %swap3A_1126 = arith.index_cast %scan3A_193 : i32 to index
              %swap3A_1127 = arith.constant 96 : index
              %swap3A_1128 = tpu.vector_load %arg9[%swap3A_1126, %swap3A_1127] {strides = array<i32>} : memref<264x128xf32, #tpu.memory_space<vmem>>, vector<16xf32>,
              tpu.vector_store %arg9[%swap3A_1126, %swap3A_1127], %scan3A_200 {add = true, strides = array<i32>} : memref<264x128xf32, #tpu.memory_space<vmem>>, vector<16xf32>,
              %swap3A_1129 = arith.index_cast %scan3A_193 : i32 to index
              %swap3A_1130 = arith.constant 112 : index
              %swap3A_1131 = tpu.vector_load %arg9[%swap3A_1129, %swap3A_1130] {strides = array<i32>} : memref<264x128xf32, #tpu.memory_space<vmem>>, vector<16xf32>,
              tpu.vector_store %arg9[%swap3A_1129, %swap3A_1130], %scan3A_201 {add = true, strides = array<i32>} : memref<264x128xf32, #tpu.memory_space<vmem>>, vector<16xf32>,
              scf.yield %squeeze3A_229, %broadcast_in_dim3A_25, %broadcast_in_dim3A_25, %broadcast_in_dim3A_25, %broadcast_in_dim3A_25, %broadcast_in_dim3A_25, %broadcast_in_dim3A_25, %broadcast_in_dim3A_25, %broadcast_in_dim3A_25 : i32, vector<16xf32>, vector<16xf32>, vector<16xf32>, vector<16xf32>, vector<16xf32>, vector<16xf32>, vector<16xf32>, vector<16xf32>
            } else {
              scf.yield %scan3A_193, %scan3A_194, %scan3A_195, %scan3A_196, %scan3A_197, %scan3A_198, %scan3A_199, %scan3A_200, %scan3A_201 : i32, vector<16xf32>, vector<16xf32>, vector<16xf32>, vector<16xf32>, vector<16xf32>, vector<16xf32>, vector<16xf32>, vector<16xf32>
            }
            %add3A_235 = arith.constant 0 : i32
            %add3A_236 = arith.addi %add3A_211, %add3A_235 : i32
            %get3A_237 = arith.index_cast %add3A_236 : i32 to index
            %get3A_238 = arith.constant 0 : index
            %get3A_239 = tpu.vector_load %arg7[%get3A_237, %get3A_238] {strides = array<i32>} : memref<640x128xf32, #tpu.memory_space<vmem>>, vector<16xf32>,
            %add3A_240 = arith.addf %cond3A_234#1, %get3A_239 : vector<16xf32>
            %add3A_241 = arith.constant 0 : i32
            %add3A_242 = arith.addi %add3A_211, %add3A_241 : i32
            %get3A_243 = arith.index_cast %add3A_242 : i32 to index
            %get3A_244 = arith.constant 16 : index
            %get3A_245 = tpu.vector_load %arg7[%get3A_243, %get3A_244] {strides = array<i32>} : memref<640x128xf32, #tpu.memory_space<vmem>>, vector<16xf32>,
            %add3A_246 = arith.addf %cond3A_234#2, %get3A_245 : vector<16xf32>
            %add3A_247 = arith.constant 0 : i32
            %add3A_248 = arith.addi %add3A_211, %add3A_247 : i32
            %get3A_249 = arith.index_cast %add3A_248 : i32 to index
            %get3A_250 = arith.constant 32 : index
            %get3A_251 = tpu.vector_load %arg7[%get3A_249, %get3A_250] {strides = array<i32>} : memref<640x128xf32, #tpu.memory_space<vmem>>, vector<16xf32>,
            %add3A_252 = arith.addf %cond3A_234#3, %get3A_251 : vector<16xf32>
            %add3A_253 = arith.constant 0 : i32
            %add3A_254 = arith.addi %add3A_211, %add3A_253 : i32
            %get3A_255 = arith.index_cast %add3A_254 : i32 to index
            %get3A_256 = arith.constant 48 : index
            %get3A_257 = tpu.vector_load %arg7[%get3A_255, %get3A_256] {strides = array<i32>} : memref<640x128xf32, #tpu.memory_space<vmem>>, vector<16xf32>,
            %add3A_258 = arith.addf %cond3A_234#4, %get3A_257 : vector<16xf32>
            %add3A_259 = arith.constant 0 : i32
            %add3A_260 = arith.addi %add3A_211, %add3A_259 : i32
            %get3A_261 = arith.index_cast %add3A_260 : i32 to index
            %get3A_262 = arith.constant 64 : index
            %get3A_263 = tpu.vector_load %arg7[%get3A_261, %get3A_262] {strides = array<i32>} : memref<640x128xf32, #tpu.memory_space<vmem>>, vector<16xf32>,
            %add3A_264 = arith.addf %cond3A_234#5, %get3A_263 : vector<16xf32>
            %add3A_265 = arith.constant 0 : i32
            %add3A_266 = arith.addi %add3A_211, %add3A_265 : i32
            %get3A_267 = arith.index_cast %add3A_266 : i32 to index
            %get3A_268 = arith.constant 80 : index
            %get3A_269 = tpu.vector_load %arg7[%get3A_267, %get3A_268] {strides = array<i32>} : memref<640x128xf32, #tpu.memory_space<vmem>>, vector<16xf32>,
            %add3A_270 = arith.addf %cond3A_234#6, %get3A_269 : vector<16xf32>
            %add3A_271 = arith.constant 0 : i32
            %add3A_272 = arith.addi %add3A_211, %add3A_271 : i32
            %get3A_273 = arith.index_cast %add3A_272 : i32 to index
            %get3A_274 = arith.constant 96 : index
            %get3A_275 = tpu.vector_load %arg7[%get3A_273, %get3A_274] {strides = array<i32>} : memref<640x128xf32, #tpu.memory_space<vmem>>, vector<16xf32>,
            %add3A_276 = arith.addf %cond3A_234#7, %get3A_275 : vector<16xf32>
            %add3A_277 = arith.constant 0 : i32
            %add3A_278 = arith.addi %add3A_211, %add3A_277 : i32
            %get3A_279 = arith.index_cast %add3A_278 : i32 to index
            %get3A_280 = arith.constant 112 : index
            %get3A_281 = tpu.vector_load %arg7[%get3A_279, %get3A_280] {strides = array<i32>} : memref<640x128xf32, #tpu.memory_space<vmem>>, vector<16xf32>,
            %add3A_282 = arith.addf %cond3A_234#8, %get3A_281 : vector<16xf32>
            %slice3A_283 = vector.extract_strided_slice %get3A_208 {offsets = [1], sizes = [1], strides = [1]} : vector<16xi32> to vector<1xi32>
            %squeeze3A_284 = vector.extract %slice3A_283[0] : i32 from vector<1xi32>
            %ne3A_285 = arith.cmpi ne, %squeeze3A_284, %cond3A_234#0 : i32
            %convert_element_type3A_286 = arith.extui %ne3A_285 : i1 to i32
            %cond3A_287 = arith.constant 0 : i32
            %cond3A_288 = arith.cmpi ne, %convert_element_type3A_286, %cond3A_287 : i32
            %cond3A_289:9 = scf.if %cond3A_288 -> (i32, vector<16xf32>, vector<16xf32>, vector<16xf32>, vector<16xf32>, vector<16xf32>, vector<16xf32>, vector<16xf32>, vector<16xf32>) {
              %swap3A_1108 = arith.index_cast %cond3A_234#0 : i32 to index
              %swap3A_1109 = arith.constant 0 : index
              %swap3A_1110 = tpu.vector_load %arg9[%swap3A_1108, %swap3A_1109] {strides = array<i32>} : memref<264x128xf32, #tpu.memory_space<vmem>>, vector<16xf32>,
              tpu.vector_store %arg9[%swap3A_1108, %swap3A_1109], %add3A_240 {add = true, strides = array<i32>} : memref<264x128xf32, #tpu.memory_space<vmem>>, vector<16xf32>,
              %swap3A_1111 = arith.index_cast %cond3A_234#0 : i32 to index
              %swap3A_1112 = arith.constant 16 : index
              %swap3A_1113 = tpu.vector_load %arg9[%swap3A_1111, %swap3A_1112] {strides = array<i32>} : memref<264x128xf32, #tpu.memory_space<vmem>>, vector<16xf32>,
              tpu.vector_store %arg9[%swap3A_1111, %swap3A_1112], %add3A_246 {add = true, strides = array<i32>} : memref<264x128xf32, #tpu.memory_space<vmem>>, vector<16xf32>,
              %swap3A_1114 = arith.index_cast %cond3A_234#0 : i32 to index
              %swap3A_1115 = arith.constant 32 : index
              %swap3A_1116 = tpu.vector_load %arg9[%swap3A_1114, %swap3A_1115] {strides = array<i32>} : memref<264x128xf32, #tpu.memory_space<vmem>>, vector<16xf32>,
              tpu.vector_store %arg9[%swap3A_1114, %swap3A_1115], %add3A_252 {add = true, strides = array<i32>} : memref<264x128xf32, #tpu.memory_space<vmem>>, vector<16xf32>,
              %swap3A_1117 = arith.index_cast %cond3A_234#0 : i32 to index
              %swap3A_1118 = arith.constant 48 : index
              %swap3A_1119 = tpu.vector_load %arg9[%swap3A_1117, %swap3A_1118] {strides = array<i32>} : memref<264x128xf32, #tpu.memory_space<vmem>>, vector<16xf32>,
              tpu.vector_store %arg9[%swap3A_1117, %swap3A_1118], %add3A_258 {add = true, strides = array<i32>} : memref<264x128xf32, #tpu.memory_space<vmem>>, vector<16xf32>,
              %swap3A_1120 = arith.index_cast %cond3A_234#0 : i32 to index
              %swap3A_1121 = arith.constant 64 : index
              %swap3A_1122 = tpu.vector_load %arg9[%swap3A_1120, %swap3A_1121] {strides = array<i32>} : memref<264x128xf32, #tpu.memory_space<vmem>>, vector<16xf32>,
              tpu.vector_store %arg9[%swap3A_1120, %swap3A_1121], %add3A_264 {add = true, strides = array<i32>} : memref<264x128xf32, #tpu.memory_space<vmem>>, vector<16xf32>,
              %swap3A_1123 = arith.index_cast %cond3A_234#0 : i32 to index
              %swap3A_1124 = arith.constant 80 : index
              %swap3A_1125 = tpu.vector_load %arg9[%swap3A_1123, %swap3A_1124] {strides = array<i32>} : memref<264x128xf32, #tpu.memory_space<vmem>>, vector<16xf32>,
              tpu.vector_store %arg9[%swap3A_1123, %swap3A_1124], %add3A_270 {add = true, strides = array<i32>} : memref<264x128xf32, #tpu.memory_space<vmem>>, vector<16xf32>,
              %swap3A_1126 = arith.index_cast %cond3A_234#0 : i32 to index
              %swap3A_1127 = arith.constant 96 : index
              %swap3A_1128 = tpu.vector_load %arg9[%swap3A_1126, %swap3A_1127] {strides = array<i32>} : memref<264x128xf32, #tpu.memory_space<vmem>>, vector<16xf32>,
              tpu.vector_store %arg9[%swap3A_1126, %swap3A_1127], %add3A_276 {add = true, strides = array<i32>} : memref<264x128xf32, #tpu.memory_space<vmem>>, vector<16xf32>,
              %swap3A_1129 = arith.index_cast %cond3A_234#0 : i32 to index
              %swap3A_1130 = arith.constant 112 : index
              %swap3A_1131 = tpu.vector_load %arg9[%swap3A_1129, %swap3A_1130] {strides = array<i32>} : memref<264x128xf32, #tpu.memory_space<vmem>>, vector<16xf32>,
              tpu.vector_store %arg9[%swap3A_1129, %swap3A_1130], %add3A_282 {add = true, strides = array<i32>} : memref<264x128xf32, #tpu.memory_space<vmem>>, vector<16xf32>,
              scf.yield %squeeze3A_284, %broadcast_in_dim3A_25, %broadcast_in_dim3A_25, %broadcast_in_dim3A_25, %broadcast_in_dim3A_25, %broadcast_in_dim3A_25, %broadcast_in_dim3A_25, %broadcast_in_dim3A_25, %broadcast_in_dim3A_25 : i32, vector<16xf32>, vector<16xf32>, vector<16xf32>, vector<16xf32>, vector<16xf32>, vector<16xf32>, vector<16xf32>, vector<16xf32>
            } else {
              scf.yield %cond3A_234#0, %add3A_240, %add3A_246, %add3A_252, %add3A_258, %add3A_264, %add3A_270, %add3A_276, %add3A_282 : i32, vector<16xf32>, vector<16xf32>, vector<16xf32>, vector<16xf32>, vector<16xf32>, vector<16xf32>, vector<16xf32>, vector<16xf32>
            }
            %add3A_290 = arith.constant 1 : i32
            %add3A_291 = arith.addi %add3A_211, %add3A_290 : i32
            %get3A_292 = arith.index_cast %add3A_291 : i32 to index
            %get3A_293 = arith.constant 0 : index
            %get3A_294 = tpu.vector_load %arg7[%get3A_292, %get3A_293] {strides = array<i32>} : memref<640x128xf32, #tpu.memory_space<vmem>>, vector<16xf32>,
            %add3A_295 = arith.addf %cond3A_289#1, %get3A_294 : vector<16xf32>
            %add3A_296 = arith.constant 1 : i32
            %add3A_297 = arith.addi %add3A_211, %add3A_296 : i32
            %get3A_298 = arith.index_cast %add3A_297 : i32 to index
            %get3A_299 = arith.constant 16 : index
            %get3A_300 = tpu.vector_load %arg7[%get3A_298, %get3A_299] {strides = array<i32>} : memref<640x128xf32, #tpu.memory_space<vmem>>, vector<16xf32>,
            %add3A_301 = arith.addf %cond3A_289#2, %get3A_300 : vector<16xf32>
            %add3A_302 = arith.constant 1 : i32
            %add3A_303 = arith.addi %add3A_211, %add3A_302 : i32
            %get3A_304 = arith.index_cast %add3A_303 : i32 to index
            %get3A_305 = arith.constant 32 : index
            %get3A_306 = tpu.vector_load %arg7[%get3A_304, %get3A_305] {strides = array<i32>} : memref<640x128xf32, #tpu.memory_space<vmem>>, vector<16xf32>,
            %add3A_307 = arith.addf %cond3A_289#3, %get3A_306 : vector<16xf32>
            %add3A_308 = arith.constant 1 : i32
            %add3A_309 = arith.addi %add3A_211, %add3A_308 : i32
            %get3A_310 = arith.index_cast %add3A_309 : i32 to index
            %get3A_311 = arith.constant 48 : index
            %get3A_312 = tpu.vector_load %arg7[%get3A_310, %get3A_311] {strides = array<i32>} : memref<640x128xf32, #tpu.memory_space<vmem>>, vector<16xf32>,
            %add3A_313 = arith.addf %cond3A_289#4, %get3A_312 : vector<16xf32>
            %add3A_314 = arith.constant 1 : i32
            %add3A_315 = arith.addi %add3A_211, %add3A_314 : i32
            %get3A_316 = arith.index_cast %add3A_315 : i32 to index
            %get3A_317 = arith.constant 64 : index
            %get3A_318 = tpu.vector_load %arg7[%get3A_316, %get3A_317] {strides = array<i32>} : memref<640x128xf32, #tpu.memory_space<vmem>>, vector<16xf32>,
            %add3A_319 = arith.addf %cond3A_289#5, %get3A_318 : vector<16xf32>
            %add3A_320 = arith.constant 1 : i32
            %add3A_321 = arith.addi %add3A_211, %add3A_320 : i32
            %get3A_322 = arith.index_cast %add3A_321 : i32 to index
            %get3A_323 = arith.constant 80 : index
            %get3A_324 = tpu.vector_load %arg7[%get3A_322, %get3A_323] {strides = array<i32>} : memref<640x128xf32, #tpu.memory_space<vmem>>, vector<16xf32>,
            %add3A_325 = arith.addf %cond3A_289#6, %get3A_324 : vector<16xf32>
            %add3A_326 = arith.constant 1 : i32
            %add3A_327 = arith.addi %add3A_211, %add3A_326 : i32
            %get3A_328 = arith.index_cast %add3A_327 : i32 to index
            %get3A_329 = arith.constant 96 : index
            %get3A_330 = tpu.vector_load %arg7[%get3A_328, %get3A_329] {strides = array<i32>} : memref<640x128xf32, #tpu.memory_space<vmem>>, vector<16xf32>,
            %add3A_331 = arith.addf %cond3A_289#7, %get3A_330 : vector<16xf32>
            %add3A_332 = arith.constant 1 : i32
            %add3A_333 = arith.addi %add3A_211, %add3A_332 : i32
            %get3A_334 = arith.index_cast %add3A_333 : i32 to index
            %get3A_335 = arith.constant 112 : index
            %get3A_336 = tpu.vector_load %arg7[%get3A_334, %get3A_335] {strides = array<i32>} : memref<640x128xf32, #tpu.memory_space<vmem>>, vector<16xf32>,
            %add3A_337 = arith.addf %cond3A_289#8, %get3A_336 : vector<16xf32>
            %slice3A_338 = vector.extract_strided_slice %get3A_208 {offsets = [2], sizes = [1], strides = [1]} : vector<16xi32> to vector<1xi32>
            %squeeze3A_339 = vector.extract %slice3A_338[0] : i32 from vector<1xi32>
            %ne3A_340 = arith.cmpi ne, %squeeze3A_339, %cond3A_289#0 : i32
            %convert_element_type3A_341 = arith.extui %ne3A_340 : i1 to i32
            %cond3A_342 = arith.constant 0 : i32
            %cond3A_343 = arith.cmpi ne, %convert_element_type3A_341, %cond3A_342 : i32
            %cond3A_344:9 = scf.if %cond3A_343 -> (i32, vector<16xf32>, vector<16xf32>, vector<16xf32>, vector<16xf32>, vector<16xf32>, vector<16xf32>, vector<16xf32>, vector<16xf32>) {
              %swap3A_1108 = arith.index_cast %cond3A_289#0 : i32 to index
              %swap3A_1109 = arith.constant 0 : index
              %swap3A_1110 = tpu.vector_load %arg9[%swap3A_1108, %swap3A_1109] {strides = array<i32>} : memref<264x128xf32, #tpu.memory_space<vmem>>, vector<16xf32>,
              tpu.vector_store %arg9[%swap3A_1108, %swap3A_1109], %add3A_295 {add = true, strides = array<i32>} : memref<264x128xf32, #tpu.memory_space<vmem>>, vector<16xf32>,
              %swap3A_1111 = arith.index_cast %cond3A_289#0 : i32 to index
              %swap3A_1112 = arith.constant 16 : index
              %swap3A_1113 = tpu.vector_load %arg9[%swap3A_1111, %swap3A_1112] {strides = array<i32>} : memref<264x128xf32, #tpu.memory_space<vmem>>, vector<16xf32>,
              tpu.vector_store %arg9[%swap3A_1111, %swap3A_1112], %add3A_301 {add = true, strides = array<i32>} : memref<264x128xf32, #tpu.memory_space<vmem>>, vector<16xf32>,
              %swap3A_1114 = arith.index_cast %cond3A_289#0 : i32 to index
              %swap3A_1115 = arith.constant 32 : index
              %swap3A_1116 = tpu.vector_load %arg9[%swap3A_1114, %swap3A_1115] {strides = array<i32>} : memref<264x128xf32, #tpu.memory_space<vmem>>, vector<16xf32>,
              tpu.vector_store %arg9[%swap3A_1114, %swap3A_1115], %add3A_307 {add = true, strides = array<i32>} : memref<264x128xf32, #tpu.memory_space<vmem>>, vector<16xf32>,
              %swap3A_1117 = arith.index_cast %cond3A_289#0 : i32 to index
              %swap3A_1118 = arith.constant 48 : index
              %swap3A_1119 = tpu.vector_load %arg9[%swap3A_1117, %swap3A_1118] {strides = array<i32>} : memref<264x128xf32, #tpu.memory_space<vmem>>, vector<16xf32>,
              tpu.vector_store %arg9[%swap3A_1117, %swap3A_1118], %add3A_313 {add = true, strides = array<i32>} : memref<264x128xf32, #tpu.memory_space<vmem>>, vector<16xf32>,
              %swap3A_1120 = arith.index_cast %cond3A_289#0 : i32 to index
              %swap3A_1121 = arith.constant 64 : index
              %swap3A_1122 = tpu.vector_load %arg9[%swap3A_1120, %swap3A_1121] {strides = array<i32>} : memref<264x128xf32, #tpu.memory_space<vmem>>, vector<16xf32>,
              tpu.vector_store %arg9[%swap3A_1120, %swap3A_1121], %add3A_319 {add = true, strides = array<i32>} : memref<264x128xf32, #tpu.memory_space<vmem>>, vector<16xf32>,
              %swap3A_1123 = arith.index_cast %cond3A_289#0 : i32 to index
              %swap3A_1124 = arith.constant 80 : index
              %swap3A_1125 = tpu.vector_load %arg9[%swap3A_1123, %swap3A_1124] {strides = array<i32>} : memref<264x128xf32, #tpu.memory_space<vmem>>, vector<16xf32>,
              tpu.vector_store %arg9[%swap3A_1123, %swap3A_1124], %add3A_325 {add = true, strides = array<i32>} : memref<264x128xf32, #tpu.memory_space<vmem>>, vector<16xf32>,
              %swap3A_1126 = arith.index_cast %cond3A_289#0 : i32 to index
              %swap3A_1127 = arith.constant 96 : index
              %swap3A_1128 = tpu.vector_load %arg9[%swap3A_1126, %swap3A_1127] {strides = array<i32>} : memref<264x128xf32, #tpu.memory_space<vmem>>, vector<16xf32>,
              tpu.vector_store %arg9[%swap3A_1126, %swap3A_1127], %add3A_331 {add = true, strides = array<i32>} : memref<264x128xf32, #tpu.memory_space<vmem>>, vector<16xf32>,
              %swap3A_1129 = arith.index_cast %cond3A_289#0 : i32 to index
              %swap3A_1130 = arith.constant 112 : index
              %swap3A_1131 = tpu.vector_load %arg9[%swap3A_1129, %swap3A_1130] {strides = array<i32>} : memref<264x128xf32, #tpu.memory_space<vmem>>, vector<16xf32>,
              tpu.vector_store %arg9[%swap3A_1129, %swap3A_1130], %add3A_337 {add = true, strides = array<i32>} : memref<264x128xf32, #tpu.memory_space<vmem>>, vector<16xf32>,
              scf.yield %squeeze3A_339, %broadcast_in_dim3A_25, %broadcast_in_dim3A_25, %broadcast_in_dim3A_25, %broadcast_in_dim3A_25, %broadcast_in_dim3A_25, %broadcast_in_dim3A_25, %broadcast_in_dim3A_25, %broadcast_in_dim3A_25 : i32, vector<16xf32>, vector<16xf32>, vector<16xf32>, vector<16xf32>, vector<16xf32>, vector<16xf32>, vector<16xf32>, vector<16xf32>
            } else {
              scf.yield %cond3A_289#0, %add3A_295, %add3A_301, %add3A_307, %add3A_313, %add3A_319, %add3A_325, %add3A_331, %add3A_337 : i32, vector<16xf32>, vector<16xf32>, vector<16xf32>, vector<16xf32>, vector<16xf32>, vector<16xf32>, vector<16xf32>, vector<16xf32>
            }
            %add3A_345 = arith.constant 2 : i32
            %add3A_346 = arith.addi %add3A_211, %add3A_345 : i32
            %get3A_347 = arith.index_cast %add3A_346 : i32 to index
            %get3A_348 = arith.constant 0 : index
            %get3A_349 = tpu.vector_load %arg7[%get3A_347, %get3A_348] {strides = array<i32>} : memref<640x128xf32, #tpu.memory_space<vmem>>, vector<16xf32>,
            %add3A_350 = arith.addf %cond3A_344#1, %get3A_349 : vector<16xf32>
            %add3A_351 = arith.constant 2 : i32
            %add3A_352 = arith.addi %add3A_211, %add3A_351 : i32
            %get3A_353 = arith.index_cast %add3A_352 : i32 to index
            %get3A_354 = arith.constant 16 : index
            %get3A_355 = tpu.vector_load %arg7[%get3A_353, %get3A_354] {strides = array<i32>} : memref<640x128xf32, #tpu.memory_space<vmem>>, vector<16xf32>,
            %add3A_356 = arith.addf %cond3A_344#2, %get3A_355 : vector<16xf32>
            %add3A_357 = arith.constant 2 : i32
            %add3A_358 = arith.addi %add3A_211, %add3A_357 : i32
            %get3A_359 = arith.index_cast %add3A_358 : i32 to index
            %get3A_360 = arith.constant 32 : index
            %get3A_361 = tpu.vector_load %arg7[%get3A_359, %get3A_360] {strides = array<i32>} : memref<640x128xf32, #tpu.memory_space<vmem>>, vector<16xf32>,
            %add3A_362 = arith.addf %cond3A_344#3, %get3A_361 : vector<16xf32>
            %add3A_363 = arith.constant 2 : i32
            %add3A_364 = arith.addi %add3A_211, %add3A_363 : i32
            %get3A_365 = arith.index_cast %add3A_364 : i32 to index
            %get3A_366 = arith.constant 48 : index
            %get3A_367 = tpu.vector_load %arg7[%get3A_365, %get3A_366] {strides = array<i32>} : memref<640x128xf32, #tpu.memory_space<vmem>>, vector<16xf32>,
            %add3A_368 = arith.addf %cond3A_344#4, %get3A_367 : vector<16xf32>
            %add3A_369 = arith.constant 2 : i32
            %add3A_370 = arith.addi %add3A_211, %add3A_369 : i32
            %get3A_371 = arith.index_cast %add3A_370 : i32 to index
            %get3A_372 = arith.constant 64 : index
            %get3A_373 = tpu.vector_load %arg7[%get3A_371, %get3A_372] {strides = array<i32>} : memref<640x128xf32, #tpu.memory_space<vmem>>, vector<16xf32>,
            %add3A_374 = arith.addf %cond3A_344#5, %get3A_373 : vector<16xf32>
            %add3A_375 = arith.constant 2 : i32
            %add3A_376 = arith.addi %add3A_211, %add3A_375 : i32
            %get3A_377 = arith.index_cast %add3A_376 : i32 to index
            %get3A_378 = arith.constant 80 : index
            %get3A_379 = tpu.vector_load %arg7[%get3A_377, %get3A_378] {strides = array<i32>} : memref<640x128xf32, #tpu.memory_space<vmem>>, vector<16xf32>,
            %add3A_380 = arith.addf %cond3A_344#6, %get3A_379 : vector<16xf32>
            %add3A_381 = arith.constant 2 : i32
            %add3A_382 = arith.addi %add3A_211, %add3A_381 : i32
            %get3A_383 = arith.index_cast %add3A_382 : i32 to index
            %get3A_384 = arith.constant 96 : index
            %get3A_385 = tpu.vector_load %arg7[%get3A_383, %get3A_384] {strides = array<i32>} : memref<640x128xf32, #tpu.memory_space<vmem>>, vector<16xf32>,
            %add3A_386 = arith.addf %cond3A_344#7, %get3A_385 : vector<16xf32>
            %add3A_387 = arith.constant 2 : i32
            %add3A_388 = arith.addi %add3A_211, %add3A_387 : i32
            %get3A_389 = arith.index_cast %add3A_388 : i32 to index
            %get3A_390 = arith.constant 112 : index
            %get3A_391 = tpu.vector_load %arg7[%get3A_389, %get3A_390] {strides = array<i32>} : memref<640x128xf32, #tpu.memory_space<vmem>>, vector<16xf32>,
            %add3A_392 = arith.addf %cond3A_344#8, %get3A_391 : vector<16xf32>
            %slice3A_393 = vector.extract_strided_slice %get3A_208 {offsets = [3], sizes = [1], strides = [1]} : vector<16xi32> to vector<1xi32>
            %squeeze3A_394 = vector.extract %slice3A_393[0] : i32 from vector<1xi32>
            %ne3A_395 = arith.cmpi ne, %squeeze3A_394, %cond3A_344#0 : i32
            %convert_element_type3A_396 = arith.extui %ne3A_395 : i1 to i32
            %cond3A_397 = arith.constant 0 : i32
            %cond3A_398 = arith.cmpi ne, %convert_element_type3A_396, %cond3A_397 : i32
            %cond3A_399:9 = scf.if %cond3A_398 -> (i32, vector<16xf32>, vector<16xf32>, vector<16xf32>, vector<16xf32>, vector<16xf32>, vector<16xf32>, vector<16xf32>, vector<16xf32>) {
              %swap3A_1108 = arith.index_cast %cond3A_344#0 : i32 to index
              %swap3A_1109 = arith.constant 0 : index
              %swap3A_1110 = tpu.vector_load %arg9[%swap3A_1108, %swap3A_1109] {strides = array<i32>} : memref<264x128xf32, #tpu.memory_space<vmem>>, vector<16xf32>,
              tpu.vector_store %arg9[%swap3A_1108, %swap3A_1109], %add3A_350 {add = true, strides = array<i32>} : memref<264x128xf32, #tpu.memory_space<vmem>>, vector<16xf32>,
              %swap3A_1111 = arith.index_cast %cond3A_344#0 : i32 to index
              %swap3A_1112 = arith.constant 16 : index
              %swap3A_1113 = tpu.vector_load %arg9[%swap3A_1111, %swap3A_1112] {strides = array<i32>} : memref<264x128xf32, #tpu.memory_space<vmem>>, vector<16xf32>,
              tpu.vector_store %arg9[%swap3A_1111, %swap3A_1112], %add3A_356 {add = true, strides = array<i32>} : memref<264x128xf32, #tpu.memory_space<vmem>>, vector<16xf32>,
              %swap3A_1114 = arith.index_cast %cond3A_344#0 : i32 to index
              %swap3A_1115 = arith.constant 32 : index
              %swap3A_1116 = tpu.vector_load %arg9[%swap3A_1114, %swap3A_1115] {strides = array<i32>} : memref<264x128xf32, #tpu.memory_space<vmem>>, vector<16xf32>,
              tpu.vector_store %arg9[%swap3A_1114, %swap3A_1115], %add3A_362 {add = true, strides = array<i32>} : memref<264x128xf32, #tpu.memory_space<vmem>>, vector<16xf32>,
              %swap3A_1117 = arith.index_cast %cond3A_344#0 : i32 to index
              %swap3A_1118 = arith.constant 48 : index
              %swap3A_1119 = tpu.vector_load %arg9[%swap3A_1117, %swap3A_1118] {strides = array<i32>} : memref<264x128xf32, #tpu.memory_space<vmem>>, vector<16xf32>,
              tpu.vector_store %arg9[%swap3A_1117, %swap3A_1118], %add3A_368 {add = true, strides = array<i32>} : memref<264x128xf32, #tpu.memory_space<vmem>>, vector<16xf32>,
              %swap3A_1120 = arith.index_cast %cond3A_344#0 : i32 to index
              %swap3A_1121 = arith.constant 64 : index
              %swap3A_1122 = tpu.vector_load %arg9[%swap3A_1120, %swap3A_1121] {strides = array<i32>} : memref<264x128xf32, #tpu.memory_space<vmem>>, vector<16xf32>,
              tpu.vector_store %arg9[%swap3A_1120, %swap3A_1121], %add3A_374 {add = true, strides = array<i32>} : memref<264x128xf32, #tpu.memory_space<vmem>>, vector<16xf32>,
              %swap3A_1123 = arith.index_cast %cond3A_344#0 : i32 to index
              %swap3A_1124 = arith.constant 80 : index
              %swap3A_1125 = tpu.vector_load %arg9[%swap3A_1123, %swap3A_1124] {strides = array<i32>} : memref<264x128xf32, #tpu.memory_space<vmem>>, vector<16xf32>,
              tpu.vector_store %arg9[%swap3A_1123, %swap3A_1124], %add3A_380 {add = true, strides = array<i32>} : memref<264x128xf32, #tpu.memory_space<vmem>>, vector<16xf32>,
              %swap3A_1126 = arith.index_cast %cond3A_344#0 : i32 to index
              %swap3A_1127 = arith.constant 96 : index
              %swap3A_1128 = tpu.vector_load %arg9[%swap3A_1126, %swap3A_1127] {strides = array<i32>} : memref<264x128xf32, #tpu.memory_space<vmem>>, vector<16xf32>,
              tpu.vector_store %arg9[%swap3A_1126, %swap3A_1127], %add3A_386 {add = true, strides = array<i32>} : memref<264x128xf32, #tpu.memory_space<vmem>>, vector<16xf32>,
              %swap3A_1129 = arith.index_cast %cond3A_344#0 : i32 to index
              %swap3A_1130 = arith.constant 112 : index
              %swap3A_1131 = tpu.vector_load %arg9[%swap3A_1129, %swap3A_1130] {strides = array<i32>} : memref<264x128xf32, #tpu.memory_space<vmem>>, vector<16xf32>,
              tpu.vector_store %arg9[%swap3A_1129, %swap3A_1130], %add3A_392 {add = true, strides = array<i32>} : memref<264x128xf32, #tpu.memory_space<vmem>>, vector<16xf32>,
              scf.yield %squeeze3A_394, %broadcast_in_dim3A_25, %broadcast_in_dim3A_25, %broadcast_in_dim3A_25, %broadcast_in_dim3A_25, %broadcast_in_dim3A_25, %broadcast_in_dim3A_25, %broadcast_in_dim3A_25, %broadcast_in_dim3A_25 : i32, vector<16xf32>, vector<16xf32>, vector<16xf32>, vector<16xf32>, vector<16xf32>, vector<16xf32>, vector<16xf32>, vector<16xf32>
            } else {
              scf.yield %cond3A_344#0, %add3A_350, %add3A_356, %add3A_362, %add3A_368, %add3A_374, %add3A_380, %add3A_386, %add3A_392 : i32, vector<16xf32>, vector<16xf32>, vector<16xf32>, vector<16xf32>, vector<16xf32>, vector<16xf32>, vector<16xf32>, vector<16xf32>
            }
            %add3A_400 = arith.constant 3 : i32
            %add3A_401 = arith.addi %add3A_211, %add3A_400 : i32
            %get3A_402 = arith.index_cast %add3A_401 : i32 to index
            %get3A_403 = arith.constant 0 : index
            %get3A_404 = tpu.vector_load %arg7[%get3A_402, %get3A_403] {strides = array<i32>} : memref<640x128xf32, #tpu.memory_space<vmem>>, vector<16xf32>,
            %add3A_405 = arith.addf %cond3A_399#1, %get3A_404 : vector<16xf32>
            %add3A_406 = arith.constant 3 : i32
            %add3A_407 = arith.addi %add3A_211, %add3A_406 : i32
            %get3A_408 = arith.index_cast %add3A_407 : i32 to index
            %get3A_409 = arith.constant 16 : index
            %get3A_410 = tpu.vector_load %arg7[%get3A_408, %get3A_409] {strides = array<i32>} : memref<640x128xf32, #tpu.memory_space<vmem>>, vector<16xf32>,
            %add3A_411 = arith.addf %cond3A_399#2, %get3A_410 : vector<16xf32>
            %add3A_412 = arith.constant 3 : i32
            %add3A_413 = arith.addi %add3A_211, %add3A_412 : i32
            %get3A_414 = arith.index_cast %add3A_413 : i32 to index
            %get3A_415 = arith.constant 32 : index
            %get3A_416 = tpu.vector_load %arg7[%get3A_414, %get3A_415] {strides = array<i32>} : memref<640x128xf32, #tpu.memory_space<vmem>>, vector<16xf32>,
            %add3A_417 = arith.addf %cond3A_399#3, %get3A_416 : vector<16xf32>
            %add3A_418 = arith.constant 3 : i32
            %add3A_419 = arith.addi %add3A_211, %add3A_418 : i32
            %get3A_420 = arith.index_cast %add3A_419 : i32 to index
            %get3A_421 = arith.constant 48 : index
            %get3A_422 = tpu.vector_load %arg7[%get3A_420, %get3A_421] {strides = array<i32>} : memref<640x128xf32, #tpu.memory_space<vmem>>, vector<16xf32>,
            %add3A_423 = arith.addf %cond3A_399#4, %get3A_422 : vector<16xf32>
            %add3A_424 = arith.constant 3 : i32
            %add3A_425 = arith.addi %add3A_211, %add3A_424 : i32
            %get3A_426 = arith.index_cast %add3A_425 : i32 to index
            %get3A_427 = arith.constant 64 : index
            %get3A_428 = tpu.vector_load %arg7[%get3A_426, %get3A_427] {strides = array<i32>} : memref<640x128xf32, #tpu.memory_space<vmem>>, vector<16xf32>,
            %add3A_429 = arith.addf %cond3A_399#5, %get3A_428 : vector<16xf32>
            %add3A_430 = arith.constant 3 : i32
            %add3A_431 = arith.addi %add3A_211, %add3A_430 : i32
            %get3A_432 = arith.index_cast %add3A_431 : i32 to index
            %get3A_433 = arith.constant 80 : index
            %get3A_434 = tpu.vector_load %arg7[%get3A_432, %get3A_433] {strides = array<i32>} : memref<640x128xf32, #tpu.memory_space<vmem>>, vector<16xf32>,
            %add3A_435 = arith.addf %cond3A_399#6, %get3A_434 : vector<16xf32>
            %add3A_436 = arith.constant 3 : i32
            %add3A_437 = arith.addi %add3A_211, %add3A_436 : i32
            %get3A_438 = arith.index_cast %add3A_437 : i32 to index
            %get3A_439 = arith.constant 96 : index
            %get3A_440 = tpu.vector_load %arg7[%get3A_438, %get3A_439] {strides = array<i32>} : memref<640x128xf32, #tpu.memory_space<vmem>>, vector<16xf32>,
            %add3A_441 = arith.addf %cond3A_399#7, %get3A_440 : vector<16xf32>
            %add3A_442 = arith.constant 3 : i32
            %add3A_443 = arith.addi %add3A_211, %add3A_442 : i32
            %get3A_444 = arith.index_cast %add3A_443 : i32 to index
            %get3A_445 = arith.constant 112 : index
            %get3A_446 = tpu.vector_load %arg7[%get3A_444, %get3A_445] {strides = array<i32>} : memref<640x128xf32, #tpu.memory_space<vmem>>, vector<16xf32>,
            %add3A_447 = arith.addf %cond3A_399#8, %get3A_446 : vector<16xf32>
            %slice3A_448 = vector.extract_strided_slice %get3A_208 {offsets = [4], sizes = [1], strides = [1]} : vector<16xi32> to vector<1xi32>
            %squeeze3A_449 = vector.extract %slice3A_448[0] : i32 from vector<1xi32>
            %ne3A_450 = arith.cmpi ne, %squeeze3A_449, %cond3A_399#0 : i32
            %convert_element_type3A_451 = arith.extui %ne3A_450 : i1 to i32
            %cond3A_452 = arith.constant 0 : i32
            %cond3A_453 = arith.cmpi ne, %convert_element_type3A_451, %cond3A_452 : i32
            %cond3A_454:9 = scf.if %cond3A_453 -> (i32, vector<16xf32>, vector<16xf32>, vector<16xf32>, vector<16xf32>, vector<16xf32>, vector<16xf32>, vector<16xf32>, vector<16xf32>) {
              %swap3A_1108 = arith.index_cast %cond3A_399#0 : i32 to index
              %swap3A_1109 = arith.constant 0 : index
              %swap3A_1110 = tpu.vector_load %arg9[%swap3A_1108, %swap3A_1109] {strides = array<i32>} : memref<264x128xf32, #tpu.memory_space<vmem>>, vector<16xf32>,
              tpu.vector_store %arg9[%swap3A_1108, %swap3A_1109], %add3A_405 {add = true, strides = array<i32>} : memref<264x128xf32, #tpu.memory_space<vmem>>, vector<16xf32>,
              %swap3A_1111 = arith.index_cast %cond3A_399#0 : i32 to index
              %swap3A_1112 = arith.constant 16 : index
              %swap3A_1113 = tpu.vector_load %arg9[%swap3A_1111, %swap3A_1112] {strides = array<i32>} : memref<264x128xf32, #tpu.memory_space<vmem>>, vector<16xf32>,
              tpu.vector_store %arg9[%swap3A_1111, %swap3A_1112], %add3A_411 {add = true, strides = array<i32>} : memref<264x128xf32, #tpu.memory_space<vmem>>, vector<16xf32>,
              %swap3A_1114 = arith.index_cast %cond3A_399#0 : i32 to index
              %swap3A_1115 = arith.constant 32 : index
              %swap3A_1116 = tpu.vector_load %arg9[%swap3A_1114, %swap3A_1115] {strides = array<i32>} : memref<264x128xf32, #tpu.memory_space<vmem>>, vector<16xf32>,
              tpu.vector_store %arg9[%swap3A_1114, %swap3A_1115], %add3A_417 {add = true, strides = array<i32>} : memref<264x128xf32, #tpu.memory_space<vmem>>, vector<16xf32>,
              %swap3A_1117 = arith.index_cast %cond3A_399#0 : i32 to index
              %swap3A_1118 = arith.constant 48 : index
              %swap3A_1119 = tpu.vector_load %arg9[%swap3A_1117, %swap3A_1118] {strides = array<i32>} : memref<264x128xf32, #tpu.memory_space<vmem>>, vector<16xf32>,
              tpu.vector_store %arg9[%swap3A_1117, %swap3A_1118], %add3A_423 {add = true, strides = array<i32>} : memref<264x128xf32, #tpu.memory_space<vmem>>, vector<16xf32>,
              %swap3A_1120 = arith.index_cast %cond3A_399#0 : i32 to index
              %swap3A_1121 = arith.constant 64 : index
              %swap3A_1122 = tpu.vector_load %arg9[%swap3A_1120, %swap3A_1121] {strides = array<i32>} : memref<264x128xf32, #tpu.memory_space<vmem>>, vector<16xf32>,
              tpu.vector_store %arg9[%swap3A_1120, %swap3A_1121], %add3A_429 {add = true, strides = array<i32>} : memref<264x128xf32, #tpu.memory_space<vmem>>, vector<16xf32>,
              %swap3A_1123 = arith.index_cast %cond3A_399#0 : i32 to index
              %swap3A_1124 = arith.constant 80 : index
              %swap3A_1125 = tpu.vector_load %arg9[%swap3A_1123, %swap3A_1124] {strides = array<i32>} : memref<264x128xf32, #tpu.memory_space<vmem>>, vector<16xf32>,
              tpu.vector_store %arg9[%swap3A_1123, %swap3A_1124], %add3A_435 {add = true, strides = array<i32>} : memref<264x128xf32, #tpu.memory_space<vmem>>, vector<16xf32>,
              %swap3A_1126 = arith.index_cast %cond3A_399#0 : i32 to index
              %swap3A_1127 = arith.constant 96 : index
              %swap3A_1128 = tpu.vector_load %arg9[%swap3A_1126, %swap3A_1127] {strides = array<i32>} : memref<264x128xf32, #tpu.memory_space<vmem>>, vector<16xf32>,
              tpu.vector_store %arg9[%swap3A_1126, %swap3A_1127], %add3A_441 {add = true, strides = array<i32>} : memref<264x128xf32, #tpu.memory_space<vmem>>, vector<16xf32>,
              %swap3A_1129 = arith.index_cast %cond3A_399#0 : i32 to index
              %swap3A_1130 = arith.constant 112 : index
              %swap3A_1131 = tpu.vector_load %arg9[%swap3A_1129, %swap3A_1130] {strides = array<i32>} : memref<264x128xf32, #tpu.memory_space<vmem>>, vector<16xf32>,
              tpu.vector_store %arg9[%swap3A_1129, %swap3A_1130], %add3A_447 {add = true, strides = array<i32>} : memref<264x128xf32, #tpu.memory_space<vmem>>, vector<16xf32>,
              scf.yield %squeeze3A_449, %broadcast_in_dim3A_25, %broadcast_in_dim3A_25, %broadcast_in_dim3A_25, %broadcast_in_dim3A_25, %broadcast_in_dim3A_25, %broadcast_in_dim3A_25, %broadcast_in_dim3A_25, %broadcast_in_dim3A_25 : i32, vector<16xf32>, vector<16xf32>, vector<16xf32>, vector<16xf32>, vector<16xf32>, vector<16xf32>, vector<16xf32>, vector<16xf32>
            } else {
              scf.yield %cond3A_399#0, %add3A_405, %add3A_411, %add3A_417, %add3A_423, %add3A_429, %add3A_435, %add3A_441, %add3A_447 : i32, vector<16xf32>, vector<16xf32>, vector<16xf32>, vector<16xf32>, vector<16xf32>, vector<16xf32>, vector<16xf32>, vector<16xf32>
            }
            %add3A_455 = arith.constant 4 : i32
            %add3A_456 = arith.addi %add3A_211, %add3A_455 : i32
            %get3A_457 = arith.index_cast %add3A_456 : i32 to index
            %get3A_458 = arith.constant 0 : index
            %get3A_459 = tpu.vector_load %arg7[%get3A_457, %get3A_458] {strides = array<i32>} : memref<640x128xf32, #tpu.memory_space<vmem>>, vector<16xf32>,
            %add3A_460 = arith.addf %cond3A_454#1, %get3A_459 : vector<16xf32>
            %add3A_461 = arith.constant 4 : i32
            %add3A_462 = arith.addi %add3A_211, %add3A_461 : i32
            %get3A_463 = arith.index_cast %add3A_462 : i32 to index
            %get3A_464 = arith.constant 16 : index
            %get3A_465 = tpu.vector_load %arg7[%get3A_463, %get3A_464] {strides = array<i32>} : memref<640x128xf32, #tpu.memory_space<vmem>>, vector<16xf32>,
            %add3A_466 = arith.addf %cond3A_454#2, %get3A_465 : vector<16xf32>
            %add3A_467 = arith.constant 4 : i32
            %add3A_468 = arith.addi %add3A_211, %add3A_467 : i32
            %get3A_469 = arith.index_cast %add3A_468 : i32 to index
            %get3A_470 = arith.constant 32 : index
            %get3A_471 = tpu.vector_load %arg7[%get3A_469, %get3A_470] {strides = array<i32>} : memref<640x128xf32, #tpu.memory_space<vmem>>, vector<16xf32>,
            %add3A_472 = arith.addf %cond3A_454#3, %get3A_471 : vector<16xf32>
            %add3A_473 = arith.constant 4 : i32
            %add3A_474 = arith.addi %add3A_211, %add3A_473 : i32
            %get3A_475 = arith.index_cast %add3A_474 : i32 to index
            %get3A_476 = arith.constant 48 : index
            %get3A_477 = tpu.vector_load %arg7[%get3A_475, %get3A_476] {strides = array<i32>} : memref<640x128xf32, #tpu.memory_space<vmem>>, vector<16xf32>,
            %add3A_478 = arith.addf %cond3A_454#4, %get3A_477 : vector<16xf32>
            %add3A_479 = arith.constant 4 : i32
            %add3A_480 = arith.addi %add3A_211, %add3A_479 : i32
            %get3A_481 = arith.index_cast %add3A_480 : i32 to index
            %get3A_482 = arith.constant 64 : index
            %get3A_483 = tpu.vector_load %arg7[%get3A_481, %get3A_482] {strides = array<i32>} : memref<640x128xf32, #tpu.memory_space<vmem>>, vector<16xf32>,
            %add3A_484 = arith.addf %cond3A_454#5, %get3A_483 : vector<16xf32>
            %add3A_485 = arith.constant 4 : i32
            %add3A_486 = arith.addi %add3A_211, %add3A_485 : i32
            %get3A_487 = arith.index_cast %add3A_486 : i32 to index
            %get3A_488 = arith.constant 80 : index
            %get3A_489 = tpu.vector_load %arg7[%get3A_487, %get3A_488] {strides = array<i32>} : memref<640x128xf32, #tpu.memory_space<vmem>>, vector<16xf32>,
            %add3A_490 = arith.addf %cond3A_454#6, %get3A_489 : vector<16xf32>
            %add3A_491 = arith.constant 4 : i32
            %add3A_492 = arith.addi %add3A_211, %add3A_491 : i32
            %get3A_493 = arith.index_cast %add3A_492 : i32 to index
            %get3A_494 = arith.constant 96 : index
            %get3A_495 = tpu.vector_load %arg7[%get3A_493, %get3A_494] {strides = array<i32>} : memref<640x128xf32, #tpu.memory_space<vmem>>, vector<16xf32>,
            %add3A_496 = arith.addf %cond3A_454#7, %get3A_495 : vector<16xf32>
            %add3A_497 = arith.constant 4 : i32
            %add3A_498 = arith.addi %add3A_211, %add3A_497 : i32
            %get3A_499 = arith.index_cast %add3A_498 : i32 to index
            %get3A_500 = arith.constant 112 : index
            %get3A_501 = tpu.vector_load %arg7[%get3A_499, %get3A_500] {strides = array<i32>} : memref<640x128xf32, #tpu.memory_space<vmem>>, vector<16xf32>,
            %add3A_502 = arith.addf %cond3A_454#8, %get3A_501 : vector<16xf32>
            %slice3A_503 = vector.extract_strided_slice %get3A_208 {offsets = [5], sizes = [1], strides = [1]} : vector<16xi32> to vector<1xi32>
            %squeeze3A_504 = vector.extract %slice3A_503[0] : i32 from vector<1xi32>
            %ne3A_505 = arith.cmpi ne, %squeeze3A_504, %cond3A_454#0 : i32
            %convert_element_type3A_506 = arith.extui %ne3A_505 : i1 to i32
            %cond3A_507 = arith.constant 0 : i32
            %cond3A_508 = arith.cmpi ne, %convert_element_type3A_506, %cond3A_507 : i32
            %cond3A_509:9 = scf.if %cond3A_508 -> (i32, vector<16xf32>, vector<16xf32>, vector<16xf32>, vector<16xf32>, vector<16xf32>, vector<16xf32>, vector<16xf32>, vector<16xf32>) {
              %swap3A_1108 = arith.index_cast %cond3A_454#0 : i32 to index
              %swap3A_1109 = arith.constant 0 : index
              %swap3A_1110 = tpu.vector_load %arg9[%swap3A_1108, %swap3A_1109] {strides = array<i32>} : memref<264x128xf32, #tpu.memory_space<vmem>>, vector<16xf32>,
              tpu.vector_store %arg9[%swap3A_1108, %swap3A_1109], %add3A_460 {add = true, strides = array<i32>} : memref<264x128xf32, #tpu.memory_space<vmem>>, vector<16xf32>,
              %swap3A_1111 = arith.index_cast %cond3A_454#0 : i32 to index
              %swap3A_1112 = arith.constant 16 : index
              %swap3A_1113 = tpu.vector_load %arg9[%swap3A_1111, %swap3A_1112] {strides = array<i32>} : memref<264x128xf32, #tpu.memory_space<vmem>>, vector<16xf32>,
              tpu.vector_store %arg9[%swap3A_1111, %swap3A_1112], %add3A_466 {add = true, strides = array<i32>} : memref<264x128xf32, #tpu.memory_space<vmem>>, vector<16xf32>,
              %swap3A_1114 = arith.index_cast %cond3A_454#0 : i32 to index
              %swap3A_1115 = arith.constant 32 : index
              %swap3A_1116 = tpu.vector_load %arg9[%swap3A_1114, %swap3A_1115] {strides = array<i32>} : memref<264x128xf32, #tpu.memory_space<vmem>>, vector<16xf32>,
              tpu.vector_store %arg9[%swap3A_1114, %swap3A_1115], %add3A_472 {add = true, strides = array<i32>} : memref<264x128xf32, #tpu.memory_space<vmem>>, vector<16xf32>,
              %swap3A_1117 = arith.index_cast %cond3A_454#0 : i32 to index
              %swap3A_1118 = arith.constant 48 : index
              %swap3A_1119 = tpu.vector_load %arg9[%swap3A_1117, %swap3A_1118] {strides = array<i32>} : memref<264x128xf32, #tpu.memory_space<vmem>>, vector<16xf32>,
              tpu.vector_store %arg9[%swap3A_1117, %swap3A_1118], %add3A_478 {add = true, strides = array<i32>} : memref<264x128xf32, #tpu.memory_space<vmem>>, vector<16xf32>,
              %swap3A_1120 = arith.index_cast %cond3A_454#0 : i32 to index
              %swap3A_1121 = arith.constant 64 : index
              %swap3A_1122 = tpu.vector_load %arg9[%swap3A_1120, %swap3A_1121] {strides = array<i32>} : memref<264x128xf32, #tpu.memory_space<vmem>>, vector<16xf32>,
              tpu.vector_store %arg9[%swap3A_1120, %swap3A_1121], %add3A_484 {add = true, strides = array<i32>} : memref<264x128xf32, #tpu.memory_space<vmem>>, vector<16xf32>,
              %swap3A_1123 = arith.index_cast %cond3A_454#0 : i32 to index
              %swap3A_1124 = arith.constant 80 : index
              %swap3A_1125 = tpu.vector_load %arg9[%swap3A_1123, %swap3A_1124] {strides = array<i32>} : memref<264x128xf32, #tpu.memory_space<vmem>>, vector<16xf32>,
              tpu.vector_store %arg9[%swap3A_1123, %swap3A_1124], %add3A_490 {add = true, strides = array<i32>} : memref<264x128xf32, #tpu.memory_space<vmem>>, vector<16xf32>,
              %swap3A_1126 = arith.index_cast %cond3A_454#0 : i32 to index
              %swap3A_1127 = arith.constant 96 : index
              %swap3A_1128 = tpu.vector_load %arg9[%swap3A_1126, %swap3A_1127] {strides = array<i32>} : memref<264x128xf32, #tpu.memory_space<vmem>>, vector<16xf32>,
              tpu.vector_store %arg9[%swap3A_1126, %swap3A_1127], %add3A_496 {add = true, strides = array<i32>} : memref<264x128xf32, #tpu.memory_space<vmem>>, vector<16xf32>,
              %swap3A_1129 = arith.index_cast %cond3A_454#0 : i32 to index
              %swap3A_1130 = arith.constant 112 : index
              %swap3A_1131 = tpu.vector_load %arg9[%swap3A_1129, %swap3A_1130] {strides = array<i32>} : memref<264x128xf32, #tpu.memory_space<vmem>>, vector<16xf32>,
              tpu.vector_store %arg9[%swap3A_1129, %swap3A_1130], %add3A_502 {add = true, strides = array<i32>} : memref<264x128xf32, #tpu.memory_space<vmem>>, vector<16xf32>,
              scf.yield %squeeze3A_504, %broadcast_in_dim3A_25, %broadcast_in_dim3A_25, %broadcast_in_dim3A_25, %broadcast_in_dim3A_25, %broadcast_in_dim3A_25, %broadcast_in_dim3A_25, %broadcast_in_dim3A_25, %broadcast_in_dim3A_25 : i32, vector<16xf32>, vector<16xf32>, vector<16xf32>, vector<16xf32>, vector<16xf32>, vector<16xf32>, vector<16xf32>, vector<16xf32>
            } else {
              scf.yield %cond3A_454#0, %add3A_460, %add3A_466, %add3A_472, %add3A_478, %add3A_484, %add3A_490, %add3A_496, %add3A_502 : i32, vector<16xf32>, vector<16xf32>, vector<16xf32>, vector<16xf32>, vector<16xf32>, vector<16xf32>, vector<16xf32>, vector<16xf32>
            }
            %add3A_510 = arith.constant 5 : i32
            %add3A_511 = arith.addi %add3A_211, %add3A_510 : i32
            %get3A_512 = arith.index_cast %add3A_511 : i32 to index
            %get3A_513 = arith.constant 0 : index
            %get3A_514 = tpu.vector_load %arg7[%get3A_512, %get3A_513] {strides = array<i32>} : memref<640x128xf32, #tpu.memory_space<vmem>>, vector<16xf32>,
            %add3A_515 = arith.addf %cond3A_509#1, %get3A_514 : vector<16xf32>
            %add3A_516 = arith.constant 5 : i32
            %add3A_517 = arith.addi %add3A_211, %add3A_516 : i32
            %get3A_518 = arith.index_cast %add3A_517 : i32 to index
            %get3A_519 = arith.constant 16 : index
            %get3A_520 = tpu.vector_load %arg7[%get3A_518, %get3A_519] {strides = array<i32>} : memref<640x128xf32, #tpu.memory_space<vmem>>, vector<16xf32>,
            %add3A_521 = arith.addf %cond3A_509#2, %get3A_520 : vector<16xf32>
            %add3A_522 = arith.constant 5 : i32
            %add3A_523 = arith.addi %add3A_211, %add3A_522 : i32
            %get3A_524 = arith.index_cast %add3A_523 : i32 to index
            %get3A_525 = arith.constant 32 : index
            %get3A_526 = tpu.vector_load %arg7[%get3A_524, %get3A_525] {strides = array<i32>} : memref<640x128xf32, #tpu.memory_space<vmem>>, vector<16xf32>,
            %add3A_527 = arith.addf %cond3A_509#3, %get3A_526 : vector<16xf32>
            %add3A_528 = arith.constant 5 : i32
            %add3A_529 = arith.addi %add3A_211, %add3A_528 : i32
            %get3A_530 = arith.index_cast %add3A_529 : i32 to index
            %get3A_531 = arith.constant 48 : index
            %get3A_532 = tpu.vector_load %arg7[%get3A_530, %get3A_531] {strides = array<i32>} : memref<640x128xf32, #tpu.memory_space<vmem>>, vector<16xf32>,
            %add3A_533 = arith.addf %cond3A_509#4, %get3A_532 : vector<16xf32>
            %add3A_534 = arith.constant 5 : i32
            %add3A_535 = arith.addi %add3A_211, %add3A_534 : i32
            %get3A_536 = arith.index_cast %add3A_535 : i32 to index
            %get3A_537 = arith.constant 64 : index
            %get3A_538 = tpu.vector_load %arg7[%get3A_536, %get3A_537] {strides = array<i32>} : memref<640x128xf32, #tpu.memory_space<vmem>>, vector<16xf32>,
            %add3A_539 = arith.addf %cond3A_509#5, %get3A_538 : vector<16xf32>
            %add3A_540 = arith.constant 5 : i32
            %add3A_541 = arith.addi %add3A_211, %add3A_540 : i32
            %get3A_542 = arith.index_cast %add3A_541 : i32 to index
            %get3A_543 = arith.constant 80 : index
            %get3A_544 = tpu.vector_load %arg7[%get3A_542, %get3A_543] {strides = array<i32>} : memref<640x128xf32, #tpu.memory_space<vmem>>, vector<16xf32>,
            %add3A_545 = arith.addf %cond3A_509#6, %get3A_544 : vector<16xf32>
            %add3A_546 = arith.constant 5 : i32
            %add3A_547 = arith.addi %add3A_211, %add3A_546 : i32
            %get3A_548 = arith.index_cast %add3A_547 : i32 to index
            %get3A_549 = arith.constant 96 : index
            %get3A_550 = tpu.vector_load %arg7[%get3A_548, %get3A_549] {strides = array<i32>} : memref<640x128xf32, #tpu.memory_space<vmem>>, vector<16xf32>,
            %add3A_551 = arith.addf %cond3A_509#7, %get3A_550 : vector<16xf32>
            %add3A_552 = arith.constant 5 : i32
            %add3A_553 = arith.addi %add3A_211, %add3A_552 : i32
            %get3A_554 = arith.index_cast %add3A_553 : i32 to index
            %get3A_555 = arith.constant 112 : index
            %get3A_556 = tpu.vector_load %arg7[%get3A_554, %get3A_555] {strides = array<i32>} : memref<640x128xf32, #tpu.memory_space<vmem>>, vector<16xf32>,
            %add3A_557 = arith.addf %cond3A_509#8, %get3A_556 : vector<16xf32>
            %slice3A_558 = vector.extract_strided_slice %get3A_208 {offsets = [6], sizes = [1], strides = [1]} : vector<16xi32> to vector<1xi32>
            %squeeze3A_559 = vector.extract %slice3A_558[0] : i32 from vector<1xi32>
            %ne3A_560 = arith.cmpi ne, %squeeze3A_559, %cond3A_509#0 : i32
            %convert_element_type3A_561 = arith.extui %ne3A_560 : i1 to i32
            %cond3A_562 = arith.constant 0 : i32
            %cond3A_563 = arith.cmpi ne, %convert_element_type3A_561, %cond3A_562 : i32
            %cond3A_564:9 = scf.if %cond3A_563 -> (i32, vector<16xf32>, vector<16xf32>, vector<16xf32>, vector<16xf32>, vector<16xf32>, vector<16xf32>, vector<16xf32>, vector<16xf32>) {
              %swap3A_1108 = arith.index_cast %cond3A_509#0 : i32 to index
              %swap3A_1109 = arith.constant 0 : index
              %swap3A_1110 = tpu.vector_load %arg9[%swap3A_1108, %swap3A_1109] {strides = array<i32>} : memref<264x128xf32, #tpu.memory_space<vmem>>, vector<16xf32>,
              tpu.vector_store %arg9[%swap3A_1108, %swap3A_1109], %add3A_515 {add = true, strides = array<i32>} : memref<264x128xf32, #tpu.memory_space<vmem>>, vector<16xf32>,
              %swap3A_1111 = arith.index_cast %cond3A_509#0 : i32 to index
              %swap3A_1112 = arith.constant 16 : index
              %swap3A_1113 = tpu.vector_load %arg9[%swap3A_1111, %swap3A_1112] {strides = array<i32>} : memref<264x128xf32, #tpu.memory_space<vmem>>, vector<16xf32>,
              tpu.vector_store %arg9[%swap3A_1111, %swap3A_1112], %add3A_521 {add = true, strides = array<i32>} : memref<264x128xf32, #tpu.memory_space<vmem>>, vector<16xf32>,
              %swap3A_1114 = arith.index_cast %cond3A_509#0 : i32 to index
              %swap3A_1115 = arith.constant 32 : index
              %swap3A_1116 = tpu.vector_load %arg9[%swap3A_1114, %swap3A_1115] {strides = array<i32>} : memref<264x128xf32, #tpu.memory_space<vmem>>, vector<16xf32>,
              tpu.vector_store %arg9[%swap3A_1114, %swap3A_1115], %add3A_527 {add = true, strides = array<i32>} : memref<264x128xf32, #tpu.memory_space<vmem>>, vector<16xf32>,
              %swap3A_1117 = arith.index_cast %cond3A_509#0 : i32 to index
              %swap3A_1118 = arith.constant 48 : index
              %swap3A_1119 = tpu.vector_load %arg9[%swap3A_1117, %swap3A_1118] {strides = array<i32>} : memref<264x128xf32, #tpu.memory_space<vmem>>, vector<16xf32>,
              tpu.vector_store %arg9[%swap3A_1117, %swap3A_1118], %add3A_533 {add = true, strides = array<i32>} : memref<264x128xf32, #tpu.memory_space<vmem>>, vector<16xf32>,
              %swap3A_1120 = arith.index_cast %cond3A_509#0 : i32 to index
              %swap3A_1121 = arith.constant 64 : index
              %swap3A_1122 = tpu.vector_load %arg9[%swap3A_1120, %swap3A_1121] {strides = array<i32>} : memref<264x128xf32, #tpu.memory_space<vmem>>, vector<16xf32>,
              tpu.vector_store %arg9[%swap3A_1120, %swap3A_1121], %add3A_539 {add = true, strides = array<i32>} : memref<264x128xf32, #tpu.memory_space<vmem>>, vector<16xf32>,
              %swap3A_1123 = arith.index_cast %cond3A_509#0 : i32 to index
              %swap3A_1124 = arith.constant 80 : index
              %swap3A_1125 = tpu.vector_load %arg9[%swap3A_1123, %swap3A_1124] {strides = array<i32>} : memref<264x128xf32, #tpu.memory_space<vmem>>, vector<16xf32>,
              tpu.vector_store %arg9[%swap3A_1123, %swap3A_1124], %add3A_545 {add = true, strides = array<i32>} : memref<264x128xf32, #tpu.memory_space<vmem>>, vector<16xf32>,
              %swap3A_1126 = arith.index_cast %cond3A_509#0 : i32 to index
              %swap3A_1127 = arith.constant 96 : index
              %swap3A_1128 = tpu.vector_load %arg9[%swap3A_1126, %swap3A_1127] {strides = array<i32>} : memref<264x128xf32, #tpu.memory_space<vmem>>, vector<16xf32>,
              tpu.vector_store %arg9[%swap3A_1126, %swap3A_1127], %add3A_551 {add = true, strides = array<i32>} : memref<264x128xf32, #tpu.memory_space<vmem>>, vector<16xf32>,
              %swap3A_1129 = arith.index_cast %cond3A_509#0 : i32 to index
              %swap3A_1130 = arith.constant 112 : index
              %swap3A_1131 = tpu.vector_load %arg9[%swap3A_1129, %swap3A_1130] {strides = array<i32>} : memref<264x128xf32, #tpu.memory_space<vmem>>, vector<16xf32>,
              tpu.vector_store %arg9[%swap3A_1129, %swap3A_1130], %add3A_557 {add = true, strides = array<i32>} : memref<264x128xf32, #tpu.memory_space<vmem>>, vector<16xf32>,
              scf.yield %squeeze3A_559, %broadcast_in_dim3A_25, %broadcast_in_dim3A_25, %broadcast_in_dim3A_25, %broadcast_in_dim3A_25, %broadcast_in_dim3A_25, %broadcast_in_dim3A_25, %broadcast_in_dim3A_25, %broadcast_in_dim3A_25 : i32, vector<16xf32>, vector<16xf32>, vector<16xf32>, vector<16xf32>, vector<16xf32>, vector<16xf32>, vector<16xf32>, vector<16xf32>
            } else {
              scf.yield %cond3A_509#0, %add3A_515, %add3A_521, %add3A_527, %add3A_533, %add3A_539, %add3A_545, %add3A_551, %add3A_557 : i32, vector<16xf32>, vector<16xf32>, vector<16xf32>, vector<16xf32>, vector<16xf32>, vector<16xf32>, vector<16xf32>, vector<16xf32>
            }
            %add3A_565 = arith.constant 6 : i32
            %add3A_566 = arith.addi %add3A_211, %add3A_565 : i32
            %get3A_567 = arith.index_cast %add3A_566 : i32 to index
            %get3A_568 = arith.constant 0 : index
            %get3A_569 = tpu.vector_load %arg7[%get3A_567, %get3A_568] {strides = array<i32>} : memref<640x128xf32, #tpu.memory_space<vmem>>, vector<16xf32>,
            %add3A_570 = arith.addf %cond3A_564#1, %get3A_569 : vector<16xf32>
            %add3A_571 = arith.constant 6 : i32
            %add3A_572 = arith.addi %add3A_211, %add3A_571 : i32
            %get3A_573 = arith.index_cast %add3A_572 : i32 to index
            %get3A_574 = arith.constant 16 : index
            %get3A_575 = tpu.vector_load %arg7[%get3A_573, %get3A_574] {strides = array<i32>} : memref<640x128xf32, #tpu.memory_space<vmem>>, vector<16xf32>,
            %add3A_576 = arith.addf %cond3A_564#2, %get3A_575 : vector<16xf32>
            %add3A_577 = arith.constant 6 : i32
            %add3A_578 = arith.addi %add3A_211, %add3A_577 : i32
            %get3A_579 = arith.index_cast %add3A_578 : i32 to index
            %get3A_580 = arith.constant 32 : index
            %get3A_581 = tpu.vector_load %arg7[%get3A_579, %get3A_580] {strides = array<i32>} : memref<640x128xf32, #tpu.memory_space<vmem>>, vector<16xf32>,
            %add3A_582 = arith.addf %cond3A_564#3, %get3A_581 : vector<16xf32>
            %add3A_583 = arith.constant 6 : i32
            %add3A_584 = arith.addi %add3A_211, %add3A_583 : i32
            %get3A_585 = arith.index_cast %add3A_584 : i32 to index
            %get3A_586 = arith.constant 48 : index
            %get3A_587 = tpu.vector_load %arg7[%get3A_585, %get3A_586] {strides = array<i32>} : memref<640x128xf32, #tpu.memory_space<vmem>>, vector<16xf32>,
            %add3A_588 = arith.addf %cond3A_564#4, %get3A_587 : vector<16xf32>
            %add3A_589 = arith.constant 6 : i32
            %add3A_590 = arith.addi %add3A_211, %add3A_589 : i32
            %get3A_591 = arith.index_cast %add3A_590 : i32 to index
            %get3A_592 = arith.constant 64 : index
            %get3A_593 = tpu.vector_load %arg7[%get3A_591, %get3A_592] {strides = array<i32>} : memref<640x128xf32, #tpu.memory_space<vmem>>, vector<16xf32>,
            %add3A_594 = arith.addf %cond3A_564#5, %get3A_593 : vector<16xf32>
            %add3A_595 = arith.constant 6 : i32
            %add3A_596 = arith.addi %add3A_211, %add3A_595 : i32
            %get3A_597 = arith.index_cast %add3A_596 : i32 to index
            %get3A_598 = arith.constant 80 : index
            %get3A_599 = tpu.vector_load %arg7[%get3A_597, %get3A_598] {strides = array<i32>} : memref<640x128xf32, #tpu.memory_space<vmem>>, vector<16xf32>,
            %add3A_600 = arith.addf %cond3A_564#6, %get3A_599 : vector<16xf32>
            %add3A_601 = arith.constant 6 : i32
            %add3A_602 = arith.addi %add3A_211, %add3A_601 : i32
            %get3A_603 = arith.index_cast %add3A_602 : i32 to index
            %get3A_604 = arith.constant 96 : index
            %get3A_605 = tpu.vector_load %arg7[%get3A_603, %get3A_604] {strides = array<i32>} : memref<640x128xf32, #tpu.memory_space<vmem>>, vector<16xf32>,
            %add3A_606 = arith.addf %cond3A_564#7, %get3A_605 : vector<16xf32>
            %add3A_607 = arith.constant 6 : i32
            %add3A_608 = arith.addi %add3A_211, %add3A_607 : i32
            %get3A_609 = arith.index_cast %add3A_608 : i32 to index
            %get3A_610 = arith.constant 112 : index
            %get3A_611 = tpu.vector_load %arg7[%get3A_609, %get3A_610] {strides = array<i32>} : memref<640x128xf32, #tpu.memory_space<vmem>>, vector<16xf32>,
            %add3A_612 = arith.addf %cond3A_564#8, %get3A_611 : vector<16xf32>
            %slice3A_613 = vector.extract_strided_slice %get3A_208 {offsets = [7], sizes = [1], strides = [1]} : vector<16xi32> to vector<1xi32>
            %squeeze3A_614 = vector.extract %slice3A_613[0] : i32 from vector<1xi32>
            %ne3A_615 = arith.cmpi ne, %squeeze3A_614, %cond3A_564#0 : i32
            %convert_element_type3A_616 = arith.extui %ne3A_615 : i1 to i32
            %cond3A_617 = arith.constant 0 : i32
            %cond3A_618 = arith.cmpi ne, %convert_element_type3A_616, %cond3A_617 : i32
            %cond3A_619:9 = scf.if %cond3A_618 -> (i32, vector<16xf32>, vector<16xf32>, vector<16xf32>, vector<16xf32>, vector<16xf32>, vector<16xf32>, vector<16xf32>, vector<16xf32>) {
              %swap3A_1108 = arith.index_cast %cond3A_564#0 : i32 to index
              %swap3A_1109 = arith.constant 0 : index
              %swap3A_1110 = tpu.vector_load %arg9[%swap3A_1108, %swap3A_1109] {strides = array<i32>} : memref<264x128xf32, #tpu.memory_space<vmem>>, vector<16xf32>,
              tpu.vector_store %arg9[%swap3A_1108, %swap3A_1109], %add3A_570 {add = true, strides = array<i32>} : memref<264x128xf32, #tpu.memory_space<vmem>>, vector<16xf32>,
              %swap3A_1111 = arith.index_cast %cond3A_564#0 : i32 to index
              %swap3A_1112 = arith.constant 16 : index
              %swap3A_1113 = tpu.vector_load %arg9[%swap3A_1111, %swap3A_1112] {strides = array<i32>} : memref<264x128xf32, #tpu.memory_space<vmem>>, vector<16xf32>,
              tpu.vector_store %arg9[%swap3A_1111, %swap3A_1112], %add3A_576 {add = true, strides = array<i32>} : memref<264x128xf32, #tpu.memory_space<vmem>>, vector<16xf32>,
              %swap3A_1114 = arith.index_cast %cond3A_564#0 : i32 to index
              %swap3A_1115 = arith.constant 32 : index
              %swap3A_1116 = tpu.vector_load %arg9[%swap3A_1114, %swap3A_1115] {strides = array<i32>} : memref<264x128xf32, #tpu.memory_space<vmem>>, vector<16xf32>,
              tpu.vector_store %arg9[%swap3A_1114, %swap3A_1115], %add3A_582 {add = true, strides = array<i32>} : memref<264x128xf32, #tpu.memory_space<vmem>>, vector<16xf32>,
              %swap3A_1117 = arith.index_cast %cond3A_564#0 : i32 to index
              %swap3A_1118 = arith.constant 48 : index
              %swap3A_1119 = tpu.vector_load %arg9[%swap3A_1117, %swap3A_1118] {strides = array<i32>} : memref<264x128xf32, #tpu.memory_space<vmem>>, vector<16xf32>,
              tpu.vector_store %arg9[%swap3A_1117, %swap3A_1118], %add3A_588 {add = true, strides = array<i32>} : memref<264x128xf32, #tpu.memory_space<vmem>>, vector<16xf32>,
              %swap3A_1120 = arith.index_cast %cond3A_564#0 : i32 to index
              %swap3A_1121 = arith.constant 64 : index
              %swap3A_1122 = tpu.vector_load %arg9[%swap3A_1120, %swap3A_1121] {strides = array<i32>} : memref<264x128xf32, #tpu.memory_space<vmem>>, vector<16xf32>,
              tpu.vector_store %arg9[%swap3A_1120, %swap3A_1121], %add3A_594 {add = true, strides = array<i32>} : memref<264x128xf32, #tpu.memory_space<vmem>>, vector<16xf32>,
              %swap3A_1123 = arith.index_cast %cond3A_564#0 : i32 to index
              %swap3A_1124 = arith.constant 80 : index
              %swap3A_1125 = tpu.vector_load %arg9[%swap3A_1123, %swap3A_1124] {strides = array<i32>} : memref<264x128xf32, #tpu.memory_space<vmem>>, vector<16xf32>,
              tpu.vector_store %arg9[%swap3A_1123, %swap3A_1124], %add3A_600 {add = true, strides = array<i32>} : memref<264x128xf32, #tpu.memory_space<vmem>>, vector<16xf32>,
              %swap3A_1126 = arith.index_cast %cond3A_564#0 : i32 to index
              %swap3A_1127 = arith.constant 96 : index
              %swap3A_1128 = tpu.vector_load %arg9[%swap3A_1126, %swap3A_1127] {strides = array<i32>} : memref<264x128xf32, #tpu.memory_space<vmem>>, vector<16xf32>,
              tpu.vector_store %arg9[%swap3A_1126, %swap3A_1127], %add3A_606 {add = true, strides = array<i32>} : memref<264x128xf32, #tpu.memory_space<vmem>>, vector<16xf32>,
              %swap3A_1129 = arith.index_cast %cond3A_564#0 : i32 to index
              %swap3A_1130 = arith.constant 112 : index
              %swap3A_1131 = tpu.vector_load %arg9[%swap3A_1129, %swap3A_1130] {strides = array<i32>} : memref<264x128xf32, #tpu.memory_space<vmem>>, vector<16xf32>,
              tpu.vector_store %arg9[%swap3A_1129, %swap3A_1130], %add3A_612 {add = true, strides = array<i32>} : memref<264x128xf32, #tpu.memory_space<vmem>>, vector<16xf32>,
              scf.yield %squeeze3A_614, %broadcast_in_dim3A_25, %broadcast_in_dim3A_25, %broadcast_in_dim3A_25, %broadcast_in_dim3A_25, %broadcast_in_dim3A_25, %broadcast_in_dim3A_25, %broadcast_in_dim3A_25, %broadcast_in_dim3A_25 : i32, vector<16xf32>, vector<16xf32>, vector<16xf32>, vector<16xf32>, vector<16xf32>, vector<16xf32>, vector<16xf32>, vector<16xf32>
            } else {
              scf.yield %cond3A_564#0, %add3A_570, %add3A_576, %add3A_582, %add3A_588, %add3A_594, %add3A_600, %add3A_606, %add3A_612 : i32, vector<16xf32>, vector<16xf32>, vector<16xf32>, vector<16xf32>, vector<16xf32>, vector<16xf32>, vector<16xf32>, vector<16xf32>
            }
            %add3A_620 = arith.constant 7 : i32
            %add3A_621 = arith.addi %add3A_211, %add3A_620 : i32
            %get3A_622 = arith.index_cast %add3A_621 : i32 to index
            %get3A_623 = arith.constant 0 : index
            %get3A_624 = tpu.vector_load %arg7[%get3A_622, %get3A_623] {strides = array<i32>} : memref<640x128xf32, #tpu.memory_space<vmem>>, vector<16xf32>,
            %add3A_625 = arith.addf %cond3A_619#1, %get3A_624 : vector<16xf32>
            %add3A_626 = arith.constant 7 : i32
            %add3A_627 = arith.addi %add3A_211, %add3A_626 : i32
            %get3A_628 = arith.index_cast %add3A_627 : i32 to index
            %get3A_629 = arith.constant 16 : index
            %get3A_630 = tpu.vector_load %arg7[%get3A_628, %get3A_629] {strides = array<i32>} : memref<640x128xf32, #tpu.memory_space<vmem>>, vector<16xf32>,
            %add3A_631 = arith.addf %cond3A_619#2, %get3A_630 : vector<16xf32>
            %add3A_632 = arith.constant 7 : i32
            %add3A_633 = arith.addi %add3A_211, %add3A_632 : i32
            %get3A_634 = arith.index_cast %add3A_633 : i32 to index
            %get3A_635 = arith.constant 32 : index
            %get3A_636 = tpu.vector_load %arg7[%get3A_634, %get3A_635] {strides = array<i32>} : memref<640x128xf32, #tpu.memory_space<vmem>>, vector<16xf32>,
            %add3A_637 = arith.addf %cond3A_619#3, %get3A_636 : vector<16xf32>
            %add3A_638 = arith.constant 7 : i32
            %add3A_639 = arith.addi %add3A_211, %add3A_638 : i32
            %get3A_640 = arith.index_cast %add3A_639 : i32 to index
            %get3A_641 = arith.constant 48 : index
            %get3A_642 = tpu.vector_load %arg7[%get3A_640, %get3A_641] {strides = array<i32>} : memref<640x128xf32, #tpu.memory_space<vmem>>, vector<16xf32>,
            %add3A_643 = arith.addf %cond3A_619#4, %get3A_642 : vector<16xf32>
            %add3A_644 = arith.constant 7 : i32
            %add3A_645 = arith.addi %add3A_211, %add3A_644 : i32
            %get3A_646 = arith.index_cast %add3A_645 : i32 to index
            %get3A_647 = arith.constant 64 : index
            %get3A_648 = tpu.vector_load %arg7[%get3A_646, %get3A_647] {strides = array<i32>} : memref<640x128xf32, #tpu.memory_space<vmem>>, vector<16xf32>,
            %add3A_649 = arith.addf %cond3A_619#5, %get3A_648 : vector<16xf32>
            %add3A_650 = arith.constant 7 : i32
            %add3A_651 = arith.addi %add3A_211, %add3A_650 : i32
            %get3A_652 = arith.index_cast %add3A_651 : i32 to index
            %get3A_653 = arith.constant 80 : index
            %get3A_654 = tpu.vector_load %arg7[%get3A_652, %get3A_653] {strides = array<i32>} : memref<640x128xf32, #tpu.memory_space<vmem>>, vector<16xf32>,
            %add3A_655 = arith.addf %cond3A_619#6, %get3A_654 : vector<16xf32>
            %add3A_656 = arith.constant 7 : i32
            %add3A_657 = arith.addi %add3A_211, %add3A_656 : i32
            %get3A_658 = arith.index_cast %add3A_657 : i32 to index
            %get3A_659 = arith.constant 96 : index
            %get3A_660 = tpu.vector_load %arg7[%get3A_658, %get3A_659] {strides = array<i32>} : memref<640x128xf32, #tpu.memory_space<vmem>>, vector<16xf32>,
            %add3A_661 = arith.addf %cond3A_619#7, %get3A_660 : vector<16xf32>
            %add3A_662 = arith.constant 7 : i32
            %add3A_663 = arith.addi %add3A_211, %add3A_662 : i32
            %get3A_664 = arith.index_cast %add3A_663 : i32 to index
            %get3A_665 = arith.constant 112 : index
            %get3A_666 = tpu.vector_load %arg7[%get3A_664, %get3A_665] {strides = array<i32>} : memref<640x128xf32, #tpu.memory_space<vmem>>, vector<16xf32>,
            %add3A_667 = arith.addf %cond3A_619#8, %get3A_666 : vector<16xf32>
            %slice3A_668 = vector.extract_strided_slice %get3A_208 {offsets = [8], sizes = [1], strides = [1]} : vector<16xi32> to vector<1xi32>
            %squeeze3A_669 = vector.extract %slice3A_668[0] : i32 from vector<1xi32>
            %ne3A_670 = arith.cmpi ne, %squeeze3A_669, %cond3A_619#0 : i32
            %convert_element_type3A_671 = arith.extui %ne3A_670 : i1 to i32
            %cond3A_672 = arith.constant 0 : i32
            %cond3A_673 = arith.cmpi ne, %convert_element_type3A_671, %cond3A_672 : i32
            %cond3A_674:9 = scf.if %cond3A_673 -> (i32, vector<16xf32>, vector<16xf32>, vector<16xf32>, vector<16xf32>, vector<16xf32>, vector<16xf32>, vector<16xf32>, vector<16xf32>) {
              %swap3A_1108 = arith.index_cast %cond3A_619#0 : i32 to index
              %swap3A_1109 = arith.constant 0 : index
              %swap3A_1110 = tpu.vector_load %arg9[%swap3A_1108, %swap3A_1109] {strides = array<i32>} : memref<264x128xf32, #tpu.memory_space<vmem>>, vector<16xf32>,
              tpu.vector_store %arg9[%swap3A_1108, %swap3A_1109], %add3A_625 {add = true, strides = array<i32>} : memref<264x128xf32, #tpu.memory_space<vmem>>, vector<16xf32>,
              %swap3A_1111 = arith.index_cast %cond3A_619#0 : i32 to index
              %swap3A_1112 = arith.constant 16 : index
              %swap3A_1113 = tpu.vector_load %arg9[%swap3A_1111, %swap3A_1112] {strides = array<i32>} : memref<264x128xf32, #tpu.memory_space<vmem>>, vector<16xf32>,
              tpu.vector_store %arg9[%swap3A_1111, %swap3A_1112], %add3A_631 {add = true, strides = array<i32>} : memref<264x128xf32, #tpu.memory_space<vmem>>, vector<16xf32>,
              %swap3A_1114 = arith.index_cast %cond3A_619#0 : i32 to index
              %swap3A_1115 = arith.constant 32 : index
              %swap3A_1116 = tpu.vector_load %arg9[%swap3A_1114, %swap3A_1115] {strides = array<i32>} : memref<264x128xf32, #tpu.memory_space<vmem>>, vector<16xf32>,
              tpu.vector_store %arg9[%swap3A_1114, %swap3A_1115], %add3A_637 {add = true, strides = array<i32>} : memref<264x128xf32, #tpu.memory_space<vmem>>, vector<16xf32>,
              %swap3A_1117 = arith.index_cast %cond3A_619#0 : i32 to index
              %swap3A_1118 = arith.constant 48 : index
              %swap3A_1119 = tpu.vector_load %arg9[%swap3A_1117, %swap3A_1118] {strides = array<i32>} : memref<264x128xf32, #tpu.memory_space<vmem>>, vector<16xf32>,
              tpu.vector_store %arg9[%swap3A_1117, %swap3A_1118], %add3A_643 {add = true, strides = array<i32>} : memref<264x128xf32, #tpu.memory_space<vmem>>, vector<16xf32>,
              %swap3A_1120 = arith.index_cast %cond3A_619#0 : i32 to index
              %swap3A_1121 = arith.constant 64 : index
              %swap3A_1122 = tpu.vector_load %arg9[%swap3A_1120, %swap3A_1121] {strides = array<i32>} : memref<264x128xf32, #tpu.memory_space<vmem>>, vector<16xf32>,
              tpu.vector_store %arg9[%swap3A_1120, %swap3A_1121], %add3A_649 {add = true, strides = array<i32>} : memref<264x128xf32, #tpu.memory_space<vmem>>, vector<16xf32>,
              %swap3A_1123 = arith.index_cast %cond3A_619#0 : i32 to index
              %swap3A_1124 = arith.constant 80 : index
              %swap3A_1125 = tpu.vector_load %arg9[%swap3A_1123, %swap3A_1124] {strides = array<i32>} : memref<264x128xf32, #tpu.memory_space<vmem>>, vector<16xf32>,
              tpu.vector_store %arg9[%swap3A_1123, %swap3A_1124], %add3A_655 {add = true, strides = array<i32>} : memref<264x128xf32, #tpu.memory_space<vmem>>, vector<16xf32>,
              %swap3A_1126 = arith.index_cast %cond3A_619#0 : i32 to index
              %swap3A_1127 = arith.constant 96 : index
              %swap3A_1128 = tpu.vector_load %arg9[%swap3A_1126, %swap3A_1127] {strides = array<i32>} : memref<264x128xf32, #tpu.memory_space<vmem>>, vector<16xf32>,
              tpu.vector_store %arg9[%swap3A_1126, %swap3A_1127], %add3A_661 {add = true, strides = array<i32>} : memref<264x128xf32, #tpu.memory_space<vmem>>, vector<16xf32>,
              %swap3A_1129 = arith.index_cast %cond3A_619#0 : i32 to index
              %swap3A_1130 = arith.constant 112 : index
              %swap3A_1131 = tpu.vector_load %arg9[%swap3A_1129, %swap3A_1130] {strides = array<i32>} : memref<264x128xf32, #tpu.memory_space<vmem>>, vector<16xf32>,
              tpu.vector_store %arg9[%swap3A_1129, %swap3A_1130], %add3A_667 {add = true, strides = array<i32>} : memref<264x128xf32, #tpu.memory_space<vmem>>, vector<16xf32>,
              scf.yield %squeeze3A_669, %broadcast_in_dim3A_25, %broadcast_in_dim3A_25, %broadcast_in_dim3A_25, %broadcast_in_dim3A_25, %broadcast_in_dim3A_25, %broadcast_in_dim3A_25, %broadcast_in_dim3A_25, %broadcast_in_dim3A_25 : i32, vector<16xf32>, vector<16xf32>, vector<16xf32>, vector<16xf32>, vector<16xf32>, vector<16xf32>, vector<16xf32>, vector<16xf32>
            } else {
              scf.yield %cond3A_619#0, %add3A_625, %add3A_631, %add3A_637, %add3A_643, %add3A_649, %add3A_655, %add3A_661, %add3A_667 : i32, vector<16xf32>, vector<16xf32>, vector<16xf32>, vector<16xf32>, vector<16xf32>, vector<16xf32>, vector<16xf32>, vector<16xf32>
            }
            %add3A_675 = arith.constant 8 : i32
            %add3A_676 = arith.addi %add3A_211, %add3A_675 : i32
            %get3A_677 = arith.index_cast %add3A_676 : i32 to index
            %get3A_678 = arith.constant 0 : index
            %get3A_679 = tpu.vector_load %arg7[%get3A_677, %get3A_678] {strides = array<i32>} : memref<640x128xf32, #tpu.memory_space<vmem>>, vector<16xf32>,
            %add3A_680 = arith.addf %cond3A_674#1, %get3A_679 : vector<16xf32>
            %add3A_681 = arith.constant 8 : i32
            %add3A_682 = arith.addi %add3A_211, %add3A_681 : i32
            %get3A_683 = arith.index_cast %add3A_682 : i32 to index
            %get3A_684 = arith.constant 16 : index
            %get3A_685 = tpu.vector_load %arg7[%get3A_683, %get3A_684] {strides = array<i32>} : memref<640x128xf32, #tpu.memory_space<vmem>>, vector<16xf32>,
            %add3A_686 = arith.addf %cond3A_674#2, %get3A_685 : vector<16xf32>
            %add3A_687 = arith.constant 8 : i32
            %add3A_688 = arith.addi %add3A_211, %add3A_687 : i32
            %get3A_689 = arith.index_cast %add3A_688 : i32 to index
            %get3A_690 = arith.constant 32 : index
            %get3A_691 = tpu.vector_load %arg7[%get3A_689, %get3A_690] {strides = array<i32>} : memref<640x128xf32, #tpu.memory_space<vmem>>, vector<16xf32>,
            %add3A_692 = arith.addf %cond3A_674#3, %get3A_691 : vector<16xf32>
            %add3A_693 = arith.constant 8 : i32
            %add3A_694 = arith.addi %add3A_211, %add3A_693 : i32
            %get3A_695 = arith.index_cast %add3A_694 : i32 to index
            %get3A_696 = arith.constant 48 : index
            %get3A_697 = tpu.vector_load %arg7[%get3A_695, %get3A_696] {strides = array<i32>} : memref<640x128xf32, #tpu.memory_space<vmem>>, vector<16xf32>,
            %add3A_698 = arith.addf %cond3A_674#4, %get3A_697 : vector<16xf32>
            %add3A_699 = arith.constant 8 : i32
            %add3A_700 = arith.addi %add3A_211, %add3A_699 : i32
            %get3A_701 = arith.index_cast %add3A_700 : i32 to index
            %get3A_702 = arith.constant 64 : index
            %get3A_703 = tpu.vector_load %arg7[%get3A_701, %get3A_702] {strides = array<i32>} : memref<640x128xf32, #tpu.memory_space<vmem>>, vector<16xf32>,
            %add3A_704 = arith.addf %cond3A_674#5, %get3A_703 : vector<16xf32>
            %add3A_705 = arith.constant 8 : i32
            %add3A_706 = arith.addi %add3A_211, %add3A_705 : i32
            %get3A_707 = arith.index_cast %add3A_706 : i32 to index
            %get3A_708 = arith.constant 80 : index
            %get3A_709 = tpu.vector_load %arg7[%get3A_707, %get3A_708] {strides = array<i32>} : memref<640x128xf32, #tpu.memory_space<vmem>>, vector<16xf32>,
            %add3A_710 = arith.addf %cond3A_674#6, %get3A_709 : vector<16xf32>
            %add3A_711 = arith.constant 8 : i32
            %add3A_712 = arith.addi %add3A_211, %add3A_711 : i32
            %get3A_713 = arith.index_cast %add3A_712 : i32 to index
            %get3A_714 = arith.constant 96 : index
            %get3A_715 = tpu.vector_load %arg7[%get3A_713, %get3A_714] {strides = array<i32>} : memref<640x128xf32, #tpu.memory_space<vmem>>, vector<16xf32>,
            %add3A_716 = arith.addf %cond3A_674#7, %get3A_715 : vector<16xf32>
            %add3A_717 = arith.constant 8 : i32
            %add3A_718 = arith.addi %add3A_211, %add3A_717 : i32
            %get3A_719 = arith.index_cast %add3A_718 : i32 to index
            %get3A_720 = arith.constant 112 : index
            %get3A_721 = tpu.vector_load %arg7[%get3A_719, %get3A_720] {strides = array<i32>} : memref<640x128xf32, #tpu.memory_space<vmem>>, vector<16xf32>,
            %add3A_722 = arith.addf %cond3A_674#8, %get3A_721 : vector<16xf32>
            %slice3A_723 = vector.extract_strided_slice %get3A_208 {offsets = [9], sizes = [1], strides = [1]} : vector<16xi32> to vector<1xi32>
            %squeeze3A_724 = vector.extract %slice3A_723[0] : i32 from vector<1xi32>
            %ne3A_725 = arith.cmpi ne, %squeeze3A_724, %cond3A_674#0 : i32
            %convert_element_type3A_726 = arith.extui %ne3A_725 : i1 to i32
            %cond3A_727 = arith.constant 0 : i32
            %cond3A_728 = arith.cmpi ne, %convert_element_type3A_726, %cond3A_727 : i32
            %cond3A_729:9 = scf.if %cond3A_728 -> (i32, vector<16xf32>, vector<16xf32>, vector<16xf32>, vector<16xf32>, vector<16xf32>, vector<16xf32>, vector<16xf32>, vector<16xf32>) {
              %swap3A_1108 = arith.index_cast %cond3A_674#0 : i32 to index
              %swap3A_1109 = arith.constant 0 : index
              %swap3A_1110 = tpu.vector_load %arg9[%swap3A_1108, %swap3A_1109] {strides = array<i32>} : memref<264x128xf32, #tpu.memory_space<vmem>>, vector<16xf32>,
              tpu.vector_store %arg9[%swap3A_1108, %swap3A_1109], %add3A_680 {add = true, strides = array<i32>} : memref<264x128xf32, #tpu.memory_space<vmem>>, vector<16xf32>,
              %swap3A_1111 = arith.index_cast %cond3A_674#0 : i32 to index
              %swap3A_1112 = arith.constant 16 : index
              %swap3A_1113 = tpu.vector_load %arg9[%swap3A_1111, %swap3A_1112] {strides = array<i32>} : memref<264x128xf32, #tpu.memory_space<vmem>>, vector<16xf32>,
              tpu.vector_store %arg9[%swap3A_1111, %swap3A_1112], %add3A_686 {add = true, strides = array<i32>} : memref<264x128xf32, #tpu.memory_space<vmem>>, vector<16xf32>,
              %swap3A_1114 = arith.index_cast %cond3A_674#0 : i32 to index
              %swap3A_1115 = arith.constant 32 : index
              %swap3A_1116 = tpu.vector_load %arg9[%swap3A_1114, %swap3A_1115] {strides = array<i32>} : memref<264x128xf32, #tpu.memory_space<vmem>>, vector<16xf32>,
              tpu.vector_store %arg9[%swap3A_1114, %swap3A_1115], %add3A_692 {add = true, strides = array<i32>} : memref<264x128xf32, #tpu.memory_space<vmem>>, vector<16xf32>,
              %swap3A_1117 = arith.index_cast %cond3A_674#0 : i32 to index
              %swap3A_1118 = arith.constant 48 : index
              %swap3A_1119 = tpu.vector_load %arg9[%swap3A_1117, %swap3A_1118] {strides = array<i32>} : memref<264x128xf32, #tpu.memory_space<vmem>>, vector<16xf32>,
              tpu.vector_store %arg9[%swap3A_1117, %swap3A_1118], %add3A_698 {add = true, strides = array<i32>} : memref<264x128xf32, #tpu.memory_space<vmem>>, vector<16xf32>,
              %swap3A_1120 = arith.index_cast %cond3A_674#0 : i32 to index
              %swap3A_1121 = arith.constant 64 : index
              %swap3A_1122 = tpu.vector_load %arg9[%swap3A_1120, %swap3A_1121] {strides = array<i32>} : memref<264x128xf32, #tpu.memory_space<vmem>>, vector<16xf32>,
              tpu.vector_store %arg9[%swap3A_1120, %swap3A_1121], %add3A_704 {add = true, strides = array<i32>} : memref<264x128xf32, #tpu.memory_space<vmem>>, vector<16xf32>,
              %swap3A_1123 = arith.index_cast %cond3A_674#0 : i32 to index
              %swap3A_1124 = arith.constant 80 : index
              %swap3A_1125 = tpu.vector_load %arg9[%swap3A_1123, %swap3A_1124] {strides = array<i32>} : memref<264x128xf32, #tpu.memory_space<vmem>>, vector<16xf32>,
              tpu.vector_store %arg9[%swap3A_1123, %swap3A_1124], %add3A_710 {add = true, strides = array<i32>} : memref<264x128xf32, #tpu.memory_space<vmem>>, vector<16xf32>,
              %swap3A_1126 = arith.index_cast %cond3A_674#0 : i32 to index
              %swap3A_1127 = arith.constant 96 : index
              %swap3A_1128 = tpu.vector_load %arg9[%swap3A_1126, %swap3A_1127] {strides = array<i32>} : memref<264x128xf32, #tpu.memory_space<vmem>>, vector<16xf32>,
              tpu.vector_store %arg9[%swap3A_1126, %swap3A_1127], %add3A_716 {add = true, strides = array<i32>} : memref<264x128xf32, #tpu.memory_space<vmem>>, vector<16xf32>,
              %swap3A_1129 = arith.index_cast %cond3A_674#0 : i32 to index
              %swap3A_1130 = arith.constant 112 : index
              %swap3A_1131 = tpu.vector_load %arg9[%swap3A_1129, %swap3A_1130] {strides = array<i32>} : memref<264x128xf32, #tpu.memory_space<vmem>>, vector<16xf32>,
              tpu.vector_store %arg9[%swap3A_1129, %swap3A_1130], %add3A_722 {add = true, strides = array<i32>} : memref<264x128xf32, #tpu.memory_space<vmem>>, vector<16xf32>,
              scf.yield %squeeze3A_724, %broadcast_in_dim3A_25, %broadcast_in_dim3A_25, %broadcast_in_dim3A_25, %broadcast_in_dim3A_25, %broadcast_in_dim3A_25, %broadcast_in_dim3A_25, %broadcast_in_dim3A_25, %broadcast_in_dim3A_25 : i32, vector<16xf32>, vector<16xf32>, vector<16xf32>, vector<16xf32>, vector<16xf32>, vector<16xf32>, vector<16xf32>, vector<16xf32>
            } else {
              scf.yield %cond3A_674#0, %add3A_680, %add3A_686, %add3A_692, %add3A_698, %add3A_704, %add3A_710, %add3A_716, %add3A_722 : i32, vector<16xf32>, vector<16xf32>, vector<16xf32>, vector<16xf32>, vector<16xf32>, vector<16xf32>, vector<16xf32>, vector<16xf32>
            }
            %add3A_730 = arith.constant 9 : i32
            %add3A_731 = arith.addi %add3A_211, %add3A_730 : i32
            %get3A_732 = arith.index_cast %add3A_731 : i32 to index
            %get3A_733 = arith.constant 0 : index
            %get3A_734 = tpu.vector_load %arg7[%get3A_732, %get3A_733] {strides = array<i32>} : memref<640x128xf32, #tpu.memory_space<vmem>>, vector<16xf32>,
            %add3A_735 = arith.addf %cond3A_729#1, %get3A_734 : vector<16xf32>
            %add3A_736 = arith.constant 9 : i32
            %add3A_737 = arith.addi %add3A_211, %add3A_736 : i32
            %get3A_738 = arith.index_cast %add3A_737 : i32 to index
            %get3A_739 = arith.constant 16 : index
            %get3A_740 = tpu.vector_load %arg7[%get3A_738, %get3A_739] {strides = array<i32>} : memref<640x128xf32, #tpu.memory_space<vmem>>, vector<16xf32>,
            %add3A_741 = arith.addf %cond3A_729#2, %get3A_740 : vector<16xf32>
            %add3A_742 = arith.constant 9 : i32
            %add3A_743 = arith.addi %add3A_211, %add3A_742 : i32
            %get3A_744 = arith.index_cast %add3A_743 : i32 to index
            %get3A_745 = arith.constant 32 : index
            %get3A_746 = tpu.vector_load %arg7[%get3A_744, %get3A_745] {strides = array<i32>} : memref<640x128xf32, #tpu.memory_space<vmem>>, vector<16xf32>,
            %add3A_747 = arith.addf %cond3A_729#3, %get3A_746 : vector<16xf32>
            %add3A_748 = arith.constant 9 : i32
            %add3A_749 = arith.addi %add3A_211, %add3A_748 : i32
            %get3A_750 = arith.index_cast %add3A_749 : i32 to index
            %get3A_751 = arith.constant 48 : index
            %get3A_752 = tpu.vector_load %arg7[%get3A_750, %get3A_751] {strides = array<i32>} : memref<640x128xf32, #tpu.memory_space<vmem>>, vector<16xf32>,
            %add3A_753 = arith.addf %cond3A_729#4, %get3A_752 : vector<16xf32>
            %add3A_754 = arith.constant 9 : i32
            %add3A_755 = arith.addi %add3A_211, %add3A_754 : i32
            %get3A_756 = arith.index_cast %add3A_755 : i32 to index
            %get3A_757 = arith.constant 64 : index
            %get3A_758 = tpu.vector_load %arg7[%get3A_756, %get3A_757] {strides = array<i32>} : memref<640x128xf32, #tpu.memory_space<vmem>>, vector<16xf32>,
            %add3A_759 = arith.addf %cond3A_729#5, %get3A_758 : vector<16xf32>
            %add3A_760 = arith.constant 9 : i32
            %add3A_761 = arith.addi %add3A_211, %add3A_760 : i32
            %get3A_762 = arith.index_cast %add3A_761 : i32 to index
            %get3A_763 = arith.constant 80 : index
            %get3A_764 = tpu.vector_load %arg7[%get3A_762, %get3A_763] {strides = array<i32>} : memref<640x128xf32, #tpu.memory_space<vmem>>, vector<16xf32>,
            %add3A_765 = arith.addf %cond3A_729#6, %get3A_764 : vector<16xf32>
            %add3A_766 = arith.constant 9 : i32
            %add3A_767 = arith.addi %add3A_211, %add3A_766 : i32
            %get3A_768 = arith.index_cast %add3A_767 : i32 to index
            %get3A_769 = arith.constant 96 : index
            %get3A_770 = tpu.vector_load %arg7[%get3A_768, %get3A_769] {strides = array<i32>} : memref<640x128xf32, #tpu.memory_space<vmem>>, vector<16xf32>,
            %add3A_771 = arith.addf %cond3A_729#7, %get3A_770 : vector<16xf32>
            %add3A_772 = arith.constant 9 : i32
            %add3A_773 = arith.addi %add3A_211, %add3A_772 : i32
            %get3A_774 = arith.index_cast %add3A_773 : i32 to index
            %get3A_775 = arith.constant 112 : index
            %get3A_776 = tpu.vector_load %arg7[%get3A_774, %get3A_775] {strides = array<i32>} : memref<640x128xf32, #tpu.memory_space<vmem>>, vector<16xf32>,
            %add3A_777 = arith.addf %cond3A_729#8, %get3A_776 : vector<16xf32>
            %slice3A_778 = vector.extract_strided_slice %get3A_208 {offsets = [10], sizes = [1], strides = [1]} : vector<16xi32> to vector<1xi32>
            %squeeze3A_779 = vector.extract %slice3A_778[0] : i32 from vector<1xi32>
            %ne3A_780 = arith.cmpi ne, %squeeze3A_779, %cond3A_729#0 : i32
            %convert_element_type3A_781 = arith.extui %ne3A_780 : i1 to i32
            %cond3A_782 = arith.constant 0 : i32
            %cond3A_783 = arith.cmpi ne, %convert_element_type3A_781, %cond3A_782 : i32
            %cond3A_784:9 = scf.if %cond3A_783 -> (i32, vector<16xf32>, vector<16xf32>, vector<16xf32>, vector<16xf32>, vector<16xf32>, vector<16xf32>, vector<16xf32>, vector<16xf32>) {
              %swap3A_1108 = arith.index_cast %cond3A_729#0 : i32 to index
              %swap3A_1109 = arith.constant 0 : index
              %swap3A_1110 = tpu.vector_load %arg9[%swap3A_1108, %swap3A_1109] {strides = array<i32>} : memref<264x128xf32, #tpu.memory_space<vmem>>, vector<16xf32>,
              tpu.vector_store %arg9[%swap3A_1108, %swap3A_1109], %add3A_735 {add = true, strides = array<i32>} : memref<264x128xf32, #tpu.memory_space<vmem>>, vector<16xf32>,
              %swap3A_1111 = arith.index_cast %cond3A_729#0 : i32 to index
              %swap3A_1112 = arith.constant 16 : index
              %swap3A_1113 = tpu.vector_load %arg9[%swap3A_1111, %swap3A_1112] {strides = array<i32>} : memref<264x128xf32, #tpu.memory_space<vmem>>, vector<16xf32>,
              tpu.vector_store %arg9[%swap3A_1111, %swap3A_1112], %add3A_741 {add = true, strides = array<i32>} : memref<264x128xf32, #tpu.memory_space<vmem>>, vector<16xf32>,
              %swap3A_1114 = arith.index_cast %cond3A_729#0 : i32 to index
              %swap3A_1115 = arith.constant 32 : index
              %swap3A_1116 = tpu.vector_load %arg9[%swap3A_1114, %swap3A_1115] {strides = array<i32>} : memref<264x128xf32, #tpu.memory_space<vmem>>, vector<16xf32>,
              tpu.vector_store %arg9[%swap3A_1114, %swap3A_1115], %add3A_747 {add = true, strides = array<i32>} : memref<264x128xf32, #tpu.memory_space<vmem>>, vector<16xf32>,
              %swap3A_1117 = arith.index_cast %cond3A_729#0 : i32 to index
              %swap3A_1118 = arith.constant 48 : index
              %swap3A_1119 = tpu.vector_load %arg9[%swap3A_1117, %swap3A_1118] {strides = array<i32>} : memref<264x128xf32, #tpu.memory_space<vmem>>, vector<16xf32>,
              tpu.vector_store %arg9[%swap3A_1117, %swap3A_1118], %add3A_753 {add = true, strides = array<i32>} : memref<264x128xf32, #tpu.memory_space<vmem>>, vector<16xf32>,
              %swap3A_1120 = arith.index_cast %cond3A_729#0 : i32 to index
              %swap3A_1121 = arith.constant 64 : index
              %swap3A_1122 = tpu.vector_load %arg9[%swap3A_1120, %swap3A_1121] {strides = array<i32>} : memref<264x128xf32, #tpu.memory_space<vmem>>, vector<16xf32>,
              tpu.vector_store %arg9[%swap3A_1120, %swap3A_1121], %add3A_759 {add = true, strides = array<i32>} : memref<264x128xf32, #tpu.memory_space<vmem>>, vector<16xf32>,
              %swap3A_1123 = arith.index_cast %cond3A_729#0 : i32 to index
              %swap3A_1124 = arith.constant 80 : index
              %swap3A_1125 = tpu.vector_load %arg9[%swap3A_1123, %swap3A_1124] {strides = array<i32>} : memref<264x128xf32, #tpu.memory_space<vmem>>, vector<16xf32>,
              tpu.vector_store %arg9[%swap3A_1123, %swap3A_1124], %add3A_765 {add = true, strides = array<i32>} : memref<264x128xf32, #tpu.memory_space<vmem>>, vector<16xf32>,
              %swap3A_1126 = arith.index_cast %cond3A_729#0 : i32 to index
              %swap3A_1127 = arith.constant 96 : index
              %swap3A_1128 = tpu.vector_load %arg9[%swap3A_1126, %swap3A_1127] {strides = array<i32>} : memref<264x128xf32, #tpu.memory_space<vmem>>, vector<16xf32>,
              tpu.vector_store %arg9[%swap3A_1126, %swap3A_1127], %add3A_771 {add = true, strides = array<i32>} : memref<264x128xf32, #tpu.memory_space<vmem>>, vector<16xf32>,
              %swap3A_1129 = arith.index_cast %cond3A_729#0 : i32 to index
              %swap3A_1130 = arith.constant 112 : index
              %swap3A_1131 = tpu.vector_load %arg9[%swap3A_1129, %swap3A_1130] {strides = array<i32>} : memref<264x128xf32, #tpu.memory_space<vmem>>, vector<16xf32>,
              tpu.vector_store %arg9[%swap3A_1129, %swap3A_1130], %add3A_777 {add = true, strides = array<i32>} : memref<264x128xf32, #tpu.memory_space<vmem>>, vector<16xf32>,
              scf.yield %squeeze3A_779, %broadcast_in_dim3A_25, %broadcast_in_dim3A_25, %broadcast_in_dim3A_25, %broadcast_in_dim3A_25, %broadcast_in_dim3A_25, %broadcast_in_dim3A_25, %broadcast_in_dim3A_25, %broadcast_in_dim3A_25 : i32, vector<16xf32>, vector<16xf32>, vector<16xf32>, vector<16xf32>, vector<16xf32>, vector<16xf32>, vector<16xf32>, vector<16xf32>
            } else {
              scf.yield %cond3A_729#0, %add3A_735, %add3A_741, %add3A_747, %add3A_753, %add3A_759, %add3A_765, %add3A_771, %add3A_777 : i32, vector<16xf32>, vector<16xf32>, vector<16xf32>, vector<16xf32>, vector<16xf32>, vector<16xf32>, vector<16xf32>, vector<16xf32>
            }
            %add3A_785 = arith.constant 10 : i32
            %add3A_786 = arith.addi %add3A_211, %add3A_785 : i32
            %get3A_787 = arith.index_cast %add3A_786 : i32 to index
            %get3A_788 = arith.constant 0 : index
            %get3A_789 = tpu.vector_load %arg7[%get3A_787, %get3A_788] {strides = array<i32>} : memref<640x128xf32, #tpu.memory_space<vmem>>, vector<16xf32>,
            %add3A_790 = arith.addf %cond3A_784#1, %get3A_789 : vector<16xf32>
            %add3A_791 = arith.constant 10 : i32
            %add3A_792 = arith.addi %add3A_211, %add3A_791 : i32
            %get3A_793 = arith.index_cast %add3A_792 : i32 to index
            %get3A_794 = arith.constant 16 : index
            %get3A_795 = tpu.vector_load %arg7[%get3A_793, %get3A_794] {strides = array<i32>} : memref<640x128xf32, #tpu.memory_space<vmem>>, vector<16xf32>,
            %add3A_796 = arith.addf %cond3A_784#2, %get3A_795 : vector<16xf32>
            %add3A_797 = arith.constant 10 : i32
            %add3A_798 = arith.addi %add3A_211, %add3A_797 : i32
            %get3A_799 = arith.index_cast %add3A_798 : i32 to index
            %get3A_800 = arith.constant 32 : index
            %get3A_801 = tpu.vector_load %arg7[%get3A_799, %get3A_800] {strides = array<i32>} : memref<640x128xf32, #tpu.memory_space<vmem>>, vector<16xf32>,
            %add3A_802 = arith.addf %cond3A_784#3, %get3A_801 : vector<16xf32>
            %add3A_803 = arith.constant 10 : i32
            %add3A_804 = arith.addi %add3A_211, %add3A_803 : i32
            %get3A_805 = arith.index_cast %add3A_804 : i32 to index
            %get3A_806 = arith.constant 48 : index
            %get3A_807 = tpu.vector_load %arg7[%get3A_805, %get3A_806] {strides = array<i32>} : memref<640x128xf32, #tpu.memory_space<vmem>>, vector<16xf32>,
            %add3A_808 = arith.addf %cond3A_784#4, %get3A_807 : vector<16xf32>
            %add3A_809 = arith.constant 10 : i32
            %add3A_810 = arith.addi %add3A_211, %add3A_809 : i32
            %get3A_811 = arith.index_cast %add3A_810 : i32 to index
            %get3A_812 = arith.constant 64 : index
            %get3A_813 = tpu.vector_load %arg7[%get3A_811, %get3A_812] {strides = array<i32>} : memref<640x128xf32, #tpu.memory_space<vmem>>, vector<16xf32>,
            %add3A_814 = arith.addf %cond3A_784#5, %get3A_813 : vector<16xf32>
            %add3A_815 = arith.constant 10 : i32
            %add3A_816 = arith.addi %add3A_211, %add3A_815 : i32
            %get3A_817 = arith.index_cast %add3A_816 : i32 to index
            %get3A_818 = arith.constant 80 : index
            %get3A_819 = tpu.vector_load %arg7[%get3A_817, %get3A_818] {strides = array<i32>} : memref<640x128xf32, #tpu.memory_space<vmem>>, vector<16xf32>,
            %add3A_820 = arith.addf %cond3A_784#6, %get3A_819 : vector<16xf32>
            %add3A_821 = arith.constant 10 : i32
            %add3A_822 = arith.addi %add3A_211, %add3A_821 : i32
            %get3A_823 = arith.index_cast %add3A_822 : i32 to index
            %get3A_824 = arith.constant 96 : index
            %get3A_825 = tpu.vector_load %arg7[%get3A_823, %get3A_824] {strides = array<i32>} : memref<640x128xf32, #tpu.memory_space<vmem>>, vector<16xf32>,
            %add3A_826 = arith.addf %cond3A_784#7, %get3A_825 : vector<16xf32>
            %add3A_827 = arith.constant 10 : i32
            %add3A_828 = arith.addi %add3A_211, %add3A_827 : i32
            %get3A_829 = arith.index_cast %add3A_828 : i32 to index
            %get3A_830 = arith.constant 112 : index
            %get3A_831 = tpu.vector_load %arg7[%get3A_829, %get3A_830] {strides = array<i32>} : memref<640x128xf32, #tpu.memory_space<vmem>>, vector<16xf32>,
            %add3A_832 = arith.addf %cond3A_784#8, %get3A_831 : vector<16xf32>
            %slice3A_833 = vector.extract_strided_slice %get3A_208 {offsets = [11], sizes = [1], strides = [1]} : vector<16xi32> to vector<1xi32>
            %squeeze3A_834 = vector.extract %slice3A_833[0] : i32 from vector<1xi32>
            %ne3A_835 = arith.cmpi ne, %squeeze3A_834, %cond3A_784#0 : i32
            %convert_element_type3A_836 = arith.extui %ne3A_835 : i1 to i32
            %cond3A_837 = arith.constant 0 : i32
            %cond3A_838 = arith.cmpi ne, %convert_element_type3A_836, %cond3A_837 : i32
            %cond3A_839:9 = scf.if %cond3A_838 -> (i32, vector<16xf32>, vector<16xf32>, vector<16xf32>, vector<16xf32>, vector<16xf32>, vector<16xf32>, vector<16xf32>, vector<16xf32>) {
              %swap3A_1108 = arith.index_cast %cond3A_784#0 : i32 to index
              %swap3A_1109 = arith.constant 0 : index
              %swap3A_1110 = tpu.vector_load %arg9[%swap3A_1108, %swap3A_1109] {strides = array<i32>} : memref<264x128xf32, #tpu.memory_space<vmem>>, vector<16xf32>,
              tpu.vector_store %arg9[%swap3A_1108, %swap3A_1109], %add3A_790 {add = true, strides = array<i32>} : memref<264x128xf32, #tpu.memory_space<vmem>>, vector<16xf32>,
              %swap3A_1111 = arith.index_cast %cond3A_784#0 : i32 to index
              %swap3A_1112 = arith.constant 16 : index
              %swap3A_1113 = tpu.vector_load %arg9[%swap3A_1111, %swap3A_1112] {strides = array<i32>} : memref<264x128xf32, #tpu.memory_space<vmem>>, vector<16xf32>,
              tpu.vector_store %arg9[%swap3A_1111, %swap3A_1112], %add3A_796 {add = true, strides = array<i32>} : memref<264x128xf32, #tpu.memory_space<vmem>>, vector<16xf32>,
              %swap3A_1114 = arith.index_cast %cond3A_784#0 : i32 to index
              %swap3A_1115 = arith.constant 32 : index
              %swap3A_1116 = tpu.vector_load %arg9[%swap3A_1114, %swap3A_1115] {strides = array<i32>} : memref<264x128xf32, #tpu.memory_space<vmem>>, vector<16xf32>,
              tpu.vector_store %arg9[%swap3A_1114, %swap3A_1115], %add3A_802 {add = true, strides = array<i32>} : memref<264x128xf32, #tpu.memory_space<vmem>>, vector<16xf32>,
              %swap3A_1117 = arith.index_cast %cond3A_784#0 : i32 to index
              %swap3A_1118 = arith.constant 48 : index
              %swap3A_1119 = tpu.vector_load %arg9[%swap3A_1117, %swap3A_1118] {strides = array<i32>} : memref<264x128xf32, #tpu.memory_space<vmem>>, vector<16xf32>,
              tpu.vector_store %arg9[%swap3A_1117, %swap3A_1118], %add3A_808 {add = true, strides = array<i32>} : memref<264x128xf32, #tpu.memory_space<vmem>>, vector<16xf32>,
              %swap3A_1120 = arith.index_cast %cond3A_784#0 : i32 to index
              %swap3A_1121 = arith.constant 64 : index
              %swap3A_1122 = tpu.vector_load %arg9[%swap3A_1120, %swap3A_1121] {strides = array<i32>} : memref<264x128xf32, #tpu.memory_space<vmem>>, vector<16xf32>,
              tpu.vector_store %arg9[%swap3A_1120, %swap3A_1121], %add3A_814 {add = true, strides = array<i32>} : memref<264x128xf32, #tpu.memory_space<vmem>>, vector<16xf32>,
              %swap3A_1123 = arith.index_cast %cond3A_784#0 : i32 to index
              %swap3A_1124 = arith.constant 80 : index
              %swap3A_1125 = tpu.vector_load %arg9[%swap3A_1123, %swap3A_1124] {strides = array<i32>} : memref<264x128xf32, #tpu.memory_space<vmem>>, vector<16xf32>,
              tpu.vector_store %arg9[%swap3A_1123, %swap3A_1124], %add3A_820 {add = true, strides = array<i32>} : memref<264x128xf32, #tpu.memory_space<vmem>>, vector<16xf32>,
              %swap3A_1126 = arith.index_cast %cond3A_784#0 : i32 to index
              %swap3A_1127 = arith.constant 96 : index
              %swap3A_1128 = tpu.vector_load %arg9[%swap3A_1126, %swap3A_1127] {strides = array<i32>} : memref<264x128xf32, #tpu.memory_space<vmem>>, vector<16xf32>,
              tpu.vector_store %arg9[%swap3A_1126, %swap3A_1127], %add3A_826 {add = true, strides = array<i32>} : memref<264x128xf32, #tpu.memory_space<vmem>>, vector<16xf32>,
              %swap3A_1129 = arith.index_cast %cond3A_784#0 : i32 to index
              %swap3A_1130 = arith.constant 112 : index
              %swap3A_1131 = tpu.vector_load %arg9[%swap3A_1129, %swap3A_1130] {strides = array<i32>} : memref<264x128xf32, #tpu.memory_space<vmem>>, vector<16xf32>,
              tpu.vector_store %arg9[%swap3A_1129, %swap3A_1130], %add3A_832 {add = true, strides = array<i32>} : memref<264x128xf32, #tpu.memory_space<vmem>>, vector<16xf32>,
              scf.yield %squeeze3A_834, %broadcast_in_dim3A_25, %broadcast_in_dim3A_25, %broadcast_in_dim3A_25, %broadcast_in_dim3A_25, %broadcast_in_dim3A_25, %broadcast_in_dim3A_25, %broadcast_in_dim3A_25, %broadcast_in_dim3A_25 : i32, vector<16xf32>, vector<16xf32>, vector<16xf32>, vector<16xf32>, vector<16xf32>, vector<16xf32>, vector<16xf32>, vector<16xf32>
            } else {
              scf.yield %cond3A_784#0, %add3A_790, %add3A_796, %add3A_802, %add3A_808, %add3A_814, %add3A_820, %add3A_826, %add3A_832 : i32, vector<16xf32>, vector<16xf32>, vector<16xf32>, vector<16xf32>, vector<16xf32>, vector<16xf32>, vector<16xf32>, vector<16xf32>
            }
            %add3A_840 = arith.constant 11 : i32
            %add3A_841 = arith.addi %add3A_211, %add3A_840 : i32
            %get3A_842 = arith.index_cast %add3A_841 : i32 to index
            %get3A_843 = arith.constant 0 : index
            %get3A_844 = tpu.vector_load %arg7[%get3A_842, %get3A_843] {strides = array<i32>} : memref<640x128xf32, #tpu.memory_space<vmem>>, vector<16xf32>,
            %add3A_845 = arith.addf %cond3A_839#1, %get3A_844 : vector<16xf32>
            %add3A_846 = arith.constant 11 : i32
            %add3A_847 = arith.addi %add3A_211, %add3A_846 : i32
            %get3A_848 = arith.index_cast %add3A_847 : i32 to index
            %get3A_849 = arith.constant 16 : index
            %get3A_850 = tpu.vector_load %arg7[%get3A_848, %get3A_849] {strides = array<i32>} : memref<640x128xf32, #tpu.memory_space<vmem>>, vector<16xf32>,
            %add3A_851 = arith.addf %cond3A_839#2, %get3A_850 : vector<16xf32>
            %add3A_852 = arith.constant 11 : i32
            %add3A_853 = arith.addi %add3A_211, %add3A_852 : i32
            %get3A_854 = arith.index_cast %add3A_853 : i32 to index
            %get3A_855 = arith.constant 32 : index
            %get3A_856 = tpu.vector_load %arg7[%get3A_854, %get3A_855] {strides = array<i32>} : memref<640x128xf32, #tpu.memory_space<vmem>>, vector<16xf32>,
            %add3A_857 = arith.addf %cond3A_839#3, %get3A_856 : vector<16xf32>
            %add3A_858 = arith.constant 11 : i32
            %add3A_859 = arith.addi %add3A_211, %add3A_858 : i32
            %get3A_860 = arith.index_cast %add3A_859 : i32 to index
            %get3A_861 = arith.constant 48 : index
            %get3A_862 = tpu.vector_load %arg7[%get3A_860, %get3A_861] {strides = array<i32>} : memref<640x128xf32, #tpu.memory_space<vmem>>, vector<16xf32>,
            %add3A_863 = arith.addf %cond3A_839#4, %get3A_862 : vector<16xf32>
            %add3A_864 = arith.constant 11 : i32
            %add3A_865 = arith.addi %add3A_211, %add3A_864 : i32
            %get3A_866 = arith.index_cast %add3A_865 : i32 to index
            %get3A_867 = arith.constant 64 : index
            %get3A_868 = tpu.vector_load %arg7[%get3A_866, %get3A_867] {strides = array<i32>} : memref<640x128xf32, #tpu.memory_space<vmem>>, vector<16xf32>,
            %add3A_869 = arith.addf %cond3A_839#5, %get3A_868 : vector<16xf32>
            %add3A_870 = arith.constant 11 : i32
            %add3A_871 = arith.addi %add3A_211, %add3A_870 : i32
            %get3A_872 = arith.index_cast %add3A_871 : i32 to index
            %get3A_873 = arith.constant 80 : index
            %get3A_874 = tpu.vector_load %arg7[%get3A_872, %get3A_873] {strides = array<i32>} : memref<640x128xf32, #tpu.memory_space<vmem>>, vector<16xf32>,
            %add3A_875 = arith.addf %cond3A_839#6, %get3A_874 : vector<16xf32>
            %add3A_876 = arith.constant 11 : i32
            %add3A_877 = arith.addi %add3A_211, %add3A_876 : i32
            %get3A_878 = arith.index_cast %add3A_877 : i32 to index
            %get3A_879 = arith.constant 96 : index
            %get3A_880 = tpu.vector_load %arg7[%get3A_878, %get3A_879] {strides = array<i32>} : memref<640x128xf32, #tpu.memory_space<vmem>>, vector<16xf32>,
            %add3A_881 = arith.addf %cond3A_839#7, %get3A_880 : vector<16xf32>
            %add3A_882 = arith.constant 11 : i32
            %add3A_883 = arith.addi %add3A_211, %add3A_882 : i32
            %get3A_884 = arith.index_cast %add3A_883 : i32 to index
            %get3A_885 = arith.constant 112 : index
            %get3A_886 = tpu.vector_load %arg7[%get3A_884, %get3A_885] {strides = array<i32>} : memref<640x128xf32, #tpu.memory_space<vmem>>, vector<16xf32>,
            %add3A_887 = arith.addf %cond3A_839#8, %get3A_886 : vector<16xf32>
            %slice3A_888 = vector.extract_strided_slice %get3A_208 {offsets = [12], sizes = [1], strides = [1]} : vector<16xi32> to vector<1xi32>
            %squeeze3A_889 = vector.extract %slice3A_888[0] : i32 from vector<1xi32>
            %ne3A_890 = arith.cmpi ne, %squeeze3A_889, %cond3A_839#0 : i32
            %convert_element_type3A_891 = arith.extui %ne3A_890 : i1 to i32
            %cond3A_892 = arith.constant 0 : i32
            %cond3A_893 = arith.cmpi ne, %convert_element_type3A_891, %cond3A_892 : i32
            %cond3A_894:9 = scf.if %cond3A_893 -> (i32, vector<16xf32>, vector<16xf32>, vector<16xf32>, vector<16xf32>, vector<16xf32>, vector<16xf32>, vector<16xf32>, vector<16xf32>) {
              %swap3A_1108 = arith.index_cast %cond3A_839#0 : i32 to index
              %swap3A_1109 = arith.constant 0 : index
              %swap3A_1110 = tpu.vector_load %arg9[%swap3A_1108, %swap3A_1109] {strides = array<i32>} : memref<264x128xf32, #tpu.memory_space<vmem>>, vector<16xf32>,
              tpu.vector_store %arg9[%swap3A_1108, %swap3A_1109], %add3A_845 {add = true, strides = array<i32>} : memref<264x128xf32, #tpu.memory_space<vmem>>, vector<16xf32>,
              %swap3A_1111 = arith.index_cast %cond3A_839#0 : i32 to index
              %swap3A_1112 = arith.constant 16 : index
              %swap3A_1113 = tpu.vector_load %arg9[%swap3A_1111, %swap3A_1112] {strides = array<i32>} : memref<264x128xf32, #tpu.memory_space<vmem>>, vector<16xf32>,
              tpu.vector_store %arg9[%swap3A_1111, %swap3A_1112], %add3A_851 {add = true, strides = array<i32>} : memref<264x128xf32, #tpu.memory_space<vmem>>, vector<16xf32>,
              %swap3A_1114 = arith.index_cast %cond3A_839#0 : i32 to index
              %swap3A_1115 = arith.constant 32 : index
              %swap3A_1116 = tpu.vector_load %arg9[%swap3A_1114, %swap3A_1115] {strides = array<i32>} : memref<264x128xf32, #tpu.memory_space<vmem>>, vector<16xf32>,
              tpu.vector_store %arg9[%swap3A_1114, %swap3A_1115], %add3A_857 {add = true, strides = array<i32>} : memref<264x128xf32, #tpu.memory_space<vmem>>, vector<16xf32>,
              %swap3A_1117 = arith.index_cast %cond3A_839#0 : i32 to index
              %swap3A_1118 = arith.constant 48 : index
              %swap3A_1119 = tpu.vector_load %arg9[%swap3A_1117, %swap3A_1118] {strides = array<i32>} : memref<264x128xf32, #tpu.memory_space<vmem>>, vector<16xf32>,
              tpu.vector_store %arg9[%swap3A_1117, %swap3A_1118], %add3A_863 {add = true, strides = array<i32>} : memref<264x128xf32, #tpu.memory_space<vmem>>, vector<16xf32>,
              %swap3A_1120 = arith.index_cast %cond3A_839#0 : i32 to index
              %swap3A_1121 = arith.constant 64 : index
              %swap3A_1122 = tpu.vector_load %arg9[%swap3A_1120, %swap3A_1121] {strides = array<i32>} : memref<264x128xf32, #tpu.memory_space<vmem>>, vector<16xf32>,
              tpu.vector_store %arg9[%swap3A_1120, %swap3A_1121], %add3A_869 {add = true, strides = array<i32>} : memref<264x128xf32, #tpu.memory_space<vmem>>, vector<16xf32>,
              %swap3A_1123 = arith.index_cast %cond3A_839#0 : i32 to index
              %swap3A_1124 = arith.constant 80 : index
              %swap3A_1125 = tpu.vector_load %arg9[%swap3A_1123, %swap3A_1124] {strides = array<i32>} : memref<264x128xf32, #tpu.memory_space<vmem>>, vector<16xf32>,
              tpu.vector_store %arg9[%swap3A_1123, %swap3A_1124], %add3A_875 {add = true, strides = array<i32>} : memref<264x128xf32, #tpu.memory_space<vmem>>, vector<16xf32>,
              %swap3A_1126 = arith.index_cast %cond3A_839#0 : i32 to index
              %swap3A_1127 = arith.constant 96 : index
              %swap3A_1128 = tpu.vector_load %arg9[%swap3A_1126, %swap3A_1127] {strides = array<i32>} : memref<264x128xf32, #tpu.memory_space<vmem>>, vector<16xf32>,
              tpu.vector_store %arg9[%swap3A_1126, %swap3A_1127], %add3A_881 {add = true, strides = array<i32>} : memref<264x128xf32, #tpu.memory_space<vmem>>, vector<16xf32>,
              %swap3A_1129 = arith.index_cast %cond3A_839#0 : i32 to index
              %swap3A_1130 = arith.constant 112 : index
              %swap3A_1131 = tpu.vector_load %arg9[%swap3A_1129, %swap3A_1130] {strides = array<i32>} : memref<264x128xf32, #tpu.memory_space<vmem>>, vector<16xf32>,
              tpu.vector_store %arg9[%swap3A_1129, %swap3A_1130], %add3A_887 {add = true, strides = array<i32>} : memref<264x128xf32, #tpu.memory_space<vmem>>, vector<16xf32>,
              scf.yield %squeeze3A_889, %broadcast_in_dim3A_25, %broadcast_in_dim3A_25, %broadcast_in_dim3A_25, %broadcast_in_dim3A_25, %broadcast_in_dim3A_25, %broadcast_in_dim3A_25, %broadcast_in_dim3A_25, %broadcast_in_dim3A_25 : i32, vector<16xf32>, vector<16xf32>, vector<16xf32>, vector<16xf32>, vector<16xf32>, vector<16xf32>, vector<16xf32>, vector<16xf32>
            } else {
              scf.yield %cond3A_839#0, %add3A_845, %add3A_851, %add3A_857, %add3A_863, %add3A_869, %add3A_875, %add3A_881, %add3A_887 : i32, vector<16xf32>, vector<16xf32>, vector<16xf32>, vector<16xf32>, vector<16xf32>, vector<16xf32>, vector<16xf32>, vector<16xf32>
            }
            %add3A_895 = arith.constant 12 : i32
            %add3A_896 = arith.addi %add3A_211, %add3A_895 : i32
            %get3A_897 = arith.index_cast %add3A_896 : i32 to index
            %get3A_898 = arith.constant 0 : index
            %get3A_899 = tpu.vector_load %arg7[%get3A_897, %get3A_898] {strides = array<i32>} : memref<640x128xf32, #tpu.memory_space<vmem>>, vector<16xf32>,
            %add3A_900 = arith.addf %cond3A_894#1, %get3A_899 : vector<16xf32>
            %add3A_901 = arith.constant 12 : i32
            %add3A_902 = arith.addi %add3A_211, %add3A_901 : i32
            %get3A_903 = arith.index_cast %add3A_902 : i32 to index
            %get3A_904 = arith.constant 16 : index
            %get3A_905 = tpu.vector_load %arg7[%get3A_903, %get3A_904] {strides = array<i32>} : memref<640x128xf32, #tpu.memory_space<vmem>>, vector<16xf32>,
            %add3A_906 = arith.addf %cond3A_894#2, %get3A_905 : vector<16xf32>
            %add3A_907 = arith.constant 12 : i32
            %add3A_908 = arith.addi %add3A_211, %add3A_907 : i32
            %get3A_909 = arith.index_cast %add3A_908 : i32 to index
            %get3A_910 = arith.constant 32 : index
            %get3A_911 = tpu.vector_load %arg7[%get3A_909, %get3A_910] {strides = array<i32>} : memref<640x128xf32, #tpu.memory_space<vmem>>, vector<16xf32>,
            %add3A_912 = arith.addf %cond3A_894#3, %get3A_911 : vector<16xf32>
            %add3A_913 = arith.constant 12 : i32
            %add3A_914 = arith.addi %add3A_211, %add3A_913 : i32
            %get3A_915 = arith.index_cast %add3A_914 : i32 to index
            %get3A_916 = arith.constant 48 : index
            %get3A_917 = tpu.vector_load %arg7[%get3A_915, %get3A_916] {strides = array<i32>} : memref<640x128xf32, #tpu.memory_space<vmem>>, vector<16xf32>,
            %add3A_918 = arith.addf %cond3A_894#4, %get3A_917 : vector<16xf32>
            %add3A_919 = arith.constant 12 : i32
            %add3A_920 = arith.addi %add3A_211, %add3A_919 : i32
            %get3A_921 = arith.index_cast %add3A_920 : i32 to index
            %get3A_922 = arith.constant 64 : index
            %get3A_923 = tpu.vector_load %arg7[%get3A_921, %get3A_922] {strides = array<i32>} : memref<640x128xf32, #tpu.memory_space<vmem>>, vector<16xf32>,
            %add3A_924 = arith.addf %cond3A_894#5, %get3A_923 : vector<16xf32>
            %add3A_925 = arith.constant 12 : i32
            %add3A_926 = arith.addi %add3A_211, %add3A_925 : i32
            %get3A_927 = arith.index_cast %add3A_926 : i32 to index
            %get3A_928 = arith.constant 80 : index
            %get3A_929 = tpu.vector_load %arg7[%get3A_927, %get3A_928] {strides = array<i32>} : memref<640x128xf32, #tpu.memory_space<vmem>>, vector<16xf32>,
            %add3A_930 = arith.addf %cond3A_894#6, %get3A_929 : vector<16xf32>
            %add3A_931 = arith.constant 12 : i32
            %add3A_932 = arith.addi %add3A_211, %add3A_931 : i32
            %get3A_933 = arith.index_cast %add3A_932 : i32 to index
            %get3A_934 = arith.constant 96 : index
            %get3A_935 = tpu.vector_load %arg7[%get3A_933, %get3A_934] {strides = array<i32>} : memref<640x128xf32, #tpu.memory_space<vmem>>, vector<16xf32>,
            %add3A_936 = arith.addf %cond3A_894#7, %get3A_935 : vector<16xf32>
            %add3A_937 = arith.constant 12 : i32
            %add3A_938 = arith.addi %add3A_211, %add3A_937 : i32
            %get3A_939 = arith.index_cast %add3A_938 : i32 to index
            %get3A_940 = arith.constant 112 : index
            %get3A_941 = tpu.vector_load %arg7[%get3A_939, %get3A_940] {strides = array<i32>} : memref<640x128xf32, #tpu.memory_space<vmem>>, vector<16xf32>,
            %add3A_942 = arith.addf %cond3A_894#8, %get3A_941 : vector<16xf32>
            %slice3A_943 = vector.extract_strided_slice %get3A_208 {offsets = [13], sizes = [1], strides = [1]} : vector<16xi32> to vector<1xi32>
            %squeeze3A_944 = vector.extract %slice3A_943[0] : i32 from vector<1xi32>
            %ne3A_945 = arith.cmpi ne, %squeeze3A_944, %cond3A_894#0 : i32
            %convert_element_type3A_946 = arith.extui %ne3A_945 : i1 to i32
            %cond3A_947 = arith.constant 0 : i32
            %cond3A_948 = arith.cmpi ne, %convert_element_type3A_946, %cond3A_947 : i32
            %cond3A_949:9 = scf.if %cond3A_948 -> (i32, vector<16xf32>, vector<16xf32>, vector<16xf32>, vector<16xf32>, vector<16xf32>, vector<16xf32>, vector<16xf32>, vector<16xf32>) {
              %swap3A_1108 = arith.index_cast %cond3A_894#0 : i32 to index
              %swap3A_1109 = arith.constant 0 : index
              %swap3A_1110 = tpu.vector_load %arg9[%swap3A_1108, %swap3A_1109] {strides = array<i32>} : memref<264x128xf32, #tpu.memory_space<vmem>>, vector<16xf32>,
              tpu.vector_store %arg9[%swap3A_1108, %swap3A_1109], %add3A_900 {add = true, strides = array<i32>} : memref<264x128xf32, #tpu.memory_space<vmem>>, vector<16xf32>,
              %swap3A_1111 = arith.index_cast %cond3A_894#0 : i32 to index
              %swap3A_1112 = arith.constant 16 : index
              %swap3A_1113 = tpu.vector_load %arg9[%swap3A_1111, %swap3A_1112] {strides = array<i32>} : memref<264x128xf32, #tpu.memory_space<vmem>>, vector<16xf32>,
              tpu.vector_store %arg9[%swap3A_1111, %swap3A_1112], %add3A_906 {add = true, strides = array<i32>} : memref<264x128xf32, #tpu.memory_space<vmem>>, vector<16xf32>,
              %swap3A_1114 = arith.index_cast %cond3A_894#0 : i32 to index
              %swap3A_1115 = arith.constant 32 : index
              %swap3A_1116 = tpu.vector_load %arg9[%swap3A_1114, %swap3A_1115] {strides = array<i32>} : memref<264x128xf32, #tpu.memory_space<vmem>>, vector<16xf32>,
              tpu.vector_store %arg9[%swap3A_1114, %swap3A_1115], %add3A_912 {add = true, strides = array<i32>} : memref<264x128xf32, #tpu.memory_space<vmem>>, vector<16xf32>,
              %swap3A_1117 = arith.index_cast %cond3A_894#0 : i32 to index
              %swap3A_1118 = arith.constant 48 : index
              %swap3A_1119 = tpu.vector_load %arg9[%swap3A_1117, %swap3A_1118] {strides = array<i32>} : memref<264x128xf32, #tpu.memory_space<vmem>>, vector<16xf32>,
              tpu.vector_store %arg9[%swap3A_1117, %swap3A_1118], %add3A_918 {add = true, strides = array<i32>} : memref<264x128xf32, #tpu.memory_space<vmem>>, vector<16xf32>,
              %swap3A_1120 = arith.index_cast %cond3A_894#0 : i32 to index
              %swap3A_1121 = arith.constant 64 : index
              %swap3A_1122 = tpu.vector_load %arg9[%swap3A_1120, %swap3A_1121] {strides = array<i32>} : memref<264x128xf32, #tpu.memory_space<vmem>>, vector<16xf32>,
              tpu.vector_store %arg9[%swap3A_1120, %swap3A_1121], %add3A_924 {add = true, strides = array<i32>} : memref<264x128xf32, #tpu.memory_space<vmem>>, vector<16xf32>,
              %swap3A_1123 = arith.index_cast %cond3A_894#0 : i32 to index
              %swap3A_1124 = arith.constant 80 : index
              %swap3A_1125 = tpu.vector_load %arg9[%swap3A_1123, %swap3A_1124] {strides = array<i32>} : memref<264x128xf32, #tpu.memory_space<vmem>>, vector<16xf32>,
              tpu.vector_store %arg9[%swap3A_1123, %swap3A_1124], %add3A_930 {add = true, strides = array<i32>} : memref<264x128xf32, #tpu.memory_space<vmem>>, vector<16xf32>,
              %swap3A_1126 = arith.index_cast %cond3A_894#0 : i32 to index
              %swap3A_1127 = arith.constant 96 : index
              %swap3A_1128 = tpu.vector_load %arg9[%swap3A_1126, %swap3A_1127] {strides = array<i32>} : memref<264x128xf32, #tpu.memory_space<vmem>>, vector<16xf32>,
              tpu.vector_store %arg9[%swap3A_1126, %swap3A_1127], %add3A_936 {add = true, strides = array<i32>} : memref<264x128xf32, #tpu.memory_space<vmem>>, vector<16xf32>,
              %swap3A_1129 = arith.index_cast %cond3A_894#0 : i32 to index
              %swap3A_1130 = arith.constant 112 : index
              %swap3A_1131 = tpu.vector_load %arg9[%swap3A_1129, %swap3A_1130] {strides = array<i32>} : memref<264x128xf32, #tpu.memory_space<vmem>>, vector<16xf32>,
              tpu.vector_store %arg9[%swap3A_1129, %swap3A_1130], %add3A_942 {add = true, strides = array<i32>} : memref<264x128xf32, #tpu.memory_space<vmem>>, vector<16xf32>,
              scf.yield %squeeze3A_944, %broadcast_in_dim3A_25, %broadcast_in_dim3A_25, %broadcast_in_dim3A_25, %broadcast_in_dim3A_25, %broadcast_in_dim3A_25, %broadcast_in_dim3A_25, %broadcast_in_dim3A_25, %broadcast_in_dim3A_25 : i32, vector<16xf32>, vector<16xf32>, vector<16xf32>, vector<16xf32>, vector<16xf32>, vector<16xf32>, vector<16xf32>, vector<16xf32>
            } else {
              scf.yield %cond3A_894#0, %add3A_900, %add3A_906, %add3A_912, %add3A_918, %add3A_924, %add3A_930, %add3A_936, %add3A_942 : i32, vector<16xf32>, vector<16xf32>, vector<16xf32>, vector<16xf32>, vector<16xf32>, vector<16xf32>, vector<16xf32>, vector<16xf32>
            }
            %add3A_950 = arith.constant 13 : i32
            %add3A_951 = arith.addi %add3A_211, %add3A_950 : i32
            %get3A_952 = arith.index_cast %add3A_951 : i32 to index
            %get3A_953 = arith.constant 0 : index
            %get3A_954 = tpu.vector_load %arg7[%get3A_952, %get3A_953] {strides = array<i32>} : memref<640x128xf32, #tpu.memory_space<vmem>>, vector<16xf32>,
            %add3A_955 = arith.addf %cond3A_949#1, %get3A_954 : vector<16xf32>
            %add3A_956 = arith.constant 13 : i32
            %add3A_957 = arith.addi %add3A_211, %add3A_956 : i32
            %get3A_958 = arith.index_cast %add3A_957 : i32 to index
            %get3A_959 = arith.constant 16 : index
            %get3A_960 = tpu.vector_load %arg7[%get3A_958, %get3A_959] {strides = array<i32>} : memref<640x128xf32, #tpu.memory_space<vmem>>, vector<16xf32>,
            %add3A_961 = arith.addf %cond3A_949#2, %get3A_960 : vector<16xf32>
            %add3A_962 = arith.constant 13 : i32
            %add3A_963 = arith.addi %add3A_211, %add3A_962 : i32
            %get3A_964 = arith.index_cast %add3A_963 : i32 to index
            %get3A_965 = arith.constant 32 : index
            %get3A_966 = tpu.vector_load %arg7[%get3A_964, %get3A_965] {strides = array<i32>} : memref<640x128xf32, #tpu.memory_space<vmem>>, vector<16xf32>,
            %add3A_967 = arith.addf %cond3A_949#3, %get3A_966 : vector<16xf32>
            %add3A_968 = arith.constant 13 : i32
            %add3A_969 = arith.addi %add3A_211, %add3A_968 : i32
            %get3A_970 = arith.index_cast %add3A_969 : i32 to index
            %get3A_971 = arith.constant 48 : index
            %get3A_972 = tpu.vector_load %arg7[%get3A_970, %get3A_971] {strides = array<i32>} : memref<640x128xf32, #tpu.memory_space<vmem>>, vector<16xf32>,
            %add3A_973 = arith.addf %cond3A_949#4, %get3A_972 : vector<16xf32>
            %add3A_974 = arith.constant 13 : i32
            %add3A_975 = arith.addi %add3A_211, %add3A_974 : i32
            %get3A_976 = arith.index_cast %add3A_975 : i32 to index
            %get3A_977 = arith.constant 64 : index
            %get3A_978 = tpu.vector_load %arg7[%get3A_976, %get3A_977] {strides = array<i32>} : memref<640x128xf32, #tpu.memory_space<vmem>>, vector<16xf32>,
            %add3A_979 = arith.addf %cond3A_949#5, %get3A_978 : vector<16xf32>
            %add3A_980 = arith.constant 13 : i32
            %add3A_981 = arith.addi %add3A_211, %add3A_980 : i32
            %get3A_982 = arith.index_cast %add3A_981 : i32 to index
            %get3A_983 = arith.constant 80 : index
            %get3A_984 = tpu.vector_load %arg7[%get3A_982, %get3A_983] {strides = array<i32>} : memref<640x128xf32, #tpu.memory_space<vmem>>, vector<16xf32>,
            %add3A_985 = arith.addf %cond3A_949#6, %get3A_984 : vector<16xf32>
            %add3A_986 = arith.constant 13 : i32
            %add3A_987 = arith.addi %add3A_211, %add3A_986 : i32
            %get3A_988 = arith.index_cast %add3A_987 : i32 to index
            %get3A_989 = arith.constant 96 : index
            %get3A_990 = tpu.vector_load %arg7[%get3A_988, %get3A_989] {strides = array<i32>} : memref<640x128xf32, #tpu.memory_space<vmem>>, vector<16xf32>,
            %add3A_991 = arith.addf %cond3A_949#7, %get3A_990 : vector<16xf32>
            %add3A_992 = arith.constant 13 : i32
            %add3A_993 = arith.addi %add3A_211, %add3A_992 : i32
            %get3A_994 = arith.index_cast %add3A_993 : i32 to index
            %get3A_995 = arith.constant 112 : index
            %get3A_996 = tpu.vector_load %arg7[%get3A_994, %get3A_995] {strides = array<i32>} : memref<640x128xf32, #tpu.memory_space<vmem>>, vector<16xf32>,
            %add3A_997 = arith.addf %cond3A_949#8, %get3A_996 : vector<16xf32>
            %slice3A_998 = vector.extract_strided_slice %get3A_208 {offsets = [14], sizes = [1], strides = [1]} : vector<16xi32> to vector<1xi32>
            %squeeze3A_999 = vector.extract %slice3A_998[0] : i32 from vector<1xi32>
            %ne3A_1000 = arith.cmpi ne, %squeeze3A_999, %cond3A_949#0 : i32
            %convert_element_type3A_1001 = arith.extui %ne3A_1000 : i1 to i32
            %cond3A_1002 = arith.constant 0 : i32
            %cond3A_1003 = arith.cmpi ne, %convert_element_type3A_1001, %cond3A_1002 : i32
            %cond3A_1004:9 = scf.if %cond3A_1003 -> (i32, vector<16xf32>, vector<16xf32>, vector<16xf32>, vector<16xf32>, vector<16xf32>, vector<16xf32>, vector<16xf32>, vector<16xf32>) {
              %swap3A_1108 = arith.index_cast %cond3A_949#0 : i32 to index
              %swap3A_1109 = arith.constant 0 : index
              %swap3A_1110 = tpu.vector_load %arg9[%swap3A_1108, %swap3A_1109] {strides = array<i32>} : memref<264x128xf32, #tpu.memory_space<vmem>>, vector<16xf32>,
              tpu.vector_store %arg9[%swap3A_1108, %swap3A_1109], %add3A_955 {add = true, strides = array<i32>} : memref<264x128xf32, #tpu.memory_space<vmem>>, vector<16xf32>,
              %swap3A_1111 = arith.index_cast %cond3A_949#0 : i32 to index
              %swap3A_1112 = arith.constant 16 : index
              %swap3A_1113 = tpu.vector_load %arg9[%swap3A_1111, %swap3A_1112] {strides = array<i32>} : memref<264x128xf32, #tpu.memory_space<vmem>>, vector<16xf32>,
              tpu.vector_store %arg9[%swap3A_1111, %swap3A_1112], %add3A_961 {add = true, strides = array<i32>} : memref<264x128xf32, #tpu.memory_space<vmem>>, vector<16xf32>,
              %swap3A_1114 = arith.index_cast %cond3A_949#0 : i32 to index
              %swap3A_1115 = arith.constant 32 : index
              %swap3A_1116 = tpu.vector_load %arg9[%swap3A_1114, %swap3A_1115] {strides = array<i32>} : memref<264x128xf32, #tpu.memory_space<vmem>>, vector<16xf32>,
              tpu.vector_store %arg9[%swap3A_1114, %swap3A_1115], %add3A_967 {add = true, strides = array<i32>} : memref<264x128xf32, #tpu.memory_space<vmem>>, vector<16xf32>,
              %swap3A_1117 = arith.index_cast %cond3A_949#0 : i32 to index
              %swap3A_1118 = arith.constant 48 : index
              %swap3A_1119 = tpu.vector_load %arg9[%swap3A_1117, %swap3A_1118] {strides = array<i32>} : memref<264x128xf32, #tpu.memory_space<vmem>>, vector<16xf32>,
              tpu.vector_store %arg9[%swap3A_1117, %swap3A_1118], %add3A_973 {add = true, strides = array<i32>} : memref<264x128xf32, #tpu.memory_space<vmem>>, vector<16xf32>,
              %swap3A_1120 = arith.index_cast %cond3A_949#0 : i32 to index
              %swap3A_1121 = arith.constant 64 : index
              %swap3A_1122 = tpu.vector_load %arg9[%swap3A_1120, %swap3A_1121] {strides = array<i32>} : memref<264x128xf32, #tpu.memory_space<vmem>>, vector<16xf32>,
              tpu.vector_store %arg9[%swap3A_1120, %swap3A_1121], %add3A_979 {add = true, strides = array<i32>} : memref<264x128xf32, #tpu.memory_space<vmem>>, vector<16xf32>,
              %swap3A_1123 = arith.index_cast %cond3A_949#0 : i32 to index
              %swap3A_1124 = arith.constant 80 : index
              %swap3A_1125 = tpu.vector_load %arg9[%swap3A_1123, %swap3A_1124] {strides = array<i32>} : memref<264x128xf32, #tpu.memory_space<vmem>>, vector<16xf32>,
              tpu.vector_store %arg9[%swap3A_1123, %swap3A_1124], %add3A_985 {add = true, strides = array<i32>} : memref<264x128xf32, #tpu.memory_space<vmem>>, vector<16xf32>,
              %swap3A_1126 = arith.index_cast %cond3A_949#0 : i32 to index
              %swap3A_1127 = arith.constant 96 : index
              %swap3A_1128 = tpu.vector_load %arg9[%swap3A_1126, %swap3A_1127] {strides = array<i32>} : memref<264x128xf32, #tpu.memory_space<vmem>>, vector<16xf32>,
              tpu.vector_store %arg9[%swap3A_1126, %swap3A_1127], %add3A_991 {add = true, strides = array<i32>} : memref<264x128xf32, #tpu.memory_space<vmem>>, vector<16xf32>,
              %swap3A_1129 = arith.index_cast %cond3A_949#0 : i32 to index
              %swap3A_1130 = arith.constant 112 : index
              %swap3A_1131 = tpu.vector_load %arg9[%swap3A_1129, %swap3A_1130] {strides = array<i32>} : memref<264x128xf32, #tpu.memory_space<vmem>>, vector<16xf32>,
              tpu.vector_store %arg9[%swap3A_1129, %swap3A_1130], %add3A_997 {add = true, strides = array<i32>} : memref<264x128xf32, #tpu.memory_space<vmem>>, vector<16xf32>,
              scf.yield %squeeze3A_999, %broadcast_in_dim3A_25, %broadcast_in_dim3A_25, %broadcast_in_dim3A_25, %broadcast_in_dim3A_25, %broadcast_in_dim3A_25, %broadcast_in_dim3A_25, %broadcast_in_dim3A_25, %broadcast_in_dim3A_25 : i32, vector<16xf32>, vector<16xf32>, vector<16xf32>, vector<16xf32>, vector<16xf32>, vector<16xf32>, vector<16xf32>, vector<16xf32>
            } else {
              scf.yield %cond3A_949#0, %add3A_955, %add3A_961, %add3A_967, %add3A_973, %add3A_979, %add3A_985, %add3A_991, %add3A_997 : i32, vector<16xf32>, vector<16xf32>, vector<16xf32>, vector<16xf32>, vector<16xf32>, vector<16xf32>, vector<16xf32>, vector<16xf32>
            }
            %add3A_1005 = arith.constant 14 : i32
            %add3A_1006 = arith.addi %add3A_211, %add3A_1005 : i32
            %get3A_1007 = arith.index_cast %add3A_1006 : i32 to index
            %get3A_1008 = arith.constant 0 : index
            %get3A_1009 = tpu.vector_load %arg7[%get3A_1007, %get3A_1008] {strides = array<i32>} : memref<640x128xf32, #tpu.memory_space<vmem>>, vector<16xf32>,
            %add3A_1010 = arith.addf %cond3A_1004#1, %get3A_1009 : vector<16xf32>
            %add3A_1011 = arith.constant 14 : i32
            %add3A_1012 = arith.addi %add3A_211, %add3A_1011 : i32
            %get3A_1013 = arith.index_cast %add3A_1012 : i32 to index
            %get3A_1014 = arith.constant 16 : index
            %get3A_1015 = tpu.vector_load %arg7[%get3A_1013, %get3A_1014] {strides = array<i32>} : memref<640x128xf32, #tpu.memory_space<vmem>>, vector<16xf32>,
            %add3A_1016 = arith.addf %cond3A_1004#2, %get3A_1015 : vector<16xf32>
            %add3A_1017 = arith.constant 14 : i32
            %add3A_1018 = arith.addi %add3A_211, %add3A_1017 : i32
            %get3A_1019 = arith.index_cast %add3A_1018 : i32 to index
            %get3A_1020 = arith.constant 32 : index
            %get3A_1021 = tpu.vector_load %arg7[%get3A_1019, %get3A_1020] {strides = array<i32>} : memref<640x128xf32, #tpu.memory_space<vmem>>, vector<16xf32>,
            %add3A_1022 = arith.addf %cond3A_1004#3, %get3A_1021 : vector<16xf32>
            %add3A_1023 = arith.constant 14 : i32
            %add3A_1024 = arith.addi %add3A_211, %add3A_1023 : i32
            %get3A_1025 = arith.index_cast %add3A_1024 : i32 to index
            %get3A_1026 = arith.constant 48 : index
            %get3A_1027 = tpu.vector_load %arg7[%get3A_1025, %get3A_1026] {strides = array<i32>} : memref<640x128xf32, #tpu.memory_space<vmem>>, vector<16xf32>,
            %add3A_1028 = arith.addf %cond3A_1004#4, %get3A_1027 : vector<16xf32>
            %add3A_1029 = arith.constant 14 : i32
            %add3A_1030 = arith.addi %add3A_211, %add3A_1029 : i32
            %get3A_1031 = arith.index_cast %add3A_1030 : i32 to index
            %get3A_1032 = arith.constant 64 : index
            %get3A_1033 = tpu.vector_load %arg7[%get3A_1031, %get3A_1032] {strides = array<i32>} : memref<640x128xf32, #tpu.memory_space<vmem>>, vector<16xf32>,
            %add3A_1034 = arith.addf %cond3A_1004#5, %get3A_1033 : vector<16xf32>
            %add3A_1035 = arith.constant 14 : i32
            %add3A_1036 = arith.addi %add3A_211, %add3A_1035 : i32
            %get3A_1037 = arith.index_cast %add3A_1036 : i32 to index
            %get3A_1038 = arith.constant 80 : index
            %get3A_1039 = tpu.vector_load %arg7[%get3A_1037, %get3A_1038] {strides = array<i32>} : memref<640x128xf32, #tpu.memory_space<vmem>>, vector<16xf32>,
            %add3A_1040 = arith.addf %cond3A_1004#6, %get3A_1039 : vector<16xf32>
            %add3A_1041 = arith.constant 14 : i32
            %add3A_1042 = arith.addi %add3A_211, %add3A_1041 : i32
            %get3A_1043 = arith.index_cast %add3A_1042 : i32 to index
            %get3A_1044 = arith.constant 96 : index
            %get3A_1045 = tpu.vector_load %arg7[%get3A_1043, %get3A_1044] {strides = array<i32>} : memref<640x128xf32, #tpu.memory_space<vmem>>, vector<16xf32>,
            %add3A_1046 = arith.addf %cond3A_1004#7, %get3A_1045 : vector<16xf32>
            %add3A_1047 = arith.constant 14 : i32
            %add3A_1048 = arith.addi %add3A_211, %add3A_1047 : i32
            %get3A_1049 = arith.index_cast %add3A_1048 : i32 to index
            %get3A_1050 = arith.constant 112 : index
            %get3A_1051 = tpu.vector_load %arg7[%get3A_1049, %get3A_1050] {strides = array<i32>} : memref<640x128xf32, #tpu.memory_space<vmem>>, vector<16xf32>,
            %add3A_1052 = arith.addf %cond3A_1004#8, %get3A_1051 : vector<16xf32>
            %slice3A_1053 = vector.extract_strided_slice %get3A_208 {offsets = [15], sizes = [1], strides = [1]} : vector<16xi32> to vector<1xi32>
            %squeeze3A_1054 = vector.extract %slice3A_1053[0] : i32 from vector<1xi32>
            %ne3A_1055 = arith.cmpi ne, %squeeze3A_1054, %cond3A_1004#0 : i32
            %convert_element_type3A_1056 = arith.extui %ne3A_1055 : i1 to i32
            %cond3A_1057 = arith.constant 0 : i32
            %cond3A_1058 = arith.cmpi ne, %convert_element_type3A_1056, %cond3A_1057 : i32
            %cond3A_1059:9 = scf.if %cond3A_1058 -> (i32, vector<16xf32>, vector<16xf32>, vector<16xf32>, vector<16xf32>, vector<16xf32>, vector<16xf32>, vector<16xf32>, vector<16xf32>) {
              %swap3A_1108 = arith.index_cast %cond3A_1004#0 : i32 to index
              %swap3A_1109 = arith.constant 0 : index
              %swap3A_1110 = tpu.vector_load %arg9[%swap3A_1108, %swap3A_1109] {strides = array<i32>} : memref<264x128xf32, #tpu.memory_space<vmem>>, vector<16xf32>,
              tpu.vector_store %arg9[%swap3A_1108, %swap3A_1109], %add3A_1010 {add = true, strides = array<i32>} : memref<264x128xf32, #tpu.memory_space<vmem>>, vector<16xf32>,
              %swap3A_1111 = arith.index_cast %cond3A_1004#0 : i32 to index
              %swap3A_1112 = arith.constant 16 : index
              %swap3A_1113 = tpu.vector_load %arg9[%swap3A_1111, %swap3A_1112] {strides = array<i32>} : memref<264x128xf32, #tpu.memory_space<vmem>>, vector<16xf32>,
              tpu.vector_store %arg9[%swap3A_1111, %swap3A_1112], %add3A_1016 {add = true, strides = array<i32>} : memref<264x128xf32, #tpu.memory_space<vmem>>, vector<16xf32>,
              %swap3A_1114 = arith.index_cast %cond3A_1004#0 : i32 to index
              %swap3A_1115 = arith.constant 32 : index
              %swap3A_1116 = tpu.vector_load %arg9[%swap3A_1114, %swap3A_1115] {strides = array<i32>} : memref<264x128xf32, #tpu.memory_space<vmem>>, vector<16xf32>,
              tpu.vector_store %arg9[%swap3A_1114, %swap3A_1115], %add3A_1022 {add = true, strides = array<i32>} : memref<264x128xf32, #tpu.memory_space<vmem>>, vector<16xf32>,
              %swap3A_1117 = arith.index_cast %cond3A_1004#0 : i32 to index
              %swap3A_1118 = arith.constant 48 : index
              %swap3A_1119 = tpu.vector_load %arg9[%swap3A_1117, %swap3A_1118] {strides = array<i32>} : memref<264x128xf32, #tpu.memory_space<vmem>>, vector<16xf32>,
              tpu.vector_store %arg9[%swap3A_1117, %swap3A_1118], %add3A_1028 {add = true, strides = array<i32>} : memref<264x128xf32, #tpu.memory_space<vmem>>, vector<16xf32>,
              %swap3A_1120 = arith.index_cast %cond3A_1004#0 : i32 to index
              %swap3A_1121 = arith.constant 64 : index
              %swap3A_1122 = tpu.vector_load %arg9[%swap3A_1120, %swap3A_1121] {strides = array<i32>} : memref<264x128xf32, #tpu.memory_space<vmem>>, vector<16xf32>,
              tpu.vector_store %arg9[%swap3A_1120, %swap3A_1121], %add3A_1034 {add = true, strides = array<i32>} : memref<264x128xf32, #tpu.memory_space<vmem>>, vector<16xf32>,
              %swap3A_1123 = arith.index_cast %cond3A_1004#0 : i32 to index
              %swap3A_1124 = arith.constant 80 : index
              %swap3A_1125 = tpu.vector_load %arg9[%swap3A_1123, %swap3A_1124] {strides = array<i32>} : memref<264x128xf32, #tpu.memory_space<vmem>>, vector<16xf32>,
              tpu.vector_store %arg9[%swap3A_1123, %swap3A_1124], %add3A_1040 {add = true, strides = array<i32>} : memref<264x128xf32, #tpu.memory_space<vmem>>, vector<16xf32>,
              %swap3A_1126 = arith.index_cast %cond3A_1004#0 : i32 to index
              %swap3A_1127 = arith.constant 96 : index
              %swap3A_1128 = tpu.vector_load %arg9[%swap3A_1126, %swap3A_1127] {strides = array<i32>} : memref<264x128xf32, #tpu.memory_space<vmem>>, vector<16xf32>,
              tpu.vector_store %arg9[%swap3A_1126, %swap3A_1127], %add3A_1046 {add = true, strides = array<i32>} : memref<264x128xf32, #tpu.memory_space<vmem>>, vector<16xf32>,
              %swap3A_1129 = arith.index_cast %cond3A_1004#0 : i32 to index
              %swap3A_1130 = arith.constant 112 : index
              %swap3A_1131 = tpu.vector_load %arg9[%swap3A_1129, %swap3A_1130] {strides = array<i32>} : memref<264x128xf32, #tpu.memory_space<vmem>>, vector<16xf32>,
              tpu.vector_store %arg9[%swap3A_1129, %swap3A_1130], %add3A_1052 {add = true, strides = array<i32>} : memref<264x128xf32, #tpu.memory_space<vmem>>, vector<16xf32>,
              scf.yield %squeeze3A_1054, %broadcast_in_dim3A_25, %broadcast_in_dim3A_25, %broadcast_in_dim3A_25, %broadcast_in_dim3A_25, %broadcast_in_dim3A_25, %broadcast_in_dim3A_25, %broadcast_in_dim3A_25, %broadcast_in_dim3A_25 : i32, vector<16xf32>, vector<16xf32>, vector<16xf32>, vector<16xf32>, vector<16xf32>, vector<16xf32>, vector<16xf32>, vector<16xf32>
            } else {
              scf.yield %cond3A_1004#0, %add3A_1010, %add3A_1016, %add3A_1022, %add3A_1028, %add3A_1034, %add3A_1040, %add3A_1046, %add3A_1052 : i32, vector<16xf32>, vector<16xf32>, vector<16xf32>, vector<16xf32>, vector<16xf32>, vector<16xf32>, vector<16xf32>, vector<16xf32>
            }
            %add3A_1060 = arith.constant 15 : i32
            %add3A_1061 = arith.addi %add3A_211, %add3A_1060 : i32
            %get3A_1062 = arith.index_cast %add3A_1061 : i32 to index
            %get3A_1063 = arith.constant 0 : index
            %get3A_1064 = tpu.vector_load %arg7[%get3A_1062, %get3A_1063] {strides = array<i32>} : memref<640x128xf32, #tpu.memory_space<vmem>>, vector<16xf32>,
            %add3A_1065 = arith.addf %cond3A_1059#1, %get3A_1064 : vector<16xf32>
            %add3A_1066 = arith.constant 15 : i32
            %add3A_1067 = arith.addi %add3A_211, %add3A_1066 : i32
            %get3A_1068 = arith.index_cast %add3A_1067 : i32 to index
            %get3A_1069 = arith.constant 16 : index
            %get3A_1070 = tpu.vector_load %arg7[%get3A_1068, %get3A_1069] {strides = array<i32>} : memref<640x128xf32, #tpu.memory_space<vmem>>, vector<16xf32>,
            %add3A_1071 = arith.addf %cond3A_1059#2, %get3A_1070 : vector<16xf32>
            %add3A_1072 = arith.constant 15 : i32
            %add3A_1073 = arith.addi %add3A_211, %add3A_1072 : i32
            %get3A_1074 = arith.index_cast %add3A_1073 : i32 to index
            %get3A_1075 = arith.constant 32 : index
            %get3A_1076 = tpu.vector_load %arg7[%get3A_1074, %get3A_1075] {strides = array<i32>} : memref<640x128xf32, #tpu.memory_space<vmem>>, vector<16xf32>,
            %add3A_1077 = arith.addf %cond3A_1059#3, %get3A_1076 : vector<16xf32>
            %add3A_1078 = arith.constant 15 : i32
            %add3A_1079 = arith.addi %add3A_211, %add3A_1078 : i32
            %get3A_1080 = arith.index_cast %add3A_1079 : i32 to index
            %get3A_1081 = arith.constant 48 : index
            %get3A_1082 = tpu.vector_load %arg7[%get3A_1080, %get3A_1081] {strides = array<i32>} : memref<640x128xf32, #tpu.memory_space<vmem>>, vector<16xf32>,
            %add3A_1083 = arith.addf %cond3A_1059#4, %get3A_1082 : vector<16xf32>
            %add3A_1084 = arith.constant 15 : i32
            %add3A_1085 = arith.addi %add3A_211, %add3A_1084 : i32
            %get3A_1086 = arith.index_cast %add3A_1085 : i32 to index
            %get3A_1087 = arith.constant 64 : index
            %get3A_1088 = tpu.vector_load %arg7[%get3A_1086, %get3A_1087] {strides = array<i32>} : memref<640x128xf32, #tpu.memory_space<vmem>>, vector<16xf32>,
            %add3A_1089 = arith.addf %cond3A_1059#5, %get3A_1088 : vector<16xf32>
            %add3A_1090 = arith.constant 15 : i32
            %add3A_1091 = arith.addi %add3A_211, %add3A_1090 : i32
            %get3A_1092 = arith.index_cast %add3A_1091 : i32 to index
            %get3A_1093 = arith.constant 80 : index
            %get3A_1094 = tpu.vector_load %arg7[%get3A_1092, %get3A_1093] {strides = array<i32>} : memref<640x128xf32, #tpu.memory_space<vmem>>, vector<16xf32>,
            %add3A_1095 = arith.addf %cond3A_1059#6, %get3A_1094 : vector<16xf32>
            %add3A_1096 = arith.constant 15 : i32
            %add3A_1097 = arith.addi %add3A_211, %add3A_1096 : i32
            %get3A_1098 = arith.index_cast %add3A_1097 : i32 to index
            %get3A_1099 = arith.constant 96 : index
            %get3A_1100 = tpu.vector_load %arg7[%get3A_1098, %get3A_1099] {strides = array<i32>} : memref<640x128xf32, #tpu.memory_space<vmem>>, vector<16xf32>,
            %add3A_1101 = arith.addf %cond3A_1059#7, %get3A_1100 : vector<16xf32>
            %add3A_1102 = arith.constant 15 : i32
            %add3A_1103 = arith.addi %add3A_211, %add3A_1102 : i32
            %get3A_1104 = arith.index_cast %add3A_1103 : i32 to index
            %get3A_1105 = arith.constant 112 : index
            %get3A_1106 = tpu.vector_load %arg7[%get3A_1104, %get3A_1105] {strides = array<i32>} : memref<640x128xf32, #tpu.memory_space<vmem>>, vector<16xf32>,
            %add3A_1107 = arith.addf %cond3A_1059#8, %get3A_1106 : vector<16xf32>
            scf.yield %cond3A_1059#0, %add3A_1065, %add3A_1071, %add3A_1077, %add3A_1083, %add3A_1089, %add3A_1095, %add3A_1101, %add3A_1107 : i32, vector<16xf32>, vector<16xf32>, vector<16xf32>, vector<16xf32>, vector<16xf32>, vector<16xf32>, vector<16xf32>, vector<16xf32>
          }
          scf.yield %cond3A_227#0, %cond3A_227#1, %cond3A_227#2, %cond3A_227#3, %cond3A_227#4, %cond3A_227#5, %cond3A_227#6, %cond3A_227#7, %cond3A_227#8 : i32, vector<16xf32>, vector<16xf32>, vector<16xf32>, vector<16xf32>, vector<16xf32>, vector<16xf32>, vector<16xf32>, vector<16xf32>
        }
        %scan3A_191 = arith.constant 10 : i32
        scf.yield %scan3A_190#0, %scan3A_190#1, %scan3A_190#2, %scan3A_190#3, %scan3A_190#4, %scan3A_190#5, %scan3A_190#6, %scan3A_190#7, %scan3A_190#8 : i32, vector<16xf32>, vector<16xf32>, vector<16xf32>, vector<16xf32>, vector<16xf32>, vector<16xf32>, vector<16xf32>, vector<16xf32>
      }
      %swap3A = arith.index_cast %while3A_118#0 : i32 to index
      %swap3A_119 = arith.constant 0 : index
      %swap3A_120 = tpu.vector_load %arg9[%swap3A, %swap3A_119] {strides = array<i32>} : memref<264x128xf32, #tpu.memory_space<vmem>>, vector<16xf32>,
      tpu.vector_store %arg9[%swap3A, %swap3A_119], %while3A_118#1 {add = true, strides = array<i32>} : memref<264x128xf32, #tpu.memory_space<vmem>>, vector<16xf32>,
      %swap3A_121 = arith.index_cast %while3A_118#0 : i32 to index
      %swap3A_122 = arith.constant 16 : index
      %swap3A_123 = tpu.vector_load %arg9[%swap3A_121, %swap3A_122] {strides = array<i32>} : memref<264x128xf32, #tpu.memory_space<vmem>>, vector<16xf32>,
      tpu.vector_store %arg9[%swap3A_121, %swap3A_122], %while3A_118#2 {add = true, strides = array<i32>} : memref<264x128xf32, #tpu.memory_space<vmem>>, vector<16xf32>,
      %swap3A_124 = arith.index_cast %while3A_118#0 : i32 to index
      %swap3A_125 = arith.constant 32 : index
      %swap3A_126 = tpu.vector_load %arg9[%swap3A_124, %swap3A_125] {strides = array<i32>} : memref<264x128xf32, #tpu.memory_space<vmem>>, vector<16xf32>,
      tpu.vector_store %arg9[%swap3A_124, %swap3A_125], %while3A_118#3 {add = true, strides = array<i32>} : memref<264x128xf32, #tpu.memory_space<vmem>>, vector<16xf32>,
      %swap3A_127 = arith.index_cast %while3A_118#0 : i32 to index
      %swap3A_128 = arith.constant 48 : index
      %swap3A_129 = tpu.vector_load %arg9[%swap3A_127, %swap3A_128] {strides = array<i32>} : memref<264x128xf32, #tpu.memory_space<vmem>>, vector<16xf32>,
      tpu.vector_store %arg9[%swap3A_127, %swap3A_128], %while3A_118#4 {add = true, strides = array<i32>} : memref<264x128xf32, #tpu.memory_space<vmem>>, vector<16xf32>,
      %swap3A_130 = arith.index_cast %while3A_118#0 : i32 to index
      %swap3A_131 = arith.constant 64 : index
      %swap3A_132 = tpu.vector_load %arg9[%swap3A_130, %swap3A_131] {strides = array<i32>} : memref<264x128xf32, #tpu.memory_space<vmem>>, vector<16xf32>,
      tpu.vector_store %arg9[%swap3A_130, %swap3A_131], %while3A_118#5 {add = true, strides = array<i32>} : memref<264x128xf32, #tpu.memory_space<vmem>>, vector<16xf32>,
      %swap3A_133 = arith.index_cast %while3A_118#0 : i32 to index
      %swap3A_134 = arith.constant 80 : index
      %swap3A_135 = tpu.vector_load %arg9[%swap3A_133, %swap3A_134] {strides = array<i32>} : memref<264x128xf32, #tpu.memory_space<vmem>>, vector<16xf32>,
      tpu.vector_store %arg9[%swap3A_133, %swap3A_134], %while3A_118#6 {add = true, strides = array<i32>} : memref<264x128xf32, #tpu.memory_space<vmem>>, vector<16xf32>,
      %swap3A_136 = arith.index_cast %while3A_118#0 : i32 to index
      %swap3A_137 = arith.constant 96 : index
      %swap3A_138 = tpu.vector_load %arg9[%swap3A_136, %swap3A_137] {strides = array<i32>} : memref<264x128xf32, #tpu.memory_space<vmem>>, vector<16xf32>,
      tpu.vector_store %arg9[%swap3A_136, %swap3A_137], %while3A_118#7 {add = true, strides = array<i32>} : memref<264x128xf32, #tpu.memory_space<vmem>>, vector<16xf32>,
      %swap3A_139 = arith.index_cast %while3A_118#0 : i32 to index
      %swap3A_140 = arith.constant 112 : index
      %swap3A_141 = tpu.vector_load %arg9[%swap3A_139, %swap3A_140] {strides = array<i32>} : memref<264x128xf32, #tpu.memory_space<vmem>>, vector<16xf32>,
      tpu.vector_store %arg9[%swap3A_139, %swap3A_140], %while3A_118#8 {add = true, strides = array<i32>} : memref<264x128xf32, #tpu.memory_space<vmem>>, vector<16xf32>,
      "tpu.region"() ({
        %run_scoped3A = tpu.sem_alloc : memref<!tpu.dma_semaphore, #tpu.memory_space<semaphore_mem>>
        %dma_start3A = arith.constant 0 : i32
        %dma_start3A_142 = arith.constant 0 : i32
        %dma_start3A_143 = tpu.memref_slice %arg6[%add3A_34, %add3A, %dma_start3A, %dma_start3A_142] : memref<2x32x264x128xf32, #tpu.memory_space<hbm>> -> memref<1x1x264x128xf32, #tpu.memory_space<hbm>>
        %dma_start3A_144 = tpu.memref_squeeze %dma_start3A_143 : memref<1x1x264x128xf32, #tpu.memory_space<hbm>> -> memref<264x128xf32, #tpu.memory_space<hbm>>
        %dma_start3A_145 = arith.constant 0 : i32
        %dma_start3A_146 = arith.constant 0 : i32
        %dma_start3A_147 = tpu.memref_slice %arg6[%add3A_34, %add3A, %dma_start3A_145, %dma_start3A_146] : memref<2x32x264x128xf32, #tpu.memory_space<hbm>> -> memref<1x1x264x128xf32, #tpu.memory_space<hbm>>
        %dma_start3A_148 = tpu.memref_squeeze %dma_start3A_147 : memref<1x1x264x128xf32, #tpu.memory_space<hbm>> -> memref<264x128xf32, #tpu.memory_space<hbm>>
        tpu.enqueue_dma source(%arg9 : memref<264x128xf32, #tpu.memory_space<vmem>>) target(%dma_start3A_148 : memref<264x128xf32, #tpu.memory_space<hbm>>) target_semaphore(%run_scoped3A : memref<!tpu.dma_semaphore, #tpu.memory_space<semaphore_mem>>)
        %dma_wait3A = arith.constant 0 : i32
        %dma_wait3A_149 = arith.constant 0 : i32
        %dma_wait3A_150 = tpu.memref_slice %arg6[%add3A_34, %add3A, %dma_wait3A, %dma_wait3A_149] : memref<2x32x264x128xf32, #tpu.memory_space<hbm>> -> memref<1x1x264x128xf32, #tpu.memory_space<hbm>>
        %dma_wait3A_151 = tpu.memref_squeeze %dma_wait3A_150 : memref<1x1x264x128xf32, #tpu.memory_space<hbm>> -> memref<264x128xf32, #tpu.memory_space<hbm>>
        %dma_wait3A_152 = arith.constant 0 : i32
        %dma_wait3A_153 = arith.constant 0 : i32
        %dma_wait3A_154 = tpu.memref_slice %arg6[%add3A_34, %add3A, %dma_wait3A_152, %dma_wait3A_153] : memref<2x32x264x128xf32, #tpu.memory_space<hbm>> -> memref<1x1x264x128xf32, #tpu.memory_space<hbm>>
        %dma_wait3A_155 = tpu.memref_squeeze %dma_wait3A_154 : memref<1x1x264x128xf32, #tpu.memory_space<hbm>> -> memref<264x128xf32, #tpu.memory_space<hbm>>
        tpu.wait_dma2 semaphore(%run_scoped3A : memref<!tpu.dma_semaphore, #tpu.memory_space<semaphore_mem>>) src(%arg9 : memref<264x128xf32, #tpu.memory_space<vmem>>) dst(%dma_wait3A_155 : memref<264x128xf32, #tpu.memory_space<hbm>>)
        tpu.yield
      }) : () -> ()
    }
    %scan3A_29 = arith.constant 2 : i32
    return
  }
}

</mosaic_0001>

<sc_bundles>
// kernel: _segsum.3.cloned.1.call-start
scs
__scs_entry_jumppad:
0x0: {  	(pc) =	sbr.rel $0x88, $3  }
0x1: {  	(tag) =	ssettag $0x0;
	lr =	simm.s32 $0x1  }
0x2: {  	[smem:$0x3F9D] =	sst lr;
	_ =	strace $0xD0000000  }
0x3: {  	_ = 	snop  }
0x4: {  	_ = 	snop  }
0x5: {  	_ = 	snop  }
0x6: {  	_ = 	snop  }
0x7: {  	_ = 	snop  }
__scs_overlays_trampoline_lowered:
0x8: {  	[smem:$0x3FAC] =	sst s0  }
0x9: {  	[smem:$0x3FAD] =	sst s1  }
0xa: {  	[smem:$0x3FAE] =	sst s2  }
0xb: {  	[smem:$0x3FAF] =	sst s3  }
0xc: {  	[smem:$0x3FB0] =	sst s4  }
0xd: {  	[smem:$0x3FB1] =	sst s5  }
0xe: {  	[smem:$0x3FB2] =	sst s6  }
0xf: {  	[smem:$0x3FB3] =	sst s7  }
0x10: {  	[smem:$0x3FB4] =	sst s8  }
0x11: {  	[smem:$0x3FB5] =	sst s9;
	s0 =	simm.s32 @!p0 $0x0  }
0x12: {  	s1 =	sld [smem:$0x3F9B];
	s0 =	simm.s32 @p0 $0x1  }
0x13: {  	[smem:$0x3FB6] =	sst s0;
	s0 =	simm.s32 @!p1 $0x0  }
0x14: {  	s2 =	sld [smem:$0x3F9A];
	s0 =	simm.s32 @p1 $0x1  }
0x15: {  	[smem:$0x3FB7] =	sst s0;
	s0 =	simm.s32 @!p2 $0x0  }
0x16: {  	s3 =	sld [smem:$0x3FDB];
	s0 =	simm.s32 @p2 $0x1  }
0x17: {  	s4 =	simm.s32 $0x1BF5;
	[smem:$0x3FB9] =	sst s0  }
0x18: {  	s0 =	sld [smem:$0x3F9C];
	_ =	swait.ge [sflag:s4], $0x0  }
0x19: {  	s7 =	sld [smem:$0x3F9D]  }
0x1a: {  	s8 =	sadd.s32 $0xFFFFE003, lr  }
0x1b: {  	s9 =	sadd.s32 $0xFFFFFEF7, lr;
	s5 =	simm.s32 $0xFFFFFFFF;
	p2 =	slt.u32 s8, $0xFFFFF086  }
0x1c: {  	p1 =	slt.u32 s9, $0xF7A;
	s5 =	simm.s32 @!p2 $0x0  }
0x1d: {  	s5 =	simm.s32 @p1 $0x1;
	p0 =	seq.s32 s7, s2  }
0x1e: {  	s7 =	smul.u32 @!p0 $0xF7A, s2;
	p2 =	seq.s32 @!p0 s5, $0x0  }
0x1f: {  	s9 =	smul.u32 $0xF7A, s1;
	s8 =	simm.s32 @!p0 $0x1BF5;
	p2 =	por !p2, p0  }
0x20: {  	[sflag:s8] =	ssyncset.s32 @!p0 $0xFFFFF086;
	s6 =	sadd.s32 @!p0 s3, s7;
	s7 =	simm.s32 @!p0 $0x108  }
0x21: {  	s3 =	sadd.s32 s3, s9;
	s6 =	sadd.s32 @!p0 $0x88, s6;
	s7 =	simm.s32 @p2 $0x1082  }
0x22: {  	[simem:s7], [sflag:s8] =	dma.local @!p0 [hbm:s6], $0xF7A  }
0x23: {  	s9 =	sor.u32 $0xD0000000, s2;
	s6 =	simm.s32 $0x108;
	_ =	swait.ge @!p0 [sflag:s8], $0x0  }
0x24: {  	s3 =	sadd.s32 $0x88, s3;
	s6 =	simm.s32 @!p1 $0x1082;
	[sflag:s4] =	ssyncset.s32 $0xFFFFF086  }
0x25: {  	[simem:s6], [sflag:s4] =	dma.local [hbm:s3], $0xF7A  }
0x26: {  	[smem:$0x3F9D] =	sst s1;
	(tag) =	ssettag s2;
	_ =	strace s9  }
0x27: {  	s1 =	sld [smem:$0x3FAD]  }
0x28: {  	s2 =	sld [smem:$0x3FAE]  }
0x29: {  	s4 =	sld [smem:$0x3FB0]  }
0x2a: {  	p0 =	seq.s32 s5, $0x0;
	s5 =	sld [smem:$0x3FB1]  }
0x2b: {  	s6 =	sld [smem:$0x3FB2]  }
0x2c: {  	s7 =	sld [smem:$0x3FB3]  }
0x2d: {  	s3 =	simm.s32 $0x108;
	s8 =	sld [smem:$0x3FB4]  }
0x2e: {  	s3 =	simm.s32 @!p0 $0x1082;
	s9 =	sld [smem:$0x3FB5]  }
0x2f: {  	lr =	sadd.s32 s0, s3;
	s0 =	sld [smem:$0x3FAC]  }
0x30: {  	s3 =	sld [smem:$0x3FAF]  }
0x31: {  	[smem:$0x3FB8] =	sst s10  }
0x32: {  	s10 =	sld [smem:$0x3FB6];
	_ =	sdelay $0x3  }
0x33: {  	p0 =	seq.s32 s10, $0x1;
	s10 =	sld [smem:$0x3FB8];
	_ =	sdelay $0x3  }
0x34: {  	[smem:$0x3FB8] =	sst s10  }
0x35: {  	s10 =	sld [smem:$0x3FB7];
	_ =	sdelay $0x3  }
0x36: {  	p1 =	seq.s32 s10, $0x1;
	s10 =	sld [smem:$0x3FB8];
	_ =	sdelay $0x3  }
0x37: {  	[smem:$0x3FB8] =	sst s10  }
0x38: {  	s10 =	sld [smem:$0x3FB9]  }
0x39: {  	_ = 	snop;
	(pc) =	sbr.ind lr, $3  }
0x3a: {  	_ = 	snop  }
0x3b: {  	_ = 	snop  }
0x3c: {  	p2 =	seq.s32 s10, $0x1;
	s10 =	sld [smem:$0x3FB8]  }
0x3d: {  	_ =	shalt  }
0x3e: {  	_ =	shalt  }
0x3f: {  	_ =	shalt  }
0x40: {  	_ =	shalt  }
0x41: {  	_ =	shalt  }
0x42: {  	_ =	shalt  }
0x43: {  	_ =	shalt  }
0x44: {  	_ =	shalt  }
0x45: {  	_ =	shalt  }
0x46: {  	_ =	shalt  }
0x47: {  	_ =	shalt  }
0x48: {  	_ =	shalt  }
0x49: {  	_ =	shalt  }
0x4a: {  	_ =	shalt  }
0x4b: {  	_ =	shalt  }
0x4c: {  	_ =	shalt  }
0x4d: {  	_ =	shalt  }
0x4e: {  	_ =	shalt  }
0x4f: {  	_ =	shalt  }
0x50: {  	_ =	shalt  }
0x51: {  	_ =	shalt  }
0x52: {  	_ =	shalt  }
0x53: {  	_ =	shalt  }
0x54: {  	_ =	shalt  }
0x55: {  	_ =	shalt  }
0x56: {  	_ =	shalt  }
0x57: {  	_ =	shalt  }
0x58: {  	_ =	shalt  }
0x59: {  	_ =	shalt  }
0x5a: {  	_ =	shalt  }
0x5b: {  	_ =	shalt  }
0x5c: {  	_ =	shalt  }
0x5d: {  	_ =	shalt  }
0x5e: {  	_ =	shalt  }
0x5f: {  	_ =	shalt  }
0x60: {  	_ =	shalt  }
0x61: {  	_ =	shalt  }
0x62: {  	_ =	shalt  }
0x63: {  	_ =	shalt  }
0x64: {  	_ =	shalt  }
0x65: {  	_ =	shalt  }
0x66: {  	_ =	shalt  }
0x67: {  	_ =	shalt  }
0x68: {  	_ =	shalt  }
0x69: {  	_ =	shalt  }
0x6a: {  	_ =	shalt  }
0x6b: {  	_ =	shalt  }
0x6c: {  	_ =	shalt  }
0x6d: {  	_ =	shalt  }
0x6e: {  	_ =	shalt  }
0x6f: {  	_ =	shalt  }
0x70: {  	_ =	shalt  }
0x71: {  	_ =	shalt  }
0x72: {  	_ =	shalt  }
0x73: {  	_ =	shalt  }
0x74: {  	_ =	shalt  }
0x75: {  	_ =	shalt  }
0x76: {  	_ =	shalt  }
0x77: {  	_ =	shalt  }
0x78: {  	_ =	shalt  }
0x79: {  	_ =	shalt  }
0x7a: {  	_ =	shalt  }
0x7b: {  	_ =	shalt  }
0x7c: {  	_ =	shalt  }
0x7d: {  	_ =	shalt  }
0x7e: {  	_ =	shalt  }
0x7f: {  	_ =	shalt  }
0x80: {  	_ =	shalt  }
0x81: {  	_ =	shalt  }
0x82: {  	_ =	shalt  }
0x83: {  	_ =	shalt  }
0x84: {  	_ =	shalt  }
0x85: {  	_ =	shalt  }
0x86: {  	_ =	shalt  }
0x87: {  	_ =	shalt  }
.Lfunc_end0:
.L_simem_size_0:
called_computation_lowered:
.L_overlay_start_0:
0x88: {  	s2 =	sld [smem:$0x3FD9]  }
0x89: {  	s3 =	sld [smem:$0x3FFE];
	_ =	sdelay $0x1  }
0x8a: {  	s1 =	srdreg.scid  }
0x8b: {  	s0 =	sand.u32 $0x1, s1  }
0x8c: {  	s18 =	sshll.u32 s0, $0xA;
	s2 =	sadd.s32 s3, s2  }
0x8d: {  	s2 =	sadd.s32 s2, s18  }
0x8e: {  	[smem:$0x3FC4] =	sst s2  }
0x8f: {  	_ = 	snop  }
0x90: {  	s2 =	sld [smem:$0x3FC9]  }
0x91: {  	s19 =	sld [smem:$0x3FC8]  }
0x92: {  	s4 =	sld [smem:$0x3FC7]  }
0x93: {  	s5 =	sld [smem:$0x3FC6]  }
0x94: {  	s6 =	sld [smem:$0x3FD0];
	(tm) =	ssettm $0x1  }
0x95: {  	s7 =	sld [smem:$0x3FFB];
	_ =	sdelay $0x3  }
0x96: {  	_ =	strace s7  }
0x97: {  	s7 =	sld [smem:$0x3FFC];
	_ =	sdelay $0x3  }
0x98: {  	_ =	strace s7  }
0x99: {  	s7 =	sld [smem:$0x3FFD];
	_ =	sdelay $0x3  }
0x9a: {  	_ =	strace s7  }
0x9b: {  	_ =	strace $0x8FFFFFFF  }
0x9c: {  	s20 =	sld [smem:$0x3FDB];
	_ =	sdelay $0x1  }
0x9d: {  	s8 =	simm.s32 $_scs_section_size  }
0x9e: {  	s9 =	simm.s32 $_size__tile_overlayer_lowered;
	s10 =	simm.s32 $_tile_overlayer_lowered  }
0x9f: {  	s23 =	simm.s32 $0x1BFF;
	s22 =	sshll.u32 s10, $0x1;
	s7 =	sadd.s32 s8, s20  }
0xa0: {  	s11 =	simm.s32 $0x0;
	s21 =	sshll.u32 s9, $0x1;
	s9 =	sadd.s32 s22, s7  }
0xa1: {  	[timem:s11], [sflag:s23] =	dma.local [hbm:s9], s21  }
0xa2: {  	_ =	swait.ge [sflag:s23], s21  }
0xa3: {  	s8 =	ssub.s32 $0x0, s21;
	[sflag:s23] =	ssyncset.done $0x0  }
0xa4: {  	[sflag:s23] =	ssyncadd.s32 s8;
	_ =	sdelay $0x1  }
0xa5: {  	s24 =	simm.s32 $0x1B8B  }
0xa6: {  	_ =	swait.ge [sflag:s24], $0x1  }
0xa7: {  	[sflag:s24] =	ssyncset.done $0x0  }
0xa8: {  	s25 =	simm.s32 $0x1B8E;
	[sflag:s24] =	ssyncadd.s32 $0xFFFFFFFF  }
0xa9: {  	s26 =	simm.s32 $execute0_lowered;
	[smem:$0x3FD2] =	sst s25  }
0xaa: {  	s8 =	sshll.u32 s26, $0x1;
	_ =	strace $0x80000046;
	[dreg:$0x1] =	wrdreg $0xFFFFFFFF  }
0xab: {  	s28 =	simm.s32 $_size_execute0_lowered;
	s7 =	sadd.s32 s7, s8;
	[dreg:$0x0] =	wrdreg $0x0  }
0xac: {  	s8 =	sshll.u32 s28, $0x1;
	[dreg:$0x2] =	wrdreg s7  }
0xad: {  	[dreg:$0x3] =	wrdreg s8  }
0xae: {  	[dreg:$0x4] =	wrdreg $0xC0  }
0xaf: {  	_ =	task [dreg:s11], $0x5FFFF  }
0xb0: {  	[dreg:$0x1] =	wrdreg $0xFFFFFFFF  }
0xb1: {  	[dreg:$0x0] =	wrdreg $0x60  }
0xb2: {  	[dreg:$0x2] =	wrdreg s2  }
0xb3: {  	[dreg:$0x3] =	wrdreg s19  }
0xb4: {  	[dreg:$0x4] =	wrdreg s4  }
0xb5: {  	[dreg:$0x5] =	wrdreg s5  }
0xb6: {  	[dreg:$0x6] =	wrdreg s6  }
0xb7: {  	[dreg:$0x7] =	wrdreg $0x9  }
0xb8: {  	_ =	task.clear_ibuf [dreg:s11], $0x8FFFF;
	_ =	strace $0x90000046  }
0xb9: {  	s29 =	simm.s32 $0x9;
	_ =	strace $0x80000048  }
0xba: {  	_ =	swait.ge [sflag:s29], $0x1  }
0xbb: {  	[sflag:s29] =	ssyncadd.s32 $0xFFFFFFFF  }
0xbc: {  	_ =	strace $0x90000048  }
0xbd: {  	_ =	sfence  }
0xbe: {  	s30 =	sld [smem:$0x0];
	_ =	sdelay $0x2  }
0xbf: {  	s31 =	sshll.u32 s1, $0xD;
	s1 =	sshrl.u32 s1, $0x2  }
0xc0: {  	s3 =	sand.u32 $0x4000, s31;
	s1 =	sadd.s32 s1, s30  }
0xc1: {  	s0 =	sor.u32 s3, s0;
	s1 =	sshll.u32 s1, $0x11  }
0xc2: {  	s0 =	sor.u32 s1, s0  }
0xc3: {  	s0 =	sadd.s32 $0x8F2B, s0  }
0xc4: {  	[sflag:s0] =	ssyncadd.remote.s32 $0x1  }
0xc5: {  	_ =	sfence.sel $0xFFFF  }
0xc6: {  	[dreg:$0x0] =	wrdreg $0xFFFFFFFF;
	(pc) =	sbr.abs _section_cstart, $3  }
0xc7: {  	[dreg:$0x1] =	wrdreg $0xFFFFFFFF  }
0xc8: {  	_ =	task.clear_ibuf [dreg:s11], $0x2FFFF;
	_ =	strace $0x9FFFFFFF  }
0xc9: {  	(tm) =	ssettm $0x7FFFFFFF  }
tec
execute0_lowered:
.L_overlay_start_1:
0x0: {  	(tag) =	ssettag $0x1  }
0x1: {  	s15 =	rddreg [dreg:$0x0]  }
0x2: {  	s18 =	rddreg [dreg:$0x1]  }
0x3: {  	s0 =	srdreg.scid;
	s4 =	rddreg [dreg:$0x2]  }
0x4: {  	s1 =	stileid.u32;
	s29 =	rddreg [dreg:$0x3];
	s7 =	simm.s32 $0x0  }
0x5: {  	s22 =	simm.s32 $0x1;
	s23 =	simm.s32 $0x14C80;
	s24 =	simm.s32 $0x2  }
0x6: {  	s0 =	sand.u32 $0x1, s0;
	s2 =	sshll.u32 s1, $0x1;
	[smem:$0x7FF] =	sst s7  }
0x7: {  	s11 =	smul.u32 $0xFE70, s1;
	s13 =	sadd.s32 $0x3070, s29;
	s6 =	smov.u32 s15  }
0x8: {  	s1 =	simm.s32 $0x0;
	s3 =	sor.u32 s0, s2;
	s9 =	ssub.s32 $0x2, s0  }
0x9: {  	p0 =	seq.s32 s0, $0x1;
	s0 =	simm.s32 $0x17A0;
	s5 =	smul.u32 $0xC8, s3  }
0xa: {  	_ =	strace $0x80000047;
	s14 =	smul.u32 $0xC800, s3;
	s0 =	simm.s32 @!p0 $0x1868  }
0xb: {  	s17 =	smul.u32 $0x190, s3;
	s0 =	sadd.s32 s0, s11;
	s8 =	ssub.s32 $0x186A, s5  }
0xc: {  	s19 =	smul.u32 $0x8400, s3;
	s0 =	sor.u32 $0x2, s0;
	s8 =	sand.u32 $0xFFFA, s8  }
0xd: {  	s10 =	sshrl.u32 s9, $0x1;
	s0 =	sand.u32 $0xFFFA, s0;
	s8 =	smul.u32 $0x199A, s8  }
0xe: {  	s21 =	ssub.s32 s9, s10;
	s12 =	sadd.s32 s29, s17;
	s0 =	smul.u32 $0xCCCD, s0  }
.Ltmp0:
0xf: {  	s17 =	sadd.s32 s18, s17;
	s31 =	smax.u32 s21, $0x1;
	(pc) =	sbr.rel .LBB2_1-.Ltmp0, $4  }
0x10: {  	s18 =	sadd.s32 $0x3070, s18;
	[dreg:$0x6] =	wrdreg s31;
	s30 =	sshrl.u32 s8, $0x10  }
0x11: {  	s8 =	sadd.s32 s4, s14;
	s14 =	sadd.s32 s15, s14;
	s0 =	sshrl.u32 s0, $0x13  }
0x12: {  	s9 =	smin.u32 s30, $0x14;
	s10 =	sadd.s32 $0xA00, s8;
	s11 =	sadd.s32 $0x1400, s8  }
0x13: {  	v16 =	vimm.f32 $0.0e+00;
	s15 =	sadd.s32 $0xA00, s14;
	s16 =	sadd.s32 $0x1400, s14;
	s20 =	smin.u32 s0, $0x14  }
.LBB2_12:
0x14: {  	s1 =	rddreg [dreg:$0x7]  }
0x15: {  	s0 =	rddreg [dreg:$0x6];
	s1 =	sadd.s32 $0x1, s1  }
0x16: {  	p0 =	sne.s32 s1, s0  }
.Ltmp1:
0x17: {  	_ = 	snop;
	(pc) =	sbr.rel @!p0 .LBB2_13-.Ltmp1, $1  }
0x18: {  	_ =	sdelay $0x3  }
.LBB2_1:
.Ltmp2:
0x19: {  	(pc) =	sbr.rel .LBB2_2-.Ltmp2, $2  }
0x1a: {  	_ =	sdelay $0x2  }
0x1b: {  	[dreg:$0x7] =	wrdreg s1;
	p1 =	por $0x1, $0x1;
	s26 =	simm.s32 $0x0  }
.LBB2_11:
0x1c: {  	s0 =	sshll.u32 s25, $0x9  }
0x1d: {  	s0 =	sshra.s32 s0, $0x2  }
0x1e: {  	[tilespmem:s0+$0x14C80] =	vst.add.f32.msk $0xffff, v9  }
0x1f: {  	[tilespmem:s0+$0x14C90] =	vst.add.f32.msk $0xffff, v8  }
0x20: {  	[tilespmem:s0+$0x14CA0] =	vst.add.f32.msk $0xffff, v7  }
0x21: {  	[tilespmem:s0+$0x14CB0] =	vst.add.f32.msk $0xffff, v6  }
0x22: {  	[tilespmem:s0+$0x14CC0] =	vst.add.f32.msk $0xffff, v5  }
0x23: {  	s1 =	sadd.s32 s19, s26;
	[tilespmem:s0+$0x14CD0] =	vst.add.f32.msk $0xffff, v4  }
0x24: {  	s31 =	rddreg [dreg:$0x4];
	s1 =	sshrl.u32 s1, $0x3;
	[tilespmem:s0+$0x14CE0] =	vst.add.f32.msk $0xffff, v27  }
.Ltmp3:
0x25: {  	[tilespmem:s0+$0x14CF0] =	vst.add.f32.msk $0xffff, v2;
	s0 =	sadd.s32 s31, s1;
	(pc) =	sbr.rel @!p0 .LBB2_12-.Ltmp3, $4  }
0x26: {  	[hbm4b:s0+s7] =	stream.linear.scatter [tilespmem:s23], [sflag:$0x2], $0x8400, $0x38;
	[tilespmem:$0x1D080] =	vst v63  }
0x27: {  	_ =	swait.ge [sflag:s24], $0x8400  }
0x28: {  	[sflag:s24] =	ssyncset.done $0x0  }
0x29: {  	s26 =	simm.s32 $0x108000;
	p1 =	por $0x0, $0x0;
	[sflag:s24] =	ssyncadd.s32 $0xFFFF7C00  }
.LBB2_2:
0x2a: {  	s0 =	simm.s32 @!p1 $0x0  }
0x2b: {  	[tilespmem:s0], [sflag:$0x1] =	stream.linear.gather @!p1 [hbm4b:s8+s0], $0x5000, $0x38;
	[tilespmem:$0x1D080] =	vst v63  }
0x2c: {  	s2 =	simm.s32 @!p1 $0x5000  }
0x2d: {  	[tilespmem:s2], [sflag:$0x1] =	stream.linear.gather @!p1 [hbm4b:s10+s0], $0x5000, $0x38;
	[tilespmem:$0x1D080] =	vst v63  }
0x2e: {  	p0 =	por p1, p1;
	p1 =	seq.s32 @!p1 s3, $0x1F  }
0x2f: {  	s2 =	simm.s32 @!p0 $0xA000;
	p2 =	por !p1, p0  }
0x30: {  	[tilespmem:s2], [sflag:$0x1] =	stream.linear.gather @!p0 [hbm4b:s11+s0], $0x5000, $0x38;
	[tilespmem:$0x1D080] =	vst v63  }
0x31: {  	s0 =	simm.s32 @!p2 $0x0;
	s2 =	simm.s32 @!p2 $0x14000  }
0x32: {  	[tilespmem:s2], [sflag:$0x2] =	stream.linear.gather @!p2 [hbm4b:s13+s0], $0x320, $0x38;
	[tilespmem:$0x1D080] =	vst v63  }
0x33: {  	s0 =	simm.s32 @!p2 $0x2  }
0x34: {  	_ =	swait.ge @!p2 [sflag:s0], $0x320  }
0x35: {  	p1 =	por p1, p0;
	[sflag:s0] =	ssyncset.done @!p2 $0x0  }
0x36: {  	s2 =	simm.s32 @!p1 $0x14000;
	[sflag:s0] =	ssyncadd.s32 @!p2 $0xFFFFFCE0;
	s0 =	simm.s32 @!p1 $0x0  }
0x37: {  	[tilespmem:s2], [sflag:$0x2] =	stream.linear.gather @!p1 [hbm4b:s12+s0], $0xC80, $0x38;
	[tilespmem:$0x1D080] =	vst v63  }
0x38: {  	s0 =	simm.s32 @!p1 $0x2  }
0x39: {  	_ =	swait.ge @!p1 [sflag:s0], $0xC80  }
0x3a: {  	[sflag:s0] =	ssyncset.done @!p1 $0x0  }
0x3b: {  	[sflag:s0] =	ssyncadd.s32 @!p1 $0xFFFFF380;
	s0 =	simm.s32 @p0 $0x0  }
0x3c: {  	[tilespmem:s0], [sflag:$0x1] =	stream.linear.gather @p0 [hbm4b:s14+s0], $0x5000, $0x38;
	[tilespmem:$0x1D080] =	vst v63  }
0x3d: {  	s2 =	simm.s32 @p0 $0x5000;
	p1 =	seq.s32 @p0 s3, $0x1F  }
0x3e: {  	[tilespmem:s2], [sflag:$0x1] =	stream.linear.gather @p0 [hbm4b:s15+s0], $0x5000, $0x38;
	[tilespmem:$0x1D080] =	vst v63  }
0x3f: {  	p2 =	por !p1, !p0;
	s2 =	simm.s32 @p0 $0xA000  }
0x40: {  	[tilespmem:s2], [sflag:$0x1] =	stream.linear.gather @p0 [hbm4b:s16+s0], $0x5000, $0x38;
	[tilespmem:$0x1D080] =	vst v63  }
0x41: {  	s0 =	simm.s32 @!p2 $0x0;
	s2 =	simm.s32 @!p2 $0x14000  }
0x42: {  	[tilespmem:s2], [sflag:$0x2] =	stream.linear.gather @!p2 [hbm4b:s18+s0], $0x320, $0x38;
	[tilespmem:$0x1D080] =	vst v63  }
0x43: {  	s0 =	simm.s32 @!p2 $0x2  }
0x44: {  	_ =	swait.ge @!p2 [sflag:s0], $0x320  }
0x45: {  	p1 =	por p1, !p0;
	[sflag:s0] =	ssyncset.done @!p2 $0x0  }
0x46: {  	s2 =	simm.s32 @!p1 $0x14000;
	[sflag:s0] =	ssyncadd.s32 @!p2 $0xFFFFFCE0;
	s0 =	simm.s32 @!p1 $0x0  }
0x47: {  	[tilespmem:s2], [sflag:$0x2] =	stream.linear.gather @!p1 [hbm4b:s17+s0], $0xC80, $0x38;
	[tilespmem:$0x1D080] =	vst v63  }
0x48: {  	s0 =	simm.s32 @!p1 $0x2  }
0x49: {  	_ =	swait.ge @!p1 [sflag:s0], $0xC80  }
0x4a: {  	[sflag:s0] =	ssyncset.done @!p1 $0x0  }
0x4b: {  	s2 =	simm.s32 $0x200;
	[sflag:s0] =	ssyncadd.s32 @!p1 $0xFFFFF380;
	s0 =	simm.s32 $0x0  }
.LBB2_3:
0x4c: {  	p1 =	sne.s32 s2, $0x20E00;
	[tilespmem:s0+$0x14CF0] =	vst v16  }
0x4d: {  	[tilespmem:s0+$0x14C80] =	vst v16  }
0x4e: {  	[tilespmem:s0+$0x14C90] =	vst v16  }
.Ltmp4:
0x4f: {  	[tilespmem:s0+$0x14CA0] =	vst v16;
	(pc) =	sbr.rel @p1 .LBB2_3-.Ltmp4, $4  }
0x50: {  	[tilespmem:s0+$0x14CB0] =	vst v16  }
0x51: {  	[tilespmem:s0+$0x14CC0] =	vst v16  }
0x52: {  	[tilespmem:s0+$0x14CD0] =	vst v16  }
0x53: {  	[tilespmem:s0+$0x14CE0] =	vst v16;
	s0 =	sshra.s32 s2, $0x2;
	s2 =	sadd.s32 $0x200, s2  }
0x54: {  	[tilespmem:s0+$0x14CF0] =	vst v16  }
0x55: {  	[tilespmem:s0+$0x14C80] =	vst v16  }
0x56: {  	[tilespmem:s0+$0x14C90] =	vst v16  }
0x57: {  	[tilespmem:s0+$0x14CA0] =	vst v16  }
0x58: {  	[tilespmem:s0+$0x14CB0] =	vst v16  }
0x59: {  	[tilespmem:s0+$0x14CC0] =	vst v16  }
0x5a: {  	[tilespmem:s0+$0x14CD0] =	vst v16  }
0x5b: {  	[tilespmem:s0+$0x14CE0] =	vst v16  }
0x5c: {  	v1 =	vld [tilespmem:$0x14000];
	_ =	sdelay $0x4  }
0x5d: {  	(v2sf) =	vpush v1, $0x0;
	_ =	sdelay $0xa  }
.Ltmp5:
0x5e: {  	_ = 	snop;
	(pc) =	sbr.rel .LBB2_5-.Ltmp5, $4  }
0x5f: {  	_ = 	snop  }
0x60: {  	v2 =	vimm.f32 $0.0e+00;
	v27 =	vimm.f32 $0.0e+00  }
0x61: {  	s28 =	smov.u32 s4;
	v4 =	vimm.f32 $0.0e+00;
	v5 =	vimm.f32 $0.0e+00;
	v6 =	vimm.f32 $0.0e+00  }
0x62: {  	s29 =	simm.s32 $0x0;
	v7 =	vimm.f32 $0.0e+00;
	v8 =	vimm.f32 $0.0e+00;
	v9 =	vimm.f32 $0.0e+00;
	s28 =	smov.u32 @p0 s6;
	s25 =	spop (v2sf)  }
.LBB2_10:
0x63: {  	s29 =	sadd.s32 $0x1, s29  }
0x64: {  	p1 =	sne.s32 s29, s20  }
.Ltmp6:
0x65: {  	_ = 	snop;
	(pc) =	sbr.rel @!p1 .LBB2_11-.Ltmp6, $1  }
0x66: {  	_ =	sdelay $0x3  }
.LBB2_5:
0x67: {  	s0 =	sadd.s32 $0x3, s29  }
0x68: {  	p1 =	sge.u32 s0, s9  }
0x69: {  	s2 =	smul.u32 @!p1 $0xA, s0;
	_ =	sdelay $0x1  }
0x6a: {  	_ =	swait.ge [sflag:s22], $0x5000;
	s0 =	sand.u32 @!p1 $0x3, s0;
	s2 =	sadd.s32 @!p1 s5, s2  }
0x6b: {  	[sflag:s22] =	ssyncset.done $0x0;
	s0 =	smul.u32 @!p1 $0x14000, s0;
	s2 =	sshll.u32 @!p1 s2, $0x8  }
.Ltmp7:
0x6c: {  	[sflag:s22] =	ssyncadd.s32 $0xFFFFB000;
	s2 =	sand.u32 @!p1 $0x1FFFFE00, s2;
	(pc) =	sbr.rel .LBB2_6-.Ltmp7, $4  }
0x6d: {  	s21 =	simm.s32 @!p1 $0x0;
	s0 =	sshrl.u32 @!p1 s0, $0x2;
	s2 =	sadd.s32 @!p1 s28, s2  }
0x6e: {  	[tilespmem:s0], [sflag:$0x1] =	stream.linear.gather @!p1 [hbm4b:s2+s21], $0x5000, $0x38;
	[tilespmem:$0x1D080] =	vst v63  }
0x6f: {  	s31 =	smul.u32 $0xA, s29;
	s21 =	sand.u32 $0x3, s29  }
0x70: {  	s2 =	simm.s32 $0x0;
	s30 =	smul.u32 $0xA0, s21  }
.LBB2_8:
0x71: {  	(v2sf) =	vpush v1, $0x0;
	_ =	sdelay $0xe  }
0x72: {  	s1 =	spop (v2sf)  }
0x73: {  	(v2sf) =	vpush v1, $0x1;
	p2 =	seq.s32 s1, s25  }
0x74: {  	s21 =	sshll.u32 @!p2 s25, $0x9  }
0x75: {  	s21 =	sshra.s32 @!p2 s21, $0x2  }
0x76: {  	[tilespmem:s21+$0x14C80] =	vst.add.f32.msk @!p2 $0xffff, v9  }
0x77: {  	[tilespmem:s21+$0x14C90] =	vst.add.f32.msk @!p2 $0xffff, v8  }
0x78: {  	[tilespmem:s21+$0x14CA0] =	vst.add.f32.msk @!p2 $0xffff, v7  }
0x79: {  	[tilespmem:s21+$0x14CB0] =	vst.add.f32.msk @!p2 $0xffff, v6  }
0x7a: {  	[tilespmem:s21+$0x14CC0] =	vst.add.f32.msk @!p2 $0xffff, v5  }
0x7b: {  	[tilespmem:s21+$0x14CD0] =	vst.add.f32.msk @!p2 $0xffff, v4  }
0x7c: {  	[tilespmem:s21+$0x14CE0] =	vst.add.f32.msk @!p2 $0xffff, v27  }
0x7d: {  	[tilespmem:s21+$0x14CF0] =	vst.add.f32.msk @!p2 $0xffff, v2;
	s21 =	sshrl.u32 s0, $0x2  }
0x7e: {  	v0 =	vld [tilespmem:s21+$0x0]  }
0x7f: {  	v3 =	vld [tilespmem:s21+$0x10]  }
0x80: {  	v10 =	vld [tilespmem:s21+$0x20]  }
0x81: {  	v11 =	vld [tilespmem:s21+$0x30]  }
0x82: {  	v12 =	vld [tilespmem:s21+$0x40];
	s25 =	spop (v2sf)  }
0x83: {  	v9 =	vpsel !p2, $0x0, v9;
	v13 =	vld [tilespmem:s21+$0x50];
	(v2sf) =	vpush v1, $0x2;
	p1 =	seq.s32 s25, s1  }
0x84: {  	v8 =	vpsel !p2, $0x0, v8;
	v0 =	vadd.f32 v0, v9;
	v9 =	vld [tilespmem:s21+$0x60];
	s1 =	sshll.u32 @!p1 s1, $0x9  }
0x85: {  	v7 =	vpsel !p2, $0x0, v7;
	v3 =	vadd.f32 v3, v8;
	v8 =	vld [tilespmem:s21+$0x70];
	s1 =	sshra.s32 @!p1 s1, $0x2  }
0x86: {  	v6 =	vpsel !p2, $0x0, v6;
	v7 =	vadd.f32 v10, v7;
	[tilespmem:s1+$0x14C80] =	vst.add.f32.msk @!p1 $0xffff, v0  }
0x87: {  	v5 =	vpsel !p2, $0x0, v5;
	v6 =	vadd.f32 v11, v6;
	[tilespmem:s1+$0x14C90] =	vst.add.f32.msk @!p1 $0xffff, v3  }
0x88: {  	v4 =	vpsel !p2, $0x0, v4;
	v5 =	vadd.f32 v12, v5;
	[tilespmem:s1+$0x14CA0] =	vst.add.f32.msk @!p1 $0xffff, v7  }
0x89: {  	v10 =	vpsel !p2, $0x0, v27;
	v4 =	vadd.f32 v13, v4;
	[tilespmem:s1+$0x14CB0] =	vst.add.f32.msk @!p1 $0xffff, v6  }
0x8a: {  	v2 =	vpsel !p2, $0x0, v2;
	v9 =	vadd.f32 v9, v10;
	[tilespmem:s1+$0x14CC0] =	vst.add.f32.msk @!p1 $0xffff, v5  }
0x8b: {  	v2 =	vadd.f32 v8, v2;
	[tilespmem:s1+$0x14CD0] =	vst.add.f32.msk @!p1 $0xffff, v4  }
0x8c: {  	[tilespmem:s1+$0x14CE0] =	vst.add.f32.msk @!p1 $0xffff, v9  }
0x8d: {  	[tilespmem:s1+$0x14CF0] =	vst.add.f32.msk @!p1 $0xffff, v2  }
0x8e: {  	v8 =	vld [tilespmem:s21+$0x80]  }
0x8f: {  	v10 =	vld [tilespmem:s21+$0x90]  }
0x90: {  	v11 =	vld [tilespmem:s21+$0xA0]  }
0x91: {  	v59 =	vld [tilespmem:s21+$0xB0]  }
0x92: {  	v60 =	vld [tilespmem:s21+$0xC0];
	s1 =	spop (v2sf)  }
0x93: {  	v0 =	vpsel !p1, $0x0, v0;
	v14 =	vld [tilespmem:s21+$0xD0];
	(v2sf) =	vpush v1, $0x3;
	p2 =	seq.s32 s1, s25  }
0x94: {  	v3 =	vpsel !p1, $0x0, v3;
	v0 =	vadd.f32 v8, v0;
	v8 =	vld [tilespmem:s21+$0xE0];
	s25 =	sshll.u32 @!p2 s25, $0x9  }
0x95: {  	v7 =	vpsel !p1, $0x0, v7;
	v3 =	vadd.f32 v10, v3;
	v10 =	vld [tilespmem:s21+$0xF0];
	s25 =	sshra.s32 @!p2 s25, $0x2  }
0x96: {  	v6 =	vpsel !p1, $0x0, v6;
	v7 =	vadd.f32 v11, v7;
	[tilespmem:s25+$0x14C80] =	vst.add.f32.msk @!p2 $0xffff, v0  }
0x97: {  	v5 =	vpsel !p1, $0x0, v5;
	v6 =	vadd.f32 v59, v6;
	[tilespmem:s25+$0x14C90] =	vst.add.f32.msk @!p2 $0xffff, v3  }
0x98: {  	v4 =	vpsel !p1, $0x0, v4;
	v5 =	vadd.f32 v60, v5;
	[tilespmem:s25+$0x14CA0] =	vst.add.f32.msk @!p2 $0xffff, v7  }
0x99: {  	v9 =	vpsel !p1, $0x0, v9;
	v4 =	vadd.f32 v14, v4;
	[tilespmem:s25+$0x14CB0] =	vst.add.f32.msk @!p2 $0xffff, v6  }
0x9a: {  	v2 =	vpsel !p1, $0x0, v2;
	v8 =	vadd.f32 v8, v9;
	[tilespmem:s25+$0x14CC0] =	vst.add.f32.msk @!p2 $0xffff, v5  }
0x9b: {  	v2 =	vadd.f32 v10, v2;
	[tilespmem:s25+$0x14CD0] =	vst.add.f32.msk @!p2 $0xffff, v4  }
0x9c: {  	[tilespmem:s25+$0x14CE0] =	vst.add.f32.msk @!p2 $0xffff, v8  }
0x9d: {  	[tilespmem:s25+$0x14CF0] =	vst.add.f32.msk @!p2 $0xffff, v2  }
0x9e: {  	v9 =	vld [tilespmem:s21+$0x100]  }
0x9f: {  	v10 =	vld [tilespmem:s21+$0x110]  }
0xa0: {  	v11 =	vld [tilespmem:s21+$0x120]  }
0xa1: {  	v61 =	vld [tilespmem:s21+$0x130]  }
0xa2: {  	v62 =	vld [tilespmem:s21+$0x140];
	s25 =	spop (v2sf)  }
0xa3: {  	v0 =	vpsel !p2, $0x0, v0;
	v63 =	vld [tilespmem:s21+$0x150];
	(v2sf) =	vpush v1, $0x4;
	p1 =	seq.s32 s25, s1  }
0xa4: {  	v3 =	vpsel !p2, $0x0, v3;
	v0 =	vadd.f32 v9, v0;
	v9 =	vld [tilespmem:s21+$0x160];
	s1 =	sshll.u32 @!p1 s1, $0x9  }
0xa5: {  	v7 =	vpsel !p2, $0x0, v7;
	v3 =	vadd.f32 v10, v3;
	v10 =	vld [tilespmem:s21+$0x170];
	s1 =	sshra.s32 @!p1 s1, $0x2  }
0xa6: {  	v6 =	vpsel !p2, $0x0, v6;
	v7 =	vadd.f32 v11, v7;
	[tilespmem:s1+$0x14C80] =	vst.add.f32.msk @!p1 $0xffff, v0  }
0xa7: {  	v5 =	vpsel !p2, $0x0, v5;
	v6 =	vadd.f32 v61, v6;
	[tilespmem:s1+$0x14C90] =	vst.add.f32.msk @!p1 $0xffff, v3  }
0xa8: {  	v4 =	vpsel !p2, $0x0, v4;
	v5 =	vadd.f32 v62, v5;
	[tilespmem:s1+$0x14CA0] =	vst.add.f32.msk @!p1 $0xffff, v7  }
0xa9: {  	v8 =	vpsel !p2, $0x0, v8;
	v4 =	vadd.f32 v63, v4;
	[tilespmem:s1+$0x14CB0] =	vst.add.f32.msk @!p1 $0xffff, v6  }
0xaa: {  	v2 =	vpsel !p2, $0x0, v2;
	v8 =	vadd.f32 v9, v8;
	[tilespmem:s1+$0x14CC0] =	vst.add.f32.msk @!p1 $0xffff, v5  }
0xab: {  	v2 =	vadd.f32 v10, v2;
	[tilespmem:s1+$0x14CD0] =	vst.add.f32.msk @!p1 $0xffff, v4  }
0xac: {  	[tilespmem:s1+$0x14CE0] =	vst.add.f32.msk @!p1 $0xffff, v8  }
0xad: {  	[tilespmem:s1+$0x14CF0] =	vst.add.f32.msk @!p1 $0xffff, v2  }
0xae: {  	v9 =	vld [tilespmem:s21+$0x180]  }
0xaf: {  	v10 =	vld [tilespmem:s21+$0x190]  }
0xb0: {  	v11 =	vld [tilespmem:s21+$0x1A0]  }
0xb1: {  	v20 =	vld [tilespmem:s21+$0x1B0]  }
0xb2: {  	v21 =	vld [tilespmem:s21+$0x1C0];
	s1 =	spop (v2sf)  }
0xb3: {  	v0 =	vpsel !p1, $0x0, v0;
	v22 =	vld [tilespmem:s21+$0x1D0];
	(v2sf) =	vpush v1, $0x5;
	p2 =	seq.s32 s1, s25  }
0xb4: {  	v3 =	vpsel !p1, $0x0, v3;
	v0 =	vadd.f32 v9, v0;
	v9 =	vld [tilespmem:s21+$0x1E0];
	s25 =	sshll.u32 @!p2 s25, $0x9  }
0xb5: {  	v7 =	vpsel !p1, $0x0, v7;
	v3 =	vadd.f32 v10, v3;
	v10 =	vld [tilespmem:s21+$0x1F0];
	s25 =	sshra.s32 @!p2 s25, $0x2  }
0xb6: {  	v6 =	vpsel !p1, $0x0, v6;
	v7 =	vadd.f32 v11, v7;
	[tilespmem:s25+$0x14C80] =	vst.add.f32.msk @!p2 $0xffff, v0  }
0xb7: {  	v5 =	vpsel !p1, $0x0, v5;
	v6 =	vadd.f32 v20, v6;
	[tilespmem:s25+$0x14C90] =	vst.add.f32.msk @!p2 $0xffff, v3  }
0xb8: {  	v4 =	vpsel !p1, $0x0, v4;
	v5 =	vadd.f32 v21, v5;
	[tilespmem:s25+$0x14CA0] =	vst.add.f32.msk @!p2 $0xffff, v7  }
0xb9: {  	v8 =	vpsel !p1, $0x0, v8;
	v4 =	vadd.f32 v22, v4;
	[tilespmem:s25+$0x14CB0] =	vst.add.f32.msk @!p2 $0xffff, v6  }
0xba: {  	v2 =	vpsel !p1, $0x0, v2;
	v8 =	vadd.f32 v9, v8;
	[tilespmem:s25+$0x14CC0] =	vst.add.f32.msk @!p2 $0xffff, v5  }
0xbb: {  	v2 =	vadd.f32 v10, v2;
	[tilespmem:s25+$0x14CD0] =	vst.add.f32.msk @!p2 $0xffff, v4  }
0xbc: {  	[tilespmem:s25+$0x14CE0] =	vst.add.f32.msk @!p2 $0xffff, v8  }
0xbd: {  	[tilespmem:s25+$0x14CF0] =	vst.add.f32.msk @!p2 $0xffff, v2  }
0xbe: {  	v9 =	vld [tilespmem:s21+$0x200]  }
0xbf: {  	v10 =	vld [tilespmem:s21+$0x210]  }
0xc0: {  	v11 =	vld [tilespmem:s21+$0x220]  }
0xc1: {  	v23 =	vld [tilespmem:s21+$0x230]  }
0xc2: {  	v30 =	vld [tilespmem:s21+$0x240];
	s25 =	spop (v2sf)  }
0xc3: {  	v0 =	vpsel !p2, $0x0, v0;
	v31 =	vld [tilespmem:s21+$0x250];
	(v2sf) =	vpush v1, $0x6;
	p1 =	seq.s32 s25, s1  }
0xc4: {  	v3 =	vpsel !p2, $0x0, v3;
	v0 =	vadd.f32 v9, v0;
	v9 =	vld [tilespmem:s21+$0x260];
	s1 =	sshll.u32 @!p1 s1, $0x9  }
0xc5: {  	v7 =	vpsel !p2, $0x0, v7;
	v3 =	vadd.f32 v10, v3;
	v10 =	vld [tilespmem:s21+$0x270];
	s1 =	sshra.s32 @!p1 s1, $0x2  }
0xc6: {  	v6 =	vpsel !p2, $0x0, v6;
	v7 =	vadd.f32 v11, v7;
	[tilespmem:s1+$0x14C80] =	vst.add.f32.msk @!p1 $0xffff, v0  }
0xc7: {  	v5 =	vpsel !p2, $0x0, v5;
	v6 =	vadd.f32 v23, v6;
	[tilespmem:s1+$0x14C90] =	vst.add.f32.msk @!p1 $0xffff, v3  }
0xc8: {  	v4 =	vpsel !p2, $0x0, v4;
	v5 =	vadd.f32 v30, v5;
	[tilespmem:s1+$0x14CA0] =	vst.add.f32.msk @!p1 $0xffff, v7  }
0xc9: {  	v8 =	vpsel !p2, $0x0, v8;
	v4 =	vadd.f32 v31, v4;
	[tilespmem:s1+$0x14CB0] =	vst.add.f32.msk @!p1 $0xffff, v6  }
0xca: {  	v2 =	vpsel !p2, $0x0, v2;
	v8 =	vadd.f32 v9, v8;
	[tilespmem:s1+$0x14CC0] =	vst.add.f32.msk @!p1 $0xffff, v5  }
0xcb: {  	v2 =	vadd.f32 v10, v2;
	[tilespmem:s1+$0x14CD0] =	vst.add.f32.msk @!p1 $0xffff, v4  }
0xcc: {  	[tilespmem:s1+$0x14CE0] =	vst.add.f32.msk @!p1 $0xffff, v8  }
0xcd: {  	[tilespmem:s1+$0x14CF0] =	vst.add.f32.msk @!p1 $0xffff, v2  }
0xce: {  	v9 =	vld [tilespmem:s21+$0x280]  }
0xcf: {  	v10 =	vld [tilespmem:s21+$0x290]  }
0xd0: {  	v11 =	vld [tilespmem:s21+$0x2A0]  }
0xd1: {  	v32 =	vld [tilespmem:s21+$0x2B0]  }
0xd2: {  	v33 =	vld [tilespmem:s21+$0x2C0];
	s1 =	spop (v2sf)  }
0xd3: {  	v0 =	vpsel !p1, $0x0, v0;
	v34 =	vld [tilespmem:s21+$0x2D0];
	(v2sf) =	vpush v1, $0x7;
	p2 =	seq.s32 s1, s25  }
0xd4: {  	v3 =	vpsel !p1, $0x0, v3;
	v0 =	vadd.f32 v9, v0;
	v9 =	vld [tilespmem:s21+$0x2E0];
	s25 =	sshll.u32 @!p2 s25, $0x9  }
0xd5: {  	v7 =	vpsel !p1, $0x0, v7;
	v3 =	vadd.f32 v10, v3;
	v10 =	vld [tilespmem:s21+$0x2F0];
	s25 =	sshra.s32 @!p2 s25, $0x2  }
0xd6: {  	v6 =	vpsel !p1, $0x0, v6;
	v7 =	vadd.f32 v11, v7;
	[tilespmem:s25+$0x14C80] =	vst.add.f32.msk @!p2 $0xffff, v0  }
0xd7: {  	v5 =	vpsel !p1, $0x0, v5;
	v6 =	vadd.f32 v32, v6;
	[tilespmem:s25+$0x14C90] =	vst.add.f32.msk @!p2 $0xffff, v3  }
0xd8: {  	v4 =	vpsel !p1, $0x0, v4;
	v5 =	vadd.f32 v33, v5;
	[tilespmem:s25+$0x14CA0] =	vst.add.f32.msk @!p2 $0xffff, v7  }
0xd9: {  	v8 =	vpsel !p1, $0x0, v8;
	v4 =	vadd.f32 v34, v4;
	[tilespmem:s25+$0x14CB0] =	vst.add.f32.msk @!p2 $0xffff, v6  }
0xda: {  	v2 =	vpsel !p1, $0x0, v2;
	v8 =	vadd.f32 v9, v8;
	[tilespmem:s25+$0x14CC0] =	vst.add.f32.msk @!p2 $0xffff, v5  }
0xdb: {  	v2 =	vadd.f32 v10, v2;
	[tilespmem:s25+$0x14CD0] =	vst.add.f32.msk @!p2 $0xffff, v4  }
0xdc: {  	[tilespmem:s25+$0x14CE0] =	vst.add.f32.msk @!p2 $0xffff, v8  }
0xdd: {  	[tilespmem:s25+$0x14CF0] =	vst.add.f32.msk @!p2 $0xffff, v2  }
0xde: {  	v9 =	vld [tilespmem:s21+$0x300]  }
0xdf: {  	v10 =	vld [tilespmem:s21+$0x310]  }
0xe0: {  	v11 =	vld [tilespmem:s21+$0x320]  }
0xe1: {  	v35 =	vld [tilespmem:s21+$0x330]  }
0xe2: {  	v36 =	vld [tilespmem:s21+$0x340];
	s25 =	spop (v2sf)  }
0xe3: {  	v0 =	vpsel !p2, $0x0, v0;
	v37 =	vld [tilespmem:s21+$0x350];
	(v2sf) =	vpush v1, $0x8;
	p1 =	seq.s32 s25, s1  }
0xe4: {  	v3 =	vpsel !p2, $0x0, v3;
	v0 =	vadd.f32 v9, v0;
	v9 =	vld [tilespmem:s21+$0x360];
	s1 =	sshll.u32 @!p1 s1, $0x9  }
0xe5: {  	v7 =	vpsel !p2, $0x0, v7;
	v3 =	vadd.f32 v10, v3;
	v10 =	vld [tilespmem:s21+$0x370];
	s1 =	sshra.s32 @!p1 s1, $0x2  }
0xe6: {  	v6 =	vpsel !p2, $0x0, v6;
	v7 =	vadd.f32 v11, v7;
	[tilespmem:s1+$0x14C80] =	vst.add.f32.msk @!p1 $0xffff, v0  }
0xe7: {  	v5 =	vpsel !p2, $0x0, v5;
	v6 =	vadd.f32 v35, v6;
	[tilespmem:s1+$0x14C90] =	vst.add.f32.msk @!p1 $0xffff, v3  }
0xe8: {  	v4 =	vpsel !p2, $0x0, v4;
	v5 =	vadd.f32 v36, v5;
	[tilespmem:s1+$0x14CA0] =	vst.add.f32.msk @!p1 $0xffff, v7  }
0xe9: {  	v8 =	vpsel !p2, $0x0, v8;
	v4 =	vadd.f32 v37, v4;
	[tilespmem:s1+$0x14CB0] =	vst.add.f32.msk @!p1 $0xffff, v6  }
0xea: {  	v2 =	vpsel !p2, $0x0, v2;
	v8 =	vadd.f32 v9, v8;
	[tilespmem:s1+$0x14CC0] =	vst.add.f32.msk @!p1 $0xffff, v5  }
0xeb: {  	v2 =	vadd.f32 v10, v2;
	[tilespmem:s1+$0x14CD0] =	vst.add.f32.msk @!p1 $0xffff, v4  }
0xec: {  	[tilespmem:s1+$0x14CE0] =	vst.add.f32.msk @!p1 $0xffff, v8  }
0xed: {  	[tilespmem:s1+$0x14CF0] =	vst.add.f32.msk @!p1 $0xffff, v2  }
0xee: {  	v9 =	vld [tilespmem:s21+$0x380]  }
0xef: {  	v10 =	vld [tilespmem:s21+$0x390]  }
0xf0: {  	v11 =	vld [tilespmem:s21+$0x3A0]  }
0xf1: {  	v38 =	vld [tilespmem:s21+$0x3B0]  }
0xf2: {  	v39 =	vld [tilespmem:s21+$0x3C0];
	s1 =	spop (v2sf)  }
0xf3: {  	v0 =	vpsel !p1, $0x0, v0;
	v40 =	vld [tilespmem:s21+$0x3D0];
	(v2sf) =	vpush v1, $0x9;
	p2 =	seq.s32 s1, s25  }
0xf4: {  	v3 =	vpsel !p1, $0x0, v3;
	v0 =	vadd.f32 v9, v0;
	v9 =	vld [tilespmem:s21+$0x3E0];
	s25 =	sshll.u32 @!p2 s25, $0x9  }
0xf5: {  	v7 =	vpsel !p1, $0x0, v7;
	v3 =	vadd.f32 v10, v3;
	v10 =	vld [tilespmem:s21+$0x3F0];
	s25 =	sshra.s32 @!p2 s25, $0x2  }
0xf6: {  	v6 =	vpsel !p1, $0x0, v6;
	v7 =	vadd.f32 v11, v7;
	[tilespmem:s25+$0x14C80] =	vst.add.f32.msk @!p2 $0xffff, v0  }
0xf7: {  	v5 =	vpsel !p1, $0x0, v5;
	v6 =	vadd.f32 v38, v6;
	[tilespmem:s25+$0x14C90] =	vst.add.f32.msk @!p2 $0xffff, v3  }
0xf8: {  	v4 =	vpsel !p1, $0x0, v4;
	v5 =	vadd.f32 v39, v5;
	[tilespmem:s25+$0x14CA0] =	vst.add.f32.msk @!p2 $0xffff, v7  }
0xf9: {  	v8 =	vpsel !p1, $0x0, v8;
	v4 =	vadd.f32 v40, v4;
	[tilespmem:s25+$0x14CB0] =	vst.add.f32.msk @!p2 $0xffff, v6  }
0xfa: {  	v2 =	vpsel !p1, $0x0, v2;
	v8 =	vadd.f32 v9, v8;
	[tilespmem:s25+$0x14CC0] =	vst.add.f32.msk @!p2 $0xffff, v5  }
0xfb: {  	v2 =	vadd.f32 v10, v2;
	[tilespmem:s25+$0x14CD0] =	vst.add.f32.msk @!p2 $0xffff, v4  }
0xfc: {  	[tilespmem:s25+$0x14CE0] =	vst.add.f32.msk @!p2 $0xffff, v8  }
0xfd: {  	[tilespmem:s25+$0x14CF0] =	vst.add.f32.msk @!p2 $0xffff, v2  }
0xfe: {  	v9 =	vld [tilespmem:s21+$0x400]  }
0xff: {  	v10 =	vld [tilespmem:s21+$0x410]  }
0x100: {  	v11 =	vld [tilespmem:s21+$0x420]  }
0x101: {  	v41 =	vld [tilespmem:s21+$0x430]  }
0x102: {  	v42 =	vld [tilespmem:s21+$0x440];
	s25 =	spop (v2sf)  }
0x103: {  	v0 =	vpsel !p2, $0x0, v0;
	v43 =	vld [tilespmem:s21+$0x450];
	(v2sf) =	vpush v1, $0xA;
	p1 =	seq.s32 s25, s1  }
0x104: {  	v3 =	vpsel !p2, $0x0, v3;
	v0 =	vadd.f32 v9, v0;
	v9 =	vld [tilespmem:s21+$0x460];
	s1 =	sshll.u32 @!p1 s1, $0x9  }
0x105: {  	v7 =	vpsel !p2, $0x0, v7;
	v3 =	vadd.f32 v10, v3;
	v10 =	vld [tilespmem:s21+$0x470];
	s1 =	sshra.s32 @!p1 s1, $0x2  }
0x106: {  	v6 =	vpsel !p2, $0x0, v6;
	v7 =	vadd.f32 v11, v7;
	[tilespmem:s1+$0x14C80] =	vst.add.f32.msk @!p1 $0xffff, v0  }
0x107: {  	v5 =	vpsel !p2, $0x0, v5;
	v6 =	vadd.f32 v41, v6;
	[tilespmem:s1+$0x14C90] =	vst.add.f32.msk @!p1 $0xffff, v3  }
0x108: {  	v4 =	vpsel !p2, $0x0, v4;
	v5 =	vadd.f32 v42, v5;
	[tilespmem:s1+$0x14CA0] =	vst.add.f32.msk @!p1 $0xffff, v7  }
0x109: {  	v8 =	vpsel !p2, $0x0, v8;
	v4 =	vadd.f32 v43, v4;
	[tilespmem:s1+$0x14CB0] =	vst.add.f32.msk @!p1 $0xffff, v6  }
0x10a: {  	v2 =	vpsel !p2, $0x0, v2;
	v8 =	vadd.f32 v9, v8;
	[tilespmem:s1+$0x14CC0] =	vst.add.f32.msk @!p1 $0xffff, v5  }
0x10b: {  	v2 =	vadd.f32 v10, v2;
	[tilespmem:s1+$0x14CD0] =	vst.add.f32.msk @!p1 $0xffff, v4  }
0x10c: {  	[tilespmem:s1+$0x14CE0] =	vst.add.f32.msk @!p1 $0xffff, v8  }
0x10d: {  	[tilespmem:s1+$0x14CF0] =	vst.add.f32.msk @!p1 $0xffff, v2  }
0x10e: {  	v9 =	vld [tilespmem:s21+$0x480]  }
0x10f: {  	v10 =	vld [tilespmem:s21+$0x490]  }
0x110: {  	v11 =	vld [tilespmem:s21+$0x4A0]  }
0x111: {  	v44 =	vld [tilespmem:s21+$0x4B0]  }
0x112: {  	v45 =	vld [tilespmem:s21+$0x4C0];
	s1 =	spop (v2sf)  }
0x113: {  	v0 =	vpsel !p1, $0x0, v0;
	v46 =	vld [tilespmem:s21+$0x4D0];
	(v2sf) =	vpush v1, $0xB;
	p2 =	seq.s32 s1, s25  }
0x114: {  	v3 =	vpsel !p1, $0x0, v3;
	v0 =	vadd.f32 v9, v0;
	v9 =	vld [tilespmem:s21+$0x4E0];
	s25 =	sshll.u32 @!p2 s25, $0x9  }
0x115: {  	v7 =	vpsel !p1, $0x0, v7;
	v3 =	vadd.f32 v10, v3;
	v10 =	vld [tilespmem:s21+$0x4F0];
	s25 =	sshra.s32 @!p2 s25, $0x2  }
0x116: {  	v6 =	vpsel !p1, $0x0, v6;
	v7 =	vadd.f32 v11, v7;
	[tilespmem:s25+$0x14C80] =	vst.add.f32.msk @!p2 $0xffff, v0  }
0x117: {  	v5 =	vpsel !p1, $0x0, v5;
	v6 =	vadd.f32 v44, v6;
	[tilespmem:s25+$0x14C90] =	vst.add.f32.msk @!p2 $0xffff, v3  }
0x118: {  	v4 =	vpsel !p1, $0x0, v4;
	v5 =	vadd.f32 v45, v5;
	[tilespmem:s25+$0x14CA0] =	vst.add.f32.msk @!p2 $0xffff, v7  }
0x119: {  	v8 =	vpsel !p1, $0x0, v8;
	v4 =	vadd.f32 v46, v4;
	[tilespmem:s25+$0x14CB0] =	vst.add.f32.msk @!p2 $0xffff, v6  }
0x11a: {  	v2 =	vpsel !p1, $0x0, v2;
	v8 =	vadd.f32 v9, v8;
	[tilespmem:s25+$0x14CC0] =	vst.add.f32.msk @!p2 $0xffff, v5  }
0x11b: {  	v2 =	vadd.f32 v10, v2;
	[tilespmem:s25+$0x14CD0] =	vst.add.f32.msk @!p2 $0xffff, v4  }
0x11c: {  	[tilespmem:s25+$0x14CE0] =	vst.add.f32.msk @!p2 $0xffff, v8  }
0x11d: {  	[tilespmem:s25+$0x14CF0] =	vst.add.f32.msk @!p2 $0xffff, v2  }
0x11e: {  	v9 =	vld [tilespmem:s21+$0x500]  }
0x11f: {  	v10 =	vld [tilespmem:s21+$0x510]  }
0x120: {  	v11 =	vld [tilespmem:s21+$0x520]  }
0x121: {  	v47 =	vld [tilespmem:s21+$0x530]  }
0x122: {  	v48 =	vld [tilespmem:s21+$0x540];
	s25 =	spop (v2sf)  }
0x123: {  	v0 =	vpsel !p2, $0x0, v0;
	v49 =	vld [tilespmem:s21+$0x550];
	(v2sf) =	vpush v1, $0xC;
	p1 =	seq.s32 s25, s1  }
0x124: {  	v3 =	vpsel !p2, $0x0, v3;
	v0 =	vadd.f32 v9, v0;
	v9 =	vld [tilespmem:s21+$0x560];
	s1 =	sshll.u32 @!p1 s1, $0x9  }
0x125: {  	v7 =	vpsel !p2, $0x0, v7;
	v3 =	vadd.f32 v10, v3;
	v10 =	vld [tilespmem:s21+$0x570];
	s1 =	sshra.s32 @!p1 s1, $0x2  }
0x126: {  	v6 =	vpsel !p2, $0x0, v6;
	v7 =	vadd.f32 v11, v7;
	[tilespmem:s1+$0x14C80] =	vst.add.f32.msk @!p1 $0xffff, v0  }
0x127: {  	v5 =	vpsel !p2, $0x0, v5;
	v6 =	vadd.f32 v47, v6;
	[tilespmem:s1+$0x14C90] =	vst.add.f32.msk @!p1 $0xffff, v3  }
0x128: {  	v4 =	vpsel !p2, $0x0, v4;
	v5 =	vadd.f32 v48, v5;
	[tilespmem:s1+$0x14CA0] =	vst.add.f32.msk @!p1 $0xffff, v7  }
0x129: {  	v8 =	vpsel !p2, $0x0, v8;
	v4 =	vadd.f32 v49, v4;
	[tilespmem:s1+$0x14CB0] =	vst.add.f32.msk @!p1 $0xffff, v6  }
0x12a: {  	v2 =	vpsel !p2, $0x0, v2;
	v8 =	vadd.f32 v9, v8;
	[tilespmem:s1+$0x14CC0] =	vst.add.f32.msk @!p1 $0xffff, v5  }
0x12b: {  	v2 =	vadd.f32 v10, v2;
	[tilespmem:s1+$0x14CD0] =	vst.add.f32.msk @!p1 $0xffff, v4  }
0x12c: {  	[tilespmem:s1+$0x14CE0] =	vst.add.f32.msk @!p1 $0xffff, v8  }
0x12d: {  	[tilespmem:s1+$0x14CF0] =	vst.add.f32.msk @!p1 $0xffff, v2  }
0x12e: {  	v9 =	vld [tilespmem:s21+$0x580]  }
0x12f: {  	v10 =	vld [tilespmem:s21+$0x590]  }
0x130: {  	v11 =	vld [tilespmem:s21+$0x5A0]  }
0x131: {  	v50 =	vld [tilespmem:s21+$0x5B0]  }
0x132: {  	v51 =	vld [tilespmem:s21+$0x5C0];
	s1 =	spop (v2sf)  }
0x133: {  	v0 =	vpsel !p1, $0x0, v0;
	v52 =	vld [tilespmem:s21+$0x5D0];
	(v2sf) =	vpush v1, $0xD;
	p2 =	seq.s32 s1, s25  }
0x134: {  	v3 =	vpsel !p1, $0x0, v3;
	v0 =	vadd.f32 v9, v0;
	v9 =	vld [tilespmem:s21+$0x5E0];
	s25 =	sshll.u32 @!p2 s25, $0x9  }
0x135: {  	v7 =	vpsel !p1, $0x0, v7;
	v3 =	vadd.f32 v10, v3;
	v10 =	vld [tilespmem:s21+$0x5F0];
	s25 =	sshra.s32 @!p2 s25, $0x2  }
0x136: {  	v6 =	vpsel !p1, $0x0, v6;
	v7 =	vadd.f32 v11, v7;
	[tilespmem:s25+$0x14C80] =	vst.add.f32.msk @!p2 $0xffff, v0  }
0x137: {  	v5 =	vpsel !p1, $0x0, v5;
	v6 =	vadd.f32 v50, v6;
	[tilespmem:s25+$0x14C90] =	vst.add.f32.msk @!p2 $0xffff, v3  }
0x138: {  	v4 =	vpsel !p1, $0x0, v4;
	v5 =	vadd.f32 v51, v5;
	[tilespmem:s25+$0x14CA0] =	vst.add.f32.msk @!p2 $0xffff, v7  }
0x139: {  	v8 =	vpsel !p1, $0x0, v8;
	v4 =	vadd.f32 v52, v4;
	[tilespmem:s25+$0x14CB0] =	vst.add.f32.msk @!p2 $0xffff, v6  }
0x13a: {  	v2 =	vpsel !p1, $0x0, v2;
	v8 =	vadd.f32 v9, v8;
	[tilespmem:s25+$0x14CC0] =	vst.add.f32.msk @!p2 $0xffff, v5  }
0x13b: {  	v2 =	vadd.f32 v10, v2;
	[tilespmem:s25+$0x14CD0] =	vst.add.f32.msk @!p2 $0xffff, v4  }
0x13c: {  	[tilespmem:s25+$0x14CE0] =	vst.add.f32.msk @!p2 $0xffff, v8  }
0x13d: {  	[tilespmem:s25+$0x14CF0] =	vst.add.f32.msk @!p2 $0xffff, v2  }
0x13e: {  	v9 =	vld [tilespmem:s21+$0x600]  }
0x13f: {  	v10 =	vld [tilespmem:s21+$0x610]  }
0x140: {  	v11 =	vld [tilespmem:s21+$0x620]  }
0x141: {  	v53 =	vld [tilespmem:s21+$0x630]  }
0x142: {  	v54 =	vld [tilespmem:s21+$0x640];
	s25 =	spop (v2sf)  }
0x143: {  	v0 =	vpsel !p2, $0x0, v0;
	v55 =	vld [tilespmem:s21+$0x650];
	(v2sf) =	vpush v1, $0xE;
	p1 =	seq.s32 s25, s1  }
0x144: {  	v3 =	vpsel !p2, $0x0, v3;
	v0 =	vadd.f32 v9, v0;
	v9 =	vld [tilespmem:s21+$0x660];
	s1 =	sshll.u32 @!p1 s1, $0x9  }
0x145: {  	v7 =	vpsel !p2, $0x0, v7;
	v3 =	vadd.f32 v10, v3;
	v10 =	vld [tilespmem:s21+$0x670];
	s1 =	sshra.s32 @!p1 s1, $0x2  }
0x146: {  	v6 =	vpsel !p2, $0x0, v6;
	v7 =	vadd.f32 v11, v7;
	[tilespmem:s1+$0x14C80] =	vst.add.f32.msk @!p1 $0xffff, v0  }
0x147: {  	v5 =	vpsel !p2, $0x0, v5;
	v6 =	vadd.f32 v53, v6;
	[tilespmem:s1+$0x14C90] =	vst.add.f32.msk @!p1 $0xffff, v3  }
0x148: {  	v4 =	vpsel !p2, $0x0, v4;
	v5 =	vadd.f32 v54, v5;
	[tilespmem:s1+$0x14CA0] =	vst.add.f32.msk @!p1 $0xffff, v7  }
0x149: {  	v8 =	vpsel !p2, $0x0, v8;
	v4 =	vadd.f32 v55, v4;
	[tilespmem:s1+$0x14CB0] =	vst.add.f32.msk @!p1 $0xffff, v6  }
0x14a: {  	v2 =	vpsel !p2, $0x0, v2;
	v8 =	vadd.f32 v9, v8;
	[tilespmem:s1+$0x14CC0] =	vst.add.f32.msk @!p1 $0xffff, v5  }
0x14b: {  	v2 =	vadd.f32 v10, v2;
	[tilespmem:s1+$0x14CD0] =	vst.add.f32.msk @!p1 $0xffff, v4  }
0x14c: {  	[tilespmem:s1+$0x14CE0] =	vst.add.f32.msk @!p1 $0xffff, v8  }
0x14d: {  	[tilespmem:s1+$0x14CF0] =	vst.add.f32.msk @!p1 $0xffff, v2  }
0x14e: {  	v9 =	vld [tilespmem:s21+$0x680]  }
0x14f: {  	v10 =	vld [tilespmem:s21+$0x690]  }
0x150: {  	v11 =	vld [tilespmem:s21+$0x6A0]  }
0x151: {  	v56 =	vld [tilespmem:s21+$0x6B0]  }
0x152: {  	v57 =	vld [tilespmem:s21+$0x6C0];
	s1 =	spop (v2sf)  }
0x153: {  	v0 =	vpsel !p1, $0x0, v0;
	v58 =	vld [tilespmem:s21+$0x6D0];
	(v2sf) =	vpush v1, $0xF;
	p2 =	seq.s32 s1, s25  }
0x154: {  	v0 =	vadd.f32 v9, v0;
	v9 =	vld [tilespmem:s21+$0x6F0];
	v1 =	vpsel !p1, $0x0, v3;
	s25 =	sshll.u32 @!p2 s25, $0x9  }
0x155: {  	v7 =	vpsel !p1, $0x0, v7;
	v3 =	vld [tilespmem:s21+$0x6E0];
	v1 =	vadd.f32 v10, v1;
	s25 =	sshra.s32 @!p2 s25, $0x2  }
0x156: {  	v6 =	vpsel !p1, $0x0, v6;
	v7 =	vadd.f32 v11, v7;
	[tilespmem:s25+$0x14C80] =	vst.add.f32.msk @!p2 $0xffff, v0  }
0x157: {  	v5 =	vpsel !p1, $0x0, v5;
	v6 =	vadd.f32 v56, v6;
	[tilespmem:s25+$0x14C90] =	vst.add.f32.msk @!p2 $0xffff, v1  }
0x158: {  	v4 =	vpsel !p1, $0x0, v4;
	v5 =	vadd.f32 v57, v5;
	[tilespmem:s25+$0x14CA0] =	vst.add.f32.msk @!p2 $0xffff, v7  }
0x159: {  	v2 =	vpsel !p1, $0x0, v2;
	v4 =	vadd.f32 v58, v4;
	[tilespmem:s25+$0x14CB0] =	vst.add.f32.msk @!p2 $0xffff, v6  }
0x15a: {  	v8 =	vpsel !p1, $0x0, v8;
	v2 =	vadd.f32 v9, v2;
	[tilespmem:s25+$0x14CC0] =	vst.add.f32.msk @!p2 $0xffff, v5  }
0x15b: {  	[tilespmem:s25+$0x14CD0] =	vst.add.f32.msk @!p2 $0xffff, v4;
	v3 =	vadd.f32 v3, v8  }
0x15c: {  	[tilespmem:s25+$0x14CF0] =	vst.add.f32.msk @!p2 $0xffff, v2  }
0x15d: {  	[tilespmem:s25+$0x14CE0] =	vst.add.f32.msk @!p2 $0xffff, v3  }
0x15e: {  	v8 =	vld [tilespmem:s21+$0x700]  }
0x15f: {  	v9 =	vld [tilespmem:s21+$0x710]  }
0x160: {  	v10 =	vld [tilespmem:s21+$0x720]  }
0x161: {  	v11 =	vld [tilespmem:s21+$0x730]  }
0x162: {  	v59 =	vld [tilespmem:s21+$0x740];
	s25 =	spop (v2sf)  }
0x163: {  	v0 =	vpsel !p2, $0x0, v0;
	v60 =	vld [tilespmem:s21+$0x750];
	p1 =	seq.s32 s25, s1  }
0x164: {  	v1 =	vpsel !p2, $0x0, v1;
	v0 =	vadd.f32 v8, v0;
	v8 =	vld [tilespmem:s21+$0x760];
	s1 =	sshll.u32 @!p1 s1, $0x9  }
0x165: {  	v7 =	vpsel !p2, $0x0, v7;
	v1 =	vadd.f32 v9, v1;
	v9 =	vld [tilespmem:s21+$0x770];
	s1 =	sshra.s32 @!p1 s1, $0x2  }
0x166: {  	v6 =	vpsel !p2, $0x0, v6;
	v7 =	vadd.f32 v10, v7;
	[tilespmem:s1+$0x14C80] =	vst.add.f32.msk @!p1 $0xffff, v0  }
0x167: {  	v5 =	vpsel !p2, $0x0, v5;
	v6 =	vadd.f32 v11, v6;
	[tilespmem:s1+$0x14C90] =	vst.add.f32.msk @!p1 $0xffff, v1  }
0x168: {  	v4 =	vpsel !p2, $0x0, v4;
	v5 =	vadd.f32 v59, v5;
	[tilespmem:s1+$0x14CA0] =	vst.add.f32.msk @!p1 $0xffff, v7  }
0x169: {  	v3 =	vpsel !p2, $0x0, v3;
	v4 =	vadd.f32 v60, v4;
	[tilespmem:s1+$0x14CB0] =	vst.add.f32.msk @!p1 $0xffff, v6  }
0x16a: {  	v2 =	vpsel !p2, $0x0, v2;
	v3 =	vadd.f32 v8, v3;
	[tilespmem:s1+$0x14CC0] =	vst.add.f32.msk @!p1 $0xffff, v5  }
0x16b: {  	v2 =	vadd.f32 v9, v2;
	[tilespmem:s1+$0x14CD0] =	vst.add.f32.msk @!p1 $0xffff, v4  }
0x16c: {  	[tilespmem:s1+$0x14CE0] =	vst.add.f32.msk @!p1 $0xffff, v3  }
0x16d: {  	[tilespmem:s1+$0x14CF0] =	vst.add.f32.msk @!p1 $0xffff, v2  }
0x16e: {  	v8 =	vld [tilespmem:s21+$0x780]  }
0x16f: {  	v10 =	vld [tilespmem:s21+$0x790]  }
0x170: {  	v11 =	vld [tilespmem:s21+$0x7A0]  }
0x171: {  	v61 =	vld [tilespmem:s21+$0x7B0]  }
0x172: {  	v62 =	vld [tilespmem:s21+$0x7C0]  }
0x173: {  	v63 =	vld [tilespmem:s21+$0x7D0]  }
0x174: {  	v15 =	vld [tilespmem:s21+$0x7E0]  }
0x175: {  	v0 =	vpsel !p1, $0x0, v0;
	v1 =	vpsel !p1, $0x0, v1;
	v7 =	vpsel !p1, $0x0, v7  }
0x176: {  	v6 =	vpsel !p1, $0x0, v6;
	v5 =	vpsel !p1, $0x0, v5;
	v9 =	vadd.f32 v8, v0  }
0x177: {  	v3 =	vpsel !p1, $0x0, v3;
	v8 =	vadd.f32 v10, v1;
	v7 =	vadd.f32 v11, v7  }
0x178: {  	v0 =	vpsel !p1, $0x0, v4;
	v6 =	vadd.f32 v61, v6;
	v5 =	vadd.f32 v62, v5  }
0x179: {  	v1 =	vpsel !p1, $0x0, v2;
	v27 =	vadd.f32 v15, v3;
	v4 =	vadd.f32 v63, v0  }
.LBB2_9:
0x17a: {  	s0 =	sshrl.u32 s0, $0x2;
	s2 =	sadd.s32 $0x1, s2  }
0x17b: {  	v0 =	vld [tilespmem:s0+$0x7F0];
	p1 =	sne.s32 s2, $0xA  }
.Ltmp8:
0x17c: {  	_ = 	snop;
	(pc) =	sbr.rel @!p1 .LBB2_10-.Ltmp8, $2  }
0x17d: {  	_ =	sdelay $0x2  }
0x17e: {  	v2 =	vadd.f32 v0, v1  }
.LBB2_6:
0x17f: {  	s0 =	sadd.s32 s31, s2  }
0x180: {  	s0 =	sshll.u32 s0, $0x6  }
0x181: {  	s0 =	sshra.s32 s0, $0x2  }
0x182: {  	v1 =	vld [tilespmem:s0+$0x14000];
	_ =	sdelay $0x4  }
0x183: {  	vm0 =	veq.s32 v1, s25  }
0x184: {  	v10 =	vsel vm0, $0x3F800000, v16  }
0x185: {  	(xrf0) =	vmin.scan.msk.f32 $0xffff, v10;
	_ =	sdelay $0x5  }
0x186: {  	v10, _, _ =	vpop (xrf0)  }
0x187: {  	(v2sf) =	vpush v10, $0xF;
	_ =	sdelay $0xe  }
0x188: {  	s1 =	spop (v2sf)  }
0x189: {  	p1 =	sgt.f32 s1, $0.0e+00  }
.Ltmp9:
0x18a: {  	_ = 	snop;
	(pc) =	sbr.rel @!p1 .LBB2_8-.Ltmp9, $4  }
0x18b: {  	_ = 	snop  }
0x18c: {  	s21 =	sshll.u32 s2, $0x4  }
0x18d: {  	s21 =	sadd.s32 s30, s21  }
0x18e: {  	s0 =	sshll.u32 s21, $0x9  }
0x18f: {  	s0 =	sshll.u32 s21, $0x9  }
0x190: {  	s21 =	sshrl.u32 s0, $0x2  }
0x191: {  	v0 =	vld [tilespmem:s21+$0x480];
	_ =	sdelay $0x4  }
0x192: {  	[tilespmem:$0x1FF30] =	vst v0;
	v0 =	vld [tilespmem:s21+$0x500];
	_ =	sdelay $0x4  }
0x193: {  	[tilespmem:$0x1FF40] =	vst v0;
	v0 =	vld [tilespmem:s21+$0x580];
	_ =	sdelay $0x4  }
0x194: {  	[tilespmem:$0x1FF50] =	vst v0;
	v0 =	vld [tilespmem:s21+$0x600]  }
0x195: {  	v1 =	vld [tilespmem:s21+$0x0]  }
0x196: {  	v10 =	vld [tilespmem:s21+$0x80]  }
0x197: {  	v11 =	vld [tilespmem:s21+$0x100]  }
0x198: {  	v13 =	vld [tilespmem:s21+$0x180]  }
0x199: {  	[tilespmem:$0x1FF60] =	vst v0;
	v0 =	vld [tilespmem:s21+$0x680]  }
0x19a: {  	v20 =	vld [tilespmem:s21+$0x200]  }
0x19b: {  	v21 =	vld [tilespmem:s21+$0x280]  }
0x19c: {  	v22 =	vld [tilespmem:s21+$0x300]  }
0x19d: {  	v25 =	vld [tilespmem:s21+$0x380]  }
0x19e: {  	[tilespmem:$0x1FF80] =	vst v0;
	v0 =	vld [tilespmem:s21+$0x700]  }
0x19f: {  	v38 =	vld [tilespmem:s21+$0x400]  }
0x1a0: {  	v14 =	vld [tilespmem:s21+$0x10]  }
0x1a1: {  	v16 =	vld [tilespmem:s21+$0x90]  }
0x1a2: {  	v17 =	vld [tilespmem:s21+$0x110]  }
0x1a3: {  	[tilespmem:$0x1FFA0] =	vst v0;
	v0 =	vld [tilespmem:s21+$0x780]  }
0x1a4: {  	v29 =	vld [tilespmem:s21+$0x190]  }
0x1a5: {  	v30 =	vld [tilespmem:s21+$0x210]  }
0x1a6: {  	v31 =	vld [tilespmem:s21+$0x290]  }
0x1a7: {  	v32 =	vld [tilespmem:s21+$0x310]  }
0x1a8: {  	[tilespmem:$0x1FFC0] =	vst v0;
	v0 =	vld [tilespmem:s21+$0x610]  }
0x1a9: {  	v33 =	vld [tilespmem:s21+$0x390]  }
0x1aa: {  	v34 =	vld [tilespmem:s21+$0x410]  }
0x1ab: {  	v35 =	vld [tilespmem:s21+$0x490]  }
0x1ac: {  	v36 =	vld [tilespmem:s21+$0x510]  }
0x1ad: {  	[tilespmem:$0x1FF70] =	vst v0;
	v0 =	vld [tilespmem:s21+$0x690]  }
0x1ae: {  	v39 =	vld [tilespmem:s21+$0x590]  }
0x1af: {  	v19 =	vld [tilespmem:s21+$0x20]  }
0x1b0: {  	v42 =	vld [tilespmem:s21+$0xA0]  }
0x1b1: {  	v43 =	vld [tilespmem:s21+$0x120]  }
0x1b2: {  	[tilespmem:$0x1FF90] =	vst v0;
	v0 =	vld [tilespmem:s21+$0x710]  }
0x1b3: {  	v57 =	vld [tilespmem:s21+$0x30]  }
0x1b4: {  	v44 =	vld [tilespmem:s21+$0x1A0]  }
0x1b5: {  	v58 =	vld [tilespmem:s21+$0xB0]  }
0x1b6: {  	v59 =	vld [tilespmem:s21+$0x130]  }
0x1b7: {  	[tilespmem:$0x1FFB0] =	vst v0;
	v0 =	vld [tilespmem:s21+$0x790]  }
0x1b8: {  	v45 =	vld [tilespmem:s21+$0x220];
	v6 =	vadd.f32 v57, v6  }
0x1b9: {  	v60 =	vld [tilespmem:s21+$0x1B0];
	v1 =	vadd.f32 v1, v9  }
0x1ba: {  	v46 =	vld [tilespmem:s21+$0x2A0];
	v6 =	vadd.f32 v58, v6  }
0x1bb: {  	v61 =	vld [tilespmem:s21+$0x230];
	v1 =	vadd.f32 v10, v1  }
0x1bc: {  	v6 =	vadd.f32 v59, v6;
	[tilespmem:$0x1FFD0] =	vst v0;
	v0 =	vld [tilespmem:s21+$0x7A0]  }
0x1bd: {  	v62 =	vld [tilespmem:s21+$0x2B0];
	v1 =	vadd.f32 v11, v1  }
0x1be: {  	v47 =	vld [tilespmem:s21+$0x320];
	v6 =	vadd.f32 v60, v6  }
0x1bf: {  	v63 =	vld [tilespmem:s21+$0x330];
	v1 =	vadd.f32 v13, v1  }
0x1c0: {  	v48 =	vld [tilespmem:s21+$0x3A0];
	v6 =	vadd.f32 v61, v6  }
0x1c1: {  	v1 =	vadd.f32 v20, v1;
	[tilespmem:$0x1FFE0] =	vst v0;
	v0 =	vld [tilespmem:s21+$0x3B0]  }
0x1c2: {  	v49 =	vld [tilespmem:s21+$0x420];
	v6 =	vadd.f32 v62, v6  }
0x1c3: {  	v50 =	vld [tilespmem:s21+$0x4A0];
	v9 =	vadd.f32 v21, v1  }
0x1c4: {  	v51 =	vld [tilespmem:s21+$0x520];
	v6 =	vadd.f32 v63, v6  }
0x1c5: {  	v52 =	vld [tilespmem:s21+$0x5A0];
	v9 =	vadd.f32 v22, v9  }
0x1c6: {  	v0 =	vadd.f32 v0, v6;
	v6 =	vld [tilespmem:$0x1FF30]  }
0x1c7: {  	v53 =	vld [tilespmem:s21+$0x620];
	v8 =	vadd.f32 v14, v8;
	v9 =	vadd.f32 v25, v9  }
0x1c8: {  	v54 =	vld [tilespmem:s21+$0x6A0]  }
0x1c9: {  	v55 =	vld [tilespmem:s21+$0x720];
	v8 =	vadd.f32 v16, v8;
	v9 =	vadd.f32 v38, v9  }
0x1ca: {  	v3 =	vld [tilespmem:s21+$0x430]  }
0x1cb: {  	v8 =	vadd.f32 v17, v8;
	v6 =	vadd.f32 v6, v9;
	v9 =	vld [tilespmem:$0x1FF40]  }
0x1cc: {  	v12 =	vld [tilespmem:s21+$0x4B0]  }
0x1cd: {  	v15 =	vld [tilespmem:s21+$0x530];
	v8 =	vadd.f32 v29, v8  }
0x1ce: {  	v18 =	vld [tilespmem:s21+$0x5B0]  }
0x1cf: {  	v28 =	vld [tilespmem:s21+$0x630];
	v8 =	vadd.f32 v30, v8  }
0x1d0: {  	v6 =	vadd.f32 v9, v6;
	v9 =	vld [tilespmem:$0x1FF50]  }
0x1d1: {  	v41 =	vld [tilespmem:s21+$0x6B0];
	v8 =	vadd.f32 v31, v8  }
0x1d2: {  	v23 =	vld [tilespmem:s21+$0x730]  }
0x1d3: {  	v26 =	vld [tilespmem:s21+$0x7B0];
	v8 =	vadd.f32 v32, v8  }
0x1d4: {  	v24 =	vld [tilespmem:s21+$0x40]  }
0x1d5: {  	v8 =	vadd.f32 v33, v8;
	v6 =	vadd.f32 v9, v6;
	v9 =	vld [tilespmem:$0x1FF60]  }
0x1d6: {  	v37 =	vld [tilespmem:s21+$0xC0]  }
0x1d7: {  	v40 =	vld [tilespmem:s21+$0x140];
	v8 =	vadd.f32 v34, v8  }
0x1d8: {  	v56 =	vld [tilespmem:s21+$0x1C0]  }
0x1d9: {  	v14 =	vld [tilespmem:s21+$0x240];
	v8 =	vadd.f32 v35, v8  }
0x1da: {  	v6 =	vadd.f32 v9, v6;
	v9 =	vld [tilespmem:$0x1FF70]  }
0x1db: {  	v7 =	vadd.f32 v19, v7;
	v19 =	vld [tilespmem:s21+$0x2C0];
	v8 =	vadd.f32 v36, v8  }
0x1dc: {  	v57 =	vld [tilespmem:s21+$0x3C0]  }
0x1dd: {  	[tilespmem:$0x1FFF0] =	vst v56;
	v56 =	vld [tilespmem:s21+$0x250];
	v8 =	vadd.f32 v39, v8  }
0x1de: {  	v5 =	vadd.f32 v24, v5;
	v24 =	vld [tilespmem:s21+$0x1E0]  }
0x1df: {  	v8 =	vadd.f32 v9, v8;
	v9 =	vld [tilespmem:$0x1FF80]  }
0x1e0: {  	v10 =	vld [tilespmem:s21+$0x340]  }
0x1e1: {  	v7 =	vadd.f32 v42, v7;
	v42 =	vld [tilespmem:s21+$0x440]  }
0x1e2: {  	v16 =	vld [tilespmem:s21+$0x540]  }
0x1e3: {  	v58 =	vld [tilespmem:s21+$0x2D0]  }
0x1e4: {  	v6 =	vadd.f32 v9, v6;
	v9 =	vld [tilespmem:$0x1FF90]  }
0x1e5: {  	v17 =	vld [tilespmem:s21+$0x4C0]  }
0x1e6: {  	v11 =	vld [tilespmem:s21+$0x6C0]  }
0x1e7: {  	v59 =	vld [tilespmem:s21+$0x350]  }
0x1e8: {  	v7 =	vadd.f32 v43, v7;
	v29 =	vld [tilespmem:s21+$0x5C0]  }
0x1e9: {  	v8 =	vadd.f32 v9, v8;
	v9 =	vld [tilespmem:$0x1FFA0]  }
0x1ea: {  	v7 =	vadd.f32 v44, v7;
	v13 =	vld [tilespmem:s21+$0x640]  }
0x1eb: {  	v60 =	vld [tilespmem:s21+$0x450]  }
0x1ec: {  	v7 =	vadd.f32 v45, v7;
	v20 =	vld [tilespmem:s21+$0x740]  }
0x1ed: {  	v30 =	vld [tilespmem:s21+$0x1D0]  }
0x1ee: {  	v7 =	vadd.f32 v46, v7;
	v6 =	vadd.f32 v9, v6;
	v9 =	vld [tilespmem:$0x1FFB0]  }
0x1ef: {  	v61 =	vld [tilespmem:s21+$0x4D0]  }
0x1f0: {  	v45 =	vld [tilespmem:s21+$0x60];
	v7 =	vadd.f32 v47, v7  }
0x1f1: {  	v1 =	vld [tilespmem:s21+$0x7C0]  }
0x1f2: {  	v21 =	vld [tilespmem:s21+$0x50];
	v7 =	vadd.f32 v48, v7  }
0x1f3: {  	v8 =	vadd.f32 v9, v8;
	v9 =	vld [tilespmem:$0x1FFC0]  }
0x1f4: {  	v62 =	vld [tilespmem:s21+$0x550];
	v7 =	vadd.f32 v49, v7  }
0x1f5: {  	v46 =	vld [tilespmem:s21+$0xE0];
	v0 =	vadd.f32 v3, v0  }
0x1f6: {  	v22 =	vld [tilespmem:s21+$0xD0];
	v7 =	vadd.f32 v50, v7  }
0x1f7: {  	v63 =	vld [tilespmem:s21+$0x650];
	v0 =	vadd.f32 v12, v0  }
0x1f8: {  	v7 =	vadd.f32 v51, v7;
	v9 =	vadd.f32 v9, v6;
	v6 =	vld [tilespmem:$0x1FFD0]  }
0x1f9: {  	v5 =	vadd.f32 v37, v5;
	v47 =	vld [tilespmem:s21+$0x70];
	v0 =	vadd.f32 v15, v0  }
0x1fa: {  	v25 =	vld [tilespmem:s21+$0x150];
	v4 =	vadd.f32 v21, v4;
	v7 =	vadd.f32 v52, v7  }
0x1fb: {  	v5 =	vadd.f32 v40, v5;
	v49 =	vld [tilespmem:s21+$0xF0];
	v0 =	vadd.f32 v18, v0  }
0x1fc: {  	v4 =	vadd.f32 v22, v4;
	v52 =	vld [tilespmem:$0x1FFF0];
	v7 =	vadd.f32 v53, v7  }
0x1fd: {  	v0 =	vadd.f32 v28, v0;
	v8 =	vadd.f32 v6, v8;
	v6 =	vld [tilespmem:$0x1FFE0]  }
0x1fe: {  	v48 =	vld [tilespmem:s21+$0x160];
	v2 =	vadd.f32 v47, v2;
	v7 =	vadd.f32 v54, v7  }
0x1ff: {  	v50 =	vld [tilespmem:s21+$0x170];
	v4 =	vadd.f32 v25, v4;
	v0 =	vadd.f32 v41, v0  }
0x200: {  	v38 =	vld [tilespmem:s21+$0x750];
	v2 =	vadd.f32 v49, v2;
	v7 =	vadd.f32 v55, v7  }
0x201: {  	v25 =	vld [tilespmem:s21+$0x1F0];
	v4 =	vadd.f32 v30, v4;
	v0 =	vadd.f32 v23, v0  }
0x202: {  	v51 =	vld [tilespmem:s21+$0x2E0];
	v5 =	vadd.f32 v52, v5;
	v7 =	vadd.f32 v6, v7  }
0x203: {  	v53 =	vld [tilespmem:s21+$0x270];
	v6 =	vadd.f32 v26, v0;
	v0 =	vadd.f32 v45, v27  }
0x204: {  	v2 =	vadd.f32 v50, v2;
	v4 =	vadd.f32 v56, v4;
	v56 =	vld [tilespmem:s21+$0x460]  }
0x205: {  	v55 =	vld [tilespmem:s21+$0x2F0];
	v5 =	vadd.f32 v14, v5;
	v0 =	vadd.f32 v46, v0  }
0x206: {  	v2 =	vadd.f32 v25, v2;
	v26 =	vld [tilespmem:s21+$0x260]  }
0x207: {  	v5 =	vadd.f32 v19, v5;
	v19 =	vld [tilespmem:s21+$0x370];
	v0 =	vadd.f32 v48, v0  }
0x208: {  	v4 =	vadd.f32 v58, v4;
	v58 =	vld [tilespmem:s21+$0x4E0];
	v2 =	vadd.f32 v53, v2  }
0x209: {  	v5 =	vadd.f32 v10, v5;
	v10 =	vld [tilespmem:s21+$0x3F0];
	v0 =	vadd.f32 v24, v0  }
0x20a: {  	v54 =	vld [tilespmem:s21+$0x360];
	v2 =	vadd.f32 v55, v2  }
0x20b: {  	v5 =	vadd.f32 v57, v5;
	v3 =	vld [tilespmem:s21+$0x3D0];
	v0 =	vadd.f32 v26, v0  }
0x20c: {  	v4 =	vadd.f32 v59, v4;
	v2 =	vadd.f32 v19, v2;
	v24 =	vld [tilespmem:s21+$0x3E0]  }
0x20d: {  	v59 =	vld [tilespmem:s21+$0x4F0];
	v5 =	vadd.f32 v42, v5;
	v0 =	vadd.f32 v51, v0  }
0x20e: {  	v19 =	vld [tilespmem:s21+$0x560];
	v2 =	vadd.f32 v10, v2  }
0x20f: {  	v10 =	vld [tilespmem:s21+$0x5E0];
	v5 =	vadd.f32 v17, v5;
	v0 =	vadd.f32 v54, v0  }
0x210: {  	v3 =	vadd.f32 v3, v4;
	v4 =	vld [tilespmem:s21+$0x470]  }
0x211: {  	v5 =	vadd.f32 v16, v5;
	v16 =	vld [tilespmem:s21+$0x6E0];
	v0 =	vadd.f32 v24, v0  }
0x212: {  	v15 =	vld [tilespmem:s21+$0x5D0];
	v3 =	vadd.f32 v60, v3  }
0x213: {  	v18 =	vld [tilespmem:s21+$0x6D0];
	v0 =	vadd.f32 v56, v0  }
0x214: {  	v60 =	vld [tilespmem:s21+$0x570];
	v3 =	vadd.f32 v61, v3  }
0x215: {  	v61 =	vld [tilespmem:s21+$0x5F0];
	v2 =	vadd.f32 v4, v2;
	v0 =	vadd.f32 v58, v0  }
0x216: {  	v4 =	vld [tilespmem:s21+$0x660];
	v3 =	vadd.f32 v62, v3  }
0x217: {  	v28 =	vld [tilespmem:s21+$0x7D0];
	v2 =	vadd.f32 v59, v2;
	v0 =	vadd.f32 v19, v0  }
0x218: {  	v5 =	vadd.f32 v29, v5;
	v3 =	vadd.f32 v15, v3;
	v15 =	vld [tilespmem:s21+$0x670]  }
0x219: {  	v62 =	vld [tilespmem:s21+$0x6F0];
	v2 =	vadd.f32 v60, v2;
	v0 =	vadd.f32 v10, v0  }
0x21a: {  	v5 =	vadd.f32 v13, v5;
	v3 =	vadd.f32 v63, v3;
	v10 =	vld [tilespmem:s21+$0x760]  }
0x21b: {  	v63 =	vld [tilespmem:s21+$0x7E0];
	v2 =	vadd.f32 v61, v2;
	v0 =	vadd.f32 v4, v0  }
0x21c: {  	v3 =	vadd.f32 v18, v3;
	v4 =	vadd.f32 v11, v5;
	v11 =	vld [tilespmem:s21+$0x770]  }
.Ltmp10:
0x21d: {  	v2 =	vadd.f32 v15, v2;
	v0 =	vadd.f32 v16, v0;
	(pc) =	sbr.rel .LBB2_9-.Ltmp10, $4  }
0x21e: {  	v3 =	vadd.f32 v38, v3;
	v4 =	vadd.f32 v20, v4  }
0x21f: {  	v2 =	vadd.f32 v62, v2;
	v0 =	vadd.f32 v10, v0  }
0x220: {  	v5 =	vadd.f32 v1, v4;
	v4 =	vadd.f32 v28, v3  }
0x221: {  	v16 =	vimm.f32 $0.0e+00;
	v1 =	vadd.f32 v11, v2;
	v27 =	vadd.f32 v63, v0  }
.LBB2_13:
0x222: {  	_ =	sfence.sel $0x180000  }
0x223: {  	[bflag:$0x0] =	sbarrier.arrive $0xFFFF  }
0x224: {  	_ =	strace $0x90000047  }
0x225: {  	s0 =	stileid.u32;
	[bflag:$0x2] =	sbarrier.arrive $0xFFFF  }
0x226: {  	p0 =	sne.s32 s0, $0x0;
	s0 =	rddreg [dreg:$0x5]  }
0x227: {  	s0 =	sadd.s32 @!p0 $0x100000, s0  }
0x228: {  	[sflag:s0] =	ssyncadd.tile.s32 @!p0 $0x1;
	_ =	shalt  }
.Lfunc_end2:
_tile_overlayer_lowered:
.L_overlay_start_2:
0x229: {  	(tag) =	ssettag $0x2  }
0x22a: {  	s0 =	rddreg [dreg:$0x0];
	s2 =	stileid.u32  }
0x22b: {  	s1 =	rddreg [dreg:$0x1];
	p0 =	sne.s32 s2, $0x0  }
0x22c: {  	s3 =	rddreg [dreg:$0x2];
	[bflag:$0x3] =	sbarrier.arrive $0xFFFF;
	s2 =	simm.s32 @!p0 $0x1C02  }
0x22d: {  	[timem:s3], [sflag:s2] =	dma.local @!p0 [hbm:s0], s1  }
0x22e: {  	s0 =	simm.s32 @!p0 $0x2  }
0x22f: {  	_ =	swait.ge @!p0 [sflag:s0], s1  }
0x230: {  	s1 =	ssub.s32 @!p0 $0x0, s1;
	[sflag:s0] =	ssyncset.done @!p0 $0x0  }
0x231: {  	[sflag:s0] =	ssyncadd.s32 @!p0 s1  }
0x232: {  	[bflag:$0x3] =	sbarrier.arrive $0xFFFF  }
0x233: {  	_ =	shalt  }

</sc_bundles>
